<compile_context>
chip_gen: v7x
topology: tpu7x:2x2x1
jax: 0.10.2.dev20260603
libtpu: 0.0.44.dev20260713+nightly
codegen_flags: <defaults>
</compile_context>

<pallas_src>
import dataclasses
import functools

import jax
import jax.numpy as jnp
from jax import lax
from jax.experimental import pallas as pl
from jax.experimental.pallas import tpu as pltpu
from jax.experimental.pallas import tpu_sc as plsc

GS = 128
NLEV = 16
L = 16
NC = 2
NS = 16
NW = NC * NS
CH = 8192
NB = 2
GPI = 2
INV_MAXQ2 = 2.0 / 15.0


def kernel(x, lookup_values):
    shape = x.shape
    n = x.size
    x1 = x.reshape(n)
    per_w = n // NW
    nch = per_w // CH
    mesh = plsc.VectorSubcoreMesh(core_axis_name="c", subcore_axis_name="s")
    cp = pltpu.CompilerParams()
    if "needs_layout_passes" in pltpu.CompilerParams.__dataclass_fields__:
        cp = dataclasses.replace(cp, needs_layout_passes=False)

    @functools.partial(
        pl.kernel,
        mesh=mesh,
        out_type=jax.ShapeDtypeStruct((n,), jnp.float32),
        scratch_types=[
            pltpu.VMEM((NLEV,), jnp.float32),
            pltpu.VMEM((CH,), jnp.float32),
            pltpu.VMEM((CH,), jnp.float32),
            pltpu.VMEM((CH,), jnp.float32),
            pltpu.VMEM((CH,), jnp.float32),
            pltpu.SemaphoreType.DMA((NB,)),
            pltpu.SemaphoreType.DMA((NB,)),
        ],
        compiler_params=cp,
    )
    def run(x_hbm, lut_hbm, o_hbm, lut_vmem, ibuf0, ibuf1, obuf0, obuf1, isem, osem):
        ibufs = [ibuf0, ibuf1]
        obufs = [obuf0, obuf1]
        pltpu.sync_copy(lut_hbm, lut_vmem)
        lutv = lut_vmem[...]

        def take(v, idx):
            return v.at[idx].get(mode="promise_in_bounds")

        lane = lax.iota(jnp.int32, L)
        shifted = take(lutv, jnp.minimum(lane + 1, NLEV - 1))
        midsv = (lutv + shifted) * 0.5

        i7 = jnp.full((L,), 7, jnp.int32)
        s8 = jnp.full((L,), 8, jnp.int32)
        s4 = jnp.full((L,), 4, jnp.int32)
        s2 = jnp.full((L,), 2, jnp.int32)
        s1 = jnp.full((L,), 1, jnp.int32)
        s0 = jnp.zeros((L,), jnp.int32)

        def search(q, msv, valv):
            lo = jnp.where(q > take(msv, i7), s8, s0)
            lo = lo + jnp.where(q > take(msv, lo + 3), s4, s0)
            lo = lo + jnp.where(q > take(msv, lo + 1), s2, s0)
            lo = lo + jnp.where(q > take(msv, lo), s1, s0)
            return take(valv, lo)

        zv = search(jnp.full((L,), 8.0, jnp.float32), midsv, lutv)
        mz = midsv - zv
        oz = lutv - zv

        wid = lax.axis_index("s") * NC + lax.axis_index("c")
        base = wid * per_w

        def in_cp(i, b):
            return pltpu.make_async_copy(
                x_hbm.at[pl.ds(base + i * CH, CH)], ibufs[b], isem.at[b]
            )

        def out_cp(i, b):
            return pltpu.make_async_copy(
                obufs[b], o_hbm.at[pl.ds(base + i * CH, CH)], osem.at[b]
            )

        for b in range(NB):
            in_cp(b, b).start()

        @pl.loop(0, nch, step=NB)
        def _(i0):
            for b in range(NB):
                i = i0 + b
                in_cp(i, b).wait()

                @pl.when(i >= NB)
                def _():
                    out_cp(i - NB, b).wait()

                @pl.loop(0, CH // GS, step=GPI)
                def _(g0):
                    for gg in range(GPI):
                        gbase = (g0 + gg) * GS
                        xs = [
                            ibufs[b][pl.ds(gbase + j * L, L)]
                            for j in range(GS // L)
                        ]
                        avs = [jnp.abs(v) for v in xs]
                        while len(avs) > 1:
                            avs = [
                                jnp.maximum(avs[k], avs[k + 1])
                                for k in range(0, len(avs) - 1, 2)
                            ] + ([avs[-1]] if len(avs) % 2 else [])
                        amax = jnp.max(avs[0])
                        amaxv = jnp.full((L,), amax, jnp.float32)
                        scale = jnp.where(
                            amaxv == 0.0, INV_MAXQ2, amaxv * INV_MAXQ2
                        )
                        msv = mz * scale
                        outv = oz * scale
                        for j in range(GS // L):
                            obufs[b][pl.ds(gbase + j * L, L)] = search(
                                xs[j], msv, outv
                            )

                @pl.when(i + NB < nch)
                def _():
                    in_cp(i + NB, b).start()

                out_cp(i, b).start()

        for b in range(NB):
            out_cp(nch - NB + b, b).wait()

    return run(x1, lookup_values).reshape(shape)

# --- scband reference (transcript-rebuilt; emitter-appended) ---
"""Pipeline reference for scband-quantizer-49959059587220 (READ-ONLY COPY).

The authoritative reference and input builder live on the scoring server;
editing this copy changes nothing except your own understanding.
"""

import jax, jax.numpy as jnp
import numpy as np

BITS = 4
MAXQ = 2 ** BITS - 1
GROUP_SIZE = 128


def lookup_quant(x, lookup_values):
    # distances between every element of x and every codebook level
    distances = jnp.abs(x[..., None] - lookup_values)
    min_indices = jnp.argmin(distances, axis=-1)
    return lookup_values[min_indices]


def setup_inputs(seed: int = 0) -> dict:
    key = jax.random.key(seed)
    k1, k2 = jax.random.split(key)
    x = jax.random.normal(k1, (1024, 4096), dtype=jnp.float32)
    # NF4-style nonuniform sorted levels mapped into [0, MAXQ]
    t = jnp.linspace(-2.2, 2.2, 16)
    lookup_values = ((jnp.tanh(t) / jnp.tanh(2.2)) + 1.0) / 2.0 * MAXQ
    lookup_values = lookup_values.astype(jnp.float32)
    return {"x": x, "lookup_values": lookup_values}


def reference(x, lookup_values):
    # find_params_qfna (perchannel=True, weight=True, sym=True, group_size=GROUP_SIZE)
    shape = x.shape
    xf = x.reshape(shape[0], -1)
    num_groups = xf.shape[1] // GROUP_SIZE
    xg = xf.reshape(-1, num_groups, GROUP_SIZE)
    tmp0 = jnp.zeros((xg.shape[0], num_groups), dtype=x.dtype)
    xmin = jnp.minimum(jnp.min(xg, axis=2), tmp0)
    xmax = jnp.maximum(jnp.max(xg, axis=2), tmp0)
    # sym branch
    xmax = jnp.maximum(jnp.abs(xmin), xmax)
    xmin = -xmax
    both_zero = (xmin == 0) & (xmax == 0)
    xmin = jnp.where(both_zero, -1.0, xmin)
    xmax = jnp.where(both_zero, 1.0, xmax)
    scale = (xmax - xmin) / MAXQ
    zp = jnp.full_like(scale, (MAXQ + 1) / 2.0)
    zero = lookup_quant(zp, lookup_values)
    # reshape/expand scale and zero back to the shape of x
    scale_f = jnp.broadcast_to(
        scale.reshape(-1, num_groups, 1), (scale.shape[0], num_groups, GROUP_SIZE)
    ).reshape(shape)
    zero_f = jnp.broadcast_to(
        zero.reshape(-1, num_groups, 1), (zero.shape[0], num_groups, GROUP_SIZE)
    ).reshape(shape)
    # quantize_qfna with lookup_values
    q = x / scale_f + zero_f
    q = lookup_quant(q, lookup_values)
    q = scale_f * (q - zero_f)
    return q

if __name__ == "__main__":
    import jax
    _d = setup_inputs()
    print(jax.jit(kernel)(*tuple(_d.values())))

</pallas_src>

<mosaic_0001>
#map = affine_map<(d0, d1) -> (0)>
module attributes {stable_mosaic.version = 14 : i64} {
  func.func @run(%arg0: i32, %arg1: i32, %arg2: memref<4194304xf32, #tpu.memory_space<hbm>>, %arg3: memref<16xf32, #tpu.memory_space<hbm>>, %arg4: memref<4194304xf32, #tpu.memory_space<hbm>>, %arg5: memref<16xf32, #tpu.memory_space<vmem>>, %arg6: memref<8192xf32, #tpu.memory_space<vmem>>, %arg7: memref<8192xf32, #tpu.memory_space<vmem>>, %arg8: memref<8192xf32, #tpu.memory_space<vmem>>, %arg9: memref<8192xf32, #tpu.memory_space<vmem>>, %arg10: memref<2x!tpu.dma_semaphore, #tpu.memory_space<semaphore_mem>>, %arg11: memref<2x!tpu.dma_semaphore, #tpu.memory_space<semaphore_mem>>) attributes {dimension_semantics = [#tpu.dimension_semantics<core_parallel>, #tpu.dimension_semantics<subcore_parallel>], iteration_bounds = array<i64: 2, 16>, scalar_prefetch = 0 : i64, scratch_operands = 7 : i64, tpu.core_type = #tpu.core_type<sc_vector_subcore>, window_params = [{transform_indices = #map}, {transform_indices = #map}, {transform_indices = #map}]} {
    "tpu.region"() ({
      %run_scoped3A = tpu.sem_alloc : memref<!tpu.dma_semaphore, #tpu.memory_space<semaphore_mem>>
      tpu.enqueue_dma source(%arg3 : memref<16xf32, #tpu.memory_space<hbm>>) target(%arg5 : memref<16xf32, #tpu.memory_space<vmem>>) target_semaphore(%run_scoped3A : memref<!tpu.dma_semaphore, #tpu.memory_space<semaphore_mem>>)
      tpu.wait_dma2 semaphore(%run_scoped3A : memref<!tpu.dma_semaphore, #tpu.memory_space<semaphore_mem>>) src(%arg3 : memref<16xf32, #tpu.memory_space<hbm>>) dst(%arg5 : memref<16xf32, #tpu.memory_space<vmem>>)
      tpu.yield
    }) : () -> ()
    %get3A = arith.constant 0 : index
    %get3A_0 = tpu.vector_load %arg5[%get3A] {strides = array<i32>} : memref<16xf32, #tpu.memory_space<vmem>>, vector<16xf32>,
    %iota3A = tpu.iota {dimensions = array<i32: 0>} : vector<16xi32>
    %add3A = arith.constant 1 : i32
    %add3A_1 = vector.broadcast %add3A : i32 to vector<16xi32>
    %add3A_2 = arith.addi %iota3A, %add3A_1 : vector<16xi32>
    %min3A = arith.constant 15 : i32
    %min3A_3 = vector.broadcast %min3A : i32 to vector<16xi32>
    %min3A_4 = arith.minsi %add3A_2, %min3A_3 : vector<16xi32>
    %lt3A = arith.constant 0 : i32
    %lt3A_5 = vector.broadcast %lt3A : i32 to vector<16xi32>
    %lt3A_6 = arith.cmpi slt, %min3A_4, %lt3A_5 : vector<16xi32>
    %add3A_7 = arith.constant 16 : i32
    %add3A_8 = vector.broadcast %add3A_7 : i32 to vector<16xi32>
    %add3A_9 = arith.addi %min3A_4, %add3A_8 : vector<16xi32>
    %select_n3A = arith.select %lt3A_6, %add3A_9, %min3A_4 : vector<16xi1>, vector<16xi32>
    %broadcast_in_dim3A = vector.shape_cast %select_n3A : vector<16xi32> to vector<16x1xi32>
    %gather3A = vector.shape_cast %broadcast_in_dim3A : vector<16x1xi32> to vector<16xi32>
    %gather3A_10 = tpu.dynamic_gather %get3A_0[%gather3A] in [0] : vector<16xf32>, vector<16xi32> -> vector<16xf32>
    %add3A_11 = arith.addf %get3A_0, %gather3A_10 : vector<16xf32>
    %mul3A = arith.constant 5.000000e-01 : f32
    %mul3A_12 = vector.broadcast %mul3A : f32 to vector<16xf32>
    %mul3A_13 = arith.mulf %add3A_11, %mul3A_12 : vector<16xf32>
    %broadcast_in_dim3A_14 = arith.constant 7 : i32
    %broadcast_in_dim3A_15 = vector.broadcast %broadcast_in_dim3A_14 : i32 to vector<16xi32>
    %broadcast_in_dim3A_16 = arith.constant 8 : i32
    %broadcast_in_dim3A_17 = vector.broadcast %broadcast_in_dim3A_16 : i32 to vector<16xi32>
    %broadcast_in_dim3A_18 = arith.constant 4 : i32
    %broadcast_in_dim3A_19 = vector.broadcast %broadcast_in_dim3A_18 : i32 to vector<16xi32>
    %broadcast_in_dim3A_20 = arith.constant 2 : i32
    %broadcast_in_dim3A_21 = vector.broadcast %broadcast_in_dim3A_20 : i32 to vector<16xi32>
    %broadcast_in_dim3A_22 = arith.constant 1 : i32
    %broadcast_in_dim3A_23 = vector.broadcast %broadcast_in_dim3A_22 : i32 to vector<16xi32>
    %broadcast_in_dim3A_24 = arith.constant 0 : i32
    %broadcast_in_dim3A_25 = vector.broadcast %broadcast_in_dim3A_24 : i32 to vector<16xi32>
    %broadcast_in_dim3A_26 = arith.constant 8.000000e+00 : f32
    %broadcast_in_dim3A_27 = vector.broadcast %broadcast_in_dim3A_26 : f32 to vector<16xf32>
    %lt3A_28 = arith.constant 0 : i32
    %lt3A_29 = vector.broadcast %lt3A_28 : i32 to vector<16xi32>
    %lt3A_30 = arith.cmpi slt, %broadcast_in_dim3A_15, %lt3A_29 : vector<16xi32>
    %add3A_31 = arith.constant 16 : i32
    %add3A_32 = vector.broadcast %add3A_31 : i32 to vector<16xi32>
    %add3A_33 = arith.addi %broadcast_in_dim3A_15, %add3A_32 : vector<16xi32>
    %select_n3A_34 = arith.select %lt3A_30, %add3A_33, %broadcast_in_dim3A_15 : vector<16xi1>, vector<16xi32>
    %broadcast_in_dim3A_35 = vector.shape_cast %select_n3A_34 : vector<16xi32> to vector<16x1xi32>
    %gather3A_36 = vector.shape_cast %broadcast_in_dim3A_35 : vector<16x1xi32> to vector<16xi32>
    %gather3A_37 = tpu.dynamic_gather %mul3A_13[%gather3A_36] in [0] : vector<16xf32>, vector<16xi32> -> vector<16xf32>
    %gt3A = arith.cmpf ogt, %broadcast_in_dim3A_27, %gather3A_37 : vector<16xf32>
    %select_n3A_38 = arith.select %gt3A, %broadcast_in_dim3A_17, %broadcast_in_dim3A_25 : vector<16xi1>, vector<16xi32>
    %add3A_39 = arith.constant 3 : i32
    %add3A_40 = vector.broadcast %add3A_39 : i32 to vector<16xi32>
    %add3A_41 = arith.addi %select_n3A_38, %add3A_40 : vector<16xi32>
    %lt3A_42 = arith.constant 0 : i32
    %lt3A_43 = vector.broadcast %lt3A_42 : i32 to vector<16xi32>
    %lt3A_44 = arith.cmpi slt, %add3A_41, %lt3A_43 : vector<16xi32>
    %add3A_45 = arith.constant 16 : i32
    %add3A_46 = vector.broadcast %add3A_45 : i32 to vector<16xi32>
    %add3A_47 = arith.addi %add3A_41, %add3A_46 : vector<16xi32>
    %select_n3A_48 = arith.select %lt3A_44, %add3A_47, %add3A_41 : vector<16xi1>, vector<16xi32>
    %broadcast_in_dim3A_49 = vector.shape_cast %select_n3A_48 : vector<16xi32> to vector<16x1xi32>
    %gather3A_50 = vector.shape_cast %broadcast_in_dim3A_49 : vector<16x1xi32> to vector<16xi32>
    %gather3A_51 = tpu.dynamic_gather %mul3A_13[%gather3A_50] in [0] : vector<16xf32>, vector<16xi32> -> vector<16xf32>
    %gt3A_52 = arith.cmpf ogt, %broadcast_in_dim3A_27, %gather3A_51 : vector<16xf32>
    %select_n3A_53 = arith.select %gt3A_52, %broadcast_in_dim3A_19, %broadcast_in_dim3A_25 : vector<16xi1>, vector<16xi32>
    %add3A_54 = arith.addi %select_n3A_38, %select_n3A_53 : vector<16xi32>
    %add3A_55 = arith.constant 1 : i32
    %add3A_56 = vector.broadcast %add3A_55 : i32 to vector<16xi32>
    %add3A_57 = arith.addi %add3A_54, %add3A_56 : vector<16xi32>
    %lt3A_58 = arith.constant 0 : i32
    %lt3A_59 = vector.broadcast %lt3A_58 : i32 to vector<16xi32>
    %lt3A_60 = arith.cmpi slt, %add3A_57, %lt3A_59 : vector<16xi32>
    %add3A_61 = arith.constant 16 : i32
    %add3A_62 = vector.broadcast %add3A_61 : i32 to vector<16xi32>
    %add3A_63 = arith.addi %add3A_57, %add3A_62 : vector<16xi32>
    %select_n3A_64 = arith.select %lt3A_60, %add3A_63, %add3A_57 : vector<16xi1>, vector<16xi32>
    %broadcast_in_dim3A_65 = vector.shape_cast %select_n3A_64 : vector<16xi32> to vector<16x1xi32>
    %gather3A_66 = vector.shape_cast %broadcast_in_dim3A_65 : vector<16x1xi32> to vector<16xi32>
    %gather3A_67 = tpu.dynamic_gather %mul3A_13[%gather3A_66] in [0] : vector<16xf32>, vector<16xi32> -> vector<16xf32>
    %gt3A_68 = arith.cmpf ogt, %broadcast_in_dim3A_27, %gather3A_67 : vector<16xf32>
    %select_n3A_69 = arith.select %gt3A_68, %broadcast_in_dim3A_21, %broadcast_in_dim3A_25 : vector<16xi1>, vector<16xi32>
    %add3A_70 = arith.addi %add3A_54, %select_n3A_69 : vector<16xi32>
    %lt3A_71 = arith.constant 0 : i32
    %lt3A_72 = vector.broadcast %lt3A_71 : i32 to vector<16xi32>
    %lt3A_73 = arith.cmpi slt, %add3A_70, %lt3A_72 : vector<16xi32>
    %add3A_74 = arith.constant 16 : i32
    %add3A_75 = vector.broadcast %add3A_74 : i32 to vector<16xi32>
    %add3A_76 = arith.addi %add3A_70, %add3A_75 : vector<16xi32>
    %select_n3A_77 = arith.select %lt3A_73, %add3A_76, %add3A_70 : vector<16xi1>, vector<16xi32>
    %broadcast_in_dim3A_78 = vector.shape_cast %select_n3A_77 : vector<16xi32> to vector<16x1xi32>
    %gather3A_79 = vector.shape_cast %broadcast_in_dim3A_78 : vector<16x1xi32> to vector<16xi32>
    %gather3A_80 = tpu.dynamic_gather %mul3A_13[%gather3A_79] in [0] : vector<16xf32>, vector<16xi32> -> vector<16xf32>
    %gt3A_81 = arith.cmpf ogt, %broadcast_in_dim3A_27, %gather3A_80 : vector<16xf32>
    %select_n3A_82 = arith.select %gt3A_81, %broadcast_in_dim3A_23, %broadcast_in_dim3A_25 : vector<16xi1>, vector<16xi32>
    %add3A_83 = arith.addi %add3A_70, %select_n3A_82 : vector<16xi32>
    %lt3A_84 = arith.constant 0 : i32
    %lt3A_85 = vector.broadcast %lt3A_84 : i32 to vector<16xi32>
    %lt3A_86 = arith.cmpi slt, %add3A_83, %lt3A_85 : vector<16xi32>
    %add3A_87 = arith.constant 16 : i32
    %add3A_88 = vector.broadcast %add3A_87 : i32 to vector<16xi32>
    %add3A_89 = arith.addi %add3A_83, %add3A_88 : vector<16xi32>
    %select_n3A_90 = arith.select %lt3A_86, %add3A_89, %add3A_83 : vector<16xi1>, vector<16xi32>
    %broadcast_in_dim3A_91 = vector.shape_cast %select_n3A_90 : vector<16xi32> to vector<16x1xi32>
    %gather3A_92 = vector.shape_cast %broadcast_in_dim3A_91 : vector<16x1xi32> to vector<16xi32>
    %gather3A_93 = tpu.dynamic_gather %get3A_0[%gather3A_92] in [0] : vector<16xf32>, vector<16xi32> -> vector<16xf32>
    %sub3A = arith.subf %mul3A_13, %gather3A_93 : vector<16xf32>
    %sub3A_94 = arith.subf %get3A_0, %gather3A_93 : vector<16xf32>
    %mul3A_95 = arith.constant 2 : i32
    %mul3A_96 = arith.muli %arg1, %mul3A_95 : i32
    %add3A_97 = arith.addi %mul3A_96, %arg0 : i32
    %mul3A_98 = arith.constant 131072 : i32
    %mul3A_99 = arith.muli %add3A_97, %mul3A_98 : i32
    %add3A_100 = arith.constant 0 : i32
    %add3A_101 = arith.addi %mul3A_99, %add3A_100 : i32
    %dma_start3A = arith.constant 0 : i32
    %dma_start3A_102 = tpu.memref_slice %arg2[%add3A_101] : memref<4194304xf32, #tpu.memory_space<hbm>> -> memref<8192xf32, #tpu.memory_space<hbm>>
    %dma_start3A_103 = tpu.memref_slice %arg10[%dma_start3A] : memref<2x!tpu.dma_semaphore, #tpu.memory_space<semaphore_mem>> -> memref<1x!tpu.dma_semaphore, #tpu.memory_space<semaphore_mem>>
    %dma_start3A_104 = tpu.memref_squeeze %dma_start3A_103 : memref<1x!tpu.dma_semaphore, #tpu.memory_space<semaphore_mem>> -> memref<!tpu.dma_semaphore, #tpu.memory_space<semaphore_mem>>
    %dma_start3A_105 = tpu.memref_slice %arg2[%add3A_101] : memref<4194304xf32, #tpu.memory_space<hbm>> -> memref<8192xf32, #tpu.memory_space<hbm>>
    tpu.enqueue_dma source(%dma_start3A_105 : memref<8192xf32, #tpu.memory_space<hbm>>) target(%arg6 : memref<8192xf32, #tpu.memory_space<vmem>>) target_semaphore(%dma_start3A_104 : memref<!tpu.dma_semaphore, #tpu.memory_space<semaphore_mem>>)
    %add3A_106 = arith.constant 8192 : i32
    %add3A_107 = arith.addi %mul3A_99, %add3A_106 : i32
    %dma_start3A_108 = arith.constant 1 : i32
    %dma_start3A_109 = tpu.memref_slice %arg2[%add3A_107] : memref<4194304xf32, #tpu.memory_space<hbm>> -> memref<8192xf32, #tpu.memory_space<hbm>>
    %dma_start3A_110 = tpu.memref_slice %arg10[%dma_start3A_108] : memref<2x!tpu.dma_semaphore, #tpu.memory_space<semaphore_mem>> -> memref<1x!tpu.dma_semaphore, #tpu.memory_space<semaphore_mem>>
    %dma_start3A_111 = tpu.memref_squeeze %dma_start3A_110 : memref<1x!tpu.dma_semaphore, #tpu.memory_space<semaphore_mem>> -> memref<!tpu.dma_semaphore, #tpu.memory_space<semaphore_mem>>
    %dma_start3A_112 = tpu.memref_slice %arg2[%add3A_107] : memref<4194304xf32, #tpu.memory_space<hbm>> -> memref<8192xf32, #tpu.memory_space<hbm>>
    tpu.enqueue_dma source(%dma_start3A_112 : memref<8192xf32, #tpu.memory_space<hbm>>) target(%arg7 : memref<8192xf32, #tpu.memory_space<vmem>>) target_semaphore(%dma_start3A_111 : memref<!tpu.dma_semaphore, #tpu.memory_space<semaphore_mem>>)
    %scan3A = arith.constant 0 : i32
    %scan3A_113 = arith.constant 8 : i32
    %scan3A_114 = arith.addi %scan3A, %scan3A_113 : i32
    %scan3A_115 = arith.constant 1 : i32
    scf.for %scan3A_130 = %scan3A to %scan3A_114 step %scan3A_115  : i32 {
      %mul3A_131 = arith.constant 2 : i32
      %mul3A_132 = arith.muli %scan3A_130, %mul3A_131 : i32
      %add3A_133 = arith.constant 0 : i32
      %add3A_134 = arith.addi %add3A_133, %mul3A_132 : i32
      %add3A_135 = arith.constant 0 : i32
      %add3A_136 = arith.addi %add3A_134, %add3A_135 : i32
      %mul3A_137 = arith.constant 8192 : i32
      %mul3A_138 = arith.muli %add3A_136, %mul3A_137 : i32
      %add3A_139 = arith.addi %mul3A_99, %mul3A_138 : i32
      %dma_wait3A_140 = arith.constant 0 : i32
      %dma_wait3A_141 = tpu.memref_slice %arg2[%add3A_139] : memref<4194304xf32, #tpu.memory_space<hbm>> -> memref<8192xf32, #tpu.memory_space<hbm>>
      %dma_wait3A_142 = tpu.memref_slice %arg10[%dma_wait3A_140] : memref<2x!tpu.dma_semaphore, #tpu.memory_space<semaphore_mem>> -> memref<1x!tpu.dma_semaphore, #tpu.memory_space<semaphore_mem>>
      %dma_wait3A_143 = tpu.memref_squeeze %dma_wait3A_142 : memref<1x!tpu.dma_semaphore, #tpu.memory_space<semaphore_mem>> -> memref<!tpu.dma_semaphore, #tpu.memory_space<semaphore_mem>>
      %dma_wait3A_144 = tpu.memref_slice %arg2[%add3A_139] : memref<4194304xf32, #tpu.memory_space<hbm>> -> memref<8192xf32, #tpu.memory_space<hbm>>
      tpu.wait_dma2 semaphore(%dma_wait3A_143 : memref<!tpu.dma_semaphore, #tpu.memory_space<semaphore_mem>>) src(%dma_wait3A_144 : memref<8192xf32, #tpu.memory_space<hbm>>) dst(%arg6 : memref<8192xf32, #tpu.memory_space<vmem>>)
      %ge3A = arith.constant 2 : i32
      %ge3A_145 = arith.cmpi sge, %add3A_136, %ge3A : i32
      %convert_element_type3A = arith.extui %ge3A_145 : i1 to i32
      %cond3A = arith.constant 0 : i32
      %cond3A_146 = arith.cmpi ne, %convert_element_type3A, %cond3A : i32
      scf.if %cond3A_146 {
        %sub3A_202 = arith.constant 2 : i32
        %sub3A_203 = arith.subi %add3A_136, %sub3A_202 : i32
        %mul3A_204 = arith.constant 8192 : i32
        %mul3A_205 = arith.muli %sub3A_203, %mul3A_204 : i32
        %add3A_206 = arith.addi %mul3A_99, %mul3A_205 : i32
        %dma_wait3A_207 = arith.constant 0 : i32
        %dma_wait3A_208 = tpu.memref_slice %arg4[%add3A_206] : memref<4194304xf32, #tpu.memory_space<hbm>> -> memref<8192xf32, #tpu.memory_space<hbm>>
        %dma_wait3A_209 = tpu.memref_slice %arg11[%dma_wait3A_207] : memref<2x!tpu.dma_semaphore, #tpu.memory_space<semaphore_mem>> -> memref<1x!tpu.dma_semaphore, #tpu.memory_space<semaphore_mem>>
        %dma_wait3A_210 = tpu.memref_squeeze %dma_wait3A_209 : memref<1x!tpu.dma_semaphore, #tpu.memory_space<semaphore_mem>> -> memref<!tpu.dma_semaphore, #tpu.memory_space<semaphore_mem>>
        %dma_wait3A_211 = tpu.memref_slice %arg4[%add3A_206] : memref<4194304xf32, #tpu.memory_space<hbm>> -> memref<8192xf32, #tpu.memory_space<hbm>>
        tpu.wait_dma2 semaphore(%dma_wait3A_210 : memref<!tpu.dma_semaphore, #tpu.memory_space<semaphore_mem>>) src(%arg8 : memref<8192xf32, #tpu.memory_space<vmem>>) dst(%dma_wait3A_211 : memref<8192xf32, #tpu.memory_space<hbm>>)
      } else {
      }
      %scan3A_147 = arith.constant 0 : i32
      %scan3A_148 = arith.constant 32 : i32
      %scan3A_149 = arith.addi %scan3A_147, %scan3A_148 : i32
      %scan3A_150 = arith.constant 1 : i32
      scf.for %scan3A_202 = %scan3A_147 to %scan3A_149 step %scan3A_150  : i32 {
        %mul3A_203 = arith.constant 2 : i32
        %mul3A_204 = arith.muli %scan3A_202, %mul3A_203 : i32
        %add3A_205 = arith.constant 0 : i32
        %add3A_206 = arith.addi %add3A_205, %mul3A_204 : i32
        %add3A_207 = arith.constant 0 : i32
        %add3A_208 = arith.addi %add3A_206, %add3A_207 : i32
        %mul3A_209 = arith.constant 128 : i32
        %mul3A_210 = arith.muli %add3A_208, %mul3A_209 : i32
        %add3A_211 = arith.constant 0 : i32
        %add3A_212 = arith.addi %mul3A_210, %add3A_211 : i32
        %get3A_213 = arith.index_cast %add3A_212 : i32 to index
        %get3A_214 = tpu.vector_load %arg6[%get3A_213] {strides = array<i32>} : memref<8192xf32, #tpu.memory_space<vmem>>, vector<16xf32>,
        %add3A_215 = arith.constant 16 : i32
        %add3A_216 = arith.addi %mul3A_210, %add3A_215 : i32
        %get3A_217 = arith.index_cast %add3A_216 : i32 to index
        %get3A_218 = tpu.vector_load %arg6[%get3A_217] {strides = array<i32>} : memref<8192xf32, #tpu.memory_space<vmem>>, vector<16xf32>,
        %add3A_219 = arith.constant 32 : i32
        %add3A_220 = arith.addi %mul3A_210, %add3A_219 : i32
        %get3A_221 = arith.index_cast %add3A_220 : i32 to index
        %get3A_222 = tpu.vector_load %arg6[%get3A_221] {strides = array<i32>} : memref<8192xf32, #tpu.memory_space<vmem>>, vector<16xf32>,
        %add3A_223 = arith.constant 48 : i32
        %add3A_224 = arith.addi %mul3A_210, %add3A_223 : i32
        %get3A_225 = arith.index_cast %add3A_224 : i32 to index
        %get3A_226 = tpu.vector_load %arg6[%get3A_225] {strides = array<i32>} : memref<8192xf32, #tpu.memory_space<vmem>>, vector<16xf32>,
        %add3A_227 = arith.constant 64 : i32
        %add3A_228 = arith.addi %mul3A_210, %add3A_227 : i32
        %get3A_229 = arith.index_cast %add3A_228 : i32 to index
        %get3A_230 = tpu.vector_load %arg6[%get3A_229] {strides = array<i32>} : memref<8192xf32, #tpu.memory_space<vmem>>, vector<16xf32>,
        %add3A_231 = arith.constant 80 : i32
        %add3A_232 = arith.addi %mul3A_210, %add3A_231 : i32
        %get3A_233 = arith.index_cast %add3A_232 : i32 to index
        %get3A_234 = tpu.vector_load %arg6[%get3A_233] {strides = array<i32>} : memref<8192xf32, #tpu.memory_space<vmem>>, vector<16xf32>,
        %add3A_235 = arith.constant 96 : i32
        %add3A_236 = arith.addi %mul3A_210, %add3A_235 : i32
        %get3A_237 = arith.index_cast %add3A_236 : i32 to index
        %get3A_238 = tpu.vector_load %arg6[%get3A_237] {strides = array<i32>} : memref<8192xf32, #tpu.memory_space<vmem>>, vector<16xf32>,
        %add3A_239 = arith.constant 112 : i32
        %add3A_240 = arith.addi %mul3A_210, %add3A_239 : i32
        %get3A_241 = arith.index_cast %add3A_240 : i32 to index
        %get3A_242 = tpu.vector_load %arg6[%get3A_241] {strides = array<i32>} : memref<8192xf32, #tpu.memory_space<vmem>>, vector<16xf32>,
        %abs3A = math.absf %get3A_214 : vector<16xf32>
        %abs3A_243 = math.absf %get3A_218 : vector<16xf32>
        %abs3A_244 = math.absf %get3A_222 : vector<16xf32>
        %abs3A_245 = math.absf %get3A_226 : vector<16xf32>
        %abs3A_246 = math.absf %get3A_230 : vector<16xf32>
        %abs3A_247 = math.absf %get3A_234 : vector<16xf32>
        %abs3A_248 = math.absf %get3A_238 : vector<16xf32>
        %abs3A_249 = math.absf %get3A_242 : vector<16xf32>
        %max3A = arith.maximumf %abs3A, %abs3A_243 : vector<16xf32>
        %max3A_250 = arith.maximumf %abs3A_244, %abs3A_245 : vector<16xf32>
        %max3A_251 = arith.maximumf %abs3A_246, %abs3A_247 : vector<16xf32>
        %max3A_252 = arith.maximumf %abs3A_248, %abs3A_249 : vector<16xf32>
        %max3A_253 = arith.maximumf %max3A, %max3A_250 : vector<16xf32>
        %max3A_254 = arith.maximumf %max3A_251, %max3A_252 : vector<16xf32>
        %max3A_255 = arith.maximumf %max3A_253, %max3A_254 : vector<16xf32>
        %reduce_max3A = arith.constant true
        %reduce_max3A_256 = vector.broadcast %reduce_max3A : i1 to vector<16xi1>
        %reduce_max3A_257 = tpu.scan <max>, %max3A_255 masked %reduce_max3A_256 : vector<16xf32>, vector<16xi1> -> vector<16xf32>
        %reduce_max3A_258 = vector.extract %reduce_max3A_257[15] : f32 from vector<16xf32>
        %broadcast_in_dim3A_259 = vector.broadcast %reduce_max3A_258 : f32 to vector<16xf32>
        %eq3A = arith.constant 0.000000e+00 : f32
        %eq3A_260 = vector.broadcast %eq3A : f32 to vector<16xf32>
        %eq3A_261 = arith.cmpf oeq, %broadcast_in_dim3A_259, %eq3A_260 : vector<16xf32>
        %mul3A_262 = arith.constant 0.13333334 : f32
        %mul3A_263 = vector.broadcast %mul3A_262 : f32 to vector<16xf32>
        %mul3A_264 = arith.mulf %broadcast_in_dim3A_259, %mul3A_263 : vector<16xf32>
        %jit3A = arith.constant 0.13333334 : f32
        %broadcast_in_dim3A_265 = vector.broadcast %jit3A : f32 to vector<16xf32>
        %select_n3A_266 = arith.select %eq3A_261, %broadcast_in_dim3A_265, %mul3A_264 : vector<16xi1>, vector<16xf32>
        %mul3A_267 = arith.mulf %sub3A, %select_n3A_266 : vector<16xf32>
        %mul3A_268 = arith.mulf %sub3A_94, %select_n3A_266 : vector<16xf32>
        %lt3A_269 = arith.constant 0 : i32
        %lt3A_270 = vector.broadcast %lt3A_269 : i32 to vector<16xi32>
        %lt3A_271 = arith.cmpi slt, %broadcast_in_dim3A_15, %lt3A_270 : vector<16xi32>
        %add3A_272 = arith.constant 16 : i32
        %add3A_273 = vector.broadcast %add3A_272 : i32 to vector<16xi32>
        %add3A_274 = arith.addi %broadcast_in_dim3A_15, %add3A_273 : vector<16xi32>
        %select_n3A_275 = arith.select %lt3A_271, %add3A_274, %broadcast_in_dim3A_15 : vector<16xi1>, vector<16xi32>
        %broadcast_in_dim3A_276 = vector.shape_cast %select_n3A_275 : vector<16xi32> to vector<16x1xi32>
        %gather3A_277 = vector.shape_cast %broadcast_in_dim3A_276 : vector<16x1xi32> to vector<16xi32>
        %gather3A_278 = tpu.dynamic_gather %mul3A_267[%gather3A_277] in [0] : vector<16xf32>, vector<16xi32> -> vector<16xf32>
        %gt3A_279 = arith.cmpf ogt, %get3A_214, %gather3A_278 : vector<16xf32>
        %select_n3A_280 = arith.select %gt3A_279, %broadcast_in_dim3A_17, %broadcast_in_dim3A_25 : vector<16xi1>, vector<16xi32>
        %add3A_281 = arith.constant 3 : i32
        %add3A_282 = vector.broadcast %add3A_281 : i32 to vector<16xi32>
        %add3A_283 = arith.addi %select_n3A_280, %add3A_282 : vector<16xi32>
        %lt3A_284 = arith.constant 0 : i32
        %lt3A_285 = vector.broadcast %lt3A_284 : i32 to vector<16xi32>
        %lt3A_286 = arith.cmpi slt, %add3A_283, %lt3A_285 : vector<16xi32>
        %add3A_287 = arith.constant 16 : i32
        %add3A_288 = vector.broadcast %add3A_287 : i32 to vector<16xi32>
        %add3A_289 = arith.addi %add3A_283, %add3A_288 : vector<16xi32>
        %select_n3A_290 = arith.select %lt3A_286, %add3A_289, %add3A_283 : vector<16xi1>, vector<16xi32>
        %broadcast_in_dim3A_291 = vector.shape_cast %select_n3A_290 : vector<16xi32> to vector<16x1xi32>
        %gather3A_292 = vector.shape_cast %broadcast_in_dim3A_291 : vector<16x1xi32> to vector<16xi32>
        %gather3A_293 = tpu.dynamic_gather %mul3A_267[%gather3A_292] in [0] : vector<16xf32>, vector<16xi32> -> vector<16xf32>
        %gt3A_294 = arith.cmpf ogt, %get3A_214, %gather3A_293 : vector<16xf32>
        %select_n3A_295 = arith.select %gt3A_294, %broadcast_in_dim3A_19, %broadcast_in_dim3A_25 : vector<16xi1>, vector<16xi32>
        %add3A_296 = arith.addi %select_n3A_280, %select_n3A_295 : vector<16xi32>
        %add3A_297 = arith.constant 1 : i32
        %add3A_298 = vector.broadcast %add3A_297 : i32 to vector<16xi32>
        %add3A_299 = arith.addi %add3A_296, %add3A_298 : vector<16xi32>
        %lt3A_300 = arith.constant 0 : i32
        %lt3A_301 = vector.broadcast %lt3A_300 : i32 to vector<16xi32>
        %lt3A_302 = arith.cmpi slt, %add3A_299, %lt3A_301 : vector<16xi32>
        %add3A_303 = arith.constant 16 : i32
        %add3A_304 = vector.broadcast %add3A_303 : i32 to vector<16xi32>
        %add3A_305 = arith.addi %add3A_299, %add3A_304 : vector<16xi32>
        %select_n3A_306 = arith.select %lt3A_302, %add3A_305, %add3A_299 : vector<16xi1>, vector<16xi32>
        %broadcast_in_dim3A_307 = vector.shape_cast %select_n3A_306 : vector<16xi32> to vector<16x1xi32>
        %gather3A_308 = vector.shape_cast %broadcast_in_dim3A_307 : vector<16x1xi32> to vector<16xi32>
        %gather3A_309 = tpu.dynamic_gather %mul3A_267[%gather3A_308] in [0] : vector<16xf32>, vector<16xi32> -> vector<16xf32>
        %gt3A_310 = arith.cmpf ogt, %get3A_214, %gather3A_309 : vector<16xf32>
        %select_n3A_311 = arith.select %gt3A_310, %broadcast_in_dim3A_21, %broadcast_in_dim3A_25 : vector<16xi1>, vector<16xi32>
        %add3A_312 = arith.addi %add3A_296, %select_n3A_311 : vector<16xi32>
        %lt3A_313 = arith.constant 0 : i32
        %lt3A_314 = vector.broadcast %lt3A_313 : i32 to vector<16xi32>
        %lt3A_315 = arith.cmpi slt, %add3A_312, %lt3A_314 : vector<16xi32>
        %add3A_316 = arith.constant 16 : i32
        %add3A_317 = vector.broadcast %add3A_316 : i32 to vector<16xi32>
        %add3A_318 = arith.addi %add3A_312, %add3A_317 : vector<16xi32>
        %select_n3A_319 = arith.select %lt3A_315, %add3A_318, %add3A_312 : vector<16xi1>, vector<16xi32>
        %broadcast_in_dim3A_320 = vector.shape_cast %select_n3A_319 : vector<16xi32> to vector<16x1xi32>
        %gather3A_321 = vector.shape_cast %broadcast_in_dim3A_320 : vector<16x1xi32> to vector<16xi32>
        %gather3A_322 = tpu.dynamic_gather %mul3A_267[%gather3A_321] in [0] : vector<16xf32>, vector<16xi32> -> vector<16xf32>
        %gt3A_323 = arith.cmpf ogt, %get3A_214, %gather3A_322 : vector<16xf32>
        %select_n3A_324 = arith.select %gt3A_323, %broadcast_in_dim3A_23, %broadcast_in_dim3A_25 : vector<16xi1>, vector<16xi32>
        %add3A_325 = arith.addi %add3A_312, %select_n3A_324 : vector<16xi32>
        %lt3A_326 = arith.constant 0 : i32
        %lt3A_327 = vector.broadcast %lt3A_326 : i32 to vector<16xi32>
        %lt3A_328 = arith.cmpi slt, %add3A_325, %lt3A_327 : vector<16xi32>
        %add3A_329 = arith.constant 16 : i32
        %add3A_330 = vector.broadcast %add3A_329 : i32 to vector<16xi32>
        %add3A_331 = arith.addi %add3A_325, %add3A_330 : vector<16xi32>
        %select_n3A_332 = arith.select %lt3A_328, %add3A_331, %add3A_325 : vector<16xi1>, vector<16xi32>
        %broadcast_in_dim3A_333 = vector.shape_cast %select_n3A_332 : vector<16xi32> to vector<16x1xi32>
        %gather3A_334 = vector.shape_cast %broadcast_in_dim3A_333 : vector<16x1xi32> to vector<16xi32>
        %gather3A_335 = tpu.dynamic_gather %mul3A_268[%gather3A_334] in [0] : vector<16xf32>, vector<16xi32> -> vector<16xf32>
        %add3A_336 = arith.constant 0 : i32
        %add3A_337 = arith.addi %mul3A_210, %add3A_336 : i32
        %swap3A = arith.index_cast %add3A_337 : i32 to index
        %swap3A_338 = tpu.vector_load %arg8[%swap3A] {strides = array<i32>} : memref<8192xf32, #tpu.memory_space<vmem>>, vector<16xf32>,
        tpu.vector_store %arg8[%swap3A], %gather3A_335 {strides = array<i32>} : memref<8192xf32, #tpu.memory_space<vmem>>, vector<16xf32>,
        %lt3A_339 = arith.constant 0 : i32
        %lt3A_340 = vector.broadcast %lt3A_339 : i32 to vector<16xi32>
        %lt3A_341 = arith.cmpi slt, %broadcast_in_dim3A_15, %lt3A_340 : vector<16xi32>
        %add3A_342 = arith.constant 16 : i32
        %add3A_343 = vector.broadcast %add3A_342 : i32 to vector<16xi32>
        %add3A_344 = arith.addi %broadcast_in_dim3A_15, %add3A_343 : vector<16xi32>
        %select_n3A_345 = arith.select %lt3A_341, %add3A_344, %broadcast_in_dim3A_15 : vector<16xi1>, vector<16xi32>
        %broadcast_in_dim3A_346 = vector.shape_cast %select_n3A_345 : vector<16xi32> to vector<16x1xi32>
        %gather3A_347 = vector.shape_cast %broadcast_in_dim3A_346 : vector<16x1xi32> to vector<16xi32>
        %gather3A_348 = tpu.dynamic_gather %mul3A_267[%gather3A_347] in [0] : vector<16xf32>, vector<16xi32> -> vector<16xf32>
        %gt3A_349 = arith.cmpf ogt, %get3A_218, %gather3A_348 : vector<16xf32>
        %select_n3A_350 = arith.select %gt3A_349, %broadcast_in_dim3A_17, %broadcast_in_dim3A_25 : vector<16xi1>, vector<16xi32>
        %add3A_351 = arith.constant 3 : i32
        %add3A_352 = vector.broadcast %add3A_351 : i32 to vector<16xi32>
        %add3A_353 = arith.addi %select_n3A_350, %add3A_352 : vector<16xi32>
        %lt3A_354 = arith.constant 0 : i32
        %lt3A_355 = vector.broadcast %lt3A_354 : i32 to vector<16xi32>
        %lt3A_356 = arith.cmpi slt, %add3A_353, %lt3A_355 : vector<16xi32>
        %add3A_357 = arith.constant 16 : i32
        %add3A_358 = vector.broadcast %add3A_357 : i32 to vector<16xi32>
        %add3A_359 = arith.addi %add3A_353, %add3A_358 : vector<16xi32>
        %select_n3A_360 = arith.select %lt3A_356, %add3A_359, %add3A_353 : vector<16xi1>, vector<16xi32>
        %broadcast_in_dim3A_361 = vector.shape_cast %select_n3A_360 : vector<16xi32> to vector<16x1xi32>
        %gather3A_362 = vector.shape_cast %broadcast_in_dim3A_361 : vector<16x1xi32> to vector<16xi32>
        %gather3A_363 = tpu.dynamic_gather %mul3A_267[%gather3A_362] in [0] : vector<16xf32>, vector<16xi32> -> vector<16xf32>
        %gt3A_364 = arith.cmpf ogt, %get3A_218, %gather3A_363 : vector<16xf32>
        %select_n3A_365 = arith.select %gt3A_364, %broadcast_in_dim3A_19, %broadcast_in_dim3A_25 : vector<16xi1>, vector<16xi32>
        %add3A_366 = arith.addi %select_n3A_350, %select_n3A_365 : vector<16xi32>
        %add3A_367 = arith.constant 1 : i32
        %add3A_368 = vector.broadcast %add3A_367 : i32 to vector<16xi32>
        %add3A_369 = arith.addi %add3A_366, %add3A_368 : vector<16xi32>
        %lt3A_370 = arith.constant 0 : i32
        %lt3A_371 = vector.broadcast %lt3A_370 : i32 to vector<16xi32>
        %lt3A_372 = arith.cmpi slt, %add3A_369, %lt3A_371 : vector<16xi32>
        %add3A_373 = arith.constant 16 : i32
        %add3A_374 = vector.broadcast %add3A_373 : i32 to vector<16xi32>
        %add3A_375 = arith.addi %add3A_369, %add3A_374 : vector<16xi32>
        %select_n3A_376 = arith.select %lt3A_372, %add3A_375, %add3A_369 : vector<16xi1>, vector<16xi32>
        %broadcast_in_dim3A_377 = vector.shape_cast %select_n3A_376 : vector<16xi32> to vector<16x1xi32>
        %gather3A_378 = vector.shape_cast %broadcast_in_dim3A_377 : vector<16x1xi32> to vector<16xi32>
        %gather3A_379 = tpu.dynamic_gather %mul3A_267[%gather3A_378] in [0] : vector<16xf32>, vector<16xi32> -> vector<16xf32>
        %gt3A_380 = arith.cmpf ogt, %get3A_218, %gather3A_379 : vector<16xf32>
        %select_n3A_381 = arith.select %gt3A_380, %broadcast_in_dim3A_21, %broadcast_in_dim3A_25 : vector<16xi1>, vector<16xi32>
        %add3A_382 = arith.addi %add3A_366, %select_n3A_381 : vector<16xi32>
        %lt3A_383 = arith.constant 0 : i32
        %lt3A_384 = vector.broadcast %lt3A_383 : i32 to vector<16xi32>
        %lt3A_385 = arith.cmpi slt, %add3A_382, %lt3A_384 : vector<16xi32>
        %add3A_386 = arith.constant 16 : i32
        %add3A_387 = vector.broadcast %add3A_386 : i32 to vector<16xi32>
        %add3A_388 = arith.addi %add3A_382, %add3A_387 : vector<16xi32>
        %select_n3A_389 = arith.select %lt3A_385, %add3A_388, %add3A_382 : vector<16xi1>, vector<16xi32>
        %broadcast_in_dim3A_390 = vector.shape_cast %select_n3A_389 : vector<16xi32> to vector<16x1xi32>
        %gather3A_391 = vector.shape_cast %broadcast_in_dim3A_390 : vector<16x1xi32> to vector<16xi32>
        %gather3A_392 = tpu.dynamic_gather %mul3A_267[%gather3A_391] in [0] : vector<16xf32>, vector<16xi32> -> vector<16xf32>
        %gt3A_393 = arith.cmpf ogt, %get3A_218, %gather3A_392 : vector<16xf32>
        %select_n3A_394 = arith.select %gt3A_393, %broadcast_in_dim3A_23, %broadcast_in_dim3A_25 : vector<16xi1>, vector<16xi32>
        %add3A_395 = arith.addi %add3A_382, %select_n3A_394 : vector<16xi32>
        %lt3A_396 = arith.constant 0 : i32
        %lt3A_397 = vector.broadcast %lt3A_396 : i32 to vector<16xi32>
        %lt3A_398 = arith.cmpi slt, %add3A_395, %lt3A_397 : vector<16xi32>
        %add3A_399 = arith.constant 16 : i32
        %add3A_400 = vector.broadcast %add3A_399 : i32 to vector<16xi32>
        %add3A_401 = arith.addi %add3A_395, %add3A_400 : vector<16xi32>
        %select_n3A_402 = arith.select %lt3A_398, %add3A_401, %add3A_395 : vector<16xi1>, vector<16xi32>
        %broadcast_in_dim3A_403 = vector.shape_cast %select_n3A_402 : vector<16xi32> to vector<16x1xi32>
        %gather3A_404 = vector.shape_cast %broadcast_in_dim3A_403 : vector<16x1xi32> to vector<16xi32>
        %gather3A_405 = tpu.dynamic_gather %mul3A_268[%gather3A_404] in [0] : vector<16xf32>, vector<16xi32> -> vector<16xf32>
        %add3A_406 = arith.constant 16 : i32
        %add3A_407 = arith.addi %mul3A_210, %add3A_406 : i32
        %swap3A_408 = arith.index_cast %add3A_407 : i32 to index
        %swap3A_409 = tpu.vector_load %arg8[%swap3A_408] {strides = array<i32>} : memref<8192xf32, #tpu.memory_space<vmem>>, vector<16xf32>,
        tpu.vector_store %arg8[%swap3A_408], %gather3A_405 {strides = array<i32>} : memref<8192xf32, #tpu.memory_space<vmem>>, vector<16xf32>,
        %lt3A_410 = arith.constant 0 : i32
        %lt3A_411 = vector.broadcast %lt3A_410 : i32 to vector<16xi32>
        %lt3A_412 = arith.cmpi slt, %broadcast_in_dim3A_15, %lt3A_411 : vector<16xi32>
        %add3A_413 = arith.constant 16 : i32
        %add3A_414 = vector.broadcast %add3A_413 : i32 to vector<16xi32>
        %add3A_415 = arith.addi %broadcast_in_dim3A_15, %add3A_414 : vector<16xi32>
        %select_n3A_416 = arith.select %lt3A_412, %add3A_415, %broadcast_in_dim3A_15 : vector<16xi1>, vector<16xi32>
        %broadcast_in_dim3A_417 = vector.shape_cast %select_n3A_416 : vector<16xi32> to vector<16x1xi32>
        %gather3A_418 = vector.shape_cast %broadcast_in_dim3A_417 : vector<16x1xi32> to vector<16xi32>
        %gather3A_419 = tpu.dynamic_gather %mul3A_267[%gather3A_418] in [0] : vector<16xf32>, vector<16xi32> -> vector<16xf32>
        %gt3A_420 = arith.cmpf ogt, %get3A_222, %gather3A_419 : vector<16xf32>
        %select_n3A_421 = arith.select %gt3A_420, %broadcast_in_dim3A_17, %broadcast_in_dim3A_25 : vector<16xi1>, vector<16xi32>
        %add3A_422 = arith.constant 3 : i32
        %add3A_423 = vector.broadcast %add3A_422 : i32 to vector<16xi32>
        %add3A_424 = arith.addi %select_n3A_421, %add3A_423 : vector<16xi32>
        %lt3A_425 = arith.constant 0 : i32
        %lt3A_426 = vector.broadcast %lt3A_425 : i32 to vector<16xi32>
        %lt3A_427 = arith.cmpi slt, %add3A_424, %lt3A_426 : vector<16xi32>
        %add3A_428 = arith.constant 16 : i32
        %add3A_429 = vector.broadcast %add3A_428 : i32 to vector<16xi32>
        %add3A_430 = arith.addi %add3A_424, %add3A_429 : vector<16xi32>
        %select_n3A_431 = arith.select %lt3A_427, %add3A_430, %add3A_424 : vector<16xi1>, vector<16xi32>
        %broadcast_in_dim3A_432 = vector.shape_cast %select_n3A_431 : vector<16xi32> to vector<16x1xi32>
        %gather3A_433 = vector.shape_cast %broadcast_in_dim3A_432 : vector<16x1xi32> to vector<16xi32>
        %gather3A_434 = tpu.dynamic_gather %mul3A_267[%gather3A_433] in [0] : vector<16xf32>, vector<16xi32> -> vector<16xf32>
        %gt3A_435 = arith.cmpf ogt, %get3A_222, %gather3A_434 : vector<16xf32>
        %select_n3A_436 = arith.select %gt3A_435, %broadcast_in_dim3A_19, %broadcast_in_dim3A_25 : vector<16xi1>, vector<16xi32>
        %add3A_437 = arith.addi %select_n3A_421, %select_n3A_436 : vector<16xi32>
        %add3A_438 = arith.constant 1 : i32
        %add3A_439 = vector.broadcast %add3A_438 : i32 to vector<16xi32>
        %add3A_440 = arith.addi %add3A_437, %add3A_439 : vector<16xi32>
        %lt3A_441 = arith.constant 0 : i32
        %lt3A_442 = vector.broadcast %lt3A_441 : i32 to vector<16xi32>
        %lt3A_443 = arith.cmpi slt, %add3A_440, %lt3A_442 : vector<16xi32>
        %add3A_444 = arith.constant 16 : i32
        %add3A_445 = vector.broadcast %add3A_444 : i32 to vector<16xi32>
        %add3A_446 = arith.addi %add3A_440, %add3A_445 : vector<16xi32>
        %select_n3A_447 = arith.select %lt3A_443, %add3A_446, %add3A_440 : vector<16xi1>, vector<16xi32>
        %broadcast_in_dim3A_448 = vector.shape_cast %select_n3A_447 : vector<16xi32> to vector<16x1xi32>
        %gather3A_449 = vector.shape_cast %broadcast_in_dim3A_448 : vector<16x1xi32> to vector<16xi32>
        %gather3A_450 = tpu.dynamic_gather %mul3A_267[%gather3A_449] in [0] : vector<16xf32>, vector<16xi32> -> vector<16xf32>
        %gt3A_451 = arith.cmpf ogt, %get3A_222, %gather3A_450 : vector<16xf32>
        %select_n3A_452 = arith.select %gt3A_451, %broadcast_in_dim3A_21, %broadcast_in_dim3A_25 : vector<16xi1>, vector<16xi32>
        %add3A_453 = arith.addi %add3A_437, %select_n3A_452 : vector<16xi32>
        %lt3A_454 = arith.constant 0 : i32
        %lt3A_455 = vector.broadcast %lt3A_454 : i32 to vector<16xi32>
        %lt3A_456 = arith.cmpi slt, %add3A_453, %lt3A_455 : vector<16xi32>
        %add3A_457 = arith.constant 16 : i32
        %add3A_458 = vector.broadcast %add3A_457 : i32 to vector<16xi32>
        %add3A_459 = arith.addi %add3A_453, %add3A_458 : vector<16xi32>
        %select_n3A_460 = arith.select %lt3A_456, %add3A_459, %add3A_453 : vector<16xi1>, vector<16xi32>
        %broadcast_in_dim3A_461 = vector.shape_cast %select_n3A_460 : vector<16xi32> to vector<16x1xi32>
        %gather3A_462 = vector.shape_cast %broadcast_in_dim3A_461 : vector<16x1xi32> to vector<16xi32>
        %gather3A_463 = tpu.dynamic_gather %mul3A_267[%gather3A_462] in [0] : vector<16xf32>, vector<16xi32> -> vector<16xf32>
        %gt3A_464 = arith.cmpf ogt, %get3A_222, %gather3A_463 : vector<16xf32>
        %select_n3A_465 = arith.select %gt3A_464, %broadcast_in_dim3A_23, %broadcast_in_dim3A_25 : vector<16xi1>, vector<16xi32>
        %add3A_466 = arith.addi %add3A_453, %select_n3A_465 : vector<16xi32>
        %lt3A_467 = arith.constant 0 : i32
        %lt3A_468 = vector.broadcast %lt3A_467 : i32 to vector<16xi32>
        %lt3A_469 = arith.cmpi slt, %add3A_466, %lt3A_468 : vector<16xi32>
        %add3A_470 = arith.constant 16 : i32
        %add3A_471 = vector.broadcast %add3A_470 : i32 to vector<16xi32>
        %add3A_472 = arith.addi %add3A_466, %add3A_471 : vector<16xi32>
        %select_n3A_473 = arith.select %lt3A_469, %add3A_472, %add3A_466 : vector<16xi1>, vector<16xi32>
        %broadcast_in_dim3A_474 = vector.shape_cast %select_n3A_473 : vector<16xi32> to vector<16x1xi32>
        %gather3A_475 = vector.shape_cast %broadcast_in_dim3A_474 : vector<16x1xi32> to vector<16xi32>
        %gather3A_476 = tpu.dynamic_gather %mul3A_268[%gather3A_475] in [0] : vector<16xf32>, vector<16xi32> -> vector<16xf32>
        %add3A_477 = arith.constant 32 : i32
        %add3A_478 = arith.addi %mul3A_210, %add3A_477 : i32
        %swap3A_479 = arith.index_cast %add3A_478 : i32 to index
        %swap3A_480 = tpu.vector_load %arg8[%swap3A_479] {strides = array<i32>} : memref<8192xf32, #tpu.memory_space<vmem>>, vector<16xf32>,
        tpu.vector_store %arg8[%swap3A_479], %gather3A_476 {strides = array<i32>} : memref<8192xf32, #tpu.memory_space<vmem>>, vector<16xf32>,
        %lt3A_481 = arith.constant 0 : i32
        %lt3A_482 = vector.broadcast %lt3A_481 : i32 to vector<16xi32>
        %lt3A_483 = arith.cmpi slt, %broadcast_in_dim3A_15, %lt3A_482 : vector<16xi32>
        %add3A_484 = arith.constant 16 : i32
        %add3A_485 = vector.broadcast %add3A_484 : i32 to vector<16xi32>
        %add3A_486 = arith.addi %broadcast_in_dim3A_15, %add3A_485 : vector<16xi32>
        %select_n3A_487 = arith.select %lt3A_483, %add3A_486, %broadcast_in_dim3A_15 : vector<16xi1>, vector<16xi32>
        %broadcast_in_dim3A_488 = vector.shape_cast %select_n3A_487 : vector<16xi32> to vector<16x1xi32>
        %gather3A_489 = vector.shape_cast %broadcast_in_dim3A_488 : vector<16x1xi32> to vector<16xi32>
        %gather3A_490 = tpu.dynamic_gather %mul3A_267[%gather3A_489] in [0] : vector<16xf32>, vector<16xi32> -> vector<16xf32>
        %gt3A_491 = arith.cmpf ogt, %get3A_226, %gather3A_490 : vector<16xf32>
        %select_n3A_492 = arith.select %gt3A_491, %broadcast_in_dim3A_17, %broadcast_in_dim3A_25 : vector<16xi1>, vector<16xi32>
        %add3A_493 = arith.constant 3 : i32
        %add3A_494 = vector.broadcast %add3A_493 : i32 to vector<16xi32>
        %add3A_495 = arith.addi %select_n3A_492, %add3A_494 : vector<16xi32>
        %lt3A_496 = arith.constant 0 : i32
        %lt3A_497 = vector.broadcast %lt3A_496 : i32 to vector<16xi32>
        %lt3A_498 = arith.cmpi slt, %add3A_495, %lt3A_497 : vector<16xi32>
        %add3A_499 = arith.constant 16 : i32
        %add3A_500 = vector.broadcast %add3A_499 : i32 to vector<16xi32>
        %add3A_501 = arith.addi %add3A_495, %add3A_500 : vector<16xi32>
        %select_n3A_502 = arith.select %lt3A_498, %add3A_501, %add3A_495 : vector<16xi1>, vector<16xi32>
        %broadcast_in_dim3A_503 = vector.shape_cast %select_n3A_502 : vector<16xi32> to vector<16x1xi32>
        %gather3A_504 = vector.shape_cast %broadcast_in_dim3A_503 : vector<16x1xi32> to vector<16xi32>
        %gather3A_505 = tpu.dynamic_gather %mul3A_267[%gather3A_504] in [0] : vector<16xf32>, vector<16xi32> -> vector<16xf32>
        %gt3A_506 = arith.cmpf ogt, %get3A_226, %gather3A_505 : vector<16xf32>
        %select_n3A_507 = arith.select %gt3A_506, %broadcast_in_dim3A_19, %broadcast_in_dim3A_25 : vector<16xi1>, vector<16xi32>
        %add3A_508 = arith.addi %select_n3A_492, %select_n3A_507 : vector<16xi32>
        %add3A_509 = arith.constant 1 : i32
        %add3A_510 = vector.broadcast %add3A_509 : i32 to vector<16xi32>
        %add3A_511 = arith.addi %add3A_508, %add3A_510 : vector<16xi32>
        %lt3A_512 = arith.constant 0 : i32
        %lt3A_513 = vector.broadcast %lt3A_512 : i32 to vector<16xi32>
        %lt3A_514 = arith.cmpi slt, %add3A_511, %lt3A_513 : vector<16xi32>
        %add3A_515 = arith.constant 16 : i32
        %add3A_516 = vector.broadcast %add3A_515 : i32 to vector<16xi32>
        %add3A_517 = arith.addi %add3A_511, %add3A_516 : vector<16xi32>
        %select_n3A_518 = arith.select %lt3A_514, %add3A_517, %add3A_511 : vector<16xi1>, vector<16xi32>
        %broadcast_in_dim3A_519 = vector.shape_cast %select_n3A_518 : vector<16xi32> to vector<16x1xi32>
        %gather3A_520 = vector.shape_cast %broadcast_in_dim3A_519 : vector<16x1xi32> to vector<16xi32>
        %gather3A_521 = tpu.dynamic_gather %mul3A_267[%gather3A_520] in [0] : vector<16xf32>, vector<16xi32> -> vector<16xf32>
        %gt3A_522 = arith.cmpf ogt, %get3A_226, %gather3A_521 : vector<16xf32>
        %select_n3A_523 = arith.select %gt3A_522, %broadcast_in_dim3A_21, %broadcast_in_dim3A_25 : vector<16xi1>, vector<16xi32>
        %add3A_524 = arith.addi %add3A_508, %select_n3A_523 : vector<16xi32>
        %lt3A_525 = arith.constant 0 : i32
        %lt3A_526 = vector.broadcast %lt3A_525 : i32 to vector<16xi32>
        %lt3A_527 = arith.cmpi slt, %add3A_524, %lt3A_526 : vector<16xi32>
        %add3A_528 = arith.constant 16 : i32
        %add3A_529 = vector.broadcast %add3A_528 : i32 to vector<16xi32>
        %add3A_530 = arith.addi %add3A_524, %add3A_529 : vector<16xi32>
        %select_n3A_531 = arith.select %lt3A_527, %add3A_530, %add3A_524 : vector<16xi1>, vector<16xi32>
        %broadcast_in_dim3A_532 = vector.shape_cast %select_n3A_531 : vector<16xi32> to vector<16x1xi32>
        %gather3A_533 = vector.shape_cast %broadcast_in_dim3A_532 : vector<16x1xi32> to vector<16xi32>
        %gather3A_534 = tpu.dynamic_gather %mul3A_267[%gather3A_533] in [0] : vector<16xf32>, vector<16xi32> -> vector<16xf32>
        %gt3A_535 = arith.cmpf ogt, %get3A_226, %gather3A_534 : vector<16xf32>
        %select_n3A_536 = arith.select %gt3A_535, %broadcast_in_dim3A_23, %broadcast_in_dim3A_25 : vector<16xi1>, vector<16xi32>
        %add3A_537 = arith.addi %add3A_524, %select_n3A_536 : vector<16xi32>
        %lt3A_538 = arith.constant 0 : i32
        %lt3A_539 = vector.broadcast %lt3A_538 : i32 to vector<16xi32>
        %lt3A_540 = arith.cmpi slt, %add3A_537, %lt3A_539 : vector<16xi32>
        %add3A_541 = arith.constant 16 : i32
        %add3A_542 = vector.broadcast %add3A_541 : i32 to vector<16xi32>
        %add3A_543 = arith.addi %add3A_537, %add3A_542 : vector<16xi32>
        %select_n3A_544 = arith.select %lt3A_540, %add3A_543, %add3A_537 : vector<16xi1>, vector<16xi32>
        %broadcast_in_dim3A_545 = vector.shape_cast %select_n3A_544 : vector<16xi32> to vector<16x1xi32>
        %gather3A_546 = vector.shape_cast %broadcast_in_dim3A_545 : vector<16x1xi32> to vector<16xi32>
        %gather3A_547 = tpu.dynamic_gather %mul3A_268[%gather3A_546] in [0] : vector<16xf32>, vector<16xi32> -> vector<16xf32>
        %add3A_548 = arith.constant 48 : i32
        %add3A_549 = arith.addi %mul3A_210, %add3A_548 : i32
        %swap3A_550 = arith.index_cast %add3A_549 : i32 to index
        %swap3A_551 = tpu.vector_load %arg8[%swap3A_550] {strides = array<i32>} : memref<8192xf32, #tpu.memory_space<vmem>>, vector<16xf32>,
        tpu.vector_store %arg8[%swap3A_550], %gather3A_547 {strides = array<i32>} : memref<8192xf32, #tpu.memory_space<vmem>>, vector<16xf32>,
        %lt3A_552 = arith.constant 0 : i32
        %lt3A_553 = vector.broadcast %lt3A_552 : i32 to vector<16xi32>
        %lt3A_554 = arith.cmpi slt, %broadcast_in_dim3A_15, %lt3A_553 : vector<16xi32>
        %add3A_555 = arith.constant 16 : i32
        %add3A_556 = vector.broadcast %add3A_555 : i32 to vector<16xi32>
        %add3A_557 = arith.addi %broadcast_in_dim3A_15, %add3A_556 : vector<16xi32>
        %select_n3A_558 = arith.select %lt3A_554, %add3A_557, %broadcast_in_dim3A_15 : vector<16xi1>, vector<16xi32>
        %broadcast_in_dim3A_559 = vector.shape_cast %select_n3A_558 : vector<16xi32> to vector<16x1xi32>
        %gather3A_560 = vector.shape_cast %broadcast_in_dim3A_559 : vector<16x1xi32> to vector<16xi32>
        %gather3A_561 = tpu.dynamic_gather %mul3A_267[%gather3A_560] in [0] : vector<16xf32>, vector<16xi32> -> vector<16xf32>
        %gt3A_562 = arith.cmpf ogt, %get3A_230, %gather3A_561 : vector<16xf32>
        %select_n3A_563 = arith.select %gt3A_562, %broadcast_in_dim3A_17, %broadcast_in_dim3A_25 : vector<16xi1>, vector<16xi32>
        %add3A_564 = arith.constant 3 : i32
        %add3A_565 = vector.broadcast %add3A_564 : i32 to vector<16xi32>
        %add3A_566 = arith.addi %select_n3A_563, %add3A_565 : vector<16xi32>
        %lt3A_567 = arith.constant 0 : i32
        %lt3A_568 = vector.broadcast %lt3A_567 : i32 to vector<16xi32>
        %lt3A_569 = arith.cmpi slt, %add3A_566, %lt3A_568 : vector<16xi32>
        %add3A_570 = arith.constant 16 : i32
        %add3A_571 = vector.broadcast %add3A_570 : i32 to vector<16xi32>
        %add3A_572 = arith.addi %add3A_566, %add3A_571 : vector<16xi32>
        %select_n3A_573 = arith.select %lt3A_569, %add3A_572, %add3A_566 : vector<16xi1>, vector<16xi32>
        %broadcast_in_dim3A_574 = vector.shape_cast %select_n3A_573 : vector<16xi32> to vector<16x1xi32>
        %gather3A_575 = vector.shape_cast %broadcast_in_dim3A_574 : vector<16x1xi32> to vector<16xi32>
        %gather3A_576 = tpu.dynamic_gather %mul3A_267[%gather3A_575] in [0] : vector<16xf32>, vector<16xi32> -> vector<16xf32>
        %gt3A_577 = arith.cmpf ogt, %get3A_230, %gather3A_576 : vector<16xf32>
        %select_n3A_578 = arith.select %gt3A_577, %broadcast_in_dim3A_19, %broadcast_in_dim3A_25 : vector<16xi1>, vector<16xi32>
        %add3A_579 = arith.addi %select_n3A_563, %select_n3A_578 : vector<16xi32>
        %add3A_580 = arith.constant 1 : i32
        %add3A_581 = vector.broadcast %add3A_580 : i32 to vector<16xi32>
        %add3A_582 = arith.addi %add3A_579, %add3A_581 : vector<16xi32>
        %lt3A_583 = arith.constant 0 : i32
        %lt3A_584 = vector.broadcast %lt3A_583 : i32 to vector<16xi32>
        %lt3A_585 = arith.cmpi slt, %add3A_582, %lt3A_584 : vector<16xi32>
        %add3A_586 = arith.constant 16 : i32
        %add3A_587 = vector.broadcast %add3A_586 : i32 to vector<16xi32>
        %add3A_588 = arith.addi %add3A_582, %add3A_587 : vector<16xi32>
        %select_n3A_589 = arith.select %lt3A_585, %add3A_588, %add3A_582 : vector<16xi1>, vector<16xi32>
        %broadcast_in_dim3A_590 = vector.shape_cast %select_n3A_589 : vector<16xi32> to vector<16x1xi32>
        %gather3A_591 = vector.shape_cast %broadcast_in_dim3A_590 : vector<16x1xi32> to vector<16xi32>
        %gather3A_592 = tpu.dynamic_gather %mul3A_267[%gather3A_591] in [0] : vector<16xf32>, vector<16xi32> -> vector<16xf32>
        %gt3A_593 = arith.cmpf ogt, %get3A_230, %gather3A_592 : vector<16xf32>
        %select_n3A_594 = arith.select %gt3A_593, %broadcast_in_dim3A_21, %broadcast_in_dim3A_25 : vector<16xi1>, vector<16xi32>
        %add3A_595 = arith.addi %add3A_579, %select_n3A_594 : vector<16xi32>
        %lt3A_596 = arith.constant 0 : i32
        %lt3A_597 = vector.broadcast %lt3A_596 : i32 to vector<16xi32>
        %lt3A_598 = arith.cmpi slt, %add3A_595, %lt3A_597 : vector<16xi32>
        %add3A_599 = arith.constant 16 : i32
        %add3A_600 = vector.broadcast %add3A_599 : i32 to vector<16xi32>
        %add3A_601 = arith.addi %add3A_595, %add3A_600 : vector<16xi32>
        %select_n3A_602 = arith.select %lt3A_598, %add3A_601, %add3A_595 : vector<16xi1>, vector<16xi32>
        %broadcast_in_dim3A_603 = vector.shape_cast %select_n3A_602 : vector<16xi32> to vector<16x1xi32>
        %gather3A_604 = vector.shape_cast %broadcast_in_dim3A_603 : vector<16x1xi32> to vector<16xi32>
        %gather3A_605 = tpu.dynamic_gather %mul3A_267[%gather3A_604] in [0] : vector<16xf32>, vector<16xi32> -> vector<16xf32>
        %gt3A_606 = arith.cmpf ogt, %get3A_230, %gather3A_605 : vector<16xf32>
        %select_n3A_607 = arith.select %gt3A_606, %broadcast_in_dim3A_23, %broadcast_in_dim3A_25 : vector<16xi1>, vector<16xi32>
        %add3A_608 = arith.addi %add3A_595, %select_n3A_607 : vector<16xi32>
        %lt3A_609 = arith.constant 0 : i32
        %lt3A_610 = vector.broadcast %lt3A_609 : i32 to vector<16xi32>
        %lt3A_611 = arith.cmpi slt, %add3A_608, %lt3A_610 : vector<16xi32>
        %add3A_612 = arith.constant 16 : i32
        %add3A_613 = vector.broadcast %add3A_612 : i32 to vector<16xi32>
        %add3A_614 = arith.addi %add3A_608, %add3A_613 : vector<16xi32>
        %select_n3A_615 = arith.select %lt3A_611, %add3A_614, %add3A_608 : vector<16xi1>, vector<16xi32>
        %broadcast_in_dim3A_616 = vector.shape_cast %select_n3A_615 : vector<16xi32> to vector<16x1xi32>
        %gather3A_617 = vector.shape_cast %broadcast_in_dim3A_616 : vector<16x1xi32> to vector<16xi32>
        %gather3A_618 = tpu.dynamic_gather %mul3A_268[%gather3A_617] in [0] : vector<16xf32>, vector<16xi32> -> vector<16xf32>
        %add3A_619 = arith.constant 64 : i32
        %add3A_620 = arith.addi %mul3A_210, %add3A_619 : i32
        %swap3A_621 = arith.index_cast %add3A_620 : i32 to index
        %swap3A_622 = tpu.vector_load %arg8[%swap3A_621] {strides = array<i32>} : memref<8192xf32, #tpu.memory_space<vmem>>, vector<16xf32>,
        tpu.vector_store %arg8[%swap3A_621], %gather3A_618 {strides = array<i32>} : memref<8192xf32, #tpu.memory_space<vmem>>, vector<16xf32>,
        %lt3A_623 = arith.constant 0 : i32
        %lt3A_624 = vector.broadcast %lt3A_623 : i32 to vector<16xi32>
        %lt3A_625 = arith.cmpi slt, %broadcast_in_dim3A_15, %lt3A_624 : vector<16xi32>
        %add3A_626 = arith.constant 16 : i32
        %add3A_627 = vector.broadcast %add3A_626 : i32 to vector<16xi32>
        %add3A_628 = arith.addi %broadcast_in_dim3A_15, %add3A_627 : vector<16xi32>
        %select_n3A_629 = arith.select %lt3A_625, %add3A_628, %broadcast_in_dim3A_15 : vector<16xi1>, vector<16xi32>
        %broadcast_in_dim3A_630 = vector.shape_cast %select_n3A_629 : vector<16xi32> to vector<16x1xi32>
        %gather3A_631 = vector.shape_cast %broadcast_in_dim3A_630 : vector<16x1xi32> to vector<16xi32>
        %gather3A_632 = tpu.dynamic_gather %mul3A_267[%gather3A_631] in [0] : vector<16xf32>, vector<16xi32> -> vector<16xf32>
        %gt3A_633 = arith.cmpf ogt, %get3A_234, %gather3A_632 : vector<16xf32>
        %select_n3A_634 = arith.select %gt3A_633, %broadcast_in_dim3A_17, %broadcast_in_dim3A_25 : vector<16xi1>, vector<16xi32>
        %add3A_635 = arith.constant 3 : i32
        %add3A_636 = vector.broadcast %add3A_635 : i32 to vector<16xi32>
        %add3A_637 = arith.addi %select_n3A_634, %add3A_636 : vector<16xi32>
        %lt3A_638 = arith.constant 0 : i32
        %lt3A_639 = vector.broadcast %lt3A_638 : i32 to vector<16xi32>
        %lt3A_640 = arith.cmpi slt, %add3A_637, %lt3A_639 : vector<16xi32>
        %add3A_641 = arith.constant 16 : i32
        %add3A_642 = vector.broadcast %add3A_641 : i32 to vector<16xi32>
        %add3A_643 = arith.addi %add3A_637, %add3A_642 : vector<16xi32>
        %select_n3A_644 = arith.select %lt3A_640, %add3A_643, %add3A_637 : vector<16xi1>, vector<16xi32>
        %broadcast_in_dim3A_645 = vector.shape_cast %select_n3A_644 : vector<16xi32> to vector<16x1xi32>
        %gather3A_646 = vector.shape_cast %broadcast_in_dim3A_645 : vector<16x1xi32> to vector<16xi32>
        %gather3A_647 = tpu.dynamic_gather %mul3A_267[%gather3A_646] in [0] : vector<16xf32>, vector<16xi32> -> vector<16xf32>
        %gt3A_648 = arith.cmpf ogt, %get3A_234, %gather3A_647 : vector<16xf32>
        %select_n3A_649 = arith.select %gt3A_648, %broadcast_in_dim3A_19, %broadcast_in_dim3A_25 : vector<16xi1>, vector<16xi32>
        %add3A_650 = arith.addi %select_n3A_634, %select_n3A_649 : vector<16xi32>
        %add3A_651 = arith.constant 1 : i32
        %add3A_652 = vector.broadcast %add3A_651 : i32 to vector<16xi32>
        %add3A_653 = arith.addi %add3A_650, %add3A_652 : vector<16xi32>
        %lt3A_654 = arith.constant 0 : i32
        %lt3A_655 = vector.broadcast %lt3A_654 : i32 to vector<16xi32>
        %lt3A_656 = arith.cmpi slt, %add3A_653, %lt3A_655 : vector<16xi32>
        %add3A_657 = arith.constant 16 : i32
        %add3A_658 = vector.broadcast %add3A_657 : i32 to vector<16xi32>
        %add3A_659 = arith.addi %add3A_653, %add3A_658 : vector<16xi32>
        %select_n3A_660 = arith.select %lt3A_656, %add3A_659, %add3A_653 : vector<16xi1>, vector<16xi32>
        %broadcast_in_dim3A_661 = vector.shape_cast %select_n3A_660 : vector<16xi32> to vector<16x1xi32>
        %gather3A_662 = vector.shape_cast %broadcast_in_dim3A_661 : vector<16x1xi32> to vector<16xi32>
        %gather3A_663 = tpu.dynamic_gather %mul3A_267[%gather3A_662] in [0] : vector<16xf32>, vector<16xi32> -> vector<16xf32>
        %gt3A_664 = arith.cmpf ogt, %get3A_234, %gather3A_663 : vector<16xf32>
        %select_n3A_665 = arith.select %gt3A_664, %broadcast_in_dim3A_21, %broadcast_in_dim3A_25 : vector<16xi1>, vector<16xi32>
        %add3A_666 = arith.addi %add3A_650, %select_n3A_665 : vector<16xi32>
        %lt3A_667 = arith.constant 0 : i32
        %lt3A_668 = vector.broadcast %lt3A_667 : i32 to vector<16xi32>
        %lt3A_669 = arith.cmpi slt, %add3A_666, %lt3A_668 : vector<16xi32>
        %add3A_670 = arith.constant 16 : i32
        %add3A_671 = vector.broadcast %add3A_670 : i32 to vector<16xi32>
        %add3A_672 = arith.addi %add3A_666, %add3A_671 : vector<16xi32>
        %select_n3A_673 = arith.select %lt3A_669, %add3A_672, %add3A_666 : vector<16xi1>, vector<16xi32>
        %broadcast_in_dim3A_674 = vector.shape_cast %select_n3A_673 : vector<16xi32> to vector<16x1xi32>
        %gather3A_675 = vector.shape_cast %broadcast_in_dim3A_674 : vector<16x1xi32> to vector<16xi32>
        %gather3A_676 = tpu.dynamic_gather %mul3A_267[%gather3A_675] in [0] : vector<16xf32>, vector<16xi32> -> vector<16xf32>
        %gt3A_677 = arith.cmpf ogt, %get3A_234, %gather3A_676 : vector<16xf32>
        %select_n3A_678 = arith.select %gt3A_677, %broadcast_in_dim3A_23, %broadcast_in_dim3A_25 : vector<16xi1>, vector<16xi32>
        %add3A_679 = arith.addi %add3A_666, %select_n3A_678 : vector<16xi32>
        %lt3A_680 = arith.constant 0 : i32
        %lt3A_681 = vector.broadcast %lt3A_680 : i32 to vector<16xi32>
        %lt3A_682 = arith.cmpi slt, %add3A_679, %lt3A_681 : vector<16xi32>
        %add3A_683 = arith.constant 16 : i32
        %add3A_684 = vector.broadcast %add3A_683 : i32 to vector<16xi32>
        %add3A_685 = arith.addi %add3A_679, %add3A_684 : vector<16xi32>
        %select_n3A_686 = arith.select %lt3A_682, %add3A_685, %add3A_679 : vector<16xi1>, vector<16xi32>
        %broadcast_in_dim3A_687 = vector.shape_cast %select_n3A_686 : vector<16xi32> to vector<16x1xi32>
        %gather3A_688 = vector.shape_cast %broadcast_in_dim3A_687 : vector<16x1xi32> to vector<16xi32>
        %gather3A_689 = tpu.dynamic_gather %mul3A_268[%gather3A_688] in [0] : vector<16xf32>, vector<16xi32> -> vector<16xf32>
        %add3A_690 = arith.constant 80 : i32
        %add3A_691 = arith.addi %mul3A_210, %add3A_690 : i32
        %swap3A_692 = arith.index_cast %add3A_691 : i32 to index
        %swap3A_693 = tpu.vector_load %arg8[%swap3A_692] {strides = array<i32>} : memref<8192xf32, #tpu.memory_space<vmem>>, vector<16xf32>,
        tpu.vector_store %arg8[%swap3A_692], %gather3A_689 {strides = array<i32>} : memref<8192xf32, #tpu.memory_space<vmem>>, vector<16xf32>,
        %lt3A_694 = arith.constant 0 : i32
        %lt3A_695 = vector.broadcast %lt3A_694 : i32 to vector<16xi32>
        %lt3A_696 = arith.cmpi slt, %broadcast_in_dim3A_15, %lt3A_695 : vector<16xi32>
        %add3A_697 = arith.constant 16 : i32
        %add3A_698 = vector.broadcast %add3A_697 : i32 to vector<16xi32>
        %add3A_699 = arith.addi %broadcast_in_dim3A_15, %add3A_698 : vector<16xi32>
        %select_n3A_700 = arith.select %lt3A_696, %add3A_699, %broadcast_in_dim3A_15 : vector<16xi1>, vector<16xi32>
        %broadcast_in_dim3A_701 = vector.shape_cast %select_n3A_700 : vector<16xi32> to vector<16x1xi32>
        %gather3A_702 = vector.shape_cast %broadcast_in_dim3A_701 : vector<16x1xi32> to vector<16xi32>
        %gather3A_703 = tpu.dynamic_gather %mul3A_267[%gather3A_702] in [0] : vector<16xf32>, vector<16xi32> -> vector<16xf32>
        %gt3A_704 = arith.cmpf ogt, %get3A_238, %gather3A_703 : vector<16xf32>
        %select_n3A_705 = arith.select %gt3A_704, %broadcast_in_dim3A_17, %broadcast_in_dim3A_25 : vector<16xi1>, vector<16xi32>
        %add3A_706 = arith.constant 3 : i32
        %add3A_707 = vector.broadcast %add3A_706 : i32 to vector<16xi32>
        %add3A_708 = arith.addi %select_n3A_705, %add3A_707 : vector<16xi32>
        %lt3A_709 = arith.constant 0 : i32
        %lt3A_710 = vector.broadcast %lt3A_709 : i32 to vector<16xi32>
        %lt3A_711 = arith.cmpi slt, %add3A_708, %lt3A_710 : vector<16xi32>
        %add3A_712 = arith.constant 16 : i32
        %add3A_713 = vector.broadcast %add3A_712 : i32 to vector<16xi32>
        %add3A_714 = arith.addi %add3A_708, %add3A_713 : vector<16xi32>
        %select_n3A_715 = arith.select %lt3A_711, %add3A_714, %add3A_708 : vector<16xi1>, vector<16xi32>
        %broadcast_in_dim3A_716 = vector.shape_cast %select_n3A_715 : vector<16xi32> to vector<16x1xi32>
        %gather3A_717 = vector.shape_cast %broadcast_in_dim3A_716 : vector<16x1xi32> to vector<16xi32>
        %gather3A_718 = tpu.dynamic_gather %mul3A_267[%gather3A_717] in [0] : vector<16xf32>, vector<16xi32> -> vector<16xf32>
        %gt3A_719 = arith.cmpf ogt, %get3A_238, %gather3A_718 : vector<16xf32>
        %select_n3A_720 = arith.select %gt3A_719, %broadcast_in_dim3A_19, %broadcast_in_dim3A_25 : vector<16xi1>, vector<16xi32>
        %add3A_721 = arith.addi %select_n3A_705, %select_n3A_720 : vector<16xi32>
        %add3A_722 = arith.constant 1 : i32
        %add3A_723 = vector.broadcast %add3A_722 : i32 to vector<16xi32>
        %add3A_724 = arith.addi %add3A_721, %add3A_723 : vector<16xi32>
        %lt3A_725 = arith.constant 0 : i32
        %lt3A_726 = vector.broadcast %lt3A_725 : i32 to vector<16xi32>
        %lt3A_727 = arith.cmpi slt, %add3A_724, %lt3A_726 : vector<16xi32>
        %add3A_728 = arith.constant 16 : i32
        %add3A_729 = vector.broadcast %add3A_728 : i32 to vector<16xi32>
        %add3A_730 = arith.addi %add3A_724, %add3A_729 : vector<16xi32>
        %select_n3A_731 = arith.select %lt3A_727, %add3A_730, %add3A_724 : vector<16xi1>, vector<16xi32>
        %broadcast_in_dim3A_732 = vector.shape_cast %select_n3A_731 : vector<16xi32> to vector<16x1xi32>
        %gather3A_733 = vector.shape_cast %broadcast_in_dim3A_732 : vector<16x1xi32> to vector<16xi32>
        %gather3A_734 = tpu.dynamic_gather %mul3A_267[%gather3A_733] in [0] : vector<16xf32>, vector<16xi32> -> vector<16xf32>
        %gt3A_735 = arith.cmpf ogt, %get3A_238, %gather3A_734 : vector<16xf32>
        %select_n3A_736 = arith.select %gt3A_735, %broadcast_in_dim3A_21, %broadcast_in_dim3A_25 : vector<16xi1>, vector<16xi32>
        %add3A_737 = arith.addi %add3A_721, %select_n3A_736 : vector<16xi32>
        %lt3A_738 = arith.constant 0 : i32
        %lt3A_739 = vector.broadcast %lt3A_738 : i32 to vector<16xi32>
        %lt3A_740 = arith.cmpi slt, %add3A_737, %lt3A_739 : vector<16xi32>
        %add3A_741 = arith.constant 16 : i32
        %add3A_742 = vector.broadcast %add3A_741 : i32 to vector<16xi32>
        %add3A_743 = arith.addi %add3A_737, %add3A_742 : vector<16xi32>
        %select_n3A_744 = arith.select %lt3A_740, %add3A_743, %add3A_737 : vector<16xi1>, vector<16xi32>
        %broadcast_in_dim3A_745 = vector.shape_cast %select_n3A_744 : vector<16xi32> to vector<16x1xi32>
        %gather3A_746 = vector.shape_cast %broadcast_in_dim3A_745 : vector<16x1xi32> to vector<16xi32>
        %gather3A_747 = tpu.dynamic_gather %mul3A_267[%gather3A_746] in [0] : vector<16xf32>, vector<16xi32> -> vector<16xf32>
        %gt3A_748 = arith.cmpf ogt, %get3A_238, %gather3A_747 : vector<16xf32>
        %select_n3A_749 = arith.select %gt3A_748, %broadcast_in_dim3A_23, %broadcast_in_dim3A_25 : vector<16xi1>, vector<16xi32>
        %add3A_750 = arith.addi %add3A_737, %select_n3A_749 : vector<16xi32>
        %lt3A_751 = arith.constant 0 : i32
        %lt3A_752 = vector.broadcast %lt3A_751 : i32 to vector<16xi32>
        %lt3A_753 = arith.cmpi slt, %add3A_750, %lt3A_752 : vector<16xi32>
        %add3A_754 = arith.constant 16 : i32
        %add3A_755 = vector.broadcast %add3A_754 : i32 to vector<16xi32>
        %add3A_756 = arith.addi %add3A_750, %add3A_755 : vector<16xi32>
        %select_n3A_757 = arith.select %lt3A_753, %add3A_756, %add3A_750 : vector<16xi1>, vector<16xi32>
        %broadcast_in_dim3A_758 = vector.shape_cast %select_n3A_757 : vector<16xi32> to vector<16x1xi32>
        %gather3A_759 = vector.shape_cast %broadcast_in_dim3A_758 : vector<16x1xi32> to vector<16xi32>
        %gather3A_760 = tpu.dynamic_gather %mul3A_268[%gather3A_759] in [0] : vector<16xf32>, vector<16xi32> -> vector<16xf32>
        %add3A_761 = arith.constant 96 : i32
        %add3A_762 = arith.addi %mul3A_210, %add3A_761 : i32
        %swap3A_763 = arith.index_cast %add3A_762 : i32 to index
        %swap3A_764 = tpu.vector_load %arg8[%swap3A_763] {strides = array<i32>} : memref<8192xf32, #tpu.memory_space<vmem>>, vector<16xf32>,
        tpu.vector_store %arg8[%swap3A_763], %gather3A_760 {strides = array<i32>} : memref<8192xf32, #tpu.memory_space<vmem>>, vector<16xf32>,
        %lt3A_765 = arith.constant 0 : i32
        %lt3A_766 = vector.broadcast %lt3A_765 : i32 to vector<16xi32>
        %lt3A_767 = arith.cmpi slt, %broadcast_in_dim3A_15, %lt3A_766 : vector<16xi32>
        %add3A_768 = arith.constant 16 : i32
        %add3A_769 = vector.broadcast %add3A_768 : i32 to vector<16xi32>
        %add3A_770 = arith.addi %broadcast_in_dim3A_15, %add3A_769 : vector<16xi32>
        %select_n3A_771 = arith.select %lt3A_767, %add3A_770, %broadcast_in_dim3A_15 : vector<16xi1>, vector<16xi32>
        %broadcast_in_dim3A_772 = vector.shape_cast %select_n3A_771 : vector<16xi32> to vector<16x1xi32>
        %gather3A_773 = vector.shape_cast %broadcast_in_dim3A_772 : vector<16x1xi32> to vector<16xi32>
        %gather3A_774 = tpu.dynamic_gather %mul3A_267[%gather3A_773] in [0] : vector<16xf32>, vector<16xi32> -> vector<16xf32>
        %gt3A_775 = arith.cmpf ogt, %get3A_242, %gather3A_774 : vector<16xf32>
        %select_n3A_776 = arith.select %gt3A_775, %broadcast_in_dim3A_17, %broadcast_in_dim3A_25 : vector<16xi1>, vector<16xi32>
        %add3A_777 = arith.constant 3 : i32
        %add3A_778 = vector.broadcast %add3A_777 : i32 to vector<16xi32>
        %add3A_779 = arith.addi %select_n3A_776, %add3A_778 : vector<16xi32>
        %lt3A_780 = arith.constant 0 : i32
        %lt3A_781 = vector.broadcast %lt3A_780 : i32 to vector<16xi32>
        %lt3A_782 = arith.cmpi slt, %add3A_779, %lt3A_781 : vector<16xi32>
        %add3A_783 = arith.constant 16 : i32
        %add3A_784 = vector.broadcast %add3A_783 : i32 to vector<16xi32>
        %add3A_785 = arith.addi %add3A_779, %add3A_784 : vector<16xi32>
        %select_n3A_786 = arith.select %lt3A_782, %add3A_785, %add3A_779 : vector<16xi1>, vector<16xi32>
        %broadcast_in_dim3A_787 = vector.shape_cast %select_n3A_786 : vector<16xi32> to vector<16x1xi32>
        %gather3A_788 = vector.shape_cast %broadcast_in_dim3A_787 : vector<16x1xi32> to vector<16xi32>
        %gather3A_789 = tpu.dynamic_gather %mul3A_267[%gather3A_788] in [0] : vector<16xf32>, vector<16xi32> -> vector<16xf32>
        %gt3A_790 = arith.cmpf ogt, %get3A_242, %gather3A_789 : vector<16xf32>
        %select_n3A_791 = arith.select %gt3A_790, %broadcast_in_dim3A_19, %broadcast_in_dim3A_25 : vector<16xi1>, vector<16xi32>
        %add3A_792 = arith.addi %select_n3A_776, %select_n3A_791 : vector<16xi32>
        %add3A_793 = arith.constant 1 : i32
        %add3A_794 = vector.broadcast %add3A_793 : i32 to vector<16xi32>
        %add3A_795 = arith.addi %add3A_792, %add3A_794 : vector<16xi32>
        %lt3A_796 = arith.constant 0 : i32
        %lt3A_797 = vector.broadcast %lt3A_796 : i32 to vector<16xi32>
        %lt3A_798 = arith.cmpi slt, %add3A_795, %lt3A_797 : vector<16xi32>
        %add3A_799 = arith.constant 16 : i32
        %add3A_800 = vector.broadcast %add3A_799 : i32 to vector<16xi32>
        %add3A_801 = arith.addi %add3A_795, %add3A_800 : vector<16xi32>
        %select_n3A_802 = arith.select %lt3A_798, %add3A_801, %add3A_795 : vector<16xi1>, vector<16xi32>
        %broadcast_in_dim3A_803 = vector.shape_cast %select_n3A_802 : vector<16xi32> to vector<16x1xi32>
        %gather3A_804 = vector.shape_cast %broadcast_in_dim3A_803 : vector<16x1xi32> to vector<16xi32>
        %gather3A_805 = tpu.dynamic_gather %mul3A_267[%gather3A_804] in [0] : vector<16xf32>, vector<16xi32> -> vector<16xf32>
        %gt3A_806 = arith.cmpf ogt, %get3A_242, %gather3A_805 : vector<16xf32>
        %select_n3A_807 = arith.select %gt3A_806, %broadcast_in_dim3A_21, %broadcast_in_dim3A_25 : vector<16xi1>, vector<16xi32>
        %add3A_808 = arith.addi %add3A_792, %select_n3A_807 : vector<16xi32>
        %lt3A_809 = arith.constant 0 : i32
        %lt3A_810 = vector.broadcast %lt3A_809 : i32 to vector<16xi32>
        %lt3A_811 = arith.cmpi slt, %add3A_808, %lt3A_810 : vector<16xi32>
        %add3A_812 = arith.constant 16 : i32
        %add3A_813 = vector.broadcast %add3A_812 : i32 to vector<16xi32>
        %add3A_814 = arith.addi %add3A_808, %add3A_813 : vector<16xi32>
        %select_n3A_815 = arith.select %lt3A_811, %add3A_814, %add3A_808 : vector<16xi1>, vector<16xi32>
        %broadcast_in_dim3A_816 = vector.shape_cast %select_n3A_815 : vector<16xi32> to vector<16x1xi32>
        %gather3A_817 = vector.shape_cast %broadcast_in_dim3A_816 : vector<16x1xi32> to vector<16xi32>
        %gather3A_818 = tpu.dynamic_gather %mul3A_267[%gather3A_817] in [0] : vector<16xf32>, vector<16xi32> -> vector<16xf32>
        %gt3A_819 = arith.cmpf ogt, %get3A_242, %gather3A_818 : vector<16xf32>
        %select_n3A_820 = arith.select %gt3A_819, %broadcast_in_dim3A_23, %broadcast_in_dim3A_25 : vector<16xi1>, vector<16xi32>
        %add3A_821 = arith.addi %add3A_808, %select_n3A_820 : vector<16xi32>
        %lt3A_822 = arith.constant 0 : i32
        %lt3A_823 = vector.broadcast %lt3A_822 : i32 to vector<16xi32>
        %lt3A_824 = arith.cmpi slt, %add3A_821, %lt3A_823 : vector<16xi32>
        %add3A_825 = arith.constant 16 : i32
        %add3A_826 = vector.broadcast %add3A_825 : i32 to vector<16xi32>
        %add3A_827 = arith.addi %add3A_821, %add3A_826 : vector<16xi32>
        %select_n3A_828 = arith.select %lt3A_824, %add3A_827, %add3A_821 : vector<16xi1>, vector<16xi32>
        %broadcast_in_dim3A_829 = vector.shape_cast %select_n3A_828 : vector<16xi32> to vector<16x1xi32>
        %gather3A_830 = vector.shape_cast %broadcast_in_dim3A_829 : vector<16x1xi32> to vector<16xi32>
        %gather3A_831 = tpu.dynamic_gather %mul3A_268[%gather3A_830] in [0] : vector<16xf32>, vector<16xi32> -> vector<16xf32>
        %add3A_832 = arith.constant 112 : i32
        %add3A_833 = arith.addi %mul3A_210, %add3A_832 : i32
        %swap3A_834 = arith.index_cast %add3A_833 : i32 to index
        %swap3A_835 = tpu.vector_load %arg8[%swap3A_834] {strides = array<i32>} : memref<8192xf32, #tpu.memory_space<vmem>>, vector<16xf32>,
        tpu.vector_store %arg8[%swap3A_834], %gather3A_831 {strides = array<i32>} : memref<8192xf32, #tpu.memory_space<vmem>>, vector<16xf32>,
        %add3A_836 = arith.constant 1 : i32
        %add3A_837 = arith.addi %add3A_206, %add3A_836 : i32
        %mul3A_838 = arith.constant 128 : i32
        %mul3A_839 = arith.muli %add3A_837, %mul3A_838 : i32
        %add3A_840 = arith.constant 0 : i32
        %add3A_841 = arith.addi %mul3A_839, %add3A_840 : i32
        %get3A_842 = arith.index_cast %add3A_841 : i32 to index
        %get3A_843 = tpu.vector_load %arg6[%get3A_842] {strides = array<i32>} : memref<8192xf32, #tpu.memory_space<vmem>>, vector<16xf32>,
        %add3A_844 = arith.constant 16 : i32
        %add3A_845 = arith.addi %mul3A_839, %add3A_844 : i32
        %get3A_846 = arith.index_cast %add3A_845 : i32 to index
        %get3A_847 = tpu.vector_load %arg6[%get3A_846] {strides = array<i32>} : memref<8192xf32, #tpu.memory_space<vmem>>, vector<16xf32>,
        %add3A_848 = arith.constant 32 : i32
        %add3A_849 = arith.addi %mul3A_839, %add3A_848 : i32
        %get3A_850 = arith.index_cast %add3A_849 : i32 to index
        %get3A_851 = tpu.vector_load %arg6[%get3A_850] {strides = array<i32>} : memref<8192xf32, #tpu.memory_space<vmem>>, vector<16xf32>,
        %add3A_852 = arith.constant 48 : i32
        %add3A_853 = arith.addi %mul3A_839, %add3A_852 : i32
        %get3A_854 = arith.index_cast %add3A_853 : i32 to index
        %get3A_855 = tpu.vector_load %arg6[%get3A_854] {strides = array<i32>} : memref<8192xf32, #tpu.memory_space<vmem>>, vector<16xf32>,
        %add3A_856 = arith.constant 64 : i32
        %add3A_857 = arith.addi %mul3A_839, %add3A_856 : i32
        %get3A_858 = arith.index_cast %add3A_857 : i32 to index
        %get3A_859 = tpu.vector_load %arg6[%get3A_858] {strides = array<i32>} : memref<8192xf32, #tpu.memory_space<vmem>>, vector<16xf32>,
        %add3A_860 = arith.constant 80 : i32
        %add3A_861 = arith.addi %mul3A_839, %add3A_860 : i32
        %get3A_862 = arith.index_cast %add3A_861 : i32 to index
        %get3A_863 = tpu.vector_load %arg6[%get3A_862] {strides = array<i32>} : memref<8192xf32, #tpu.memory_space<vmem>>, vector<16xf32>,
        %add3A_864 = arith.constant 96 : i32
        %add3A_865 = arith.addi %mul3A_839, %add3A_864 : i32
        %get3A_866 = arith.index_cast %add3A_865 : i32 to index
        %get3A_867 = tpu.vector_load %arg6[%get3A_866] {strides = array<i32>} : memref<8192xf32, #tpu.memory_space<vmem>>, vector<16xf32>,
        %add3A_868 = arith.constant 112 : i32
        %add3A_869 = arith.addi %mul3A_839, %add3A_868 : i32
        %get3A_870 = arith.index_cast %add3A_869 : i32 to index
        %get3A_871 = tpu.vector_load %arg6[%get3A_870] {strides = array<i32>} : memref<8192xf32, #tpu.memory_space<vmem>>, vector<16xf32>,
        %abs3A_872 = math.absf %get3A_843 : vector<16xf32>
        %abs3A_873 = math.absf %get3A_847 : vector<16xf32>
        %abs3A_874 = math.absf %get3A_851 : vector<16xf32>
        %abs3A_875 = math.absf %get3A_855 : vector<16xf32>
        %abs3A_876 = math.absf %get3A_859 : vector<16xf32>
        %abs3A_877 = math.absf %get3A_863 : vector<16xf32>
        %abs3A_878 = math.absf %get3A_867 : vector<16xf32>
        %abs3A_879 = math.absf %get3A_871 : vector<16xf32>
        %max3A_880 = arith.maximumf %abs3A_872, %abs3A_873 : vector<16xf32>
        %max3A_881 = arith.maximumf %abs3A_874, %abs3A_875 : vector<16xf32>
        %max3A_882 = arith.maximumf %abs3A_876, %abs3A_877 : vector<16xf32>
        %max3A_883 = arith.maximumf %abs3A_878, %abs3A_879 : vector<16xf32>
        %max3A_884 = arith.maximumf %max3A_880, %max3A_881 : vector<16xf32>
        %max3A_885 = arith.maximumf %max3A_882, %max3A_883 : vector<16xf32>
        %max3A_886 = arith.maximumf %max3A_884, %max3A_885 : vector<16xf32>
        %reduce_max3A_887 = arith.constant true
        %reduce_max3A_888 = vector.broadcast %reduce_max3A_887 : i1 to vector<16xi1>
        %reduce_max3A_889 = tpu.scan <max>, %max3A_886 masked %reduce_max3A_888 : vector<16xf32>, vector<16xi1> -> vector<16xf32>
        %reduce_max3A_890 = vector.extract %reduce_max3A_889[15] : f32 from vector<16xf32>
        %broadcast_in_dim3A_891 = vector.broadcast %reduce_max3A_890 : f32 to vector<16xf32>
        %eq3A_892 = arith.constant 0.000000e+00 : f32
        %eq3A_893 = vector.broadcast %eq3A_892 : f32 to vector<16xf32>
        %eq3A_894 = arith.cmpf oeq, %broadcast_in_dim3A_891, %eq3A_893 : vector<16xf32>
        %mul3A_895 = arith.constant 0.13333334 : f32
        %mul3A_896 = vector.broadcast %mul3A_895 : f32 to vector<16xf32>
        %mul3A_897 = arith.mulf %broadcast_in_dim3A_891, %mul3A_896 : vector<16xf32>
        %jit3A_898 = arith.constant 0.13333334 : f32
        %broadcast_in_dim3A_899 = vector.broadcast %jit3A_898 : f32 to vector<16xf32>
        %select_n3A_900 = arith.select %eq3A_894, %broadcast_in_dim3A_899, %mul3A_897 : vector<16xi1>, vector<16xf32>
        %mul3A_901 = arith.mulf %sub3A, %select_n3A_900 : vector<16xf32>
        %mul3A_902 = arith.mulf %sub3A_94, %select_n3A_900 : vector<16xf32>
        %lt3A_903 = arith.constant 0 : i32
        %lt3A_904 = vector.broadcast %lt3A_903 : i32 to vector<16xi32>
        %lt3A_905 = arith.cmpi slt, %broadcast_in_dim3A_15, %lt3A_904 : vector<16xi32>
        %add3A_906 = arith.constant 16 : i32
        %add3A_907 = vector.broadcast %add3A_906 : i32 to vector<16xi32>
        %add3A_908 = arith.addi %broadcast_in_dim3A_15, %add3A_907 : vector<16xi32>
        %select_n3A_909 = arith.select %lt3A_905, %add3A_908, %broadcast_in_dim3A_15 : vector<16xi1>, vector<16xi32>
        %broadcast_in_dim3A_910 = vector.shape_cast %select_n3A_909 : vector<16xi32> to vector<16x1xi32>
        %gather3A_911 = vector.shape_cast %broadcast_in_dim3A_910 : vector<16x1xi32> to vector<16xi32>
        %gather3A_912 = tpu.dynamic_gather %mul3A_901[%gather3A_911] in [0] : vector<16xf32>, vector<16xi32> -> vector<16xf32>
        %gt3A_913 = arith.cmpf ogt, %get3A_843, %gather3A_912 : vector<16xf32>
        %select_n3A_914 = arith.select %gt3A_913, %broadcast_in_dim3A_17, %broadcast_in_dim3A_25 : vector<16xi1>, vector<16xi32>
        %add3A_915 = arith.constant 3 : i32
        %add3A_916 = vector.broadcast %add3A_915 : i32 to vector<16xi32>
        %add3A_917 = arith.addi %select_n3A_914, %add3A_916 : vector<16xi32>
        %lt3A_918 = arith.constant 0 : i32
        %lt3A_919 = vector.broadcast %lt3A_918 : i32 to vector<16xi32>
        %lt3A_920 = arith.cmpi slt, %add3A_917, %lt3A_919 : vector<16xi32>
        %add3A_921 = arith.constant 16 : i32
        %add3A_922 = vector.broadcast %add3A_921 : i32 to vector<16xi32>
        %add3A_923 = arith.addi %add3A_917, %add3A_922 : vector<16xi32>
        %select_n3A_924 = arith.select %lt3A_920, %add3A_923, %add3A_917 : vector<16xi1>, vector<16xi32>
        %broadcast_in_dim3A_925 = vector.shape_cast %select_n3A_924 : vector<16xi32> to vector<16x1xi32>
        %gather3A_926 = vector.shape_cast %broadcast_in_dim3A_925 : vector<16x1xi32> to vector<16xi32>
        %gather3A_927 = tpu.dynamic_gather %mul3A_901[%gather3A_926] in [0] : vector<16xf32>, vector<16xi32> -> vector<16xf32>
        %gt3A_928 = arith.cmpf ogt, %get3A_843, %gather3A_927 : vector<16xf32>
        %select_n3A_929 = arith.select %gt3A_928, %broadcast_in_dim3A_19, %broadcast_in_dim3A_25 : vector<16xi1>, vector<16xi32>
        %add3A_930 = arith.addi %select_n3A_914, %select_n3A_929 : vector<16xi32>
        %add3A_931 = arith.constant 1 : i32
        %add3A_932 = vector.broadcast %add3A_931 : i32 to vector<16xi32>
        %add3A_933 = arith.addi %add3A_930, %add3A_932 : vector<16xi32>
        %lt3A_934 = arith.constant 0 : i32
        %lt3A_935 = vector.broadcast %lt3A_934 : i32 to vector<16xi32>
        %lt3A_936 = arith.cmpi slt, %add3A_933, %lt3A_935 : vector<16xi32>
        %add3A_937 = arith.constant 16 : i32
        %add3A_938 = vector.broadcast %add3A_937 : i32 to vector<16xi32>
        %add3A_939 = arith.addi %add3A_933, %add3A_938 : vector<16xi32>
        %select_n3A_940 = arith.select %lt3A_936, %add3A_939, %add3A_933 : vector<16xi1>, vector<16xi32>
        %broadcast_in_dim3A_941 = vector.shape_cast %select_n3A_940 : vector<16xi32> to vector<16x1xi32>
        %gather3A_942 = vector.shape_cast %broadcast_in_dim3A_941 : vector<16x1xi32> to vector<16xi32>
        %gather3A_943 = tpu.dynamic_gather %mul3A_901[%gather3A_942] in [0] : vector<16xf32>, vector<16xi32> -> vector<16xf32>
        %gt3A_944 = arith.cmpf ogt, %get3A_843, %gather3A_943 : vector<16xf32>
        %select_n3A_945 = arith.select %gt3A_944, %broadcast_in_dim3A_21, %broadcast_in_dim3A_25 : vector<16xi1>, vector<16xi32>
        %add3A_946 = arith.addi %add3A_930, %select_n3A_945 : vector<16xi32>
        %lt3A_947 = arith.constant 0 : i32
        %lt3A_948 = vector.broadcast %lt3A_947 : i32 to vector<16xi32>
        %lt3A_949 = arith.cmpi slt, %add3A_946, %lt3A_948 : vector<16xi32>
        %add3A_950 = arith.constant 16 : i32
        %add3A_951 = vector.broadcast %add3A_950 : i32 to vector<16xi32>
        %add3A_952 = arith.addi %add3A_946, %add3A_951 : vector<16xi32>
        %select_n3A_953 = arith.select %lt3A_949, %add3A_952, %add3A_946 : vector<16xi1>, vector<16xi32>
        %broadcast_in_dim3A_954 = vector.shape_cast %select_n3A_953 : vector<16xi32> to vector<16x1xi32>
        %gather3A_955 = vector.shape_cast %broadcast_in_dim3A_954 : vector<16x1xi32> to vector<16xi32>
        %gather3A_956 = tpu.dynamic_gather %mul3A_901[%gather3A_955] in [0] : vector<16xf32>, vector<16xi32> -> vector<16xf32>
        %gt3A_957 = arith.cmpf ogt, %get3A_843, %gather3A_956 : vector<16xf32>
        %select_n3A_958 = arith.select %gt3A_957, %broadcast_in_dim3A_23, %broadcast_in_dim3A_25 : vector<16xi1>, vector<16xi32>
        %add3A_959 = arith.addi %add3A_946, %select_n3A_958 : vector<16xi32>
        %lt3A_960 = arith.constant 0 : i32
        %lt3A_961 = vector.broadcast %lt3A_960 : i32 to vector<16xi32>
        %lt3A_962 = arith.cmpi slt, %add3A_959, %lt3A_961 : vector<16xi32>
        %add3A_963 = arith.constant 16 : i32
        %add3A_964 = vector.broadcast %add3A_963 : i32 to vector<16xi32>
        %add3A_965 = arith.addi %add3A_959, %add3A_964 : vector<16xi32>
        %select_n3A_966 = arith.select %lt3A_962, %add3A_965, %add3A_959 : vector<16xi1>, vector<16xi32>
        %broadcast_in_dim3A_967 = vector.shape_cast %select_n3A_966 : vector<16xi32> to vector<16x1xi32>
        %gather3A_968 = vector.shape_cast %broadcast_in_dim3A_967 : vector<16x1xi32> to vector<16xi32>
        %gather3A_969 = tpu.dynamic_gather %mul3A_902[%gather3A_968] in [0] : vector<16xf32>, vector<16xi32> -> vector<16xf32>
        %add3A_970 = arith.constant 0 : i32
        %add3A_971 = arith.addi %mul3A_839, %add3A_970 : i32
        %swap3A_972 = arith.index_cast %add3A_971 : i32 to index
        %swap3A_973 = tpu.vector_load %arg8[%swap3A_972] {strides = array<i32>} : memref<8192xf32, #tpu.memory_space<vmem>>, vector<16xf32>,
        tpu.vector_store %arg8[%swap3A_972], %gather3A_969 {strides = array<i32>} : memref<8192xf32, #tpu.memory_space<vmem>>, vector<16xf32>,
        %lt3A_974 = arith.constant 0 : i32
        %lt3A_975 = vector.broadcast %lt3A_974 : i32 to vector<16xi32>
        %lt3A_976 = arith.cmpi slt, %broadcast_in_dim3A_15, %lt3A_975 : vector<16xi32>
        %add3A_977 = arith.constant 16 : i32
        %add3A_978 = vector.broadcast %add3A_977 : i32 to vector<16xi32>
        %add3A_979 = arith.addi %broadcast_in_dim3A_15, %add3A_978 : vector<16xi32>
        %select_n3A_980 = arith.select %lt3A_976, %add3A_979, %broadcast_in_dim3A_15 : vector<16xi1>, vector<16xi32>
        %broadcast_in_dim3A_981 = vector.shape_cast %select_n3A_980 : vector<16xi32> to vector<16x1xi32>
        %gather3A_982 = vector.shape_cast %broadcast_in_dim3A_981 : vector<16x1xi32> to vector<16xi32>
        %gather3A_983 = tpu.dynamic_gather %mul3A_901[%gather3A_982] in [0] : vector<16xf32>, vector<16xi32> -> vector<16xf32>
        %gt3A_984 = arith.cmpf ogt, %get3A_847, %gather3A_983 : vector<16xf32>
        %select_n3A_985 = arith.select %gt3A_984, %broadcast_in_dim3A_17, %broadcast_in_dim3A_25 : vector<16xi1>, vector<16xi32>
        %add3A_986 = arith.constant 3 : i32
        %add3A_987 = vector.broadcast %add3A_986 : i32 to vector<16xi32>
        %add3A_988 = arith.addi %select_n3A_985, %add3A_987 : vector<16xi32>
        %lt3A_989 = arith.constant 0 : i32
        %lt3A_990 = vector.broadcast %lt3A_989 : i32 to vector<16xi32>
        %lt3A_991 = arith.cmpi slt, %add3A_988, %lt3A_990 : vector<16xi32>
        %add3A_992 = arith.constant 16 : i32
        %add3A_993 = vector.broadcast %add3A_992 : i32 to vector<16xi32>
        %add3A_994 = arith.addi %add3A_988, %add3A_993 : vector<16xi32>
        %select_n3A_995 = arith.select %lt3A_991, %add3A_994, %add3A_988 : vector<16xi1>, vector<16xi32>
        %broadcast_in_dim3A_996 = vector.shape_cast %select_n3A_995 : vector<16xi32> to vector<16x1xi32>
        %gather3A_997 = vector.shape_cast %broadcast_in_dim3A_996 : vector<16x1xi32> to vector<16xi32>
        %gather3A_998 = tpu.dynamic_gather %mul3A_901[%gather3A_997] in [0] : vector<16xf32>, vector<16xi32> -> vector<16xf32>
        %gt3A_999 = arith.cmpf ogt, %get3A_847, %gather3A_998 : vector<16xf32>
        %select_n3A_1000 = arith.select %gt3A_999, %broadcast_in_dim3A_19, %broadcast_in_dim3A_25 : vector<16xi1>, vector<16xi32>
        %add3A_1001 = arith.addi %select_n3A_985, %select_n3A_1000 : vector<16xi32>
        %add3A_1002 = arith.constant 1 : i32
        %add3A_1003 = vector.broadcast %add3A_1002 : i32 to vector<16xi32>
        %add3A_1004 = arith.addi %add3A_1001, %add3A_1003 : vector<16xi32>
        %lt3A_1005 = arith.constant 0 : i32
        %lt3A_1006 = vector.broadcast %lt3A_1005 : i32 to vector<16xi32>
        %lt3A_1007 = arith.cmpi slt, %add3A_1004, %lt3A_1006 : vector<16xi32>
        %add3A_1008 = arith.constant 16 : i32
        %add3A_1009 = vector.broadcast %add3A_1008 : i32 to vector<16xi32>
        %add3A_1010 = arith.addi %add3A_1004, %add3A_1009 : vector<16xi32>
        %select_n3A_1011 = arith.select %lt3A_1007, %add3A_1010, %add3A_1004 : vector<16xi1>, vector<16xi32>
        %broadcast_in_dim3A_1012 = vector.shape_cast %select_n3A_1011 : vector<16xi32> to vector<16x1xi32>
        %gather3A_1013 = vector.shape_cast %broadcast_in_dim3A_1012 : vector<16x1xi32> to vector<16xi32>
        %gather3A_1014 = tpu.dynamic_gather %mul3A_901[%gather3A_1013] in [0] : vector<16xf32>, vector<16xi32> -> vector<16xf32>
        %gt3A_1015 = arith.cmpf ogt, %get3A_847, %gather3A_1014 : vector<16xf32>
        %select_n3A_1016 = arith.select %gt3A_1015, %broadcast_in_dim3A_21, %broadcast_in_dim3A_25 : vector<16xi1>, vector<16xi32>
        %add3A_1017 = arith.addi %add3A_1001, %select_n3A_1016 : vector<16xi32>
        %lt3A_1018 = arith.constant 0 : i32
        %lt3A_1019 = vector.broadcast %lt3A_1018 : i32 to vector<16xi32>
        %lt3A_1020 = arith.cmpi slt, %add3A_1017, %lt3A_1019 : vector<16xi32>
        %add3A_1021 = arith.constant 16 : i32
        %add3A_1022 = vector.broadcast %add3A_1021 : i32 to vector<16xi32>
        %add3A_1023 = arith.addi %add3A_1017, %add3A_1022 : vector<16xi32>
        %select_n3A_1024 = arith.select %lt3A_1020, %add3A_1023, %add3A_1017 : vector<16xi1>, vector<16xi32>
        %broadcast_in_dim3A_1025 = vector.shape_cast %select_n3A_1024 : vector<16xi32> to vector<16x1xi32>
        %gather3A_1026 = vector.shape_cast %broadcast_in_dim3A_1025 : vector<16x1xi32> to vector<16xi32>
        %gather3A_1027 = tpu.dynamic_gather %mul3A_901[%gather3A_1026] in [0] : vector<16xf32>, vector<16xi32> -> vector<16xf32>
        %gt3A_1028 = arith.cmpf ogt, %get3A_847, %gather3A_1027 : vector<16xf32>
        %select_n3A_1029 = arith.select %gt3A_1028, %broadcast_in_dim3A_23, %broadcast_in_dim3A_25 : vector<16xi1>, vector<16xi32>
        %add3A_1030 = arith.addi %add3A_1017, %select_n3A_1029 : vector<16xi32>
        %lt3A_1031 = arith.constant 0 : i32
        %lt3A_1032 = vector.broadcast %lt3A_1031 : i32 to vector<16xi32>
        %lt3A_1033 = arith.cmpi slt, %add3A_1030, %lt3A_1032 : vector<16xi32>
        %add3A_1034 = arith.constant 16 : i32
        %add3A_1035 = vector.broadcast %add3A_1034 : i32 to vector<16xi32>
        %add3A_1036 = arith.addi %add3A_1030, %add3A_1035 : vector<16xi32>
        %select_n3A_1037 = arith.select %lt3A_1033, %add3A_1036, %add3A_1030 : vector<16xi1>, vector<16xi32>
        %broadcast_in_dim3A_1038 = vector.shape_cast %select_n3A_1037 : vector<16xi32> to vector<16x1xi32>
        %gather3A_1039 = vector.shape_cast %broadcast_in_dim3A_1038 : vector<16x1xi32> to vector<16xi32>
        %gather3A_1040 = tpu.dynamic_gather %mul3A_902[%gather3A_1039] in [0] : vector<16xf32>, vector<16xi32> -> vector<16xf32>
        %add3A_1041 = arith.constant 16 : i32
        %add3A_1042 = arith.addi %mul3A_839, %add3A_1041 : i32
        %swap3A_1043 = arith.index_cast %add3A_1042 : i32 to index
        %swap3A_1044 = tpu.vector_load %arg8[%swap3A_1043] {strides = array<i32>} : memref<8192xf32, #tpu.memory_space<vmem>>, vector<16xf32>,
        tpu.vector_store %arg8[%swap3A_1043], %gather3A_1040 {strides = array<i32>} : memref<8192xf32, #tpu.memory_space<vmem>>, vector<16xf32>,
        %lt3A_1045 = arith.constant 0 : i32
        %lt3A_1046 = vector.broadcast %lt3A_1045 : i32 to vector<16xi32>
        %lt3A_1047 = arith.cmpi slt, %broadcast_in_dim3A_15, %lt3A_1046 : vector<16xi32>
        %add3A_1048 = arith.constant 16 : i32
        %add3A_1049 = vector.broadcast %add3A_1048 : i32 to vector<16xi32>
        %add3A_1050 = arith.addi %broadcast_in_dim3A_15, %add3A_1049 : vector<16xi32>
        %select_n3A_1051 = arith.select %lt3A_1047, %add3A_1050, %broadcast_in_dim3A_15 : vector<16xi1>, vector<16xi32>
        %broadcast_in_dim3A_1052 = vector.shape_cast %select_n3A_1051 : vector<16xi32> to vector<16x1xi32>
        %gather3A_1053 = vector.shape_cast %broadcast_in_dim3A_1052 : vector<16x1xi32> to vector<16xi32>
        %gather3A_1054 = tpu.dynamic_gather %mul3A_901[%gather3A_1053] in [0] : vector<16xf32>, vector<16xi32> -> vector<16xf32>
        %gt3A_1055 = arith.cmpf ogt, %get3A_851, %gather3A_1054 : vector<16xf32>
        %select_n3A_1056 = arith.select %gt3A_1055, %broadcast_in_dim3A_17, %broadcast_in_dim3A_25 : vector<16xi1>, vector<16xi32>
        %add3A_1057 = arith.constant 3 : i32
        %add3A_1058 = vector.broadcast %add3A_1057 : i32 to vector<16xi32>
        %add3A_1059 = arith.addi %select_n3A_1056, %add3A_1058 : vector<16xi32>
        %lt3A_1060 = arith.constant 0 : i32
        %lt3A_1061 = vector.broadcast %lt3A_1060 : i32 to vector<16xi32>
        %lt3A_1062 = arith.cmpi slt, %add3A_1059, %lt3A_1061 : vector<16xi32>
        %add3A_1063 = arith.constant 16 : i32
        %add3A_1064 = vector.broadcast %add3A_1063 : i32 to vector<16xi32>
        %add3A_1065 = arith.addi %add3A_1059, %add3A_1064 : vector<16xi32>
        %select_n3A_1066 = arith.select %lt3A_1062, %add3A_1065, %add3A_1059 : vector<16xi1>, vector<16xi32>
        %broadcast_in_dim3A_1067 = vector.shape_cast %select_n3A_1066 : vector<16xi32> to vector<16x1xi32>
        %gather3A_1068 = vector.shape_cast %broadcast_in_dim3A_1067 : vector<16x1xi32> to vector<16xi32>
        %gather3A_1069 = tpu.dynamic_gather %mul3A_901[%gather3A_1068] in [0] : vector<16xf32>, vector<16xi32> -> vector<16xf32>
        %gt3A_1070 = arith.cmpf ogt, %get3A_851, %gather3A_1069 : vector<16xf32>
        %select_n3A_1071 = arith.select %gt3A_1070, %broadcast_in_dim3A_19, %broadcast_in_dim3A_25 : vector<16xi1>, vector<16xi32>
        %add3A_1072 = arith.addi %select_n3A_1056, %select_n3A_1071 : vector<16xi32>
        %add3A_1073 = arith.constant 1 : i32
        %add3A_1074 = vector.broadcast %add3A_1073 : i32 to vector<16xi32>
        %add3A_1075 = arith.addi %add3A_1072, %add3A_1074 : vector<16xi32>
        %lt3A_1076 = arith.constant 0 : i32
        %lt3A_1077 = vector.broadcast %lt3A_1076 : i32 to vector<16xi32>
        %lt3A_1078 = arith.cmpi slt, %add3A_1075, %lt3A_1077 : vector<16xi32>
        %add3A_1079 = arith.constant 16 : i32
        %add3A_1080 = vector.broadcast %add3A_1079 : i32 to vector<16xi32>
        %add3A_1081 = arith.addi %add3A_1075, %add3A_1080 : vector<16xi32>
        %select_n3A_1082 = arith.select %lt3A_1078, %add3A_1081, %add3A_1075 : vector<16xi1>, vector<16xi32>
        %broadcast_in_dim3A_1083 = vector.shape_cast %select_n3A_1082 : vector<16xi32> to vector<16x1xi32>
        %gather3A_1084 = vector.shape_cast %broadcast_in_dim3A_1083 : vector<16x1xi32> to vector<16xi32>
        %gather3A_1085 = tpu.dynamic_gather %mul3A_901[%gather3A_1084] in [0] : vector<16xf32>, vector<16xi32> -> vector<16xf32>
        %gt3A_1086 = arith.cmpf ogt, %get3A_851, %gather3A_1085 : vector<16xf32>
        %select_n3A_1087 = arith.select %gt3A_1086, %broadcast_in_dim3A_21, %broadcast_in_dim3A_25 : vector<16xi1>, vector<16xi32>
        %add3A_1088 = arith.addi %add3A_1072, %select_n3A_1087 : vector<16xi32>
        %lt3A_1089 = arith.constant 0 : i32
        %lt3A_1090 = vector.broadcast %lt3A_1089 : i32 to vector<16xi32>
        %lt3A_1091 = arith.cmpi slt, %add3A_1088, %lt3A_1090 : vector<16xi32>
        %add3A_1092 = arith.constant 16 : i32
        %add3A_1093 = vector.broadcast %add3A_1092 : i32 to vector<16xi32>
        %add3A_1094 = arith.addi %add3A_1088, %add3A_1093 : vector<16xi32>
        %select_n3A_1095 = arith.select %lt3A_1091, %add3A_1094, %add3A_1088 : vector<16xi1>, vector<16xi32>
        %broadcast_in_dim3A_1096 = vector.shape_cast %select_n3A_1095 : vector<16xi32> to vector<16x1xi32>
        %gather3A_1097 = vector.shape_cast %broadcast_in_dim3A_1096 : vector<16x1xi32> to vector<16xi32>
        %gather3A_1098 = tpu.dynamic_gather %mul3A_901[%gather3A_1097] in [0] : vector<16xf32>, vector<16xi32> -> vector<16xf32>
        %gt3A_1099 = arith.cmpf ogt, %get3A_851, %gather3A_1098 : vector<16xf32>
        %select_n3A_1100 = arith.select %gt3A_1099, %broadcast_in_dim3A_23, %broadcast_in_dim3A_25 : vector<16xi1>, vector<16xi32>
        %add3A_1101 = arith.addi %add3A_1088, %select_n3A_1100 : vector<16xi32>
        %lt3A_1102 = arith.constant 0 : i32
        %lt3A_1103 = vector.broadcast %lt3A_1102 : i32 to vector<16xi32>
        %lt3A_1104 = arith.cmpi slt, %add3A_1101, %lt3A_1103 : vector<16xi32>
        %add3A_1105 = arith.constant 16 : i32
        %add3A_1106 = vector.broadcast %add3A_1105 : i32 to vector<16xi32>
        %add3A_1107 = arith.addi %add3A_1101, %add3A_1106 : vector<16xi32>
        %select_n3A_1108 = arith.select %lt3A_1104, %add3A_1107, %add3A_1101 : vector<16xi1>, vector<16xi32>
        %broadcast_in_dim3A_1109 = vector.shape_cast %select_n3A_1108 : vector<16xi32> to vector<16x1xi32>
        %gather3A_1110 = vector.shape_cast %broadcast_in_dim3A_1109 : vector<16x1xi32> to vector<16xi32>
        %gather3A_1111 = tpu.dynamic_gather %mul3A_902[%gather3A_1110] in [0] : vector<16xf32>, vector<16xi32> -> vector<16xf32>
        %add3A_1112 = arith.constant 32 : i32
        %add3A_1113 = arith.addi %mul3A_839, %add3A_1112 : i32
        %swap3A_1114 = arith.index_cast %add3A_1113 : i32 to index
        %swap3A_1115 = tpu.vector_load %arg8[%swap3A_1114] {strides = array<i32>} : memref<8192xf32, #tpu.memory_space<vmem>>, vector<16xf32>,
        tpu.vector_store %arg8[%swap3A_1114], %gather3A_1111 {strides = array<i32>} : memref<8192xf32, #tpu.memory_space<vmem>>, vector<16xf32>,
        %lt3A_1116 = arith.constant 0 : i32
        %lt3A_1117 = vector.broadcast %lt3A_1116 : i32 to vector<16xi32>
        %lt3A_1118 = arith.cmpi slt, %broadcast_in_dim3A_15, %lt3A_1117 : vector<16xi32>
        %add3A_1119 = arith.constant 16 : i32
        %add3A_1120 = vector.broadcast %add3A_1119 : i32 to vector<16xi32>
        %add3A_1121 = arith.addi %broadcast_in_dim3A_15, %add3A_1120 : vector<16xi32>
        %select_n3A_1122 = arith.select %lt3A_1118, %add3A_1121, %broadcast_in_dim3A_15 : vector<16xi1>, vector<16xi32>
        %broadcast_in_dim3A_1123 = vector.shape_cast %select_n3A_1122 : vector<16xi32> to vector<16x1xi32>
        %gather3A_1124 = vector.shape_cast %broadcast_in_dim3A_1123 : vector<16x1xi32> to vector<16xi32>
        %gather3A_1125 = tpu.dynamic_gather %mul3A_901[%gather3A_1124] in [0] : vector<16xf32>, vector<16xi32> -> vector<16xf32>
        %gt3A_1126 = arith.cmpf ogt, %get3A_855, %gather3A_1125 : vector<16xf32>
        %select_n3A_1127 = arith.select %gt3A_1126, %broadcast_in_dim3A_17, %broadcast_in_dim3A_25 : vector<16xi1>, vector<16xi32>
        %add3A_1128 = arith.constant 3 : i32
        %add3A_1129 = vector.broadcast %add3A_1128 : i32 to vector<16xi32>
        %add3A_1130 = arith.addi %select_n3A_1127, %add3A_1129 : vector<16xi32>
        %lt3A_1131 = arith.constant 0 : i32
        %lt3A_1132 = vector.broadcast %lt3A_1131 : i32 to vector<16xi32>
        %lt3A_1133 = arith.cmpi slt, %add3A_1130, %lt3A_1132 : vector<16xi32>
        %add3A_1134 = arith.constant 16 : i32
        %add3A_1135 = vector.broadcast %add3A_1134 : i32 to vector<16xi32>
        %add3A_1136 = arith.addi %add3A_1130, %add3A_1135 : vector<16xi32>
        %select_n3A_1137 = arith.select %lt3A_1133, %add3A_1136, %add3A_1130 : vector<16xi1>, vector<16xi32>
        %broadcast_in_dim3A_1138 = vector.shape_cast %select_n3A_1137 : vector<16xi32> to vector<16x1xi32>
        %gather3A_1139 = vector.shape_cast %broadcast_in_dim3A_1138 : vector<16x1xi32> to vector<16xi32>
        %gather3A_1140 = tpu.dynamic_gather %mul3A_901[%gather3A_1139] in [0] : vector<16xf32>, vector<16xi32> -> vector<16xf32>
        %gt3A_1141 = arith.cmpf ogt, %get3A_855, %gather3A_1140 : vector<16xf32>
        %select_n3A_1142 = arith.select %gt3A_1141, %broadcast_in_dim3A_19, %broadcast_in_dim3A_25 : vector<16xi1>, vector<16xi32>
        %add3A_1143 = arith.addi %select_n3A_1127, %select_n3A_1142 : vector<16xi32>
        %add3A_1144 = arith.constant 1 : i32
        %add3A_1145 = vector.broadcast %add3A_1144 : i32 to vector<16xi32>
        %add3A_1146 = arith.addi %add3A_1143, %add3A_1145 : vector<16xi32>
        %lt3A_1147 = arith.constant 0 : i32
        %lt3A_1148 = vector.broadcast %lt3A_1147 : i32 to vector<16xi32>
        %lt3A_1149 = arith.cmpi slt, %add3A_1146, %lt3A_1148 : vector<16xi32>
        %add3A_1150 = arith.constant 16 : i32
        %add3A_1151 = vector.broadcast %add3A_1150 : i32 to vector<16xi32>
        %add3A_1152 = arith.addi %add3A_1146, %add3A_1151 : vector<16xi32>
        %select_n3A_1153 = arith.select %lt3A_1149, %add3A_1152, %add3A_1146 : vector<16xi1>, vector<16xi32>
        %broadcast_in_dim3A_1154 = vector.shape_cast %select_n3A_1153 : vector<16xi32> to vector<16x1xi32>
        %gather3A_1155 = vector.shape_cast %broadcast_in_dim3A_1154 : vector<16x1xi32> to vector<16xi32>
        %gather3A_1156 = tpu.dynamic_gather %mul3A_901[%gather3A_1155] in [0] : vector<16xf32>, vector<16xi32> -> vector<16xf32>
        %gt3A_1157 = arith.cmpf ogt, %get3A_855, %gather3A_1156 : vector<16xf32>
        %select_n3A_1158 = arith.select %gt3A_1157, %broadcast_in_dim3A_21, %broadcast_in_dim3A_25 : vector<16xi1>, vector<16xi32>
        %add3A_1159 = arith.addi %add3A_1143, %select_n3A_1158 : vector<16xi32>
        %lt3A_1160 = arith.constant 0 : i32
        %lt3A_1161 = vector.broadcast %lt3A_1160 : i32 to vector<16xi32>
        %lt3A_1162 = arith.cmpi slt, %add3A_1159, %lt3A_1161 : vector<16xi32>
        %add3A_1163 = arith.constant 16 : i32
        %add3A_1164 = vector.broadcast %add3A_1163 : i32 to vector<16xi32>
        %add3A_1165 = arith.addi %add3A_1159, %add3A_1164 : vector<16xi32>
        %select_n3A_1166 = arith.select %lt3A_1162, %add3A_1165, %add3A_1159 : vector<16xi1>, vector<16xi32>
        %broadcast_in_dim3A_1167 = vector.shape_cast %select_n3A_1166 : vector<16xi32> to vector<16x1xi32>
        %gather3A_1168 = vector.shape_cast %broadcast_in_dim3A_1167 : vector<16x1xi32> to vector<16xi32>
        %gather3A_1169 = tpu.dynamic_gather %mul3A_901[%gather3A_1168] in [0] : vector<16xf32>, vector<16xi32> -> vector<16xf32>
        %gt3A_1170 = arith.cmpf ogt, %get3A_855, %gather3A_1169 : vector<16xf32>
        %select_n3A_1171 = arith.select %gt3A_1170, %broadcast_in_dim3A_23, %broadcast_in_dim3A_25 : vector<16xi1>, vector<16xi32>
        %add3A_1172 = arith.addi %add3A_1159, %select_n3A_1171 : vector<16xi32>
        %lt3A_1173 = arith.constant 0 : i32
        %lt3A_1174 = vector.broadcast %lt3A_1173 : i32 to vector<16xi32>
        %lt3A_1175 = arith.cmpi slt, %add3A_1172, %lt3A_1174 : vector<16xi32>
        %add3A_1176 = arith.constant 16 : i32
        %add3A_1177 = vector.broadcast %add3A_1176 : i32 to vector<16xi32>
        %add3A_1178 = arith.addi %add3A_1172, %add3A_1177 : vector<16xi32>
        %select_n3A_1179 = arith.select %lt3A_1175, %add3A_1178, %add3A_1172 : vector<16xi1>, vector<16xi32>
        %broadcast_in_dim3A_1180 = vector.shape_cast %select_n3A_1179 : vector<16xi32> to vector<16x1xi32>
        %gather3A_1181 = vector.shape_cast %broadcast_in_dim3A_1180 : vector<16x1xi32> to vector<16xi32>
        %gather3A_1182 = tpu.dynamic_gather %mul3A_902[%gather3A_1181] in [0] : vector<16xf32>, vector<16xi32> -> vector<16xf32>
        %add3A_1183 = arith.constant 48 : i32
        %add3A_1184 = arith.addi %mul3A_839, %add3A_1183 : i32
        %swap3A_1185 = arith.index_cast %add3A_1184 : i32 to index
        %swap3A_1186 = tpu.vector_load %arg8[%swap3A_1185] {strides = array<i32>} : memref<8192xf32, #tpu.memory_space<vmem>>, vector<16xf32>,
        tpu.vector_store %arg8[%swap3A_1185], %gather3A_1182 {strides = array<i32>} : memref<8192xf32, #tpu.memory_space<vmem>>, vector<16xf32>,
        %lt3A_1187 = arith.constant 0 : i32
        %lt3A_1188 = vector.broadcast %lt3A_1187 : i32 to vector<16xi32>
        %lt3A_1189 = arith.cmpi slt, %broadcast_in_dim3A_15, %lt3A_1188 : vector<16xi32>
        %add3A_1190 = arith.constant 16 : i32
        %add3A_1191 = vector.broadcast %add3A_1190 : i32 to vector<16xi32>
        %add3A_1192 = arith.addi %broadcast_in_dim3A_15, %add3A_1191 : vector<16xi32>
        %select_n3A_1193 = arith.select %lt3A_1189, %add3A_1192, %broadcast_in_dim3A_15 : vector<16xi1>, vector<16xi32>
        %broadcast_in_dim3A_1194 = vector.shape_cast %select_n3A_1193 : vector<16xi32> to vector<16x1xi32>
        %gather3A_1195 = vector.shape_cast %broadcast_in_dim3A_1194 : vector<16x1xi32> to vector<16xi32>
        %gather3A_1196 = tpu.dynamic_gather %mul3A_901[%gather3A_1195] in [0] : vector<16xf32>, vector<16xi32> -> vector<16xf32>
        %gt3A_1197 = arith.cmpf ogt, %get3A_859, %gather3A_1196 : vector<16xf32>
        %select_n3A_1198 = arith.select %gt3A_1197, %broadcast_in_dim3A_17, %broadcast_in_dim3A_25 : vector<16xi1>, vector<16xi32>
        %add3A_1199 = arith.constant 3 : i32
        %add3A_1200 = vector.broadcast %add3A_1199 : i32 to vector<16xi32>
        %add3A_1201 = arith.addi %select_n3A_1198, %add3A_1200 : vector<16xi32>
        %lt3A_1202 = arith.constant 0 : i32
        %lt3A_1203 = vector.broadcast %lt3A_1202 : i32 to vector<16xi32>
        %lt3A_1204 = arith.cmpi slt, %add3A_1201, %lt3A_1203 : vector<16xi32>
        %add3A_1205 = arith.constant 16 : i32
        %add3A_1206 = vector.broadcast %add3A_1205 : i32 to vector<16xi32>
        %add3A_1207 = arith.addi %add3A_1201, %add3A_1206 : vector<16xi32>
        %select_n3A_1208 = arith.select %lt3A_1204, %add3A_1207, %add3A_1201 : vector<16xi1>, vector<16xi32>
        %broadcast_in_dim3A_1209 = vector.shape_cast %select_n3A_1208 : vector<16xi32> to vector<16x1xi32>
        %gather3A_1210 = vector.shape_cast %broadcast_in_dim3A_1209 : vector<16x1xi32> to vector<16xi32>
        %gather3A_1211 = tpu.dynamic_gather %mul3A_901[%gather3A_1210] in [0] : vector<16xf32>, vector<16xi32> -> vector<16xf32>
        %gt3A_1212 = arith.cmpf ogt, %get3A_859, %gather3A_1211 : vector<16xf32>
        %select_n3A_1213 = arith.select %gt3A_1212, %broadcast_in_dim3A_19, %broadcast_in_dim3A_25 : vector<16xi1>, vector<16xi32>
        %add3A_1214 = arith.addi %select_n3A_1198, %select_n3A_1213 : vector<16xi32>
        %add3A_1215 = arith.constant 1 : i32
        %add3A_1216 = vector.broadcast %add3A_1215 : i32 to vector<16xi32>
        %add3A_1217 = arith.addi %add3A_1214, %add3A_1216 : vector<16xi32>
        %lt3A_1218 = arith.constant 0 : i32
        %lt3A_1219 = vector.broadcast %lt3A_1218 : i32 to vector<16xi32>
        %lt3A_1220 = arith.cmpi slt, %add3A_1217, %lt3A_1219 : vector<16xi32>
        %add3A_1221 = arith.constant 16 : i32
        %add3A_1222 = vector.broadcast %add3A_1221 : i32 to vector<16xi32>
        %add3A_1223 = arith.addi %add3A_1217, %add3A_1222 : vector<16xi32>
        %select_n3A_1224 = arith.select %lt3A_1220, %add3A_1223, %add3A_1217 : vector<16xi1>, vector<16xi32>
        %broadcast_in_dim3A_1225 = vector.shape_cast %select_n3A_1224 : vector<16xi32> to vector<16x1xi32>
        %gather3A_1226 = vector.shape_cast %broadcast_in_dim3A_1225 : vector<16x1xi32> to vector<16xi32>
        %gather3A_1227 = tpu.dynamic_gather %mul3A_901[%gather3A_1226] in [0] : vector<16xf32>, vector<16xi32> -> vector<16xf32>
        %gt3A_1228 = arith.cmpf ogt, %get3A_859, %gather3A_1227 : vector<16xf32>
        %select_n3A_1229 = arith.select %gt3A_1228, %broadcast_in_dim3A_21, %broadcast_in_dim3A_25 : vector<16xi1>, vector<16xi32>
        %add3A_1230 = arith.addi %add3A_1214, %select_n3A_1229 : vector<16xi32>
        %lt3A_1231 = arith.constant 0 : i32
        %lt3A_1232 = vector.broadcast %lt3A_1231 : i32 to vector<16xi32>
        %lt3A_1233 = arith.cmpi slt, %add3A_1230, %lt3A_1232 : vector<16xi32>
        %add3A_1234 = arith.constant 16 : i32
        %add3A_1235 = vector.broadcast %add3A_1234 : i32 to vector<16xi32>
        %add3A_1236 = arith.addi %add3A_1230, %add3A_1235 : vector<16xi32>
        %select_n3A_1237 = arith.select %lt3A_1233, %add3A_1236, %add3A_1230 : vector<16xi1>, vector<16xi32>
        %broadcast_in_dim3A_1238 = vector.shape_cast %select_n3A_1237 : vector<16xi32> to vector<16x1xi32>
        %gather3A_1239 = vector.shape_cast %broadcast_in_dim3A_1238 : vector<16x1xi32> to vector<16xi32>
        %gather3A_1240 = tpu.dynamic_gather %mul3A_901[%gather3A_1239] in [0] : vector<16xf32>, vector<16xi32> -> vector<16xf32>
        %gt3A_1241 = arith.cmpf ogt, %get3A_859, %gather3A_1240 : vector<16xf32>
        %select_n3A_1242 = arith.select %gt3A_1241, %broadcast_in_dim3A_23, %broadcast_in_dim3A_25 : vector<16xi1>, vector<16xi32>
        %add3A_1243 = arith.addi %add3A_1230, %select_n3A_1242 : vector<16xi32>
        %lt3A_1244 = arith.constant 0 : i32
        %lt3A_1245 = vector.broadcast %lt3A_1244 : i32 to vector<16xi32>
        %lt3A_1246 = arith.cmpi slt, %add3A_1243, %lt3A_1245 : vector<16xi32>
        %add3A_1247 = arith.constant 16 : i32
        %add3A_1248 = vector.broadcast %add3A_1247 : i32 to vector<16xi32>
        %add3A_1249 = arith.addi %add3A_1243, %add3A_1248 : vector<16xi32>
        %select_n3A_1250 = arith.select %lt3A_1246, %add3A_1249, %add3A_1243 : vector<16xi1>, vector<16xi32>
        %broadcast_in_dim3A_1251 = vector.shape_cast %select_n3A_1250 : vector<16xi32> to vector<16x1xi32>
        %gather3A_1252 = vector.shape_cast %broadcast_in_dim3A_1251 : vector<16x1xi32> to vector<16xi32>
        %gather3A_1253 = tpu.dynamic_gather %mul3A_902[%gather3A_1252] in [0] : vector<16xf32>, vector<16xi32> -> vector<16xf32>
        %add3A_1254 = arith.constant 64 : i32
        %add3A_1255 = arith.addi %mul3A_839, %add3A_1254 : i32
        %swap3A_1256 = arith.index_cast %add3A_1255 : i32 to index
        %swap3A_1257 = tpu.vector_load %arg8[%swap3A_1256] {strides = array<i32>} : memref<8192xf32, #tpu.memory_space<vmem>>, vector<16xf32>,
        tpu.vector_store %arg8[%swap3A_1256], %gather3A_1253 {strides = array<i32>} : memref<8192xf32, #tpu.memory_space<vmem>>, vector<16xf32>,
        %lt3A_1258 = arith.constant 0 : i32
        %lt3A_1259 = vector.broadcast %lt3A_1258 : i32 to vector<16xi32>
        %lt3A_1260 = arith.cmpi slt, %broadcast_in_dim3A_15, %lt3A_1259 : vector<16xi32>
        %add3A_1261 = arith.constant 16 : i32
        %add3A_1262 = vector.broadcast %add3A_1261 : i32 to vector<16xi32>
        %add3A_1263 = arith.addi %broadcast_in_dim3A_15, %add3A_1262 : vector<16xi32>
        %select_n3A_1264 = arith.select %lt3A_1260, %add3A_1263, %broadcast_in_dim3A_15 : vector<16xi1>, vector<16xi32>
        %broadcast_in_dim3A_1265 = vector.shape_cast %select_n3A_1264 : vector<16xi32> to vector<16x1xi32>
        %gather3A_1266 = vector.shape_cast %broadcast_in_dim3A_1265 : vector<16x1xi32> to vector<16xi32>
        %gather3A_1267 = tpu.dynamic_gather %mul3A_901[%gather3A_1266] in [0] : vector<16xf32>, vector<16xi32> -> vector<16xf32>
        %gt3A_1268 = arith.cmpf ogt, %get3A_863, %gather3A_1267 : vector<16xf32>
        %select_n3A_1269 = arith.select %gt3A_1268, %broadcast_in_dim3A_17, %broadcast_in_dim3A_25 : vector<16xi1>, vector<16xi32>
        %add3A_1270 = arith.constant 3 : i32
        %add3A_1271 = vector.broadcast %add3A_1270 : i32 to vector<16xi32>
        %add3A_1272 = arith.addi %select_n3A_1269, %add3A_1271 : vector<16xi32>
        %lt3A_1273 = arith.constant 0 : i32
        %lt3A_1274 = vector.broadcast %lt3A_1273 : i32 to vector<16xi32>
        %lt3A_1275 = arith.cmpi slt, %add3A_1272, %lt3A_1274 : vector<16xi32>
        %add3A_1276 = arith.constant 16 : i32
        %add3A_1277 = vector.broadcast %add3A_1276 : i32 to vector<16xi32>
        %add3A_1278 = arith.addi %add3A_1272, %add3A_1277 : vector<16xi32>
        %select_n3A_1279 = arith.select %lt3A_1275, %add3A_1278, %add3A_1272 : vector<16xi1>, vector<16xi32>
        %broadcast_in_dim3A_1280 = vector.shape_cast %select_n3A_1279 : vector<16xi32> to vector<16x1xi32>
        %gather3A_1281 = vector.shape_cast %broadcast_in_dim3A_1280 : vector<16x1xi32> to vector<16xi32>
        %gather3A_1282 = tpu.dynamic_gather %mul3A_901[%gather3A_1281] in [0] : vector<16xf32>, vector<16xi32> -> vector<16xf32>
        %gt3A_1283 = arith.cmpf ogt, %get3A_863, %gather3A_1282 : vector<16xf32>
        %select_n3A_1284 = arith.select %gt3A_1283, %broadcast_in_dim3A_19, %broadcast_in_dim3A_25 : vector<16xi1>, vector<16xi32>
        %add3A_1285 = arith.addi %select_n3A_1269, %select_n3A_1284 : vector<16xi32>
        %add3A_1286 = arith.constant 1 : i32
        %add3A_1287 = vector.broadcast %add3A_1286 : i32 to vector<16xi32>
        %add3A_1288 = arith.addi %add3A_1285, %add3A_1287 : vector<16xi32>
        %lt3A_1289 = arith.constant 0 : i32
        %lt3A_1290 = vector.broadcast %lt3A_1289 : i32 to vector<16xi32>
        %lt3A_1291 = arith.cmpi slt, %add3A_1288, %lt3A_1290 : vector<16xi32>
        %add3A_1292 = arith.constant 16 : i32
        %add3A_1293 = vector.broadcast %add3A_1292 : i32 to vector<16xi32>
        %add3A_1294 = arith.addi %add3A_1288, %add3A_1293 : vector<16xi32>
        %select_n3A_1295 = arith.select %lt3A_1291, %add3A_1294, %add3A_1288 : vector<16xi1>, vector<16xi32>
        %broadcast_in_dim3A_1296 = vector.shape_cast %select_n3A_1295 : vector<16xi32> to vector<16x1xi32>
        %gather3A_1297 = vector.shape_cast %broadcast_in_dim3A_1296 : vector<16x1xi32> to vector<16xi32>
        %gather3A_1298 = tpu.dynamic_gather %mul3A_901[%gather3A_1297] in [0] : vector<16xf32>, vector<16xi32> -> vector<16xf32>
        %gt3A_1299 = arith.cmpf ogt, %get3A_863, %gather3A_1298 : vector<16xf32>
        %select_n3A_1300 = arith.select %gt3A_1299, %broadcast_in_dim3A_21, %broadcast_in_dim3A_25 : vector<16xi1>, vector<16xi32>
        %add3A_1301 = arith.addi %add3A_1285, %select_n3A_1300 : vector<16xi32>
        %lt3A_1302 = arith.constant 0 : i32
        %lt3A_1303 = vector.broadcast %lt3A_1302 : i32 to vector<16xi32>
        %lt3A_1304 = arith.cmpi slt, %add3A_1301, %lt3A_1303 : vector<16xi32>
        %add3A_1305 = arith.constant 16 : i32
        %add3A_1306 = vector.broadcast %add3A_1305 : i32 to vector<16xi32>
        %add3A_1307 = arith.addi %add3A_1301, %add3A_1306 : vector<16xi32>
        %select_n3A_1308 = arith.select %lt3A_1304, %add3A_1307, %add3A_1301 : vector<16xi1>, vector<16xi32>
        %broadcast_in_dim3A_1309 = vector.shape_cast %select_n3A_1308 : vector<16xi32> to vector<16x1xi32>
        %gather3A_1310 = vector.shape_cast %broadcast_in_dim3A_1309 : vector<16x1xi32> to vector<16xi32>
        %gather3A_1311 = tpu.dynamic_gather %mul3A_901[%gather3A_1310] in [0] : vector<16xf32>, vector<16xi32> -> vector<16xf32>
        %gt3A_1312 = arith.cmpf ogt, %get3A_863, %gather3A_1311 : vector<16xf32>
        %select_n3A_1313 = arith.select %gt3A_1312, %broadcast_in_dim3A_23, %broadcast_in_dim3A_25 : vector<16xi1>, vector<16xi32>
        %add3A_1314 = arith.addi %add3A_1301, %select_n3A_1313 : vector<16xi32>
        %lt3A_1315 = arith.constant 0 : i32
        %lt3A_1316 = vector.broadcast %lt3A_1315 : i32 to vector<16xi32>
        %lt3A_1317 = arith.cmpi slt, %add3A_1314, %lt3A_1316 : vector<16xi32>
        %add3A_1318 = arith.constant 16 : i32
        %add3A_1319 = vector.broadcast %add3A_1318 : i32 to vector<16xi32>
        %add3A_1320 = arith.addi %add3A_1314, %add3A_1319 : vector<16xi32>
        %select_n3A_1321 = arith.select %lt3A_1317, %add3A_1320, %add3A_1314 : vector<16xi1>, vector<16xi32>
        %broadcast_in_dim3A_1322 = vector.shape_cast %select_n3A_1321 : vector<16xi32> to vector<16x1xi32>
        %gather3A_1323 = vector.shape_cast %broadcast_in_dim3A_1322 : vector<16x1xi32> to vector<16xi32>
        %gather3A_1324 = tpu.dynamic_gather %mul3A_902[%gather3A_1323] in [0] : vector<16xf32>, vector<16xi32> -> vector<16xf32>
        %add3A_1325 = arith.constant 80 : i32
        %add3A_1326 = arith.addi %mul3A_839, %add3A_1325 : i32
        %swap3A_1327 = arith.index_cast %add3A_1326 : i32 to index
        %swap3A_1328 = tpu.vector_load %arg8[%swap3A_1327] {strides = array<i32>} : memref<8192xf32, #tpu.memory_space<vmem>>, vector<16xf32>,
        tpu.vector_store %arg8[%swap3A_1327], %gather3A_1324 {strides = array<i32>} : memref<8192xf32, #tpu.memory_space<vmem>>, vector<16xf32>,
        %lt3A_1329 = arith.constant 0 : i32
        %lt3A_1330 = vector.broadcast %lt3A_1329 : i32 to vector<16xi32>
        %lt3A_1331 = arith.cmpi slt, %broadcast_in_dim3A_15, %lt3A_1330 : vector<16xi32>
        %add3A_1332 = arith.constant 16 : i32
        %add3A_1333 = vector.broadcast %add3A_1332 : i32 to vector<16xi32>
        %add3A_1334 = arith.addi %broadcast_in_dim3A_15, %add3A_1333 : vector<16xi32>
        %select_n3A_1335 = arith.select %lt3A_1331, %add3A_1334, %broadcast_in_dim3A_15 : vector<16xi1>, vector<16xi32>
        %broadcast_in_dim3A_1336 = vector.shape_cast %select_n3A_1335 : vector<16xi32> to vector<16x1xi32>
        %gather3A_1337 = vector.shape_cast %broadcast_in_dim3A_1336 : vector<16x1xi32> to vector<16xi32>
        %gather3A_1338 = tpu.dynamic_gather %mul3A_901[%gather3A_1337] in [0] : vector<16xf32>, vector<16xi32> -> vector<16xf32>
        %gt3A_1339 = arith.cmpf ogt, %get3A_867, %gather3A_1338 : vector<16xf32>
        %select_n3A_1340 = arith.select %gt3A_1339, %broadcast_in_dim3A_17, %broadcast_in_dim3A_25 : vector<16xi1>, vector<16xi32>
        %add3A_1341 = arith.constant 3 : i32
        %add3A_1342 = vector.broadcast %add3A_1341 : i32 to vector<16xi32>
        %add3A_1343 = arith.addi %select_n3A_1340, %add3A_1342 : vector<16xi32>
        %lt3A_1344 = arith.constant 0 : i32
        %lt3A_1345 = vector.broadcast %lt3A_1344 : i32 to vector<16xi32>
        %lt3A_1346 = arith.cmpi slt, %add3A_1343, %lt3A_1345 : vector<16xi32>
        %add3A_1347 = arith.constant 16 : i32
        %add3A_1348 = vector.broadcast %add3A_1347 : i32 to vector<16xi32>
        %add3A_1349 = arith.addi %add3A_1343, %add3A_1348 : vector<16xi32>
        %select_n3A_1350 = arith.select %lt3A_1346, %add3A_1349, %add3A_1343 : vector<16xi1>, vector<16xi32>
        %broadcast_in_dim3A_1351 = vector.shape_cast %select_n3A_1350 : vector<16xi32> to vector<16x1xi32>
        %gather3A_1352 = vector.shape_cast %broadcast_in_dim3A_1351 : vector<16x1xi32> to vector<16xi32>
        %gather3A_1353 = tpu.dynamic_gather %mul3A_901[%gather3A_1352] in [0] : vector<16xf32>, vector<16xi32> -> vector<16xf32>
        %gt3A_1354 = arith.cmpf ogt, %get3A_867, %gather3A_1353 : vector<16xf32>
        %select_n3A_1355 = arith.select %gt3A_1354, %broadcast_in_dim3A_19, %broadcast_in_dim3A_25 : vector<16xi1>, vector<16xi32>
        %add3A_1356 = arith.addi %select_n3A_1340, %select_n3A_1355 : vector<16xi32>
        %add3A_1357 = arith.constant 1 : i32
        %add3A_1358 = vector.broadcast %add3A_1357 : i32 to vector<16xi32>
        %add3A_1359 = arith.addi %add3A_1356, %add3A_1358 : vector<16xi32>
        %lt3A_1360 = arith.constant 0 : i32
        %lt3A_1361 = vector.broadcast %lt3A_1360 : i32 to vector<16xi32>
        %lt3A_1362 = arith.cmpi slt, %add3A_1359, %lt3A_1361 : vector<16xi32>
        %add3A_1363 = arith.constant 16 : i32
        %add3A_1364 = vector.broadcast %add3A_1363 : i32 to vector<16xi32>
        %add3A_1365 = arith.addi %add3A_1359, %add3A_1364 : vector<16xi32>
        %select_n3A_1366 = arith.select %lt3A_1362, %add3A_1365, %add3A_1359 : vector<16xi1>, vector<16xi32>
        %broadcast_in_dim3A_1367 = vector.shape_cast %select_n3A_1366 : vector<16xi32> to vector<16x1xi32>
        %gather3A_1368 = vector.shape_cast %broadcast_in_dim3A_1367 : vector<16x1xi32> to vector<16xi32>
        %gather3A_1369 = tpu.dynamic_gather %mul3A_901[%gather3A_1368] in [0] : vector<16xf32>, vector<16xi32> -> vector<16xf32>
        %gt3A_1370 = arith.cmpf ogt, %get3A_867, %gather3A_1369 : vector<16xf32>
        %select_n3A_1371 = arith.select %gt3A_1370, %broadcast_in_dim3A_21, %broadcast_in_dim3A_25 : vector<16xi1>, vector<16xi32>
        %add3A_1372 = arith.addi %add3A_1356, %select_n3A_1371 : vector<16xi32>
        %lt3A_1373 = arith.constant 0 : i32
        %lt3A_1374 = vector.broadcast %lt3A_1373 : i32 to vector<16xi32>
        %lt3A_1375 = arith.cmpi slt, %add3A_1372, %lt3A_1374 : vector<16xi32>
        %add3A_1376 = arith.constant 16 : i32
        %add3A_1377 = vector.broadcast %add3A_1376 : i32 to vector<16xi32>
        %add3A_1378 = arith.addi %add3A_1372, %add3A_1377 : vector<16xi32>
        %select_n3A_1379 = arith.select %lt3A_1375, %add3A_1378, %add3A_1372 : vector<16xi1>, vector<16xi32>
        %broadcast_in_dim3A_1380 = vector.shape_cast %select_n3A_1379 : vector<16xi32> to vector<16x1xi32>
        %gather3A_1381 = vector.shape_cast %broadcast_in_dim3A_1380 : vector<16x1xi32> to vector<16xi32>
        %gather3A_1382 = tpu.dynamic_gather %mul3A_901[%gather3A_1381] in [0] : vector<16xf32>, vector<16xi32> -> vector<16xf32>
        %gt3A_1383 = arith.cmpf ogt, %get3A_867, %gather3A_1382 : vector<16xf32>
        %select_n3A_1384 = arith.select %gt3A_1383, %broadcast_in_dim3A_23, %broadcast_in_dim3A_25 : vector<16xi1>, vector<16xi32>
        %add3A_1385 = arith.addi %add3A_1372, %select_n3A_1384 : vector<16xi32>
        %lt3A_1386 = arith.constant 0 : i32
        %lt3A_1387 = vector.broadcast %lt3A_1386 : i32 to vector<16xi32>
        %lt3A_1388 = arith.cmpi slt, %add3A_1385, %lt3A_1387 : vector<16xi32>
        %add3A_1389 = arith.constant 16 : i32
        %add3A_1390 = vector.broadcast %add3A_1389 : i32 to vector<16xi32>
        %add3A_1391 = arith.addi %add3A_1385, %add3A_1390 : vector<16xi32>
        %select_n3A_1392 = arith.select %lt3A_1388, %add3A_1391, %add3A_1385 : vector<16xi1>, vector<16xi32>
        %broadcast_in_dim3A_1393 = vector.shape_cast %select_n3A_1392 : vector<16xi32> to vector<16x1xi32>
        %gather3A_1394 = vector.shape_cast %broadcast_in_dim3A_1393 : vector<16x1xi32> to vector<16xi32>
        %gather3A_1395 = tpu.dynamic_gather %mul3A_902[%gather3A_1394] in [0] : vector<16xf32>, vector<16xi32> -> vector<16xf32>
        %add3A_1396 = arith.constant 96 : i32
        %add3A_1397 = arith.addi %mul3A_839, %add3A_1396 : i32
        %swap3A_1398 = arith.index_cast %add3A_1397 : i32 to index
        %swap3A_1399 = tpu.vector_load %arg8[%swap3A_1398] {strides = array<i32>} : memref<8192xf32, #tpu.memory_space<vmem>>, vector<16xf32>,
        tpu.vector_store %arg8[%swap3A_1398], %gather3A_1395 {strides = array<i32>} : memref<8192xf32, #tpu.memory_space<vmem>>, vector<16xf32>,
        %lt3A_1400 = arith.constant 0 : i32
        %lt3A_1401 = vector.broadcast %lt3A_1400 : i32 to vector<16xi32>
        %lt3A_1402 = arith.cmpi slt, %broadcast_in_dim3A_15, %lt3A_1401 : vector<16xi32>
        %add3A_1403 = arith.constant 16 : i32
        %add3A_1404 = vector.broadcast %add3A_1403 : i32 to vector<16xi32>
        %add3A_1405 = arith.addi %broadcast_in_dim3A_15, %add3A_1404 : vector<16xi32>
        %select_n3A_1406 = arith.select %lt3A_1402, %add3A_1405, %broadcast_in_dim3A_15 : vector<16xi1>, vector<16xi32>
        %broadcast_in_dim3A_1407 = vector.shape_cast %select_n3A_1406 : vector<16xi32> to vector<16x1xi32>
        %gather3A_1408 = vector.shape_cast %broadcast_in_dim3A_1407 : vector<16x1xi32> to vector<16xi32>
        %gather3A_1409 = tpu.dynamic_gather %mul3A_901[%gather3A_1408] in [0] : vector<16xf32>, vector<16xi32> -> vector<16xf32>
        %gt3A_1410 = arith.cmpf ogt, %get3A_871, %gather3A_1409 : vector<16xf32>
        %select_n3A_1411 = arith.select %gt3A_1410, %broadcast_in_dim3A_17, %broadcast_in_dim3A_25 : vector<16xi1>, vector<16xi32>
        %add3A_1412 = arith.constant 3 : i32
        %add3A_1413 = vector.broadcast %add3A_1412 : i32 to vector<16xi32>
        %add3A_1414 = arith.addi %select_n3A_1411, %add3A_1413 : vector<16xi32>
        %lt3A_1415 = arith.constant 0 : i32
        %lt3A_1416 = vector.broadcast %lt3A_1415 : i32 to vector<16xi32>
        %lt3A_1417 = arith.cmpi slt, %add3A_1414, %lt3A_1416 : vector<16xi32>
        %add3A_1418 = arith.constant 16 : i32
        %add3A_1419 = vector.broadcast %add3A_1418 : i32 to vector<16xi32>
        %add3A_1420 = arith.addi %add3A_1414, %add3A_1419 : vector<16xi32>
        %select_n3A_1421 = arith.select %lt3A_1417, %add3A_1420, %add3A_1414 : vector<16xi1>, vector<16xi32>
        %broadcast_in_dim3A_1422 = vector.shape_cast %select_n3A_1421 : vector<16xi32> to vector<16x1xi32>
        %gather3A_1423 = vector.shape_cast %broadcast_in_dim3A_1422 : vector<16x1xi32> to vector<16xi32>
        %gather3A_1424 = tpu.dynamic_gather %mul3A_901[%gather3A_1423] in [0] : vector<16xf32>, vector<16xi32> -> vector<16xf32>
        %gt3A_1425 = arith.cmpf ogt, %get3A_871, %gather3A_1424 : vector<16xf32>
        %select_n3A_1426 = arith.select %gt3A_1425, %broadcast_in_dim3A_19, %broadcast_in_dim3A_25 : vector<16xi1>, vector<16xi32>
        %add3A_1427 = arith.addi %select_n3A_1411, %select_n3A_1426 : vector<16xi32>
        %add3A_1428 = arith.constant 1 : i32
        %add3A_1429 = vector.broadcast %add3A_1428 : i32 to vector<16xi32>
        %add3A_1430 = arith.addi %add3A_1427, %add3A_1429 : vector<16xi32>
        %lt3A_1431 = arith.constant 0 : i32
        %lt3A_1432 = vector.broadcast %lt3A_1431 : i32 to vector<16xi32>
        %lt3A_1433 = arith.cmpi slt, %add3A_1430, %lt3A_1432 : vector<16xi32>
        %add3A_1434 = arith.constant 16 : i32
        %add3A_1435 = vector.broadcast %add3A_1434 : i32 to vector<16xi32>
        %add3A_1436 = arith.addi %add3A_1430, %add3A_1435 : vector<16xi32>
        %select_n3A_1437 = arith.select %lt3A_1433, %add3A_1436, %add3A_1430 : vector<16xi1>, vector<16xi32>
        %broadcast_in_dim3A_1438 = vector.shape_cast %select_n3A_1437 : vector<16xi32> to vector<16x1xi32>
        %gather3A_1439 = vector.shape_cast %broadcast_in_dim3A_1438 : vector<16x1xi32> to vector<16xi32>
        %gather3A_1440 = tpu.dynamic_gather %mul3A_901[%gather3A_1439] in [0] : vector<16xf32>, vector<16xi32> -> vector<16xf32>
        %gt3A_1441 = arith.cmpf ogt, %get3A_871, %gather3A_1440 : vector<16xf32>
        %select_n3A_1442 = arith.select %gt3A_1441, %broadcast_in_dim3A_21, %broadcast_in_dim3A_25 : vector<16xi1>, vector<16xi32>
        %add3A_1443 = arith.addi %add3A_1427, %select_n3A_1442 : vector<16xi32>
        %lt3A_1444 = arith.constant 0 : i32
        %lt3A_1445 = vector.broadcast %lt3A_1444 : i32 to vector<16xi32>
        %lt3A_1446 = arith.cmpi slt, %add3A_1443, %lt3A_1445 : vector<16xi32>
        %add3A_1447 = arith.constant 16 : i32
        %add3A_1448 = vector.broadcast %add3A_1447 : i32 to vector<16xi32>
        %add3A_1449 = arith.addi %add3A_1443, %add3A_1448 : vector<16xi32>
        %select_n3A_1450 = arith.select %lt3A_1446, %add3A_1449, %add3A_1443 : vector<16xi1>, vector<16xi32>
        %broadcast_in_dim3A_1451 = vector.shape_cast %select_n3A_1450 : vector<16xi32> to vector<16x1xi32>
        %gather3A_1452 = vector.shape_cast %broadcast_in_dim3A_1451 : vector<16x1xi32> to vector<16xi32>
        %gather3A_1453 = tpu.dynamic_gather %mul3A_901[%gather3A_1452] in [0] : vector<16xf32>, vector<16xi32> -> vector<16xf32>
        %gt3A_1454 = arith.cmpf ogt, %get3A_871, %gather3A_1453 : vector<16xf32>
        %select_n3A_1455 = arith.select %gt3A_1454, %broadcast_in_dim3A_23, %broadcast_in_dim3A_25 : vector<16xi1>, vector<16xi32>
        %add3A_1456 = arith.addi %add3A_1443, %select_n3A_1455 : vector<16xi32>
        %lt3A_1457 = arith.constant 0 : i32
        %lt3A_1458 = vector.broadcast %lt3A_1457 : i32 to vector<16xi32>
        %lt3A_1459 = arith.cmpi slt, %add3A_1456, %lt3A_1458 : vector<16xi32>
        %add3A_1460 = arith.constant 16 : i32
        %add3A_1461 = vector.broadcast %add3A_1460 : i32 to vector<16xi32>
        %add3A_1462 = arith.addi %add3A_1456, %add3A_1461 : vector<16xi32>
        %select_n3A_1463 = arith.select %lt3A_1459, %add3A_1462, %add3A_1456 : vector<16xi1>, vector<16xi32>
        %broadcast_in_dim3A_1464 = vector.shape_cast %select_n3A_1463 : vector<16xi32> to vector<16x1xi32>
        %gather3A_1465 = vector.shape_cast %broadcast_in_dim3A_1464 : vector<16x1xi32> to vector<16xi32>
        %gather3A_1466 = tpu.dynamic_gather %mul3A_902[%gather3A_1465] in [0] : vector<16xf32>, vector<16xi32> -> vector<16xf32>
        %add3A_1467 = arith.constant 112 : i32
        %add3A_1468 = arith.addi %mul3A_839, %add3A_1467 : i32
        %swap3A_1469 = arith.index_cast %add3A_1468 : i32 to index
        %swap3A_1470 = tpu.vector_load %arg8[%swap3A_1469] {strides = array<i32>} : memref<8192xf32, #tpu.memory_space<vmem>>, vector<16xf32>,
        tpu.vector_store %arg8[%swap3A_1469], %gather3A_1466 {strides = array<i32>} : memref<8192xf32, #tpu.memory_space<vmem>>, vector<16xf32>,
      }
      %scan3A_151 = arith.constant 32 : i32
      %add3A_152 = arith.constant 2 : i32
      %add3A_153 = arith.addi %add3A_136, %add3A_152 : i32
      %lt3A_154 = arith.constant 16 : i32
      %lt3A_155 = arith.cmpi slt, %add3A_153, %lt3A_154 : i32
      %convert_element_type3A_156 = arith.extui %lt3A_155 : i1 to i32
      %cond3A_157 = arith.constant 0 : i32
      %cond3A_158 = arith.cmpi ne, %convert_element_type3A_156, %cond3A_157 : i32
      scf.if %cond3A_158 {
        %add3A_202 = arith.constant 2 : i32
        %add3A_203 = arith.addi %add3A_136, %add3A_202 : i32
        %mul3A_204 = arith.constant 8192 : i32
        %mul3A_205 = arith.muli %add3A_203, %mul3A_204 : i32
        %add3A_206 = arith.addi %mul3A_99, %mul3A_205 : i32
        %dma_start3A_207 = arith.constant 0 : i32
        %dma_start3A_208 = tpu.memref_slice %arg2[%add3A_206] : memref<4194304xf32, #tpu.memory_space<hbm>> -> memref<8192xf32, #tpu.memory_space<hbm>>
        %dma_start3A_209 = tpu.memref_slice %arg10[%dma_start3A_207] : memref<2x!tpu.dma_semaphore, #tpu.memory_space<semaphore_mem>> -> memref<1x!tpu.dma_semaphore, #tpu.memory_space<semaphore_mem>>
        %dma_start3A_210 = tpu.memref_squeeze %dma_start3A_209 : memref<1x!tpu.dma_semaphore, #tpu.memory_space<semaphore_mem>> -> memref<!tpu.dma_semaphore, #tpu.memory_space<semaphore_mem>>
        %dma_start3A_211 = tpu.memref_slice %arg2[%add3A_206] : memref<4194304xf32, #tpu.memory_space<hbm>> -> memref<8192xf32, #tpu.memory_space<hbm>>
        tpu.enqueue_dma source(%dma_start3A_211 : memref<8192xf32, #tpu.memory_space<hbm>>) target(%arg6 : memref<8192xf32, #tpu.memory_space<vmem>>) target_semaphore(%dma_start3A_210 : memref<!tpu.dma_semaphore, #tpu.memory_space<semaphore_mem>>)
      } else {
      }
      %mul3A_159 = arith.constant 8192 : i32
      %mul3A_160 = arith.muli %add3A_136, %mul3A_159 : i32
      %add3A_161 = arith.addi %mul3A_99, %mul3A_160 : i32
      %dma_start3A_162 = arith.constant 0 : i32
      %dma_start3A_163 = tpu.memref_slice %arg4[%add3A_161] : memref<4194304xf32, #tpu.memory_space<hbm>> -> memref<8192xf32, #tpu.memory_space<hbm>>
      %dma_start3A_164 = tpu.memref_slice %arg11[%dma_start3A_162] : memref<2x!tpu.dma_semaphore, #tpu.memory_space<semaphore_mem>> -> memref<1x!tpu.dma_semaphore, #tpu.memory_space<semaphore_mem>>
      %dma_start3A_165 = tpu.memref_squeeze %dma_start3A_164 : memref<1x!tpu.dma_semaphore, #tpu.memory_space<semaphore_mem>> -> memref<!tpu.dma_semaphore, #tpu.memory_space<semaphore_mem>>
      %dma_start3A_166 = tpu.memref_slice %arg4[%add3A_161] : memref<4194304xf32, #tpu.memory_space<hbm>> -> memref<8192xf32, #tpu.memory_space<hbm>>
      tpu.enqueue_dma source(%arg8 : memref<8192xf32, #tpu.memory_space<vmem>>) target(%dma_start3A_166 : memref<8192xf32, #tpu.memory_space<hbm>>) target_semaphore(%dma_start3A_165 : memref<!tpu.dma_semaphore, #tpu.memory_space<semaphore_mem>>)
      %add3A_167 = arith.constant 1 : i32
      %add3A_168 = arith.addi %add3A_134, %add3A_167 : i32
      %mul3A_169 = arith.constant 8192 : i32
      %mul3A_170 = arith.muli %add3A_168, %mul3A_169 : i32
      %add3A_171 = arith.addi %mul3A_99, %mul3A_170 : i32
      %dma_wait3A_172 = arith.constant 1 : i32
      %dma_wait3A_173 = tpu.memref_slice %arg2[%add3A_171] : memref<4194304xf32, #tpu.memory_space<hbm>> -> memref<8192xf32, #tpu.memory_space<hbm>>
      %dma_wait3A_174 = tpu.memref_slice %arg10[%dma_wait3A_172] : memref<2x!tpu.dma_semaphore, #tpu.memory_space<semaphore_mem>> -> memref<1x!tpu.dma_semaphore, #tpu.memory_space<semaphore_mem>>
      %dma_wait3A_175 = tpu.memref_squeeze %dma_wait3A_174 : memref<1x!tpu.dma_semaphore, #tpu.memory_space<semaphore_mem>> -> memref<!tpu.dma_semaphore, #tpu.memory_space<semaphore_mem>>
      %dma_wait3A_176 = tpu.memref_slice %arg2[%add3A_171] : memref<4194304xf32, #tpu.memory_space<hbm>> -> memref<8192xf32, #tpu.memory_space<hbm>>
      tpu.wait_dma2 semaphore(%dma_wait3A_175 : memref<!tpu.dma_semaphore, #tpu.memory_space<semaphore_mem>>) src(%dma_wait3A_176 : memref<8192xf32, #tpu.memory_space<hbm>>) dst(%arg7 : memref<8192xf32, #tpu.memory_space<vmem>>)
      %ge3A_177 = arith.constant 2 : i32
      %ge3A_178 = arith.cmpi sge, %add3A_168, %ge3A_177 : i32
      %convert_element_type3A_179 = arith.extui %ge3A_178 : i1 to i32
      %cond3A_180 = arith.constant 0 : i32
      %cond3A_181 = arith.cmpi ne, %convert_element_type3A_179, %cond3A_180 : i32
      scf.if %cond3A_181 {
        %sub3A_202 = arith.constant 2 : i32
        %sub3A_203 = arith.subi %add3A_168, %sub3A_202 : i32
        %mul3A_204 = arith.constant 8192 : i32
        %mul3A_205 = arith.muli %sub3A_203, %mul3A_204 : i32
        %add3A_206 = arith.addi %mul3A_99, %mul3A_205 : i32
        %dma_wait3A_207 = arith.constant 1 : i32
        %dma_wait3A_208 = tpu.memref_slice %arg4[%add3A_206] : memref<4194304xf32, #tpu.memory_space<hbm>> -> memref<8192xf32, #tpu.memory_space<hbm>>
        %dma_wait3A_209 = tpu.memref_slice %arg11[%dma_wait3A_207] : memref<2x!tpu.dma_semaphore, #tpu.memory_space<semaphore_mem>> -> memref<1x!tpu.dma_semaphore, #tpu.memory_space<semaphore_mem>>
        %dma_wait3A_210 = tpu.memref_squeeze %dma_wait3A_209 : memref<1x!tpu.dma_semaphore, #tpu.memory_space<semaphore_mem>> -> memref<!tpu.dma_semaphore, #tpu.memory_space<semaphore_mem>>
        %dma_wait3A_211 = tpu.memref_slice %arg4[%add3A_206] : memref<4194304xf32, #tpu.memory_space<hbm>> -> memref<8192xf32, #tpu.memory_space<hbm>>
        tpu.wait_dma2 semaphore(%dma_wait3A_210 : memref<!tpu.dma_semaphore, #tpu.memory_space<semaphore_mem>>) src(%arg9 : memref<8192xf32, #tpu.memory_space<vmem>>) dst(%dma_wait3A_211 : memref<8192xf32, #tpu.memory_space<hbm>>)
      } else {
      }
      %scan3A_182 = arith.constant 0 : i32
      %scan3A_183 = arith.constant 32 : i32
      %scan3A_184 = arith.addi %scan3A_182, %scan3A_183 : i32
      %scan3A_185 = arith.constant 1 : i32
      scf.for %scan3A_202 = %scan3A_182 to %scan3A_184 step %scan3A_185  : i32 {
        %mul3A_203 = arith.constant 2 : i32
        %mul3A_204 = arith.muli %scan3A_202, %mul3A_203 : i32
        %add3A_205 = arith.constant 0 : i32
        %add3A_206 = arith.addi %add3A_205, %mul3A_204 : i32
        %add3A_207 = arith.constant 0 : i32
        %add3A_208 = arith.addi %add3A_206, %add3A_207 : i32
        %mul3A_209 = arith.constant 128 : i32
        %mul3A_210 = arith.muli %add3A_208, %mul3A_209 : i32
        %add3A_211 = arith.constant 0 : i32
        %add3A_212 = arith.addi %mul3A_210, %add3A_211 : i32
        %get3A_213 = arith.index_cast %add3A_212 : i32 to index
        %get3A_214 = tpu.vector_load %arg7[%get3A_213] {strides = array<i32>} : memref<8192xf32, #tpu.memory_space<vmem>>, vector<16xf32>,
        %add3A_215 = arith.constant 16 : i32
        %add3A_216 = arith.addi %mul3A_210, %add3A_215 : i32
        %get3A_217 = arith.index_cast %add3A_216 : i32 to index
        %get3A_218 = tpu.vector_load %arg7[%get3A_217] {strides = array<i32>} : memref<8192xf32, #tpu.memory_space<vmem>>, vector<16xf32>,
        %add3A_219 = arith.constant 32 : i32
        %add3A_220 = arith.addi %mul3A_210, %add3A_219 : i32
        %get3A_221 = arith.index_cast %add3A_220 : i32 to index
        %get3A_222 = tpu.vector_load %arg7[%get3A_221] {strides = array<i32>} : memref<8192xf32, #tpu.memory_space<vmem>>, vector<16xf32>,
        %add3A_223 = arith.constant 48 : i32
        %add3A_224 = arith.addi %mul3A_210, %add3A_223 : i32
        %get3A_225 = arith.index_cast %add3A_224 : i32 to index
        %get3A_226 = tpu.vector_load %arg7[%get3A_225] {strides = array<i32>} : memref<8192xf32, #tpu.memory_space<vmem>>, vector<16xf32>,
        %add3A_227 = arith.constant 64 : i32
        %add3A_228 = arith.addi %mul3A_210, %add3A_227 : i32
        %get3A_229 = arith.index_cast %add3A_228 : i32 to index
        %get3A_230 = tpu.vector_load %arg7[%get3A_229] {strides = array<i32>} : memref<8192xf32, #tpu.memory_space<vmem>>, vector<16xf32>,
        %add3A_231 = arith.constant 80 : i32
        %add3A_232 = arith.addi %mul3A_210, %add3A_231 : i32
        %get3A_233 = arith.index_cast %add3A_232 : i32 to index
        %get3A_234 = tpu.vector_load %arg7[%get3A_233] {strides = array<i32>} : memref<8192xf32, #tpu.memory_space<vmem>>, vector<16xf32>,
        %add3A_235 = arith.constant 96 : i32
        %add3A_236 = arith.addi %mul3A_210, %add3A_235 : i32
        %get3A_237 = arith.index_cast %add3A_236 : i32 to index
        %get3A_238 = tpu.vector_load %arg7[%get3A_237] {strides = array<i32>} : memref<8192xf32, #tpu.memory_space<vmem>>, vector<16xf32>,
        %add3A_239 = arith.constant 112 : i32
        %add3A_240 = arith.addi %mul3A_210, %add3A_239 : i32
        %get3A_241 = arith.index_cast %add3A_240 : i32 to index
        %get3A_242 = tpu.vector_load %arg7[%get3A_241] {strides = array<i32>} : memref<8192xf32, #tpu.memory_space<vmem>>, vector<16xf32>,
        %abs3A = math.absf %get3A_214 : vector<16xf32>
        %abs3A_243 = math.absf %get3A_218 : vector<16xf32>
        %abs3A_244 = math.absf %get3A_222 : vector<16xf32>
        %abs3A_245 = math.absf %get3A_226 : vector<16xf32>
        %abs3A_246 = math.absf %get3A_230 : vector<16xf32>
        %abs3A_247 = math.absf %get3A_234 : vector<16xf32>
        %abs3A_248 = math.absf %get3A_238 : vector<16xf32>
        %abs3A_249 = math.absf %get3A_242 : vector<16xf32>
        %max3A = arith.maximumf %abs3A, %abs3A_243 : vector<16xf32>
        %max3A_250 = arith.maximumf %abs3A_244, %abs3A_245 : vector<16xf32>
        %max3A_251 = arith.maximumf %abs3A_246, %abs3A_247 : vector<16xf32>
        %max3A_252 = arith.maximumf %abs3A_248, %abs3A_249 : vector<16xf32>
        %max3A_253 = arith.maximumf %max3A, %max3A_250 : vector<16xf32>
        %max3A_254 = arith.maximumf %max3A_251, %max3A_252 : vector<16xf32>
        %max3A_255 = arith.maximumf %max3A_253, %max3A_254 : vector<16xf32>
        %reduce_max3A = arith.constant true
        %reduce_max3A_256 = vector.broadcast %reduce_max3A : i1 to vector<16xi1>
        %reduce_max3A_257 = tpu.scan <max>, %max3A_255 masked %reduce_max3A_256 : vector<16xf32>, vector<16xi1> -> vector<16xf32>
        %reduce_max3A_258 = vector.extract %reduce_max3A_257[15] : f32 from vector<16xf32>
        %broadcast_in_dim3A_259 = vector.broadcast %reduce_max3A_258 : f32 to vector<16xf32>
        %eq3A = arith.constant 0.000000e+00 : f32
        %eq3A_260 = vector.broadcast %eq3A : f32 to vector<16xf32>
        %eq3A_261 = arith.cmpf oeq, %broadcast_in_dim3A_259, %eq3A_260 : vector<16xf32>
        %mul3A_262 = arith.constant 0.13333334 : f32
        %mul3A_263 = vector.broadcast %mul3A_262 : f32 to vector<16xf32>
        %mul3A_264 = arith.mulf %broadcast_in_dim3A_259, %mul3A_263 : vector<16xf32>
        %jit3A = arith.constant 0.13333334 : f32
        %broadcast_in_dim3A_265 = vector.broadcast %jit3A : f32 to vector<16xf32>
        %select_n3A_266 = arith.select %eq3A_261, %broadcast_in_dim3A_265, %mul3A_264 : vector<16xi1>, vector<16xf32>
        %mul3A_267 = arith.mulf %sub3A, %select_n3A_266 : vector<16xf32>
        %mul3A_268 = arith.mulf %sub3A_94, %select_n3A_266 : vector<16xf32>
        %lt3A_269 = arith.constant 0 : i32
        %lt3A_270 = vector.broadcast %lt3A_269 : i32 to vector<16xi32>
        %lt3A_271 = arith.cmpi slt, %broadcast_in_dim3A_15, %lt3A_270 : vector<16xi32>
        %add3A_272 = arith.constant 16 : i32
        %add3A_273 = vector.broadcast %add3A_272 : i32 to vector<16xi32>
        %add3A_274 = arith.addi %broadcast_in_dim3A_15, %add3A_273 : vector<16xi32>
        %select_n3A_275 = arith.select %lt3A_271, %add3A_274, %broadcast_in_dim3A_15 : vector<16xi1>, vector<16xi32>
        %broadcast_in_dim3A_276 = vector.shape_cast %select_n3A_275 : vector<16xi32> to vector<16x1xi32>
        %gather3A_277 = vector.shape_cast %broadcast_in_dim3A_276 : vector<16x1xi32> to vector<16xi32>
        %gather3A_278 = tpu.dynamic_gather %mul3A_267[%gather3A_277] in [0] : vector<16xf32>, vector<16xi32> -> vector<16xf32>
        %gt3A_279 = arith.cmpf ogt, %get3A_214, %gather3A_278 : vector<16xf32>
        %select_n3A_280 = arith.select %gt3A_279, %broadcast_in_dim3A_17, %broadcast_in_dim3A_25 : vector<16xi1>, vector<16xi32>
        %add3A_281 = arith.constant 3 : i32
        %add3A_282 = vector.broadcast %add3A_281 : i32 to vector<16xi32>
        %add3A_283 = arith.addi %select_n3A_280, %add3A_282 : vector<16xi32>
        %lt3A_284 = arith.constant 0 : i32
        %lt3A_285 = vector.broadcast %lt3A_284 : i32 to vector<16xi32>
        %lt3A_286 = arith.cmpi slt, %add3A_283, %lt3A_285 : vector<16xi32>
        %add3A_287 = arith.constant 16 : i32
        %add3A_288 = vector.broadcast %add3A_287 : i32 to vector<16xi32>
        %add3A_289 = arith.addi %add3A_283, %add3A_288 : vector<16xi32>
        %select_n3A_290 = arith.select %lt3A_286, %add3A_289, %add3A_283 : vector<16xi1>, vector<16xi32>
        %broadcast_in_dim3A_291 = vector.shape_cast %select_n3A_290 : vector<16xi32> to vector<16x1xi32>
        %gather3A_292 = vector.shape_cast %broadcast_in_dim3A_291 : vector<16x1xi32> to vector<16xi32>
        %gather3A_293 = tpu.dynamic_gather %mul3A_267[%gather3A_292] in [0] : vector<16xf32>, vector<16xi32> -> vector<16xf32>
        %gt3A_294 = arith.cmpf ogt, %get3A_214, %gather3A_293 : vector<16xf32>
        %select_n3A_295 = arith.select %gt3A_294, %broadcast_in_dim3A_19, %broadcast_in_dim3A_25 : vector<16xi1>, vector<16xi32>
        %add3A_296 = arith.addi %select_n3A_280, %select_n3A_295 : vector<16xi32>
        %add3A_297 = arith.constant 1 : i32
        %add3A_298 = vector.broadcast %add3A_297 : i32 to vector<16xi32>
        %add3A_299 = arith.addi %add3A_296, %add3A_298 : vector<16xi32>
        %lt3A_300 = arith.constant 0 : i32
        %lt3A_301 = vector.broadcast %lt3A_300 : i32 to vector<16xi32>
        %lt3A_302 = arith.cmpi slt, %add3A_299, %lt3A_301 : vector<16xi32>
        %add3A_303 = arith.constant 16 : i32
        %add3A_304 = vector.broadcast %add3A_303 : i32 to vector<16xi32>
        %add3A_305 = arith.addi %add3A_299, %add3A_304 : vector<16xi32>
        %select_n3A_306 = arith.select %lt3A_302, %add3A_305, %add3A_299 : vector<16xi1>, vector<16xi32>
        %broadcast_in_dim3A_307 = vector.shape_cast %select_n3A_306 : vector<16xi32> to vector<16x1xi32>
        %gather3A_308 = vector.shape_cast %broadcast_in_dim3A_307 : vector<16x1xi32> to vector<16xi32>
        %gather3A_309 = tpu.dynamic_gather %mul3A_267[%gather3A_308] in [0] : vector<16xf32>, vector<16xi32> -> vector<16xf32>
        %gt3A_310 = arith.cmpf ogt, %get3A_214, %gather3A_309 : vector<16xf32>
        %select_n3A_311 = arith.select %gt3A_310, %broadcast_in_dim3A_21, %broadcast_in_dim3A_25 : vector<16xi1>, vector<16xi32>
        %add3A_312 = arith.addi %add3A_296, %select_n3A_311 : vector<16xi32>
        %lt3A_313 = arith.constant 0 : i32
        %lt3A_314 = vector.broadcast %lt3A_313 : i32 to vector<16xi32>
        %lt3A_315 = arith.cmpi slt, %add3A_312, %lt3A_314 : vector<16xi32>
        %add3A_316 = arith.constant 16 : i32
        %add3A_317 = vector.broadcast %add3A_316 : i32 to vector<16xi32>
        %add3A_318 = arith.addi %add3A_312, %add3A_317 : vector<16xi32>
        %select_n3A_319 = arith.select %lt3A_315, %add3A_318, %add3A_312 : vector<16xi1>, vector<16xi32>
        %broadcast_in_dim3A_320 = vector.shape_cast %select_n3A_319 : vector<16xi32> to vector<16x1xi32>
        %gather3A_321 = vector.shape_cast %broadcast_in_dim3A_320 : vector<16x1xi32> to vector<16xi32>
        %gather3A_322 = tpu.dynamic_gather %mul3A_267[%gather3A_321] in [0] : vector<16xf32>, vector<16xi32> -> vector<16xf32>
        %gt3A_323 = arith.cmpf ogt, %get3A_214, %gather3A_322 : vector<16xf32>
        %select_n3A_324 = arith.select %gt3A_323, %broadcast_in_dim3A_23, %broadcast_in_dim3A_25 : vector<16xi1>, vector<16xi32>
        %add3A_325 = arith.addi %add3A_312, %select_n3A_324 : vector<16xi32>
        %lt3A_326 = arith.constant 0 : i32
        %lt3A_327 = vector.broadcast %lt3A_326 : i32 to vector<16xi32>
        %lt3A_328 = arith.cmpi slt, %add3A_325, %lt3A_327 : vector<16xi32>
        %add3A_329 = arith.constant 16 : i32
        %add3A_330 = vector.broadcast %add3A_329 : i32 to vector<16xi32>
        %add3A_331 = arith.addi %add3A_325, %add3A_330 : vector<16xi32>
        %select_n3A_332 = arith.select %lt3A_328, %add3A_331, %add3A_325 : vector<16xi1>, vector<16xi32>
        %broadcast_in_dim3A_333 = vector.shape_cast %select_n3A_332 : vector<16xi32> to vector<16x1xi32>
        %gather3A_334 = vector.shape_cast %broadcast_in_dim3A_333 : vector<16x1xi32> to vector<16xi32>
        %gather3A_335 = tpu.dynamic_gather %mul3A_268[%gather3A_334] in [0] : vector<16xf32>, vector<16xi32> -> vector<16xf32>
        %add3A_336 = arith.constant 0 : i32
        %add3A_337 = arith.addi %mul3A_210, %add3A_336 : i32
        %swap3A = arith.index_cast %add3A_337 : i32 to index
        %swap3A_338 = tpu.vector_load %arg9[%swap3A] {strides = array<i32>} : memref<8192xf32, #tpu.memory_space<vmem>>, vector<16xf32>,
        tpu.vector_store %arg9[%swap3A], %gather3A_335 {strides = array<i32>} : memref<8192xf32, #tpu.memory_space<vmem>>, vector<16xf32>,
        %lt3A_339 = arith.constant 0 : i32
        %lt3A_340 = vector.broadcast %lt3A_339 : i32 to vector<16xi32>
        %lt3A_341 = arith.cmpi slt, %broadcast_in_dim3A_15, %lt3A_340 : vector<16xi32>
        %add3A_342 = arith.constant 16 : i32
        %add3A_343 = vector.broadcast %add3A_342 : i32 to vector<16xi32>
        %add3A_344 = arith.addi %broadcast_in_dim3A_15, %add3A_343 : vector<16xi32>
        %select_n3A_345 = arith.select %lt3A_341, %add3A_344, %broadcast_in_dim3A_15 : vector<16xi1>, vector<16xi32>
        %broadcast_in_dim3A_346 = vector.shape_cast %select_n3A_345 : vector<16xi32> to vector<16x1xi32>
        %gather3A_347 = vector.shape_cast %broadcast_in_dim3A_346 : vector<16x1xi32> to vector<16xi32>
        %gather3A_348 = tpu.dynamic_gather %mul3A_267[%gather3A_347] in [0] : vector<16xf32>, vector<16xi32> -> vector<16xf32>
        %gt3A_349 = arith.cmpf ogt, %get3A_218, %gather3A_348 : vector<16xf32>
        %select_n3A_350 = arith.select %gt3A_349, %broadcast_in_dim3A_17, %broadcast_in_dim3A_25 : vector<16xi1>, vector<16xi32>
        %add3A_351 = arith.constant 3 : i32
        %add3A_352 = vector.broadcast %add3A_351 : i32 to vector<16xi32>
        %add3A_353 = arith.addi %select_n3A_350, %add3A_352 : vector<16xi32>
        %lt3A_354 = arith.constant 0 : i32
        %lt3A_355 = vector.broadcast %lt3A_354 : i32 to vector<16xi32>
        %lt3A_356 = arith.cmpi slt, %add3A_353, %lt3A_355 : vector<16xi32>
        %add3A_357 = arith.constant 16 : i32
        %add3A_358 = vector.broadcast %add3A_357 : i32 to vector<16xi32>
        %add3A_359 = arith.addi %add3A_353, %add3A_358 : vector<16xi32>
        %select_n3A_360 = arith.select %lt3A_356, %add3A_359, %add3A_353 : vector<16xi1>, vector<16xi32>
        %broadcast_in_dim3A_361 = vector.shape_cast %select_n3A_360 : vector<16xi32> to vector<16x1xi32>
        %gather3A_362 = vector.shape_cast %broadcast_in_dim3A_361 : vector<16x1xi32> to vector<16xi32>
        %gather3A_363 = tpu.dynamic_gather %mul3A_267[%gather3A_362] in [0] : vector<16xf32>, vector<16xi32> -> vector<16xf32>
        %gt3A_364 = arith.cmpf ogt, %get3A_218, %gather3A_363 : vector<16xf32>
        %select_n3A_365 = arith.select %gt3A_364, %broadcast_in_dim3A_19, %broadcast_in_dim3A_25 : vector<16xi1>, vector<16xi32>
        %add3A_366 = arith.addi %select_n3A_350, %select_n3A_365 : vector<16xi32>
        %add3A_367 = arith.constant 1 : i32
        %add3A_368 = vector.broadcast %add3A_367 : i32 to vector<16xi32>
        %add3A_369 = arith.addi %add3A_366, %add3A_368 : vector<16xi32>
        %lt3A_370 = arith.constant 0 : i32
        %lt3A_371 = vector.broadcast %lt3A_370 : i32 to vector<16xi32>
        %lt3A_372 = arith.cmpi slt, %add3A_369, %lt3A_371 : vector<16xi32>
        %add3A_373 = arith.constant 16 : i32
        %add3A_374 = vector.broadcast %add3A_373 : i32 to vector<16xi32>
        %add3A_375 = arith.addi %add3A_369, %add3A_374 : vector<16xi32>
        %select_n3A_376 = arith.select %lt3A_372, %add3A_375, %add3A_369 : vector<16xi1>, vector<16xi32>
        %broadcast_in_dim3A_377 = vector.shape_cast %select_n3A_376 : vector<16xi32> to vector<16x1xi32>
        %gather3A_378 = vector.shape_cast %broadcast_in_dim3A_377 : vector<16x1xi32> to vector<16xi32>
        %gather3A_379 = tpu.dynamic_gather %mul3A_267[%gather3A_378] in [0] : vector<16xf32>, vector<16xi32> -> vector<16xf32>
        %gt3A_380 = arith.cmpf ogt, %get3A_218, %gather3A_379 : vector<16xf32>
        %select_n3A_381 = arith.select %gt3A_380, %broadcast_in_dim3A_21, %broadcast_in_dim3A_25 : vector<16xi1>, vector<16xi32>
        %add3A_382 = arith.addi %add3A_366, %select_n3A_381 : vector<16xi32>
        %lt3A_383 = arith.constant 0 : i32
        %lt3A_384 = vector.broadcast %lt3A_383 : i32 to vector<16xi32>
        %lt3A_385 = arith.cmpi slt, %add3A_382, %lt3A_384 : vector<16xi32>
        %add3A_386 = arith.constant 16 : i32
        %add3A_387 = vector.broadcast %add3A_386 : i32 to vector<16xi32>
        %add3A_388 = arith.addi %add3A_382, %add3A_387 : vector<16xi32>
        %select_n3A_389 = arith.select %lt3A_385, %add3A_388, %add3A_382 : vector<16xi1>, vector<16xi32>
        %broadcast_in_dim3A_390 = vector.shape_cast %select_n3A_389 : vector<16xi32> to vector<16x1xi32>
        %gather3A_391 = vector.shape_cast %broadcast_in_dim3A_390 : vector<16x1xi32> to vector<16xi32>
        %gather3A_392 = tpu.dynamic_gather %mul3A_267[%gather3A_391] in [0] : vector<16xf32>, vector<16xi32> -> vector<16xf32>
        %gt3A_393 = arith.cmpf ogt, %get3A_218, %gather3A_392 : vector<16xf32>
        %select_n3A_394 = arith.select %gt3A_393, %broadcast_in_dim3A_23, %broadcast_in_dim3A_25 : vector<16xi1>, vector<16xi32>
        %add3A_395 = arith.addi %add3A_382, %select_n3A_394 : vector<16xi32>
        %lt3A_396 = arith.constant 0 : i32
        %lt3A_397 = vector.broadcast %lt3A_396 : i32 to vector<16xi32>
        %lt3A_398 = arith.cmpi slt, %add3A_395, %lt3A_397 : vector<16xi32>
        %add3A_399 = arith.constant 16 : i32
        %add3A_400 = vector.broadcast %add3A_399 : i32 to vector<16xi32>
        %add3A_401 = arith.addi %add3A_395, %add3A_400 : vector<16xi32>
        %select_n3A_402 = arith.select %lt3A_398, %add3A_401, %add3A_395 : vector<16xi1>, vector<16xi32>
        %broadcast_in_dim3A_403 = vector.shape_cast %select_n3A_402 : vector<16xi32> to vector<16x1xi32>
        %gather3A_404 = vector.shape_cast %broadcast_in_dim3A_403 : vector<16x1xi32> to vector<16xi32>
        %gather3A_405 = tpu.dynamic_gather %mul3A_268[%gather3A_404] in [0] : vector<16xf32>, vector<16xi32> -> vector<16xf32>
        %add3A_406 = arith.constant 16 : i32
        %add3A_407 = arith.addi %mul3A_210, %add3A_406 : i32
        %swap3A_408 = arith.index_cast %add3A_407 : i32 to index
        %swap3A_409 = tpu.vector_load %arg9[%swap3A_408] {strides = array<i32>} : memref<8192xf32, #tpu.memory_space<vmem>>, vector<16xf32>,
        tpu.vector_store %arg9[%swap3A_408], %gather3A_405 {strides = array<i32>} : memref<8192xf32, #tpu.memory_space<vmem>>, vector<16xf32>,
        %lt3A_410 = arith.constant 0 : i32
        %lt3A_411 = vector.broadcast %lt3A_410 : i32 to vector<16xi32>
        %lt3A_412 = arith.cmpi slt, %broadcast_in_dim3A_15, %lt3A_411 : vector<16xi32>
        %add3A_413 = arith.constant 16 : i32
        %add3A_414 = vector.broadcast %add3A_413 : i32 to vector<16xi32>
        %add3A_415 = arith.addi %broadcast_in_dim3A_15, %add3A_414 : vector<16xi32>
        %select_n3A_416 = arith.select %lt3A_412, %add3A_415, %broadcast_in_dim3A_15 : vector<16xi1>, vector<16xi32>
        %broadcast_in_dim3A_417 = vector.shape_cast %select_n3A_416 : vector<16xi32> to vector<16x1xi32>
        %gather3A_418 = vector.shape_cast %broadcast_in_dim3A_417 : vector<16x1xi32> to vector<16xi32>
        %gather3A_419 = tpu.dynamic_gather %mul3A_267[%gather3A_418] in [0] : vector<16xf32>, vector<16xi32> -> vector<16xf32>
        %gt3A_420 = arith.cmpf ogt, %get3A_222, %gather3A_419 : vector<16xf32>
        %select_n3A_421 = arith.select %gt3A_420, %broadcast_in_dim3A_17, %broadcast_in_dim3A_25 : vector<16xi1>, vector<16xi32>
        %add3A_422 = arith.constant 3 : i32
        %add3A_423 = vector.broadcast %add3A_422 : i32 to vector<16xi32>
        %add3A_424 = arith.addi %select_n3A_421, %add3A_423 : vector<16xi32>
        %lt3A_425 = arith.constant 0 : i32
        %lt3A_426 = vector.broadcast %lt3A_425 : i32 to vector<16xi32>
        %lt3A_427 = arith.cmpi slt, %add3A_424, %lt3A_426 : vector<16xi32>
        %add3A_428 = arith.constant 16 : i32
        %add3A_429 = vector.broadcast %add3A_428 : i32 to vector<16xi32>
        %add3A_430 = arith.addi %add3A_424, %add3A_429 : vector<16xi32>
        %select_n3A_431 = arith.select %lt3A_427, %add3A_430, %add3A_424 : vector<16xi1>, vector<16xi32>
        %broadcast_in_dim3A_432 = vector.shape_cast %select_n3A_431 : vector<16xi32> to vector<16x1xi32>
        %gather3A_433 = vector.shape_cast %broadcast_in_dim3A_432 : vector<16x1xi32> to vector<16xi32>
        %gather3A_434 = tpu.dynamic_gather %mul3A_267[%gather3A_433] in [0] : vector<16xf32>, vector<16xi32> -> vector<16xf32>
        %gt3A_435 = arith.cmpf ogt, %get3A_222, %gather3A_434 : vector<16xf32>
        %select_n3A_436 = arith.select %gt3A_435, %broadcast_in_dim3A_19, %broadcast_in_dim3A_25 : vector<16xi1>, vector<16xi32>
        %add3A_437 = arith.addi %select_n3A_421, %select_n3A_436 : vector<16xi32>
        %add3A_438 = arith.constant 1 : i32
        %add3A_439 = vector.broadcast %add3A_438 : i32 to vector<16xi32>
        %add3A_440 = arith.addi %add3A_437, %add3A_439 : vector<16xi32>
        %lt3A_441 = arith.constant 0 : i32
        %lt3A_442 = vector.broadcast %lt3A_441 : i32 to vector<16xi32>
        %lt3A_443 = arith.cmpi slt, %add3A_440, %lt3A_442 : vector<16xi32>
        %add3A_444 = arith.constant 16 : i32
        %add3A_445 = vector.broadcast %add3A_444 : i32 to vector<16xi32>
        %add3A_446 = arith.addi %add3A_440, %add3A_445 : vector<16xi32>
        %select_n3A_447 = arith.select %lt3A_443, %add3A_446, %add3A_440 : vector<16xi1>, vector<16xi32>
        %broadcast_in_dim3A_448 = vector.shape_cast %select_n3A_447 : vector<16xi32> to vector<16x1xi32>
        %gather3A_449 = vector.shape_cast %broadcast_in_dim3A_448 : vector<16x1xi32> to vector<16xi32>
        %gather3A_450 = tpu.dynamic_gather %mul3A_267[%gather3A_449] in [0] : vector<16xf32>, vector<16xi32> -> vector<16xf32>
        %gt3A_451 = arith.cmpf ogt, %get3A_222, %gather3A_450 : vector<16xf32>
        %select_n3A_452 = arith.select %gt3A_451, %broadcast_in_dim3A_21, %broadcast_in_dim3A_25 : vector<16xi1>, vector<16xi32>
        %add3A_453 = arith.addi %add3A_437, %select_n3A_452 : vector<16xi32>
        %lt3A_454 = arith.constant 0 : i32
        %lt3A_455 = vector.broadcast %lt3A_454 : i32 to vector<16xi32>
        %lt3A_456 = arith.cmpi slt, %add3A_453, %lt3A_455 : vector<16xi32>
        %add3A_457 = arith.constant 16 : i32
        %add3A_458 = vector.broadcast %add3A_457 : i32 to vector<16xi32>
        %add3A_459 = arith.addi %add3A_453, %add3A_458 : vector<16xi32>
        %select_n3A_460 = arith.select %lt3A_456, %add3A_459, %add3A_453 : vector<16xi1>, vector<16xi32>
        %broadcast_in_dim3A_461 = vector.shape_cast %select_n3A_460 : vector<16xi32> to vector<16x1xi32>
        %gather3A_462 = vector.shape_cast %broadcast_in_dim3A_461 : vector<16x1xi32> to vector<16xi32>
        %gather3A_463 = tpu.dynamic_gather %mul3A_267[%gather3A_462] in [0] : vector<16xf32>, vector<16xi32> -> vector<16xf32>
        %gt3A_464 = arith.cmpf ogt, %get3A_222, %gather3A_463 : vector<16xf32>
        %select_n3A_465 = arith.select %gt3A_464, %broadcast_in_dim3A_23, %broadcast_in_dim3A_25 : vector<16xi1>, vector<16xi32>
        %add3A_466 = arith.addi %add3A_453, %select_n3A_465 : vector<16xi32>
        %lt3A_467 = arith.constant 0 : i32
        %lt3A_468 = vector.broadcast %lt3A_467 : i32 to vector<16xi32>
        %lt3A_469 = arith.cmpi slt, %add3A_466, %lt3A_468 : vector<16xi32>
        %add3A_470 = arith.constant 16 : i32
        %add3A_471 = vector.broadcast %add3A_470 : i32 to vector<16xi32>
        %add3A_472 = arith.addi %add3A_466, %add3A_471 : vector<16xi32>
        %select_n3A_473 = arith.select %lt3A_469, %add3A_472, %add3A_466 : vector<16xi1>, vector<16xi32>
        %broadcast_in_dim3A_474 = vector.shape_cast %select_n3A_473 : vector<16xi32> to vector<16x1xi32>
        %gather3A_475 = vector.shape_cast %broadcast_in_dim3A_474 : vector<16x1xi32> to vector<16xi32>
        %gather3A_476 = tpu.dynamic_gather %mul3A_268[%gather3A_475] in [0] : vector<16xf32>, vector<16xi32> -> vector<16xf32>
        %add3A_477 = arith.constant 32 : i32
        %add3A_478 = arith.addi %mul3A_210, %add3A_477 : i32
        %swap3A_479 = arith.index_cast %add3A_478 : i32 to index
        %swap3A_480 = tpu.vector_load %arg9[%swap3A_479] {strides = array<i32>} : memref<8192xf32, #tpu.memory_space<vmem>>, vector<16xf32>,
        tpu.vector_store %arg9[%swap3A_479], %gather3A_476 {strides = array<i32>} : memref<8192xf32, #tpu.memory_space<vmem>>, vector<16xf32>,
        %lt3A_481 = arith.constant 0 : i32
        %lt3A_482 = vector.broadcast %lt3A_481 : i32 to vector<16xi32>
        %lt3A_483 = arith.cmpi slt, %broadcast_in_dim3A_15, %lt3A_482 : vector<16xi32>
        %add3A_484 = arith.constant 16 : i32
        %add3A_485 = vector.broadcast %add3A_484 : i32 to vector<16xi32>
        %add3A_486 = arith.addi %broadcast_in_dim3A_15, %add3A_485 : vector<16xi32>
        %select_n3A_487 = arith.select %lt3A_483, %add3A_486, %broadcast_in_dim3A_15 : vector<16xi1>, vector<16xi32>
        %broadcast_in_dim3A_488 = vector.shape_cast %select_n3A_487 : vector<16xi32> to vector<16x1xi32>
        %gather3A_489 = vector.shape_cast %broadcast_in_dim3A_488 : vector<16x1xi32> to vector<16xi32>
        %gather3A_490 = tpu.dynamic_gather %mul3A_267[%gather3A_489] in [0] : vector<16xf32>, vector<16xi32> -> vector<16xf32>
        %gt3A_491 = arith.cmpf ogt, %get3A_226, %gather3A_490 : vector<16xf32>
        %select_n3A_492 = arith.select %gt3A_491, %broadcast_in_dim3A_17, %broadcast_in_dim3A_25 : vector<16xi1>, vector<16xi32>
        %add3A_493 = arith.constant 3 : i32
        %add3A_494 = vector.broadcast %add3A_493 : i32 to vector<16xi32>
        %add3A_495 = arith.addi %select_n3A_492, %add3A_494 : vector<16xi32>
        %lt3A_496 = arith.constant 0 : i32
        %lt3A_497 = vector.broadcast %lt3A_496 : i32 to vector<16xi32>
        %lt3A_498 = arith.cmpi slt, %add3A_495, %lt3A_497 : vector<16xi32>
        %add3A_499 = arith.constant 16 : i32
        %add3A_500 = vector.broadcast %add3A_499 : i32 to vector<16xi32>
        %add3A_501 = arith.addi %add3A_495, %add3A_500 : vector<16xi32>
        %select_n3A_502 = arith.select %lt3A_498, %add3A_501, %add3A_495 : vector<16xi1>, vector<16xi32>
        %broadcast_in_dim3A_503 = vector.shape_cast %select_n3A_502 : vector<16xi32> to vector<16x1xi32>
        %gather3A_504 = vector.shape_cast %broadcast_in_dim3A_503 : vector<16x1xi32> to vector<16xi32>
        %gather3A_505 = tpu.dynamic_gather %mul3A_267[%gather3A_504] in [0] : vector<16xf32>, vector<16xi32> -> vector<16xf32>
        %gt3A_506 = arith.cmpf ogt, %get3A_226, %gather3A_505 : vector<16xf32>
        %select_n3A_507 = arith.select %gt3A_506, %broadcast_in_dim3A_19, %broadcast_in_dim3A_25 : vector<16xi1>, vector<16xi32>
        %add3A_508 = arith.addi %select_n3A_492, %select_n3A_507 : vector<16xi32>
        %add3A_509 = arith.constant 1 : i32
        %add3A_510 = vector.broadcast %add3A_509 : i32 to vector<16xi32>
        %add3A_511 = arith.addi %add3A_508, %add3A_510 : vector<16xi32>
        %lt3A_512 = arith.constant 0 : i32
        %lt3A_513 = vector.broadcast %lt3A_512 : i32 to vector<16xi32>
        %lt3A_514 = arith.cmpi slt, %add3A_511, %lt3A_513 : vector<16xi32>
        %add3A_515 = arith.constant 16 : i32
        %add3A_516 = vector.broadcast %add3A_515 : i32 to vector<16xi32>
        %add3A_517 = arith.addi %add3A_511, %add3A_516 : vector<16xi32>
        %select_n3A_518 = arith.select %lt3A_514, %add3A_517, %add3A_511 : vector<16xi1>, vector<16xi32>
        %broadcast_in_dim3A_519 = vector.shape_cast %select_n3A_518 : vector<16xi32> to vector<16x1xi32>
        %gather3A_520 = vector.shape_cast %broadcast_in_dim3A_519 : vector<16x1xi32> to vector<16xi32>
        %gather3A_521 = tpu.dynamic_gather %mul3A_267[%gather3A_520] in [0] : vector<16xf32>, vector<16xi32> -> vector<16xf32>
        %gt3A_522 = arith.cmpf ogt, %get3A_226, %gather3A_521 : vector<16xf32>
        %select_n3A_523 = arith.select %gt3A_522, %broadcast_in_dim3A_21, %broadcast_in_dim3A_25 : vector<16xi1>, vector<16xi32>
        %add3A_524 = arith.addi %add3A_508, %select_n3A_523 : vector<16xi32>
        %lt3A_525 = arith.constant 0 : i32
        %lt3A_526 = vector.broadcast %lt3A_525 : i32 to vector<16xi32>
        %lt3A_527 = arith.cmpi slt, %add3A_524, %lt3A_526 : vector<16xi32>
        %add3A_528 = arith.constant 16 : i32
        %add3A_529 = vector.broadcast %add3A_528 : i32 to vector<16xi32>
        %add3A_530 = arith.addi %add3A_524, %add3A_529 : vector<16xi32>
        %select_n3A_531 = arith.select %lt3A_527, %add3A_530, %add3A_524 : vector<16xi1>, vector<16xi32>
        %broadcast_in_dim3A_532 = vector.shape_cast %select_n3A_531 : vector<16xi32> to vector<16x1xi32>
        %gather3A_533 = vector.shape_cast %broadcast_in_dim3A_532 : vector<16x1xi32> to vector<16xi32>
        %gather3A_534 = tpu.dynamic_gather %mul3A_267[%gather3A_533] in [0] : vector<16xf32>, vector<16xi32> -> vector<16xf32>
        %gt3A_535 = arith.cmpf ogt, %get3A_226, %gather3A_534 : vector<16xf32>
        %select_n3A_536 = arith.select %gt3A_535, %broadcast_in_dim3A_23, %broadcast_in_dim3A_25 : vector<16xi1>, vector<16xi32>
        %add3A_537 = arith.addi %add3A_524, %select_n3A_536 : vector<16xi32>
        %lt3A_538 = arith.constant 0 : i32
        %lt3A_539 = vector.broadcast %lt3A_538 : i32 to vector<16xi32>
        %lt3A_540 = arith.cmpi slt, %add3A_537, %lt3A_539 : vector<16xi32>
        %add3A_541 = arith.constant 16 : i32
        %add3A_542 = vector.broadcast %add3A_541 : i32 to vector<16xi32>
        %add3A_543 = arith.addi %add3A_537, %add3A_542 : vector<16xi32>
        %select_n3A_544 = arith.select %lt3A_540, %add3A_543, %add3A_537 : vector<16xi1>, vector<16xi32>
        %broadcast_in_dim3A_545 = vector.shape_cast %select_n3A_544 : vector<16xi32> to vector<16x1xi32>
        %gather3A_546 = vector.shape_cast %broadcast_in_dim3A_545 : vector<16x1xi32> to vector<16xi32>
        %gather3A_547 = tpu.dynamic_gather %mul3A_268[%gather3A_546] in [0] : vector<16xf32>, vector<16xi32> -> vector<16xf32>
        %add3A_548 = arith.constant 48 : i32
        %add3A_549 = arith.addi %mul3A_210, %add3A_548 : i32
        %swap3A_550 = arith.index_cast %add3A_549 : i32 to index
        %swap3A_551 = tpu.vector_load %arg9[%swap3A_550] {strides = array<i32>} : memref<8192xf32, #tpu.memory_space<vmem>>, vector<16xf32>,
        tpu.vector_store %arg9[%swap3A_550], %gather3A_547 {strides = array<i32>} : memref<8192xf32, #tpu.memory_space<vmem>>, vector<16xf32>,
        %lt3A_552 = arith.constant 0 : i32
        %lt3A_553 = vector.broadcast %lt3A_552 : i32 to vector<16xi32>
        %lt3A_554 = arith.cmpi slt, %broadcast_in_dim3A_15, %lt3A_553 : vector<16xi32>
        %add3A_555 = arith.constant 16 : i32
        %add3A_556 = vector.broadcast %add3A_555 : i32 to vector<16xi32>
        %add3A_557 = arith.addi %broadcast_in_dim3A_15, %add3A_556 : vector<16xi32>
        %select_n3A_558 = arith.select %lt3A_554, %add3A_557, %broadcast_in_dim3A_15 : vector<16xi1>, vector<16xi32>
        %broadcast_in_dim3A_559 = vector.shape_cast %select_n3A_558 : vector<16xi32> to vector<16x1xi32>
        %gather3A_560 = vector.shape_cast %broadcast_in_dim3A_559 : vector<16x1xi32> to vector<16xi32>
        %gather3A_561 = tpu.dynamic_gather %mul3A_267[%gather3A_560] in [0] : vector<16xf32>, vector<16xi32> -> vector<16xf32>
        %gt3A_562 = arith.cmpf ogt, %get3A_230, %gather3A_561 : vector<16xf32>
        %select_n3A_563 = arith.select %gt3A_562, %broadcast_in_dim3A_17, %broadcast_in_dim3A_25 : vector<16xi1>, vector<16xi32>
        %add3A_564 = arith.constant 3 : i32
        %add3A_565 = vector.broadcast %add3A_564 : i32 to vector<16xi32>
        %add3A_566 = arith.addi %select_n3A_563, %add3A_565 : vector<16xi32>
        %lt3A_567 = arith.constant 0 : i32
        %lt3A_568 = vector.broadcast %lt3A_567 : i32 to vector<16xi32>
        %lt3A_569 = arith.cmpi slt, %add3A_566, %lt3A_568 : vector<16xi32>
        %add3A_570 = arith.constant 16 : i32
        %add3A_571 = vector.broadcast %add3A_570 : i32 to vector<16xi32>
        %add3A_572 = arith.addi %add3A_566, %add3A_571 : vector<16xi32>
        %select_n3A_573 = arith.select %lt3A_569, %add3A_572, %add3A_566 : vector<16xi1>, vector<16xi32>
        %broadcast_in_dim3A_574 = vector.shape_cast %select_n3A_573 : vector<16xi32> to vector<16x1xi32>
        %gather3A_575 = vector.shape_cast %broadcast_in_dim3A_574 : vector<16x1xi32> to vector<16xi32>
        %gather3A_576 = tpu.dynamic_gather %mul3A_267[%gather3A_575] in [0] : vector<16xf32>, vector<16xi32> -> vector<16xf32>
        %gt3A_577 = arith.cmpf ogt, %get3A_230, %gather3A_576 : vector<16xf32>
        %select_n3A_578 = arith.select %gt3A_577, %broadcast_in_dim3A_19, %broadcast_in_dim3A_25 : vector<16xi1>, vector<16xi32>
        %add3A_579 = arith.addi %select_n3A_563, %select_n3A_578 : vector<16xi32>
        %add3A_580 = arith.constant 1 : i32
        %add3A_581 = vector.broadcast %add3A_580 : i32 to vector<16xi32>
        %add3A_582 = arith.addi %add3A_579, %add3A_581 : vector<16xi32>
        %lt3A_583 = arith.constant 0 : i32
        %lt3A_584 = vector.broadcast %lt3A_583 : i32 to vector<16xi32>
        %lt3A_585 = arith.cmpi slt, %add3A_582, %lt3A_584 : vector<16xi32>
        %add3A_586 = arith.constant 16 : i32
        %add3A_587 = vector.broadcast %add3A_586 : i32 to vector<16xi32>
        %add3A_588 = arith.addi %add3A_582, %add3A_587 : vector<16xi32>
        %select_n3A_589 = arith.select %lt3A_585, %add3A_588, %add3A_582 : vector<16xi1>, vector<16xi32>
        %broadcast_in_dim3A_590 = vector.shape_cast %select_n3A_589 : vector<16xi32> to vector<16x1xi32>
        %gather3A_591 = vector.shape_cast %broadcast_in_dim3A_590 : vector<16x1xi32> to vector<16xi32>
        %gather3A_592 = tpu.dynamic_gather %mul3A_267[%gather3A_591] in [0] : vector<16xf32>, vector<16xi32> -> vector<16xf32>
        %gt3A_593 = arith.cmpf ogt, %get3A_230, %gather3A_592 : vector<16xf32>
        %select_n3A_594 = arith.select %gt3A_593, %broadcast_in_dim3A_21, %broadcast_in_dim3A_25 : vector<16xi1>, vector<16xi32>
        %add3A_595 = arith.addi %add3A_579, %select_n3A_594 : vector<16xi32>
        %lt3A_596 = arith.constant 0 : i32
        %lt3A_597 = vector.broadcast %lt3A_596 : i32 to vector<16xi32>
        %lt3A_598 = arith.cmpi slt, %add3A_595, %lt3A_597 : vector<16xi32>
        %add3A_599 = arith.constant 16 : i32
        %add3A_600 = vector.broadcast %add3A_599 : i32 to vector<16xi32>
        %add3A_601 = arith.addi %add3A_595, %add3A_600 : vector<16xi32>
        %select_n3A_602 = arith.select %lt3A_598, %add3A_601, %add3A_595 : vector<16xi1>, vector<16xi32>
        %broadcast_in_dim3A_603 = vector.shape_cast %select_n3A_602 : vector<16xi32> to vector<16x1xi32>
        %gather3A_604 = vector.shape_cast %broadcast_in_dim3A_603 : vector<16x1xi32> to vector<16xi32>
        %gather3A_605 = tpu.dynamic_gather %mul3A_267[%gather3A_604] in [0] : vector<16xf32>, vector<16xi32> -> vector<16xf32>
        %gt3A_606 = arith.cmpf ogt, %get3A_230, %gather3A_605 : vector<16xf32>
        %select_n3A_607 = arith.select %gt3A_606, %broadcast_in_dim3A_23, %broadcast_in_dim3A_25 : vector<16xi1>, vector<16xi32>
        %add3A_608 = arith.addi %add3A_595, %select_n3A_607 : vector<16xi32>
        %lt3A_609 = arith.constant 0 : i32
        %lt3A_610 = vector.broadcast %lt3A_609 : i32 to vector<16xi32>
        %lt3A_611 = arith.cmpi slt, %add3A_608, %lt3A_610 : vector<16xi32>
        %add3A_612 = arith.constant 16 : i32
        %add3A_613 = vector.broadcast %add3A_612 : i32 to vector<16xi32>
        %add3A_614 = arith.addi %add3A_608, %add3A_613 : vector<16xi32>
        %select_n3A_615 = arith.select %lt3A_611, %add3A_614, %add3A_608 : vector<16xi1>, vector<16xi32>
        %broadcast_in_dim3A_616 = vector.shape_cast %select_n3A_615 : vector<16xi32> to vector<16x1xi32>
        %gather3A_617 = vector.shape_cast %broadcast_in_dim3A_616 : vector<16x1xi32> to vector<16xi32>
        %gather3A_618 = tpu.dynamic_gather %mul3A_268[%gather3A_617] in [0] : vector<16xf32>, vector<16xi32> -> vector<16xf32>
        %add3A_619 = arith.constant 64 : i32
        %add3A_620 = arith.addi %mul3A_210, %add3A_619 : i32
        %swap3A_621 = arith.index_cast %add3A_620 : i32 to index
        %swap3A_622 = tpu.vector_load %arg9[%swap3A_621] {strides = array<i32>} : memref<8192xf32, #tpu.memory_space<vmem>>, vector<16xf32>,
        tpu.vector_store %arg9[%swap3A_621], %gather3A_618 {strides = array<i32>} : memref<8192xf32, #tpu.memory_space<vmem>>, vector<16xf32>,
        %lt3A_623 = arith.constant 0 : i32
        %lt3A_624 = vector.broadcast %lt3A_623 : i32 to vector<16xi32>
        %lt3A_625 = arith.cmpi slt, %broadcast_in_dim3A_15, %lt3A_624 : vector<16xi32>
        %add3A_626 = arith.constant 16 : i32
        %add3A_627 = vector.broadcast %add3A_626 : i32 to vector<16xi32>
        %add3A_628 = arith.addi %broadcast_in_dim3A_15, %add3A_627 : vector<16xi32>
        %select_n3A_629 = arith.select %lt3A_625, %add3A_628, %broadcast_in_dim3A_15 : vector<16xi1>, vector<16xi32>
        %broadcast_in_dim3A_630 = vector.shape_cast %select_n3A_629 : vector<16xi32> to vector<16x1xi32>
        %gather3A_631 = vector.shape_cast %broadcast_in_dim3A_630 : vector<16x1xi32> to vector<16xi32>
        %gather3A_632 = tpu.dynamic_gather %mul3A_267[%gather3A_631] in [0] : vector<16xf32>, vector<16xi32> -> vector<16xf32>
        %gt3A_633 = arith.cmpf ogt, %get3A_234, %gather3A_632 : vector<16xf32>
        %select_n3A_634 = arith.select %gt3A_633, %broadcast_in_dim3A_17, %broadcast_in_dim3A_25 : vector<16xi1>, vector<16xi32>
        %add3A_635 = arith.constant 3 : i32
        %add3A_636 = vector.broadcast %add3A_635 : i32 to vector<16xi32>
        %add3A_637 = arith.addi %select_n3A_634, %add3A_636 : vector<16xi32>
        %lt3A_638 = arith.constant 0 : i32
        %lt3A_639 = vector.broadcast %lt3A_638 : i32 to vector<16xi32>
        %lt3A_640 = arith.cmpi slt, %add3A_637, %lt3A_639 : vector<16xi32>
        %add3A_641 = arith.constant 16 : i32
        %add3A_642 = vector.broadcast %add3A_641 : i32 to vector<16xi32>
        %add3A_643 = arith.addi %add3A_637, %add3A_642 : vector<16xi32>
        %select_n3A_644 = arith.select %lt3A_640, %add3A_643, %add3A_637 : vector<16xi1>, vector<16xi32>
        %broadcast_in_dim3A_645 = vector.shape_cast %select_n3A_644 : vector<16xi32> to vector<16x1xi32>
        %gather3A_646 = vector.shape_cast %broadcast_in_dim3A_645 : vector<16x1xi32> to vector<16xi32>
        %gather3A_647 = tpu.dynamic_gather %mul3A_267[%gather3A_646] in [0] : vector<16xf32>, vector<16xi32> -> vector<16xf32>
        %gt3A_648 = arith.cmpf ogt, %get3A_234, %gather3A_647 : vector<16xf32>
        %select_n3A_649 = arith.select %gt3A_648, %broadcast_in_dim3A_19, %broadcast_in_dim3A_25 : vector<16xi1>, vector<16xi32>
        %add3A_650 = arith.addi %select_n3A_634, %select_n3A_649 : vector<16xi32>
        %add3A_651 = arith.constant 1 : i32
        %add3A_652 = vector.broadcast %add3A_651 : i32 to vector<16xi32>
        %add3A_653 = arith.addi %add3A_650, %add3A_652 : vector<16xi32>
        %lt3A_654 = arith.constant 0 : i32
        %lt3A_655 = vector.broadcast %lt3A_654 : i32 to vector<16xi32>
        %lt3A_656 = arith.cmpi slt, %add3A_653, %lt3A_655 : vector<16xi32>
        %add3A_657 = arith.constant 16 : i32
        %add3A_658 = vector.broadcast %add3A_657 : i32 to vector<16xi32>
        %add3A_659 = arith.addi %add3A_653, %add3A_658 : vector<16xi32>
        %select_n3A_660 = arith.select %lt3A_656, %add3A_659, %add3A_653 : vector<16xi1>, vector<16xi32>
        %broadcast_in_dim3A_661 = vector.shape_cast %select_n3A_660 : vector<16xi32> to vector<16x1xi32>
        %gather3A_662 = vector.shape_cast %broadcast_in_dim3A_661 : vector<16x1xi32> to vector<16xi32>
        %gather3A_663 = tpu.dynamic_gather %mul3A_267[%gather3A_662] in [0] : vector<16xf32>, vector<16xi32> -> vector<16xf32>
        %gt3A_664 = arith.cmpf ogt, %get3A_234, %gather3A_663 : vector<16xf32>
        %select_n3A_665 = arith.select %gt3A_664, %broadcast_in_dim3A_21, %broadcast_in_dim3A_25 : vector<16xi1>, vector<16xi32>
        %add3A_666 = arith.addi %add3A_650, %select_n3A_665 : vector<16xi32>
        %lt3A_667 = arith.constant 0 : i32
        %lt3A_668 = vector.broadcast %lt3A_667 : i32 to vector<16xi32>
        %lt3A_669 = arith.cmpi slt, %add3A_666, %lt3A_668 : vector<16xi32>
        %add3A_670 = arith.constant 16 : i32
        %add3A_671 = vector.broadcast %add3A_670 : i32 to vector<16xi32>
        %add3A_672 = arith.addi %add3A_666, %add3A_671 : vector<16xi32>
        %select_n3A_673 = arith.select %lt3A_669, %add3A_672, %add3A_666 : vector<16xi1>, vector<16xi32>
        %broadcast_in_dim3A_674 = vector.shape_cast %select_n3A_673 : vector<16xi32> to vector<16x1xi32>
        %gather3A_675 = vector.shape_cast %broadcast_in_dim3A_674 : vector<16x1xi32> to vector<16xi32>
        %gather3A_676 = tpu.dynamic_gather %mul3A_267[%gather3A_675] in [0] : vector<16xf32>, vector<16xi32> -> vector<16xf32>
        %gt3A_677 = arith.cmpf ogt, %get3A_234, %gather3A_676 : vector<16xf32>
        %select_n3A_678 = arith.select %gt3A_677, %broadcast_in_dim3A_23, %broadcast_in_dim3A_25 : vector<16xi1>, vector<16xi32>
        %add3A_679 = arith.addi %add3A_666, %select_n3A_678 : vector<16xi32>
        %lt3A_680 = arith.constant 0 : i32
        %lt3A_681 = vector.broadcast %lt3A_680 : i32 to vector<16xi32>
        %lt3A_682 = arith.cmpi slt, %add3A_679, %lt3A_681 : vector<16xi32>
        %add3A_683 = arith.constant 16 : i32
        %add3A_684 = vector.broadcast %add3A_683 : i32 to vector<16xi32>
        %add3A_685 = arith.addi %add3A_679, %add3A_684 : vector<16xi32>
        %select_n3A_686 = arith.select %lt3A_682, %add3A_685, %add3A_679 : vector<16xi1>, vector<16xi32>
        %broadcast_in_dim3A_687 = vector.shape_cast %select_n3A_686 : vector<16xi32> to vector<16x1xi32>
        %gather3A_688 = vector.shape_cast %broadcast_in_dim3A_687 : vector<16x1xi32> to vector<16xi32>
        %gather3A_689 = tpu.dynamic_gather %mul3A_268[%gather3A_688] in [0] : vector<16xf32>, vector<16xi32> -> vector<16xf32>
        %add3A_690 = arith.constant 80 : i32
        %add3A_691 = arith.addi %mul3A_210, %add3A_690 : i32
        %swap3A_692 = arith.index_cast %add3A_691 : i32 to index
        %swap3A_693 = tpu.vector_load %arg9[%swap3A_692] {strides = array<i32>} : memref<8192xf32, #tpu.memory_space<vmem>>, vector<16xf32>,
        tpu.vector_store %arg9[%swap3A_692], %gather3A_689 {strides = array<i32>} : memref<8192xf32, #tpu.memory_space<vmem>>, vector<16xf32>,
        %lt3A_694 = arith.constant 0 : i32
        %lt3A_695 = vector.broadcast %lt3A_694 : i32 to vector<16xi32>
        %lt3A_696 = arith.cmpi slt, %broadcast_in_dim3A_15, %lt3A_695 : vector<16xi32>
        %add3A_697 = arith.constant 16 : i32
        %add3A_698 = vector.broadcast %add3A_697 : i32 to vector<16xi32>
        %add3A_699 = arith.addi %broadcast_in_dim3A_15, %add3A_698 : vector<16xi32>
        %select_n3A_700 = arith.select %lt3A_696, %add3A_699, %broadcast_in_dim3A_15 : vector<16xi1>, vector<16xi32>
        %broadcast_in_dim3A_701 = vector.shape_cast %select_n3A_700 : vector<16xi32> to vector<16x1xi32>
        %gather3A_702 = vector.shape_cast %broadcast_in_dim3A_701 : vector<16x1xi32> to vector<16xi32>
        %gather3A_703 = tpu.dynamic_gather %mul3A_267[%gather3A_702] in [0] : vector<16xf32>, vector<16xi32> -> vector<16xf32>
        %gt3A_704 = arith.cmpf ogt, %get3A_238, %gather3A_703 : vector<16xf32>
        %select_n3A_705 = arith.select %gt3A_704, %broadcast_in_dim3A_17, %broadcast_in_dim3A_25 : vector<16xi1>, vector<16xi32>
        %add3A_706 = arith.constant 3 : i32
        %add3A_707 = vector.broadcast %add3A_706 : i32 to vector<16xi32>
        %add3A_708 = arith.addi %select_n3A_705, %add3A_707 : vector<16xi32>
        %lt3A_709 = arith.constant 0 : i32
        %lt3A_710 = vector.broadcast %lt3A_709 : i32 to vector<16xi32>
        %lt3A_711 = arith.cmpi slt, %add3A_708, %lt3A_710 : vector<16xi32>
        %add3A_712 = arith.constant 16 : i32
        %add3A_713 = vector.broadcast %add3A_712 : i32 to vector<16xi32>
        %add3A_714 = arith.addi %add3A_708, %add3A_713 : vector<16xi32>
        %select_n3A_715 = arith.select %lt3A_711, %add3A_714, %add3A_708 : vector<16xi1>, vector<16xi32>
        %broadcast_in_dim3A_716 = vector.shape_cast %select_n3A_715 : vector<16xi32> to vector<16x1xi32>
        %gather3A_717 = vector.shape_cast %broadcast_in_dim3A_716 : vector<16x1xi32> to vector<16xi32>
        %gather3A_718 = tpu.dynamic_gather %mul3A_267[%gather3A_717] in [0] : vector<16xf32>, vector<16xi32> -> vector<16xf32>
        %gt3A_719 = arith.cmpf ogt, %get3A_238, %gather3A_718 : vector<16xf32>
        %select_n3A_720 = arith.select %gt3A_719, %broadcast_in_dim3A_19, %broadcast_in_dim3A_25 : vector<16xi1>, vector<16xi32>
        %add3A_721 = arith.addi %select_n3A_705, %select_n3A_720 : vector<16xi32>
        %add3A_722 = arith.constant 1 : i32
        %add3A_723 = vector.broadcast %add3A_722 : i32 to vector<16xi32>
        %add3A_724 = arith.addi %add3A_721, %add3A_723 : vector<16xi32>
        %lt3A_725 = arith.constant 0 : i32
        %lt3A_726 = vector.broadcast %lt3A_725 : i32 to vector<16xi32>
        %lt3A_727 = arith.cmpi slt, %add3A_724, %lt3A_726 : vector<16xi32>
        %add3A_728 = arith.constant 16 : i32
        %add3A_729 = vector.broadcast %add3A_728 : i32 to vector<16xi32>
        %add3A_730 = arith.addi %add3A_724, %add3A_729 : vector<16xi32>
        %select_n3A_731 = arith.select %lt3A_727, %add3A_730, %add3A_724 : vector<16xi1>, vector<16xi32>
        %broadcast_in_dim3A_732 = vector.shape_cast %select_n3A_731 : vector<16xi32> to vector<16x1xi32>
        %gather3A_733 = vector.shape_cast %broadcast_in_dim3A_732 : vector<16x1xi32> to vector<16xi32>
        %gather3A_734 = tpu.dynamic_gather %mul3A_267[%gather3A_733] in [0] : vector<16xf32>, vector<16xi32> -> vector<16xf32>
        %gt3A_735 = arith.cmpf ogt, %get3A_238, %gather3A_734 : vector<16xf32>
        %select_n3A_736 = arith.select %gt3A_735, %broadcast_in_dim3A_21, %broadcast_in_dim3A_25 : vector<16xi1>, vector<16xi32>
        %add3A_737 = arith.addi %add3A_721, %select_n3A_736 : vector<16xi32>
        %lt3A_738 = arith.constant 0 : i32
        %lt3A_739 = vector.broadcast %lt3A_738 : i32 to vector<16xi32>
        %lt3A_740 = arith.cmpi slt, %add3A_737, %lt3A_739 : vector<16xi32>
        %add3A_741 = arith.constant 16 : i32
        %add3A_742 = vector.broadcast %add3A_741 : i32 to vector<16xi32>
        %add3A_743 = arith.addi %add3A_737, %add3A_742 : vector<16xi32>
        %select_n3A_744 = arith.select %lt3A_740, %add3A_743, %add3A_737 : vector<16xi1>, vector<16xi32>
        %broadcast_in_dim3A_745 = vector.shape_cast %select_n3A_744 : vector<16xi32> to vector<16x1xi32>
        %gather3A_746 = vector.shape_cast %broadcast_in_dim3A_745 : vector<16x1xi32> to vector<16xi32>
        %gather3A_747 = tpu.dynamic_gather %mul3A_267[%gather3A_746] in [0] : vector<16xf32>, vector<16xi32> -> vector<16xf32>
        %gt3A_748 = arith.cmpf ogt, %get3A_238, %gather3A_747 : vector<16xf32>
        %select_n3A_749 = arith.select %gt3A_748, %broadcast_in_dim3A_23, %broadcast_in_dim3A_25 : vector<16xi1>, vector<16xi32>
        %add3A_750 = arith.addi %add3A_737, %select_n3A_749 : vector<16xi32>
        %lt3A_751 = arith.constant 0 : i32
        %lt3A_752 = vector.broadcast %lt3A_751 : i32 to vector<16xi32>
        %lt3A_753 = arith.cmpi slt, %add3A_750, %lt3A_752 : vector<16xi32>
        %add3A_754 = arith.constant 16 : i32
        %add3A_755 = vector.broadcast %add3A_754 : i32 to vector<16xi32>
        %add3A_756 = arith.addi %add3A_750, %add3A_755 : vector<16xi32>
        %select_n3A_757 = arith.select %lt3A_753, %add3A_756, %add3A_750 : vector<16xi1>, vector<16xi32>
        %broadcast_in_dim3A_758 = vector.shape_cast %select_n3A_757 : vector<16xi32> to vector<16x1xi32>
        %gather3A_759 = vector.shape_cast %broadcast_in_dim3A_758 : vector<16x1xi32> to vector<16xi32>
        %gather3A_760 = tpu.dynamic_gather %mul3A_268[%gather3A_759] in [0] : vector<16xf32>, vector<16xi32> -> vector<16xf32>
        %add3A_761 = arith.constant 96 : i32
        %add3A_762 = arith.addi %mul3A_210, %add3A_761 : i32
        %swap3A_763 = arith.index_cast %add3A_762 : i32 to index
        %swap3A_764 = tpu.vector_load %arg9[%swap3A_763] {strides = array<i32>} : memref<8192xf32, #tpu.memory_space<vmem>>, vector<16xf32>,
        tpu.vector_store %arg9[%swap3A_763], %gather3A_760 {strides = array<i32>} : memref<8192xf32, #tpu.memory_space<vmem>>, vector<16xf32>,
        %lt3A_765 = arith.constant 0 : i32
        %lt3A_766 = vector.broadcast %lt3A_765 : i32 to vector<16xi32>
        %lt3A_767 = arith.cmpi slt, %broadcast_in_dim3A_15, %lt3A_766 : vector<16xi32>
        %add3A_768 = arith.constant 16 : i32
        %add3A_769 = vector.broadcast %add3A_768 : i32 to vector<16xi32>
        %add3A_770 = arith.addi %broadcast_in_dim3A_15, %add3A_769 : vector<16xi32>
        %select_n3A_771 = arith.select %lt3A_767, %add3A_770, %broadcast_in_dim3A_15 : vector<16xi1>, vector<16xi32>
        %broadcast_in_dim3A_772 = vector.shape_cast %select_n3A_771 : vector<16xi32> to vector<16x1xi32>
        %gather3A_773 = vector.shape_cast %broadcast_in_dim3A_772 : vector<16x1xi32> to vector<16xi32>
        %gather3A_774 = tpu.dynamic_gather %mul3A_267[%gather3A_773] in [0] : vector<16xf32>, vector<16xi32> -> vector<16xf32>
        %gt3A_775 = arith.cmpf ogt, %get3A_242, %gather3A_774 : vector<16xf32>
        %select_n3A_776 = arith.select %gt3A_775, %broadcast_in_dim3A_17, %broadcast_in_dim3A_25 : vector<16xi1>, vector<16xi32>
        %add3A_777 = arith.constant 3 : i32
        %add3A_778 = vector.broadcast %add3A_777 : i32 to vector<16xi32>
        %add3A_779 = arith.addi %select_n3A_776, %add3A_778 : vector<16xi32>
        %lt3A_780 = arith.constant 0 : i32
        %lt3A_781 = vector.broadcast %lt3A_780 : i32 to vector<16xi32>
        %lt3A_782 = arith.cmpi slt, %add3A_779, %lt3A_781 : vector<16xi32>
        %add3A_783 = arith.constant 16 : i32
        %add3A_784 = vector.broadcast %add3A_783 : i32 to vector<16xi32>
        %add3A_785 = arith.addi %add3A_779, %add3A_784 : vector<16xi32>
        %select_n3A_786 = arith.select %lt3A_782, %add3A_785, %add3A_779 : vector<16xi1>, vector<16xi32>
        %broadcast_in_dim3A_787 = vector.shape_cast %select_n3A_786 : vector<16xi32> to vector<16x1xi32>
        %gather3A_788 = vector.shape_cast %broadcast_in_dim3A_787 : vector<16x1xi32> to vector<16xi32>
        %gather3A_789 = tpu.dynamic_gather %mul3A_267[%gather3A_788] in [0] : vector<16xf32>, vector<16xi32> -> vector<16xf32>
        %gt3A_790 = arith.cmpf ogt, %get3A_242, %gather3A_789 : vector<16xf32>
        %select_n3A_791 = arith.select %gt3A_790, %broadcast_in_dim3A_19, %broadcast_in_dim3A_25 : vector<16xi1>, vector<16xi32>
        %add3A_792 = arith.addi %select_n3A_776, %select_n3A_791 : vector<16xi32>
        %add3A_793 = arith.constant 1 : i32
        %add3A_794 = vector.broadcast %add3A_793 : i32 to vector<16xi32>
        %add3A_795 = arith.addi %add3A_792, %add3A_794 : vector<16xi32>
        %lt3A_796 = arith.constant 0 : i32
        %lt3A_797 = vector.broadcast %lt3A_796 : i32 to vector<16xi32>
        %lt3A_798 = arith.cmpi slt, %add3A_795, %lt3A_797 : vector<16xi32>
        %add3A_799 = arith.constant 16 : i32
        %add3A_800 = vector.broadcast %add3A_799 : i32 to vector<16xi32>
        %add3A_801 = arith.addi %add3A_795, %add3A_800 : vector<16xi32>
        %select_n3A_802 = arith.select %lt3A_798, %add3A_801, %add3A_795 : vector<16xi1>, vector<16xi32>
        %broadcast_in_dim3A_803 = vector.shape_cast %select_n3A_802 : vector<16xi32> to vector<16x1xi32>
        %gather3A_804 = vector.shape_cast %broadcast_in_dim3A_803 : vector<16x1xi32> to vector<16xi32>
        %gather3A_805 = tpu.dynamic_gather %mul3A_267[%gather3A_804] in [0] : vector<16xf32>, vector<16xi32> -> vector<16xf32>
        %gt3A_806 = arith.cmpf ogt, %get3A_242, %gather3A_805 : vector<16xf32>
        %select_n3A_807 = arith.select %gt3A_806, %broadcast_in_dim3A_21, %broadcast_in_dim3A_25 : vector<16xi1>, vector<16xi32>
        %add3A_808 = arith.addi %add3A_792, %select_n3A_807 : vector<16xi32>
        %lt3A_809 = arith.constant 0 : i32
        %lt3A_810 = vector.broadcast %lt3A_809 : i32 to vector<16xi32>
        %lt3A_811 = arith.cmpi slt, %add3A_808, %lt3A_810 : vector<16xi32>
        %add3A_812 = arith.constant 16 : i32
        %add3A_813 = vector.broadcast %add3A_812 : i32 to vector<16xi32>
        %add3A_814 = arith.addi %add3A_808, %add3A_813 : vector<16xi32>
        %select_n3A_815 = arith.select %lt3A_811, %add3A_814, %add3A_808 : vector<16xi1>, vector<16xi32>
        %broadcast_in_dim3A_816 = vector.shape_cast %select_n3A_815 : vector<16xi32> to vector<16x1xi32>
        %gather3A_817 = vector.shape_cast %broadcast_in_dim3A_816 : vector<16x1xi32> to vector<16xi32>
        %gather3A_818 = tpu.dynamic_gather %mul3A_267[%gather3A_817] in [0] : vector<16xf32>, vector<16xi32> -> vector<16xf32>
        %gt3A_819 = arith.cmpf ogt, %get3A_242, %gather3A_818 : vector<16xf32>
        %select_n3A_820 = arith.select %gt3A_819, %broadcast_in_dim3A_23, %broadcast_in_dim3A_25 : vector<16xi1>, vector<16xi32>
        %add3A_821 = arith.addi %add3A_808, %select_n3A_820 : vector<16xi32>
        %lt3A_822 = arith.constant 0 : i32
        %lt3A_823 = vector.broadcast %lt3A_822 : i32 to vector<16xi32>
        %lt3A_824 = arith.cmpi slt, %add3A_821, %lt3A_823 : vector<16xi32>
        %add3A_825 = arith.constant 16 : i32
        %add3A_826 = vector.broadcast %add3A_825 : i32 to vector<16xi32>
        %add3A_827 = arith.addi %add3A_821, %add3A_826 : vector<16xi32>
        %select_n3A_828 = arith.select %lt3A_824, %add3A_827, %add3A_821 : vector<16xi1>, vector<16xi32>
        %broadcast_in_dim3A_829 = vector.shape_cast %select_n3A_828 : vector<16xi32> to vector<16x1xi32>
        %gather3A_830 = vector.shape_cast %broadcast_in_dim3A_829 : vector<16x1xi32> to vector<16xi32>
        %gather3A_831 = tpu.dynamic_gather %mul3A_268[%gather3A_830] in [0] : vector<16xf32>, vector<16xi32> -> vector<16xf32>
        %add3A_832 = arith.constant 112 : i32
        %add3A_833 = arith.addi %mul3A_210, %add3A_832 : i32
        %swap3A_834 = arith.index_cast %add3A_833 : i32 to index
        %swap3A_835 = tpu.vector_load %arg9[%swap3A_834] {strides = array<i32>} : memref<8192xf32, #tpu.memory_space<vmem>>, vector<16xf32>,
        tpu.vector_store %arg9[%swap3A_834], %gather3A_831 {strides = array<i32>} : memref<8192xf32, #tpu.memory_space<vmem>>, vector<16xf32>,
        %add3A_836 = arith.constant 1 : i32
        %add3A_837 = arith.addi %add3A_206, %add3A_836 : i32
        %mul3A_838 = arith.constant 128 : i32
        %mul3A_839 = arith.muli %add3A_837, %mul3A_838 : i32
        %add3A_840 = arith.constant 0 : i32
        %add3A_841 = arith.addi %mul3A_839, %add3A_840 : i32
        %get3A_842 = arith.index_cast %add3A_841 : i32 to index
        %get3A_843 = tpu.vector_load %arg7[%get3A_842] {strides = array<i32>} : memref<8192xf32, #tpu.memory_space<vmem>>, vector<16xf32>,
        %add3A_844 = arith.constant 16 : i32
        %add3A_845 = arith.addi %mul3A_839, %add3A_844 : i32
        %get3A_846 = arith.index_cast %add3A_845 : i32 to index
        %get3A_847 = tpu.vector_load %arg7[%get3A_846] {strides = array<i32>} : memref<8192xf32, #tpu.memory_space<vmem>>, vector<16xf32>,
        %add3A_848 = arith.constant 32 : i32
        %add3A_849 = arith.addi %mul3A_839, %add3A_848 : i32
        %get3A_850 = arith.index_cast %add3A_849 : i32 to index
        %get3A_851 = tpu.vector_load %arg7[%get3A_850] {strides = array<i32>} : memref<8192xf32, #tpu.memory_space<vmem>>, vector<16xf32>,
        %add3A_852 = arith.constant 48 : i32
        %add3A_853 = arith.addi %mul3A_839, %add3A_852 : i32
        %get3A_854 = arith.index_cast %add3A_853 : i32 to index
        %get3A_855 = tpu.vector_load %arg7[%get3A_854] {strides = array<i32>} : memref<8192xf32, #tpu.memory_space<vmem>>, vector<16xf32>,
        %add3A_856 = arith.constant 64 : i32
        %add3A_857 = arith.addi %mul3A_839, %add3A_856 : i32
        %get3A_858 = arith.index_cast %add3A_857 : i32 to index
        %get3A_859 = tpu.vector_load %arg7[%get3A_858] {strides = array<i32>} : memref<8192xf32, #tpu.memory_space<vmem>>, vector<16xf32>,
        %add3A_860 = arith.constant 80 : i32
        %add3A_861 = arith.addi %mul3A_839, %add3A_860 : i32
        %get3A_862 = arith.index_cast %add3A_861 : i32 to index
        %get3A_863 = tpu.vector_load %arg7[%get3A_862] {strides = array<i32>} : memref<8192xf32, #tpu.memory_space<vmem>>, vector<16xf32>,
        %add3A_864 = arith.constant 96 : i32
        %add3A_865 = arith.addi %mul3A_839, %add3A_864 : i32
        %get3A_866 = arith.index_cast %add3A_865 : i32 to index
        %get3A_867 = tpu.vector_load %arg7[%get3A_866] {strides = array<i32>} : memref<8192xf32, #tpu.memory_space<vmem>>, vector<16xf32>,
        %add3A_868 = arith.constant 112 : i32
        %add3A_869 = arith.addi %mul3A_839, %add3A_868 : i32
        %get3A_870 = arith.index_cast %add3A_869 : i32 to index
        %get3A_871 = tpu.vector_load %arg7[%get3A_870] {strides = array<i32>} : memref<8192xf32, #tpu.memory_space<vmem>>, vector<16xf32>,
        %abs3A_872 = math.absf %get3A_843 : vector<16xf32>
        %abs3A_873 = math.absf %get3A_847 : vector<16xf32>
        %abs3A_874 = math.absf %get3A_851 : vector<16xf32>
        %abs3A_875 = math.absf %get3A_855 : vector<16xf32>
        %abs3A_876 = math.absf %get3A_859 : vector<16xf32>
        %abs3A_877 = math.absf %get3A_863 : vector<16xf32>
        %abs3A_878 = math.absf %get3A_867 : vector<16xf32>
        %abs3A_879 = math.absf %get3A_871 : vector<16xf32>
        %max3A_880 = arith.maximumf %abs3A_872, %abs3A_873 : vector<16xf32>
        %max3A_881 = arith.maximumf %abs3A_874, %abs3A_875 : vector<16xf32>
        %max3A_882 = arith.maximumf %abs3A_876, %abs3A_877 : vector<16xf32>
        %max3A_883 = arith.maximumf %abs3A_878, %abs3A_879 : vector<16xf32>
        %max3A_884 = arith.maximumf %max3A_880, %max3A_881 : vector<16xf32>
        %max3A_885 = arith.maximumf %max3A_882, %max3A_883 : vector<16xf32>
        %max3A_886 = arith.maximumf %max3A_884, %max3A_885 : vector<16xf32>
        %reduce_max3A_887 = arith.constant true
        %reduce_max3A_888 = vector.broadcast %reduce_max3A_887 : i1 to vector<16xi1>
        %reduce_max3A_889 = tpu.scan <max>, %max3A_886 masked %reduce_max3A_888 : vector<16xf32>, vector<16xi1> -> vector<16xf32>
        %reduce_max3A_890 = vector.extract %reduce_max3A_889[15] : f32 from vector<16xf32>
        %broadcast_in_dim3A_891 = vector.broadcast %reduce_max3A_890 : f32 to vector<16xf32>
        %eq3A_892 = arith.constant 0.000000e+00 : f32
        %eq3A_893 = vector.broadcast %eq3A_892 : f32 to vector<16xf32>
        %eq3A_894 = arith.cmpf oeq, %broadcast_in_dim3A_891, %eq3A_893 : vector<16xf32>
        %mul3A_895 = arith.constant 0.13333334 : f32
        %mul3A_896 = vector.broadcast %mul3A_895 : f32 to vector<16xf32>
        %mul3A_897 = arith.mulf %broadcast_in_dim3A_891, %mul3A_896 : vector<16xf32>
        %jit3A_898 = arith.constant 0.13333334 : f32
        %broadcast_in_dim3A_899 = vector.broadcast %jit3A_898 : f32 to vector<16xf32>
        %select_n3A_900 = arith.select %eq3A_894, %broadcast_in_dim3A_899, %mul3A_897 : vector<16xi1>, vector<16xf32>
        %mul3A_901 = arith.mulf %sub3A, %select_n3A_900 : vector<16xf32>
        %mul3A_902 = arith.mulf %sub3A_94, %select_n3A_900 : vector<16xf32>
        %lt3A_903 = arith.constant 0 : i32
        %lt3A_904 = vector.broadcast %lt3A_903 : i32 to vector<16xi32>
        %lt3A_905 = arith.cmpi slt, %broadcast_in_dim3A_15, %lt3A_904 : vector<16xi32>
        %add3A_906 = arith.constant 16 : i32
        %add3A_907 = vector.broadcast %add3A_906 : i32 to vector<16xi32>
        %add3A_908 = arith.addi %broadcast_in_dim3A_15, %add3A_907 : vector<16xi32>
        %select_n3A_909 = arith.select %lt3A_905, %add3A_908, %broadcast_in_dim3A_15 : vector<16xi1>, vector<16xi32>
        %broadcast_in_dim3A_910 = vector.shape_cast %select_n3A_909 : vector<16xi32> to vector<16x1xi32>
        %gather3A_911 = vector.shape_cast %broadcast_in_dim3A_910 : vector<16x1xi32> to vector<16xi32>
        %gather3A_912 = tpu.dynamic_gather %mul3A_901[%gather3A_911] in [0] : vector<16xf32>, vector<16xi32> -> vector<16xf32>
        %gt3A_913 = arith.cmpf ogt, %get3A_843, %gather3A_912 : vector<16xf32>
        %select_n3A_914 = arith.select %gt3A_913, %broadcast_in_dim3A_17, %broadcast_in_dim3A_25 : vector<16xi1>, vector<16xi32>
        %add3A_915 = arith.constant 3 : i32
        %add3A_916 = vector.broadcast %add3A_915 : i32 to vector<16xi32>
        %add3A_917 = arith.addi %select_n3A_914, %add3A_916 : vector<16xi32>
        %lt3A_918 = arith.constant 0 : i32
        %lt3A_919 = vector.broadcast %lt3A_918 : i32 to vector<16xi32>
        %lt3A_920 = arith.cmpi slt, %add3A_917, %lt3A_919 : vector<16xi32>
        %add3A_921 = arith.constant 16 : i32
        %add3A_922 = vector.broadcast %add3A_921 : i32 to vector<16xi32>
        %add3A_923 = arith.addi %add3A_917, %add3A_922 : vector<16xi32>
        %select_n3A_924 = arith.select %lt3A_920, %add3A_923, %add3A_917 : vector<16xi1>, vector<16xi32>
        %broadcast_in_dim3A_925 = vector.shape_cast %select_n3A_924 : vector<16xi32> to vector<16x1xi32>
        %gather3A_926 = vector.shape_cast %broadcast_in_dim3A_925 : vector<16x1xi32> to vector<16xi32>
        %gather3A_927 = tpu.dynamic_gather %mul3A_901[%gather3A_926] in [0] : vector<16xf32>, vector<16xi32> -> vector<16xf32>
        %gt3A_928 = arith.cmpf ogt, %get3A_843, %gather3A_927 : vector<16xf32>
        %select_n3A_929 = arith.select %gt3A_928, %broadcast_in_dim3A_19, %broadcast_in_dim3A_25 : vector<16xi1>, vector<16xi32>
        %add3A_930 = arith.addi %select_n3A_914, %select_n3A_929 : vector<16xi32>
        %add3A_931 = arith.constant 1 : i32
        %add3A_932 = vector.broadcast %add3A_931 : i32 to vector<16xi32>
        %add3A_933 = arith.addi %add3A_930, %add3A_932 : vector<16xi32>
        %lt3A_934 = arith.constant 0 : i32
        %lt3A_935 = vector.broadcast %lt3A_934 : i32 to vector<16xi32>
        %lt3A_936 = arith.cmpi slt, %add3A_933, %lt3A_935 : vector<16xi32>
        %add3A_937 = arith.constant 16 : i32
        %add3A_938 = vector.broadcast %add3A_937 : i32 to vector<16xi32>
        %add3A_939 = arith.addi %add3A_933, %add3A_938 : vector<16xi32>
        %select_n3A_940 = arith.select %lt3A_936, %add3A_939, %add3A_933 : vector<16xi1>, vector<16xi32>
        %broadcast_in_dim3A_941 = vector.shape_cast %select_n3A_940 : vector<16xi32> to vector<16x1xi32>
        %gather3A_942 = vector.shape_cast %broadcast_in_dim3A_941 : vector<16x1xi32> to vector<16xi32>
        %gather3A_943 = tpu.dynamic_gather %mul3A_901[%gather3A_942] in [0] : vector<16xf32>, vector<16xi32> -> vector<16xf32>
        %gt3A_944 = arith.cmpf ogt, %get3A_843, %gather3A_943 : vector<16xf32>
        %select_n3A_945 = arith.select %gt3A_944, %broadcast_in_dim3A_21, %broadcast_in_dim3A_25 : vector<16xi1>, vector<16xi32>
        %add3A_946 = arith.addi %add3A_930, %select_n3A_945 : vector<16xi32>
        %lt3A_947 = arith.constant 0 : i32
        %lt3A_948 = vector.broadcast %lt3A_947 : i32 to vector<16xi32>
        %lt3A_949 = arith.cmpi slt, %add3A_946, %lt3A_948 : vector<16xi32>
        %add3A_950 = arith.constant 16 : i32
        %add3A_951 = vector.broadcast %add3A_950 : i32 to vector<16xi32>
        %add3A_952 = arith.addi %add3A_946, %add3A_951 : vector<16xi32>
        %select_n3A_953 = arith.select %lt3A_949, %add3A_952, %add3A_946 : vector<16xi1>, vector<16xi32>
        %broadcast_in_dim3A_954 = vector.shape_cast %select_n3A_953 : vector<16xi32> to vector<16x1xi32>
        %gather3A_955 = vector.shape_cast %broadcast_in_dim3A_954 : vector<16x1xi32> to vector<16xi32>
        %gather3A_956 = tpu.dynamic_gather %mul3A_901[%gather3A_955] in [0] : vector<16xf32>, vector<16xi32> -> vector<16xf32>
        %gt3A_957 = arith.cmpf ogt, %get3A_843, %gather3A_956 : vector<16xf32>
        %select_n3A_958 = arith.select %gt3A_957, %broadcast_in_dim3A_23, %broadcast_in_dim3A_25 : vector<16xi1>, vector<16xi32>
        %add3A_959 = arith.addi %add3A_946, %select_n3A_958 : vector<16xi32>
        %lt3A_960 = arith.constant 0 : i32
        %lt3A_961 = vector.broadcast %lt3A_960 : i32 to vector<16xi32>
        %lt3A_962 = arith.cmpi slt, %add3A_959, %lt3A_961 : vector<16xi32>
        %add3A_963 = arith.constant 16 : i32
        %add3A_964 = vector.broadcast %add3A_963 : i32 to vector<16xi32>
        %add3A_965 = arith.addi %add3A_959, %add3A_964 : vector<16xi32>
        %select_n3A_966 = arith.select %lt3A_962, %add3A_965, %add3A_959 : vector<16xi1>, vector<16xi32>
        %broadcast_in_dim3A_967 = vector.shape_cast %select_n3A_966 : vector<16xi32> to vector<16x1xi32>
        %gather3A_968 = vector.shape_cast %broadcast_in_dim3A_967 : vector<16x1xi32> to vector<16xi32>
        %gather3A_969 = tpu.dynamic_gather %mul3A_902[%gather3A_968] in [0] : vector<16xf32>, vector<16xi32> -> vector<16xf32>
        %add3A_970 = arith.constant 0 : i32
        %add3A_971 = arith.addi %mul3A_839, %add3A_970 : i32
        %swap3A_972 = arith.index_cast %add3A_971 : i32 to index
        %swap3A_973 = tpu.vector_load %arg9[%swap3A_972] {strides = array<i32>} : memref<8192xf32, #tpu.memory_space<vmem>>, vector<16xf32>,
        tpu.vector_store %arg9[%swap3A_972], %gather3A_969 {strides = array<i32>} : memref<8192xf32, #tpu.memory_space<vmem>>, vector<16xf32>,
        %lt3A_974 = arith.constant 0 : i32
        %lt3A_975 = vector.broadcast %lt3A_974 : i32 to vector<16xi32>
        %lt3A_976 = arith.cmpi slt, %broadcast_in_dim3A_15, %lt3A_975 : vector<16xi32>
        %add3A_977 = arith.constant 16 : i32
        %add3A_978 = vector.broadcast %add3A_977 : i32 to vector<16xi32>
        %add3A_979 = arith.addi %broadcast_in_dim3A_15, %add3A_978 : vector<16xi32>
        %select_n3A_980 = arith.select %lt3A_976, %add3A_979, %broadcast_in_dim3A_15 : vector<16xi1>, vector<16xi32>
        %broadcast_in_dim3A_981 = vector.shape_cast %select_n3A_980 : vector<16xi32> to vector<16x1xi32>
        %gather3A_982 = vector.shape_cast %broadcast_in_dim3A_981 : vector<16x1xi32> to vector<16xi32>
        %gather3A_983 = tpu.dynamic_gather %mul3A_901[%gather3A_982] in [0] : vector<16xf32>, vector<16xi32> -> vector<16xf32>
        %gt3A_984 = arith.cmpf ogt, %get3A_847, %gather3A_983 : vector<16xf32>
        %select_n3A_985 = arith.select %gt3A_984, %broadcast_in_dim3A_17, %broadcast_in_dim3A_25 : vector<16xi1>, vector<16xi32>
        %add3A_986 = arith.constant 3 : i32
        %add3A_987 = vector.broadcast %add3A_986 : i32 to vector<16xi32>
        %add3A_988 = arith.addi %select_n3A_985, %add3A_987 : vector<16xi32>
        %lt3A_989 = arith.constant 0 : i32
        %lt3A_990 = vector.broadcast %lt3A_989 : i32 to vector<16xi32>
        %lt3A_991 = arith.cmpi slt, %add3A_988, %lt3A_990 : vector<16xi32>
        %add3A_992 = arith.constant 16 : i32
        %add3A_993 = vector.broadcast %add3A_992 : i32 to vector<16xi32>
        %add3A_994 = arith.addi %add3A_988, %add3A_993 : vector<16xi32>
        %select_n3A_995 = arith.select %lt3A_991, %add3A_994, %add3A_988 : vector<16xi1>, vector<16xi32>
        %broadcast_in_dim3A_996 = vector.shape_cast %select_n3A_995 : vector<16xi32> to vector<16x1xi32>
        %gather3A_997 = vector.shape_cast %broadcast_in_dim3A_996 : vector<16x1xi32> to vector<16xi32>
        %gather3A_998 = tpu.dynamic_gather %mul3A_901[%gather3A_997] in [0] : vector<16xf32>, vector<16xi32> -> vector<16xf32>
        %gt3A_999 = arith.cmpf ogt, %get3A_847, %gather3A_998 : vector<16xf32>
        %select_n3A_1000 = arith.select %gt3A_999, %broadcast_in_dim3A_19, %broadcast_in_dim3A_25 : vector<16xi1>, vector<16xi32>
        %add3A_1001 = arith.addi %select_n3A_985, %select_n3A_1000 : vector<16xi32>
        %add3A_1002 = arith.constant 1 : i32
        %add3A_1003 = vector.broadcast %add3A_1002 : i32 to vector<16xi32>
        %add3A_1004 = arith.addi %add3A_1001, %add3A_1003 : vector<16xi32>
        %lt3A_1005 = arith.constant 0 : i32
        %lt3A_1006 = vector.broadcast %lt3A_1005 : i32 to vector<16xi32>
        %lt3A_1007 = arith.cmpi slt, %add3A_1004, %lt3A_1006 : vector<16xi32>
        %add3A_1008 = arith.constant 16 : i32
        %add3A_1009 = vector.broadcast %add3A_1008 : i32 to vector<16xi32>
        %add3A_1010 = arith.addi %add3A_1004, %add3A_1009 : vector<16xi32>
        %select_n3A_1011 = arith.select %lt3A_1007, %add3A_1010, %add3A_1004 : vector<16xi1>, vector<16xi32>
        %broadcast_in_dim3A_1012 = vector.shape_cast %select_n3A_1011 : vector<16xi32> to vector<16x1xi32>
        %gather3A_1013 = vector.shape_cast %broadcast_in_dim3A_1012 : vector<16x1xi32> to vector<16xi32>
        %gather3A_1014 = tpu.dynamic_gather %mul3A_901[%gather3A_1013] in [0] : vector<16xf32>, vector<16xi32> -> vector<16xf32>
        %gt3A_1015 = arith.cmpf ogt, %get3A_847, %gather3A_1014 : vector<16xf32>
        %select_n3A_1016 = arith.select %gt3A_1015, %broadcast_in_dim3A_21, %broadcast_in_dim3A_25 : vector<16xi1>, vector<16xi32>
        %add3A_1017 = arith.addi %add3A_1001, %select_n3A_1016 : vector<16xi32>
        %lt3A_1018 = arith.constant 0 : i32
        %lt3A_1019 = vector.broadcast %lt3A_1018 : i32 to vector<16xi32>
        %lt3A_1020 = arith.cmpi slt, %add3A_1017, %lt3A_1019 : vector<16xi32>
        %add3A_1021 = arith.constant 16 : i32
        %add3A_1022 = vector.broadcast %add3A_1021 : i32 to vector<16xi32>
        %add3A_1023 = arith.addi %add3A_1017, %add3A_1022 : vector<16xi32>
        %select_n3A_1024 = arith.select %lt3A_1020, %add3A_1023, %add3A_1017 : vector<16xi1>, vector<16xi32>
        %broadcast_in_dim3A_1025 = vector.shape_cast %select_n3A_1024 : vector<16xi32> to vector<16x1xi32>
        %gather3A_1026 = vector.shape_cast %broadcast_in_dim3A_1025 : vector<16x1xi32> to vector<16xi32>
        %gather3A_1027 = tpu.dynamic_gather %mul3A_901[%gather3A_1026] in [0] : vector<16xf32>, vector<16xi32> -> vector<16xf32>
        %gt3A_1028 = arith.cmpf ogt, %get3A_847, %gather3A_1027 : vector<16xf32>
        %select_n3A_1029 = arith.select %gt3A_1028, %broadcast_in_dim3A_23, %broadcast_in_dim3A_25 : vector<16xi1>, vector<16xi32>
        %add3A_1030 = arith.addi %add3A_1017, %select_n3A_1029 : vector<16xi32>
        %lt3A_1031 = arith.constant 0 : i32
        %lt3A_1032 = vector.broadcast %lt3A_1031 : i32 to vector<16xi32>
        %lt3A_1033 = arith.cmpi slt, %add3A_1030, %lt3A_1032 : vector<16xi32>
        %add3A_1034 = arith.constant 16 : i32
        %add3A_1035 = vector.broadcast %add3A_1034 : i32 to vector<16xi32>
        %add3A_1036 = arith.addi %add3A_1030, %add3A_1035 : vector<16xi32>
        %select_n3A_1037 = arith.select %lt3A_1033, %add3A_1036, %add3A_1030 : vector<16xi1>, vector<16xi32>
        %broadcast_in_dim3A_1038 = vector.shape_cast %select_n3A_1037 : vector<16xi32> to vector<16x1xi32>
        %gather3A_1039 = vector.shape_cast %broadcast_in_dim3A_1038 : vector<16x1xi32> to vector<16xi32>
        %gather3A_1040 = tpu.dynamic_gather %mul3A_902[%gather3A_1039] in [0] : vector<16xf32>, vector<16xi32> -> vector<16xf32>
        %add3A_1041 = arith.constant 16 : i32
        %add3A_1042 = arith.addi %mul3A_839, %add3A_1041 : i32
        %swap3A_1043 = arith.index_cast %add3A_1042 : i32 to index
        %swap3A_1044 = tpu.vector_load %arg9[%swap3A_1043] {strides = array<i32>} : memref<8192xf32, #tpu.memory_space<vmem>>, vector<16xf32>,
        tpu.vector_store %arg9[%swap3A_1043], %gather3A_1040 {strides = array<i32>} : memref<8192xf32, #tpu.memory_space<vmem>>, vector<16xf32>,
        %lt3A_1045 = arith.constant 0 : i32
        %lt3A_1046 = vector.broadcast %lt3A_1045 : i32 to vector<16xi32>
        %lt3A_1047 = arith.cmpi slt, %broadcast_in_dim3A_15, %lt3A_1046 : vector<16xi32>
        %add3A_1048 = arith.constant 16 : i32
        %add3A_1049 = vector.broadcast %add3A_1048 : i32 to vector<16xi32>
        %add3A_1050 = arith.addi %broadcast_in_dim3A_15, %add3A_1049 : vector<16xi32>
        %select_n3A_1051 = arith.select %lt3A_1047, %add3A_1050, %broadcast_in_dim3A_15 : vector<16xi1>, vector<16xi32>
        %broadcast_in_dim3A_1052 = vector.shape_cast %select_n3A_1051 : vector<16xi32> to vector<16x1xi32>
        %gather3A_1053 = vector.shape_cast %broadcast_in_dim3A_1052 : vector<16x1xi32> to vector<16xi32>
        %gather3A_1054 = tpu.dynamic_gather %mul3A_901[%gather3A_1053] in [0] : vector<16xf32>, vector<16xi32> -> vector<16xf32>
        %gt3A_1055 = arith.cmpf ogt, %get3A_851, %gather3A_1054 : vector<16xf32>
        %select_n3A_1056 = arith.select %gt3A_1055, %broadcast_in_dim3A_17, %broadcast_in_dim3A_25 : vector<16xi1>, vector<16xi32>
        %add3A_1057 = arith.constant 3 : i32
        %add3A_1058 = vector.broadcast %add3A_1057 : i32 to vector<16xi32>
        %add3A_1059 = arith.addi %select_n3A_1056, %add3A_1058 : vector<16xi32>
        %lt3A_1060 = arith.constant 0 : i32
        %lt3A_1061 = vector.broadcast %lt3A_1060 : i32 to vector<16xi32>
        %lt3A_1062 = arith.cmpi slt, %add3A_1059, %lt3A_1061 : vector<16xi32>
        %add3A_1063 = arith.constant 16 : i32
        %add3A_1064 = vector.broadcast %add3A_1063 : i32 to vector<16xi32>
        %add3A_1065 = arith.addi %add3A_1059, %add3A_1064 : vector<16xi32>
        %select_n3A_1066 = arith.select %lt3A_1062, %add3A_1065, %add3A_1059 : vector<16xi1>, vector<16xi32>
        %broadcast_in_dim3A_1067 = vector.shape_cast %select_n3A_1066 : vector<16xi32> to vector<16x1xi32>
        %gather3A_1068 = vector.shape_cast %broadcast_in_dim3A_1067 : vector<16x1xi32> to vector<16xi32>
        %gather3A_1069 = tpu.dynamic_gather %mul3A_901[%gather3A_1068] in [0] : vector<16xf32>, vector<16xi32> -> vector<16xf32>
        %gt3A_1070 = arith.cmpf ogt, %get3A_851, %gather3A_1069 : vector<16xf32>
        %select_n3A_1071 = arith.select %gt3A_1070, %broadcast_in_dim3A_19, %broadcast_in_dim3A_25 : vector<16xi1>, vector<16xi32>
        %add3A_1072 = arith.addi %select_n3A_1056, %select_n3A_1071 : vector<16xi32>
        %add3A_1073 = arith.constant 1 : i32
        %add3A_1074 = vector.broadcast %add3A_1073 : i32 to vector<16xi32>
        %add3A_1075 = arith.addi %add3A_1072, %add3A_1074 : vector<16xi32>
        %lt3A_1076 = arith.constant 0 : i32
        %lt3A_1077 = vector.broadcast %lt3A_1076 : i32 to vector<16xi32>
        %lt3A_1078 = arith.cmpi slt, %add3A_1075, %lt3A_1077 : vector<16xi32>
        %add3A_1079 = arith.constant 16 : i32
        %add3A_1080 = vector.broadcast %add3A_1079 : i32 to vector<16xi32>
        %add3A_1081 = arith.addi %add3A_1075, %add3A_1080 : vector<16xi32>
        %select_n3A_1082 = arith.select %lt3A_1078, %add3A_1081, %add3A_1075 : vector<16xi1>, vector<16xi32>
        %broadcast_in_dim3A_1083 = vector.shape_cast %select_n3A_1082 : vector<16xi32> to vector<16x1xi32>
        %gather3A_1084 = vector.shape_cast %broadcast_in_dim3A_1083 : vector<16x1xi32> to vector<16xi32>
        %gather3A_1085 = tpu.dynamic_gather %mul3A_901[%gather3A_1084] in [0] : vector<16xf32>, vector<16xi32> -> vector<16xf32>
        %gt3A_1086 = arith.cmpf ogt, %get3A_851, %gather3A_1085 : vector<16xf32>
        %select_n3A_1087 = arith.select %gt3A_1086, %broadcast_in_dim3A_21, %broadcast_in_dim3A_25 : vector<16xi1>, vector<16xi32>
        %add3A_1088 = arith.addi %add3A_1072, %select_n3A_1087 : vector<16xi32>
        %lt3A_1089 = arith.constant 0 : i32
        %lt3A_1090 = vector.broadcast %lt3A_1089 : i32 to vector<16xi32>
        %lt3A_1091 = arith.cmpi slt, %add3A_1088, %lt3A_1090 : vector<16xi32>
        %add3A_1092 = arith.constant 16 : i32
        %add3A_1093 = vector.broadcast %add3A_1092 : i32 to vector<16xi32>
        %add3A_1094 = arith.addi %add3A_1088, %add3A_1093 : vector<16xi32>
        %select_n3A_1095 = arith.select %lt3A_1091, %add3A_1094, %add3A_1088 : vector<16xi1>, vector<16xi32>
        %broadcast_in_dim3A_1096 = vector.shape_cast %select_n3A_1095 : vector<16xi32> to vector<16x1xi32>
        %gather3A_1097 = vector.shape_cast %broadcast_in_dim3A_1096 : vector<16x1xi32> to vector<16xi32>
        %gather3A_1098 = tpu.dynamic_gather %mul3A_901[%gather3A_1097] in [0] : vector<16xf32>, vector<16xi32> -> vector<16xf32>
        %gt3A_1099 = arith.cmpf ogt, %get3A_851, %gather3A_1098 : vector<16xf32>
        %select_n3A_1100 = arith.select %gt3A_1099, %broadcast_in_dim3A_23, %broadcast_in_dim3A_25 : vector<16xi1>, vector<16xi32>
        %add3A_1101 = arith.addi %add3A_1088, %select_n3A_1100 : vector<16xi32>
        %lt3A_1102 = arith.constant 0 : i32
        %lt3A_1103 = vector.broadcast %lt3A_1102 : i32 to vector<16xi32>
        %lt3A_1104 = arith.cmpi slt, %add3A_1101, %lt3A_1103 : vector<16xi32>
        %add3A_1105 = arith.constant 16 : i32
        %add3A_1106 = vector.broadcast %add3A_1105 : i32 to vector<16xi32>
        %add3A_1107 = arith.addi %add3A_1101, %add3A_1106 : vector<16xi32>
        %select_n3A_1108 = arith.select %lt3A_1104, %add3A_1107, %add3A_1101 : vector<16xi1>, vector<16xi32>
        %broadcast_in_dim3A_1109 = vector.shape_cast %select_n3A_1108 : vector<16xi32> to vector<16x1xi32>
        %gather3A_1110 = vector.shape_cast %broadcast_in_dim3A_1109 : vector<16x1xi32> to vector<16xi32>
        %gather3A_1111 = tpu.dynamic_gather %mul3A_902[%gather3A_1110] in [0] : vector<16xf32>, vector<16xi32> -> vector<16xf32>
        %add3A_1112 = arith.constant 32 : i32
        %add3A_1113 = arith.addi %mul3A_839, %add3A_1112 : i32
        %swap3A_1114 = arith.index_cast %add3A_1113 : i32 to index
        %swap3A_1115 = tpu.vector_load %arg9[%swap3A_1114] {strides = array<i32>} : memref<8192xf32, #tpu.memory_space<vmem>>, vector<16xf32>,
        tpu.vector_store %arg9[%swap3A_1114], %gather3A_1111 {strides = array<i32>} : memref<8192xf32, #tpu.memory_space<vmem>>, vector<16xf32>,
        %lt3A_1116 = arith.constant 0 : i32
        %lt3A_1117 = vector.broadcast %lt3A_1116 : i32 to vector<16xi32>
        %lt3A_1118 = arith.cmpi slt, %broadcast_in_dim3A_15, %lt3A_1117 : vector<16xi32>
        %add3A_1119 = arith.constant 16 : i32
        %add3A_1120 = vector.broadcast %add3A_1119 : i32 to vector<16xi32>
        %add3A_1121 = arith.addi %broadcast_in_dim3A_15, %add3A_1120 : vector<16xi32>
        %select_n3A_1122 = arith.select %lt3A_1118, %add3A_1121, %broadcast_in_dim3A_15 : vector<16xi1>, vector<16xi32>
        %broadcast_in_dim3A_1123 = vector.shape_cast %select_n3A_1122 : vector<16xi32> to vector<16x1xi32>
        %gather3A_1124 = vector.shape_cast %broadcast_in_dim3A_1123 : vector<16x1xi32> to vector<16xi32>
        %gather3A_1125 = tpu.dynamic_gather %mul3A_901[%gather3A_1124] in [0] : vector<16xf32>, vector<16xi32> -> vector<16xf32>
        %gt3A_1126 = arith.cmpf ogt, %get3A_855, %gather3A_1125 : vector<16xf32>
        %select_n3A_1127 = arith.select %gt3A_1126, %broadcast_in_dim3A_17, %broadcast_in_dim3A_25 : vector<16xi1>, vector<16xi32>
        %add3A_1128 = arith.constant 3 : i32
        %add3A_1129 = vector.broadcast %add3A_1128 : i32 to vector<16xi32>
        %add3A_1130 = arith.addi %select_n3A_1127, %add3A_1129 : vector<16xi32>
        %lt3A_1131 = arith.constant 0 : i32
        %lt3A_1132 = vector.broadcast %lt3A_1131 : i32 to vector<16xi32>
        %lt3A_1133 = arith.cmpi slt, %add3A_1130, %lt3A_1132 : vector<16xi32>
        %add3A_1134 = arith.constant 16 : i32
        %add3A_1135 = vector.broadcast %add3A_1134 : i32 to vector<16xi32>
        %add3A_1136 = arith.addi %add3A_1130, %add3A_1135 : vector<16xi32>
        %select_n3A_1137 = arith.select %lt3A_1133, %add3A_1136, %add3A_1130 : vector<16xi1>, vector<16xi32>
        %broadcast_in_dim3A_1138 = vector.shape_cast %select_n3A_1137 : vector<16xi32> to vector<16x1xi32>
        %gather3A_1139 = vector.shape_cast %broadcast_in_dim3A_1138 : vector<16x1xi32> to vector<16xi32>
        %gather3A_1140 = tpu.dynamic_gather %mul3A_901[%gather3A_1139] in [0] : vector<16xf32>, vector<16xi32> -> vector<16xf32>
        %gt3A_1141 = arith.cmpf ogt, %get3A_855, %gather3A_1140 : vector<16xf32>
        %select_n3A_1142 = arith.select %gt3A_1141, %broadcast_in_dim3A_19, %broadcast_in_dim3A_25 : vector<16xi1>, vector<16xi32>
        %add3A_1143 = arith.addi %select_n3A_1127, %select_n3A_1142 : vector<16xi32>
        %add3A_1144 = arith.constant 1 : i32
        %add3A_1145 = vector.broadcast %add3A_1144 : i32 to vector<16xi32>
        %add3A_1146 = arith.addi %add3A_1143, %add3A_1145 : vector<16xi32>
        %lt3A_1147 = arith.constant 0 : i32
        %lt3A_1148 = vector.broadcast %lt3A_1147 : i32 to vector<16xi32>
        %lt3A_1149 = arith.cmpi slt, %add3A_1146, %lt3A_1148 : vector<16xi32>
        %add3A_1150 = arith.constant 16 : i32
        %add3A_1151 = vector.broadcast %add3A_1150 : i32 to vector<16xi32>
        %add3A_1152 = arith.addi %add3A_1146, %add3A_1151 : vector<16xi32>
        %select_n3A_1153 = arith.select %lt3A_1149, %add3A_1152, %add3A_1146 : vector<16xi1>, vector<16xi32>
        %broadcast_in_dim3A_1154 = vector.shape_cast %select_n3A_1153 : vector<16xi32> to vector<16x1xi32>
        %gather3A_1155 = vector.shape_cast %broadcast_in_dim3A_1154 : vector<16x1xi32> to vector<16xi32>
        %gather3A_1156 = tpu.dynamic_gather %mul3A_901[%gather3A_1155] in [0] : vector<16xf32>, vector<16xi32> -> vector<16xf32>
        %gt3A_1157 = arith.cmpf ogt, %get3A_855, %gather3A_1156 : vector<16xf32>
        %select_n3A_1158 = arith.select %gt3A_1157, %broadcast_in_dim3A_21, %broadcast_in_dim3A_25 : vector<16xi1>, vector<16xi32>
        %add3A_1159 = arith.addi %add3A_1143, %select_n3A_1158 : vector<16xi32>
        %lt3A_1160 = arith.constant 0 : i32
        %lt3A_1161 = vector.broadcast %lt3A_1160 : i32 to vector<16xi32>
        %lt3A_1162 = arith.cmpi slt, %add3A_1159, %lt3A_1161 : vector<16xi32>
        %add3A_1163 = arith.constant 16 : i32
        %add3A_1164 = vector.broadcast %add3A_1163 : i32 to vector<16xi32>
        %add3A_1165 = arith.addi %add3A_1159, %add3A_1164 : vector<16xi32>
        %select_n3A_1166 = arith.select %lt3A_1162, %add3A_1165, %add3A_1159 : vector<16xi1>, vector<16xi32>
        %broadcast_in_dim3A_1167 = vector.shape_cast %select_n3A_1166 : vector<16xi32> to vector<16x1xi32>
        %gather3A_1168 = vector.shape_cast %broadcast_in_dim3A_1167 : vector<16x1xi32> to vector<16xi32>
        %gather3A_1169 = tpu.dynamic_gather %mul3A_901[%gather3A_1168] in [0] : vector<16xf32>, vector<16xi32> -> vector<16xf32>
        %gt3A_1170 = arith.cmpf ogt, %get3A_855, %gather3A_1169 : vector<16xf32>
        %select_n3A_1171 = arith.select %gt3A_1170, %broadcast_in_dim3A_23, %broadcast_in_dim3A_25 : vector<16xi1>, vector<16xi32>
        %add3A_1172 = arith.addi %add3A_1159, %select_n3A_1171 : vector<16xi32>
        %lt3A_1173 = arith.constant 0 : i32
        %lt3A_1174 = vector.broadcast %lt3A_1173 : i32 to vector<16xi32>
        %lt3A_1175 = arith.cmpi slt, %add3A_1172, %lt3A_1174 : vector<16xi32>
        %add3A_1176 = arith.constant 16 : i32
        %add3A_1177 = vector.broadcast %add3A_1176 : i32 to vector<16xi32>
        %add3A_1178 = arith.addi %add3A_1172, %add3A_1177 : vector<16xi32>
        %select_n3A_1179 = arith.select %lt3A_1175, %add3A_1178, %add3A_1172 : vector<16xi1>, vector<16xi32>
        %broadcast_in_dim3A_1180 = vector.shape_cast %select_n3A_1179 : vector<16xi32> to vector<16x1xi32>
        %gather3A_1181 = vector.shape_cast %broadcast_in_dim3A_1180 : vector<16x1xi32> to vector<16xi32>
        %gather3A_1182 = tpu.dynamic_gather %mul3A_902[%gather3A_1181] in [0] : vector<16xf32>, vector<16xi32> -> vector<16xf32>
        %add3A_1183 = arith.constant 48 : i32
        %add3A_1184 = arith.addi %mul3A_839, %add3A_1183 : i32
        %swap3A_1185 = arith.index_cast %add3A_1184 : i32 to index
        %swap3A_1186 = tpu.vector_load %arg9[%swap3A_1185] {strides = array<i32>} : memref<8192xf32, #tpu.memory_space<vmem>>, vector<16xf32>,
        tpu.vector_store %arg9[%swap3A_1185], %gather3A_1182 {strides = array<i32>} : memref<8192xf32, #tpu.memory_space<vmem>>, vector<16xf32>,
        %lt3A_1187 = arith.constant 0 : i32
        %lt3A_1188 = vector.broadcast %lt3A_1187 : i32 to vector<16xi32>
        %lt3A_1189 = arith.cmpi slt, %broadcast_in_dim3A_15, %lt3A_1188 : vector<16xi32>
        %add3A_1190 = arith.constant 16 : i32
        %add3A_1191 = vector.broadcast %add3A_1190 : i32 to vector<16xi32>
        %add3A_1192 = arith.addi %broadcast_in_dim3A_15, %add3A_1191 : vector<16xi32>
        %select_n3A_1193 = arith.select %lt3A_1189, %add3A_1192, %broadcast_in_dim3A_15 : vector<16xi1>, vector<16xi32>
        %broadcast_in_dim3A_1194 = vector.shape_cast %select_n3A_1193 : vector<16xi32> to vector<16x1xi32>
        %gather3A_1195 = vector.shape_cast %broadcast_in_dim3A_1194 : vector<16x1xi32> to vector<16xi32>
        %gather3A_1196 = tpu.dynamic_gather %mul3A_901[%gather3A_1195] in [0] : vector<16xf32>, vector<16xi32> -> vector<16xf32>
        %gt3A_1197 = arith.cmpf ogt, %get3A_859, %gather3A_1196 : vector<16xf32>
        %select_n3A_1198 = arith.select %gt3A_1197, %broadcast_in_dim3A_17, %broadcast_in_dim3A_25 : vector<16xi1>, vector<16xi32>
        %add3A_1199 = arith.constant 3 : i32
        %add3A_1200 = vector.broadcast %add3A_1199 : i32 to vector<16xi32>
        %add3A_1201 = arith.addi %select_n3A_1198, %add3A_1200 : vector<16xi32>
        %lt3A_1202 = arith.constant 0 : i32
        %lt3A_1203 = vector.broadcast %lt3A_1202 : i32 to vector<16xi32>
        %lt3A_1204 = arith.cmpi slt, %add3A_1201, %lt3A_1203 : vector<16xi32>
        %add3A_1205 = arith.constant 16 : i32
        %add3A_1206 = vector.broadcast %add3A_1205 : i32 to vector<16xi32>
        %add3A_1207 = arith.addi %add3A_1201, %add3A_1206 : vector<16xi32>
        %select_n3A_1208 = arith.select %lt3A_1204, %add3A_1207, %add3A_1201 : vector<16xi1>, vector<16xi32>
        %broadcast_in_dim3A_1209 = vector.shape_cast %select_n3A_1208 : vector<16xi32> to vector<16x1xi32>
        %gather3A_1210 = vector.shape_cast %broadcast_in_dim3A_1209 : vector<16x1xi32> to vector<16xi32>
        %gather3A_1211 = tpu.dynamic_gather %mul3A_901[%gather3A_1210] in [0] : vector<16xf32>, vector<16xi32> -> vector<16xf32>
        %gt3A_1212 = arith.cmpf ogt, %get3A_859, %gather3A_1211 : vector<16xf32>
        %select_n3A_1213 = arith.select %gt3A_1212, %broadcast_in_dim3A_19, %broadcast_in_dim3A_25 : vector<16xi1>, vector<16xi32>
        %add3A_1214 = arith.addi %select_n3A_1198, %select_n3A_1213 : vector<16xi32>
        %add3A_1215 = arith.constant 1 : i32
        %add3A_1216 = vector.broadcast %add3A_1215 : i32 to vector<16xi32>
        %add3A_1217 = arith.addi %add3A_1214, %add3A_1216 : vector<16xi32>
        %lt3A_1218 = arith.constant 0 : i32
        %lt3A_1219 = vector.broadcast %lt3A_1218 : i32 to vector<16xi32>
        %lt3A_1220 = arith.cmpi slt, %add3A_1217, %lt3A_1219 : vector<16xi32>
        %add3A_1221 = arith.constant 16 : i32
        %add3A_1222 = vector.broadcast %add3A_1221 : i32 to vector<16xi32>
        %add3A_1223 = arith.addi %add3A_1217, %add3A_1222 : vector<16xi32>
        %select_n3A_1224 = arith.select %lt3A_1220, %add3A_1223, %add3A_1217 : vector<16xi1>, vector<16xi32>
        %broadcast_in_dim3A_1225 = vector.shape_cast %select_n3A_1224 : vector<16xi32> to vector<16x1xi32>
        %gather3A_1226 = vector.shape_cast %broadcast_in_dim3A_1225 : vector<16x1xi32> to vector<16xi32>
        %gather3A_1227 = tpu.dynamic_gather %mul3A_901[%gather3A_1226] in [0] : vector<16xf32>, vector<16xi32> -> vector<16xf32>
        %gt3A_1228 = arith.cmpf ogt, %get3A_859, %gather3A_1227 : vector<16xf32>
        %select_n3A_1229 = arith.select %gt3A_1228, %broadcast_in_dim3A_21, %broadcast_in_dim3A_25 : vector<16xi1>, vector<16xi32>
        %add3A_1230 = arith.addi %add3A_1214, %select_n3A_1229 : vector<16xi32>
        %lt3A_1231 = arith.constant 0 : i32
        %lt3A_1232 = vector.broadcast %lt3A_1231 : i32 to vector<16xi32>
        %lt3A_1233 = arith.cmpi slt, %add3A_1230, %lt3A_1232 : vector<16xi32>
        %add3A_1234 = arith.constant 16 : i32
        %add3A_1235 = vector.broadcast %add3A_1234 : i32 to vector<16xi32>
        %add3A_1236 = arith.addi %add3A_1230, %add3A_1235 : vector<16xi32>
        %select_n3A_1237 = arith.select %lt3A_1233, %add3A_1236, %add3A_1230 : vector<16xi1>, vector<16xi32>
        %broadcast_in_dim3A_1238 = vector.shape_cast %select_n3A_1237 : vector<16xi32> to vector<16x1xi32>
        %gather3A_1239 = vector.shape_cast %broadcast_in_dim3A_1238 : vector<16x1xi32> to vector<16xi32>
        %gather3A_1240 = tpu.dynamic_gather %mul3A_901[%gather3A_1239] in [0] : vector<16xf32>, vector<16xi32> -> vector<16xf32>
        %gt3A_1241 = arith.cmpf ogt, %get3A_859, %gather3A_1240 : vector<16xf32>
        %select_n3A_1242 = arith.select %gt3A_1241, %broadcast_in_dim3A_23, %broadcast_in_dim3A_25 : vector<16xi1>, vector<16xi32>
        %add3A_1243 = arith.addi %add3A_1230, %select_n3A_1242 : vector<16xi32>
        %lt3A_1244 = arith.constant 0 : i32
        %lt3A_1245 = vector.broadcast %lt3A_1244 : i32 to vector<16xi32>
        %lt3A_1246 = arith.cmpi slt, %add3A_1243, %lt3A_1245 : vector<16xi32>
        %add3A_1247 = arith.constant 16 : i32
        %add3A_1248 = vector.broadcast %add3A_1247 : i32 to vector<16xi32>
        %add3A_1249 = arith.addi %add3A_1243, %add3A_1248 : vector<16xi32>
        %select_n3A_1250 = arith.select %lt3A_1246, %add3A_1249, %add3A_1243 : vector<16xi1>, vector<16xi32>
        %broadcast_in_dim3A_1251 = vector.shape_cast %select_n3A_1250 : vector<16xi32> to vector<16x1xi32>
        %gather3A_1252 = vector.shape_cast %broadcast_in_dim3A_1251 : vector<16x1xi32> to vector<16xi32>
        %gather3A_1253 = tpu.dynamic_gather %mul3A_902[%gather3A_1252] in [0] : vector<16xf32>, vector<16xi32> -> vector<16xf32>
        %add3A_1254 = arith.constant 64 : i32
        %add3A_1255 = arith.addi %mul3A_839, %add3A_1254 : i32
        %swap3A_1256 = arith.index_cast %add3A_1255 : i32 to index
        %swap3A_1257 = tpu.vector_load %arg9[%swap3A_1256] {strides = array<i32>} : memref<8192xf32, #tpu.memory_space<vmem>>, vector<16xf32>,
        tpu.vector_store %arg9[%swap3A_1256], %gather3A_1253 {strides = array<i32>} : memref<8192xf32, #tpu.memory_space<vmem>>, vector<16xf32>,
        %lt3A_1258 = arith.constant 0 : i32
        %lt3A_1259 = vector.broadcast %lt3A_1258 : i32 to vector<16xi32>
        %lt3A_1260 = arith.cmpi slt, %broadcast_in_dim3A_15, %lt3A_1259 : vector<16xi32>
        %add3A_1261 = arith.constant 16 : i32
        %add3A_1262 = vector.broadcast %add3A_1261 : i32 to vector<16xi32>
        %add3A_1263 = arith.addi %broadcast_in_dim3A_15, %add3A_1262 : vector<16xi32>
        %select_n3A_1264 = arith.select %lt3A_1260, %add3A_1263, %broadcast_in_dim3A_15 : vector<16xi1>, vector<16xi32>
        %broadcast_in_dim3A_1265 = vector.shape_cast %select_n3A_1264 : vector<16xi32> to vector<16x1xi32>
        %gather3A_1266 = vector.shape_cast %broadcast_in_dim3A_1265 : vector<16x1xi32> to vector<16xi32>
        %gather3A_1267 = tpu.dynamic_gather %mul3A_901[%gather3A_1266] in [0] : vector<16xf32>, vector<16xi32> -> vector<16xf32>
        %gt3A_1268 = arith.cmpf ogt, %get3A_863, %gather3A_1267 : vector<16xf32>
        %select_n3A_1269 = arith.select %gt3A_1268, %broadcast_in_dim3A_17, %broadcast_in_dim3A_25 : vector<16xi1>, vector<16xi32>
        %add3A_1270 = arith.constant 3 : i32
        %add3A_1271 = vector.broadcast %add3A_1270 : i32 to vector<16xi32>
        %add3A_1272 = arith.addi %select_n3A_1269, %add3A_1271 : vector<16xi32>
        %lt3A_1273 = arith.constant 0 : i32
        %lt3A_1274 = vector.broadcast %lt3A_1273 : i32 to vector<16xi32>
        %lt3A_1275 = arith.cmpi slt, %add3A_1272, %lt3A_1274 : vector<16xi32>
        %add3A_1276 = arith.constant 16 : i32
        %add3A_1277 = vector.broadcast %add3A_1276 : i32 to vector<16xi32>
        %add3A_1278 = arith.addi %add3A_1272, %add3A_1277 : vector<16xi32>
        %select_n3A_1279 = arith.select %lt3A_1275, %add3A_1278, %add3A_1272 : vector<16xi1>, vector<16xi32>
        %broadcast_in_dim3A_1280 = vector.shape_cast %select_n3A_1279 : vector<16xi32> to vector<16x1xi32>
        %gather3A_1281 = vector.shape_cast %broadcast_in_dim3A_1280 : vector<16x1xi32> to vector<16xi32>
        %gather3A_1282 = tpu.dynamic_gather %mul3A_901[%gather3A_1281] in [0] : vector<16xf32>, vector<16xi32> -> vector<16xf32>
        %gt3A_1283 = arith.cmpf ogt, %get3A_863, %gather3A_1282 : vector<16xf32>
        %select_n3A_1284 = arith.select %gt3A_1283, %broadcast_in_dim3A_19, %broadcast_in_dim3A_25 : vector<16xi1>, vector<16xi32>
        %add3A_1285 = arith.addi %select_n3A_1269, %select_n3A_1284 : vector<16xi32>
        %add3A_1286 = arith.constant 1 : i32
        %add3A_1287 = vector.broadcast %add3A_1286 : i32 to vector<16xi32>
        %add3A_1288 = arith.addi %add3A_1285, %add3A_1287 : vector<16xi32>
        %lt3A_1289 = arith.constant 0 : i32
        %lt3A_1290 = vector.broadcast %lt3A_1289 : i32 to vector<16xi32>
        %lt3A_1291 = arith.cmpi slt, %add3A_1288, %lt3A_1290 : vector<16xi32>
        %add3A_1292 = arith.constant 16 : i32
        %add3A_1293 = vector.broadcast %add3A_1292 : i32 to vector<16xi32>
        %add3A_1294 = arith.addi %add3A_1288, %add3A_1293 : vector<16xi32>
        %select_n3A_1295 = arith.select %lt3A_1291, %add3A_1294, %add3A_1288 : vector<16xi1>, vector<16xi32>
        %broadcast_in_dim3A_1296 = vector.shape_cast %select_n3A_1295 : vector<16xi32> to vector<16x1xi32>
        %gather3A_1297 = vector.shape_cast %broadcast_in_dim3A_1296 : vector<16x1xi32> to vector<16xi32>
        %gather3A_1298 = tpu.dynamic_gather %mul3A_901[%gather3A_1297] in [0] : vector<16xf32>, vector<16xi32> -> vector<16xf32>
        %gt3A_1299 = arith.cmpf ogt, %get3A_863, %gather3A_1298 : vector<16xf32>
        %select_n3A_1300 = arith.select %gt3A_1299, %broadcast_in_dim3A_21, %broadcast_in_dim3A_25 : vector<16xi1>, vector<16xi32>
        %add3A_1301 = arith.addi %add3A_1285, %select_n3A_1300 : vector<16xi32>
        %lt3A_1302 = arith.constant 0 : i32
        %lt3A_1303 = vector.broadcast %lt3A_1302 : i32 to vector<16xi32>
        %lt3A_1304 = arith.cmpi slt, %add3A_1301, %lt3A_1303 : vector<16xi32>
        %add3A_1305 = arith.constant 16 : i32
        %add3A_1306 = vector.broadcast %add3A_1305 : i32 to vector<16xi32>
        %add3A_1307 = arith.addi %add3A_1301, %add3A_1306 : vector<16xi32>
        %select_n3A_1308 = arith.select %lt3A_1304, %add3A_1307, %add3A_1301 : vector<16xi1>, vector<16xi32>
        %broadcast_in_dim3A_1309 = vector.shape_cast %select_n3A_1308 : vector<16xi32> to vector<16x1xi32>
        %gather3A_1310 = vector.shape_cast %broadcast_in_dim3A_1309 : vector<16x1xi32> to vector<16xi32>
        %gather3A_1311 = tpu.dynamic_gather %mul3A_901[%gather3A_1310] in [0] : vector<16xf32>, vector<16xi32> -> vector<16xf32>
        %gt3A_1312 = arith.cmpf ogt, %get3A_863, %gather3A_1311 : vector<16xf32>
        %select_n3A_1313 = arith.select %gt3A_1312, %broadcast_in_dim3A_23, %broadcast_in_dim3A_25 : vector<16xi1>, vector<16xi32>
        %add3A_1314 = arith.addi %add3A_1301, %select_n3A_1313 : vector<16xi32>
        %lt3A_1315 = arith.constant 0 : i32
        %lt3A_1316 = vector.broadcast %lt3A_1315 : i32 to vector<16xi32>
        %lt3A_1317 = arith.cmpi slt, %add3A_1314, %lt3A_1316 : vector<16xi32>
        %add3A_1318 = arith.constant 16 : i32
        %add3A_1319 = vector.broadcast %add3A_1318 : i32 to vector<16xi32>
        %add3A_1320 = arith.addi %add3A_1314, %add3A_1319 : vector<16xi32>
        %select_n3A_1321 = arith.select %lt3A_1317, %add3A_1320, %add3A_1314 : vector<16xi1>, vector<16xi32>
        %broadcast_in_dim3A_1322 = vector.shape_cast %select_n3A_1321 : vector<16xi32> to vector<16x1xi32>
        %gather3A_1323 = vector.shape_cast %broadcast_in_dim3A_1322 : vector<16x1xi32> to vector<16xi32>
        %gather3A_1324 = tpu.dynamic_gather %mul3A_902[%gather3A_1323] in [0] : vector<16xf32>, vector<16xi32> -> vector<16xf32>
        %add3A_1325 = arith.constant 80 : i32
        %add3A_1326 = arith.addi %mul3A_839, %add3A_1325 : i32
        %swap3A_1327 = arith.index_cast %add3A_1326 : i32 to index
        %swap3A_1328 = tpu.vector_load %arg9[%swap3A_1327] {strides = array<i32>} : memref<8192xf32, #tpu.memory_space<vmem>>, vector<16xf32>,
        tpu.vector_store %arg9[%swap3A_1327], %gather3A_1324 {strides = array<i32>} : memref<8192xf32, #tpu.memory_space<vmem>>, vector<16xf32>,
        %lt3A_1329 = arith.constant 0 : i32
        %lt3A_1330 = vector.broadcast %lt3A_1329 : i32 to vector<16xi32>
        %lt3A_1331 = arith.cmpi slt, %broadcast_in_dim3A_15, %lt3A_1330 : vector<16xi32>
        %add3A_1332 = arith.constant 16 : i32
        %add3A_1333 = vector.broadcast %add3A_1332 : i32 to vector<16xi32>
        %add3A_1334 = arith.addi %broadcast_in_dim3A_15, %add3A_1333 : vector<16xi32>
        %select_n3A_1335 = arith.select %lt3A_1331, %add3A_1334, %broadcast_in_dim3A_15 : vector<16xi1>, vector<16xi32>
        %broadcast_in_dim3A_1336 = vector.shape_cast %select_n3A_1335 : vector<16xi32> to vector<16x1xi32>
        %gather3A_1337 = vector.shape_cast %broadcast_in_dim3A_1336 : vector<16x1xi32> to vector<16xi32>
        %gather3A_1338 = tpu.dynamic_gather %mul3A_901[%gather3A_1337] in [0] : vector<16xf32>, vector<16xi32> -> vector<16xf32>
        %gt3A_1339 = arith.cmpf ogt, %get3A_867, %gather3A_1338 : vector<16xf32>
        %select_n3A_1340 = arith.select %gt3A_1339, %broadcast_in_dim3A_17, %broadcast_in_dim3A_25 : vector<16xi1>, vector<16xi32>
        %add3A_1341 = arith.constant 3 : i32
        %add3A_1342 = vector.broadcast %add3A_1341 : i32 to vector<16xi32>
        %add3A_1343 = arith.addi %select_n3A_1340, %add3A_1342 : vector<16xi32>
        %lt3A_1344 = arith.constant 0 : i32
        %lt3A_1345 = vector.broadcast %lt3A_1344 : i32 to vector<16xi32>
        %lt3A_1346 = arith.cmpi slt, %add3A_1343, %lt3A_1345 : vector<16xi32>
        %add3A_1347 = arith.constant 16 : i32
        %add3A_1348 = vector.broadcast %add3A_1347 : i32 to vector<16xi32>
        %add3A_1349 = arith.addi %add3A_1343, %add3A_1348 : vector<16xi32>
        %select_n3A_1350 = arith.select %lt3A_1346, %add3A_1349, %add3A_1343 : vector<16xi1>, vector<16xi32>
        %broadcast_in_dim3A_1351 = vector.shape_cast %select_n3A_1350 : vector<16xi32> to vector<16x1xi32>
        %gather3A_1352 = vector.shape_cast %broadcast_in_dim3A_1351 : vector<16x1xi32> to vector<16xi32>
        %gather3A_1353 = tpu.dynamic_gather %mul3A_901[%gather3A_1352] in [0] : vector<16xf32>, vector<16xi32> -> vector<16xf32>
        %gt3A_1354 = arith.cmpf ogt, %get3A_867, %gather3A_1353 : vector<16xf32>
        %select_n3A_1355 = arith.select %gt3A_1354, %broadcast_in_dim3A_19, %broadcast_in_dim3A_25 : vector<16xi1>, vector<16xi32>
        %add3A_1356 = arith.addi %select_n3A_1340, %select_n3A_1355 : vector<16xi32>
        %add3A_1357 = arith.constant 1 : i32
        %add3A_1358 = vector.broadcast %add3A_1357 : i32 to vector<16xi32>
        %add3A_1359 = arith.addi %add3A_1356, %add3A_1358 : vector<16xi32>
        %lt3A_1360 = arith.constant 0 : i32
        %lt3A_1361 = vector.broadcast %lt3A_1360 : i32 to vector<16xi32>
        %lt3A_1362 = arith.cmpi slt, %add3A_1359, %lt3A_1361 : vector<16xi32>
        %add3A_1363 = arith.constant 16 : i32
        %add3A_1364 = vector.broadcast %add3A_1363 : i32 to vector<16xi32>
        %add3A_1365 = arith.addi %add3A_1359, %add3A_1364 : vector<16xi32>
        %select_n3A_1366 = arith.select %lt3A_1362, %add3A_1365, %add3A_1359 : vector<16xi1>, vector<16xi32>
        %broadcast_in_dim3A_1367 = vector.shape_cast %select_n3A_1366 : vector<16xi32> to vector<16x1xi32>
        %gather3A_1368 = vector.shape_cast %broadcast_in_dim3A_1367 : vector<16x1xi32> to vector<16xi32>
        %gather3A_1369 = tpu.dynamic_gather %mul3A_901[%gather3A_1368] in [0] : vector<16xf32>, vector<16xi32> -> vector<16xf32>
        %gt3A_1370 = arith.cmpf ogt, %get3A_867, %gather3A_1369 : vector<16xf32>
        %select_n3A_1371 = arith.select %gt3A_1370, %broadcast_in_dim3A_21, %broadcast_in_dim3A_25 : vector<16xi1>, vector<16xi32>
        %add3A_1372 = arith.addi %add3A_1356, %select_n3A_1371 : vector<16xi32>
        %lt3A_1373 = arith.constant 0 : i32
        %lt3A_1374 = vector.broadcast %lt3A_1373 : i32 to vector<16xi32>
        %lt3A_1375 = arith.cmpi slt, %add3A_1372, %lt3A_1374 : vector<16xi32>
        %add3A_1376 = arith.constant 16 : i32
        %add3A_1377 = vector.broadcast %add3A_1376 : i32 to vector<16xi32>
        %add3A_1378 = arith.addi %add3A_1372, %add3A_1377 : vector<16xi32>
        %select_n3A_1379 = arith.select %lt3A_1375, %add3A_1378, %add3A_1372 : vector<16xi1>, vector<16xi32>
        %broadcast_in_dim3A_1380 = vector.shape_cast %select_n3A_1379 : vector<16xi32> to vector<16x1xi32>
        %gather3A_1381 = vector.shape_cast %broadcast_in_dim3A_1380 : vector<16x1xi32> to vector<16xi32>
        %gather3A_1382 = tpu.dynamic_gather %mul3A_901[%gather3A_1381] in [0] : vector<16xf32>, vector<16xi32> -> vector<16xf32>
        %gt3A_1383 = arith.cmpf ogt, %get3A_867, %gather3A_1382 : vector<16xf32>
        %select_n3A_1384 = arith.select %gt3A_1383, %broadcast_in_dim3A_23, %broadcast_in_dim3A_25 : vector<16xi1>, vector<16xi32>
        %add3A_1385 = arith.addi %add3A_1372, %select_n3A_1384 : vector<16xi32>
        %lt3A_1386 = arith.constant 0 : i32
        %lt3A_1387 = vector.broadcast %lt3A_1386 : i32 to vector<16xi32>
        %lt3A_1388 = arith.cmpi slt, %add3A_1385, %lt3A_1387 : vector<16xi32>
        %add3A_1389 = arith.constant 16 : i32
        %add3A_1390 = vector.broadcast %add3A_1389 : i32 to vector<16xi32>
        %add3A_1391 = arith.addi %add3A_1385, %add3A_1390 : vector<16xi32>
        %select_n3A_1392 = arith.select %lt3A_1388, %add3A_1391, %add3A_1385 : vector<16xi1>, vector<16xi32>
        %broadcast_in_dim3A_1393 = vector.shape_cast %select_n3A_1392 : vector<16xi32> to vector<16x1xi32>
        %gather3A_1394 = vector.shape_cast %broadcast_in_dim3A_1393 : vector<16x1xi32> to vector<16xi32>
        %gather3A_1395 = tpu.dynamic_gather %mul3A_902[%gather3A_1394] in [0] : vector<16xf32>, vector<16xi32> -> vector<16xf32>
        %add3A_1396 = arith.constant 96 : i32
        %add3A_1397 = arith.addi %mul3A_839, %add3A_1396 : i32
        %swap3A_1398 = arith.index_cast %add3A_1397 : i32 to index
        %swap3A_1399 = tpu.vector_load %arg9[%swap3A_1398] {strides = array<i32>} : memref<8192xf32, #tpu.memory_space<vmem>>, vector<16xf32>,
        tpu.vector_store %arg9[%swap3A_1398], %gather3A_1395 {strides = array<i32>} : memref<8192xf32, #tpu.memory_space<vmem>>, vector<16xf32>,
        %lt3A_1400 = arith.constant 0 : i32
        %lt3A_1401 = vector.broadcast %lt3A_1400 : i32 to vector<16xi32>
        %lt3A_1402 = arith.cmpi slt, %broadcast_in_dim3A_15, %lt3A_1401 : vector<16xi32>
        %add3A_1403 = arith.constant 16 : i32
        %add3A_1404 = vector.broadcast %add3A_1403 : i32 to vector<16xi32>
        %add3A_1405 = arith.addi %broadcast_in_dim3A_15, %add3A_1404 : vector<16xi32>
        %select_n3A_1406 = arith.select %lt3A_1402, %add3A_1405, %broadcast_in_dim3A_15 : vector<16xi1>, vector<16xi32>
        %broadcast_in_dim3A_1407 = vector.shape_cast %select_n3A_1406 : vector<16xi32> to vector<16x1xi32>
        %gather3A_1408 = vector.shape_cast %broadcast_in_dim3A_1407 : vector<16x1xi32> to vector<16xi32>
        %gather3A_1409 = tpu.dynamic_gather %mul3A_901[%gather3A_1408] in [0] : vector<16xf32>, vector<16xi32> -> vector<16xf32>
        %gt3A_1410 = arith.cmpf ogt, %get3A_871, %gather3A_1409 : vector<16xf32>
        %select_n3A_1411 = arith.select %gt3A_1410, %broadcast_in_dim3A_17, %broadcast_in_dim3A_25 : vector<16xi1>, vector<16xi32>
        %add3A_1412 = arith.constant 3 : i32
        %add3A_1413 = vector.broadcast %add3A_1412 : i32 to vector<16xi32>
        %add3A_1414 = arith.addi %select_n3A_1411, %add3A_1413 : vector<16xi32>
        %lt3A_1415 = arith.constant 0 : i32
        %lt3A_1416 = vector.broadcast %lt3A_1415 : i32 to vector<16xi32>
        %lt3A_1417 = arith.cmpi slt, %add3A_1414, %lt3A_1416 : vector<16xi32>
        %add3A_1418 = arith.constant 16 : i32
        %add3A_1419 = vector.broadcast %add3A_1418 : i32 to vector<16xi32>
        %add3A_1420 = arith.addi %add3A_1414, %add3A_1419 : vector<16xi32>
        %select_n3A_1421 = arith.select %lt3A_1417, %add3A_1420, %add3A_1414 : vector<16xi1>, vector<16xi32>
        %broadcast_in_dim3A_1422 = vector.shape_cast %select_n3A_1421 : vector<16xi32> to vector<16x1xi32>
        %gather3A_1423 = vector.shape_cast %broadcast_in_dim3A_1422 : vector<16x1xi32> to vector<16xi32>
        %gather3A_1424 = tpu.dynamic_gather %mul3A_901[%gather3A_1423] in [0] : vector<16xf32>, vector<16xi32> -> vector<16xf32>
        %gt3A_1425 = arith.cmpf ogt, %get3A_871, %gather3A_1424 : vector<16xf32>
        %select_n3A_1426 = arith.select %gt3A_1425, %broadcast_in_dim3A_19, %broadcast_in_dim3A_25 : vector<16xi1>, vector<16xi32>
        %add3A_1427 = arith.addi %select_n3A_1411, %select_n3A_1426 : vector<16xi32>
        %add3A_1428 = arith.constant 1 : i32
        %add3A_1429 = vector.broadcast %add3A_1428 : i32 to vector<16xi32>
        %add3A_1430 = arith.addi %add3A_1427, %add3A_1429 : vector<16xi32>
        %lt3A_1431 = arith.constant 0 : i32
        %lt3A_1432 = vector.broadcast %lt3A_1431 : i32 to vector<16xi32>
        %lt3A_1433 = arith.cmpi slt, %add3A_1430, %lt3A_1432 : vector<16xi32>
        %add3A_1434 = arith.constant 16 : i32
        %add3A_1435 = vector.broadcast %add3A_1434 : i32 to vector<16xi32>
        %add3A_1436 = arith.addi %add3A_1430, %add3A_1435 : vector<16xi32>
        %select_n3A_1437 = arith.select %lt3A_1433, %add3A_1436, %add3A_1430 : vector<16xi1>, vector<16xi32>
        %broadcast_in_dim3A_1438 = vector.shape_cast %select_n3A_1437 : vector<16xi32> to vector<16x1xi32>
        %gather3A_1439 = vector.shape_cast %broadcast_in_dim3A_1438 : vector<16x1xi32> to vector<16xi32>
        %gather3A_1440 = tpu.dynamic_gather %mul3A_901[%gather3A_1439] in [0] : vector<16xf32>, vector<16xi32> -> vector<16xf32>
        %gt3A_1441 = arith.cmpf ogt, %get3A_871, %gather3A_1440 : vector<16xf32>
        %select_n3A_1442 = arith.select %gt3A_1441, %broadcast_in_dim3A_21, %broadcast_in_dim3A_25 : vector<16xi1>, vector<16xi32>
        %add3A_1443 = arith.addi %add3A_1427, %select_n3A_1442 : vector<16xi32>
        %lt3A_1444 = arith.constant 0 : i32
        %lt3A_1445 = vector.broadcast %lt3A_1444 : i32 to vector<16xi32>
        %lt3A_1446 = arith.cmpi slt, %add3A_1443, %lt3A_1445 : vector<16xi32>
        %add3A_1447 = arith.constant 16 : i32
        %add3A_1448 = vector.broadcast %add3A_1447 : i32 to vector<16xi32>
        %add3A_1449 = arith.addi %add3A_1443, %add3A_1448 : vector<16xi32>
        %select_n3A_1450 = arith.select %lt3A_1446, %add3A_1449, %add3A_1443 : vector<16xi1>, vector<16xi32>
        %broadcast_in_dim3A_1451 = vector.shape_cast %select_n3A_1450 : vector<16xi32> to vector<16x1xi32>
        %gather3A_1452 = vector.shape_cast %broadcast_in_dim3A_1451 : vector<16x1xi32> to vector<16xi32>
        %gather3A_1453 = tpu.dynamic_gather %mul3A_901[%gather3A_1452] in [0] : vector<16xf32>, vector<16xi32> -> vector<16xf32>
        %gt3A_1454 = arith.cmpf ogt, %get3A_871, %gather3A_1453 : vector<16xf32>
        %select_n3A_1455 = arith.select %gt3A_1454, %broadcast_in_dim3A_23, %broadcast_in_dim3A_25 : vector<16xi1>, vector<16xi32>
        %add3A_1456 = arith.addi %add3A_1443, %select_n3A_1455 : vector<16xi32>
        %lt3A_1457 = arith.constant 0 : i32
        %lt3A_1458 = vector.broadcast %lt3A_1457 : i32 to vector<16xi32>
        %lt3A_1459 = arith.cmpi slt, %add3A_1456, %lt3A_1458 : vector<16xi32>
        %add3A_1460 = arith.constant 16 : i32
        %add3A_1461 = vector.broadcast %add3A_1460 : i32 to vector<16xi32>
        %add3A_1462 = arith.addi %add3A_1456, %add3A_1461 : vector<16xi32>
        %select_n3A_1463 = arith.select %lt3A_1459, %add3A_1462, %add3A_1456 : vector<16xi1>, vector<16xi32>
        %broadcast_in_dim3A_1464 = vector.shape_cast %select_n3A_1463 : vector<16xi32> to vector<16x1xi32>
        %gather3A_1465 = vector.shape_cast %broadcast_in_dim3A_1464 : vector<16x1xi32> to vector<16xi32>
        %gather3A_1466 = tpu.dynamic_gather %mul3A_902[%gather3A_1465] in [0] : vector<16xf32>, vector<16xi32> -> vector<16xf32>
        %add3A_1467 = arith.constant 112 : i32
        %add3A_1468 = arith.addi %mul3A_839, %add3A_1467 : i32
        %swap3A_1469 = arith.index_cast %add3A_1468 : i32 to index
        %swap3A_1470 = tpu.vector_load %arg9[%swap3A_1469] {strides = array<i32>} : memref<8192xf32, #tpu.memory_space<vmem>>, vector<16xf32>,
        tpu.vector_store %arg9[%swap3A_1469], %gather3A_1466 {strides = array<i32>} : memref<8192xf32, #tpu.memory_space<vmem>>, vector<16xf32>,
      }
      %scan3A_186 = arith.constant 32 : i32
      %add3A_187 = arith.constant 2 : i32
      %add3A_188 = arith.addi %add3A_168, %add3A_187 : i32
      %lt3A_189 = arith.constant 16 : i32
      %lt3A_190 = arith.cmpi slt, %add3A_188, %lt3A_189 : i32
      %convert_element_type3A_191 = arith.extui %lt3A_190 : i1 to i32
      %cond3A_192 = arith.constant 0 : i32
      %cond3A_193 = arith.cmpi ne, %convert_element_type3A_191, %cond3A_192 : i32
      scf.if %cond3A_193 {
        %add3A_202 = arith.constant 2 : i32
        %add3A_203 = arith.addi %add3A_168, %add3A_202 : i32
        %mul3A_204 = arith.constant 8192 : i32
        %mul3A_205 = arith.muli %add3A_203, %mul3A_204 : i32
        %add3A_206 = arith.addi %mul3A_99, %mul3A_205 : i32
        %dma_start3A_207 = arith.constant 1 : i32
        %dma_start3A_208 = tpu.memref_slice %arg2[%add3A_206] : memref<4194304xf32, #tpu.memory_space<hbm>> -> memref<8192xf32, #tpu.memory_space<hbm>>
        %dma_start3A_209 = tpu.memref_slice %arg10[%dma_start3A_207] : memref<2x!tpu.dma_semaphore, #tpu.memory_space<semaphore_mem>> -> memref<1x!tpu.dma_semaphore, #tpu.memory_space<semaphore_mem>>
        %dma_start3A_210 = tpu.memref_squeeze %dma_start3A_209 : memref<1x!tpu.dma_semaphore, #tpu.memory_space<semaphore_mem>> -> memref<!tpu.dma_semaphore, #tpu.memory_space<semaphore_mem>>
        %dma_start3A_211 = tpu.memref_slice %arg2[%add3A_206] : memref<4194304xf32, #tpu.memory_space<hbm>> -> memref<8192xf32, #tpu.memory_space<hbm>>
        tpu.enqueue_dma source(%dma_start3A_211 : memref<8192xf32, #tpu.memory_space<hbm>>) target(%arg7 : memref<8192xf32, #tpu.memory_space<vmem>>) target_semaphore(%dma_start3A_210 : memref<!tpu.dma_semaphore, #tpu.memory_space<semaphore_mem>>)
      } else {
      }
      %mul3A_194 = arith.constant 8192 : i32
      %mul3A_195 = arith.muli %add3A_168, %mul3A_194 : i32
      %add3A_196 = arith.addi %mul3A_99, %mul3A_195 : i32
      %dma_start3A_197 = arith.constant 1 : i32
      %dma_start3A_198 = tpu.memref_slice %arg4[%add3A_196] : memref<4194304xf32, #tpu.memory_space<hbm>> -> memref<8192xf32, #tpu.memory_space<hbm>>
      %dma_start3A_199 = tpu.memref_slice %arg11[%dma_start3A_197] : memref<2x!tpu.dma_semaphore, #tpu.memory_space<semaphore_mem>> -> memref<1x!tpu.dma_semaphore, #tpu.memory_space<semaphore_mem>>
      %dma_start3A_200 = tpu.memref_squeeze %dma_start3A_199 : memref<1x!tpu.dma_semaphore, #tpu.memory_space<semaphore_mem>> -> memref<!tpu.dma_semaphore, #tpu.memory_space<semaphore_mem>>
      %dma_start3A_201 = tpu.memref_slice %arg4[%add3A_196] : memref<4194304xf32, #tpu.memory_space<hbm>> -> memref<8192xf32, #tpu.memory_space<hbm>>
      tpu.enqueue_dma source(%arg9 : memref<8192xf32, #tpu.memory_space<vmem>>) target(%dma_start3A_201 : memref<8192xf32, #tpu.memory_space<hbm>>) target_semaphore(%dma_start3A_200 : memref<!tpu.dma_semaphore, #tpu.memory_space<semaphore_mem>>)
    }
    %scan3A_116 = arith.constant 8 : i32
    %add3A_117 = arith.constant 114688 : i32
    %add3A_118 = arith.addi %mul3A_99, %add3A_117 : i32
    %dma_wait3A = arith.constant 0 : i32
    %dma_wait3A_119 = tpu.memref_slice %arg4[%add3A_118] : memref<4194304xf32, #tpu.memory_space<hbm>> -> memref<8192xf32, #tpu.memory_space<hbm>>
    %dma_wait3A_120 = tpu.memref_slice %arg11[%dma_wait3A] : memref<2x!tpu.dma_semaphore, #tpu.memory_space<semaphore_mem>> -> memref<1x!tpu.dma_semaphore, #tpu.memory_space<semaphore_mem>>
    %dma_wait3A_121 = tpu.memref_squeeze %dma_wait3A_120 : memref<1x!tpu.dma_semaphore, #tpu.memory_space<semaphore_mem>> -> memref<!tpu.dma_semaphore, #tpu.memory_space<semaphore_mem>>
    %dma_wait3A_122 = tpu.memref_slice %arg4[%add3A_118] : memref<4194304xf32, #tpu.memory_space<hbm>> -> memref<8192xf32, #tpu.memory_space<hbm>>
    tpu.wait_dma2 semaphore(%dma_wait3A_121 : memref<!tpu.dma_semaphore, #tpu.memory_space<semaphore_mem>>) src(%arg8 : memref<8192xf32, #tpu.memory_space<vmem>>) dst(%dma_wait3A_122 : memref<8192xf32, #tpu.memory_space<hbm>>)
    %add3A_123 = arith.constant 122880 : i32
    %add3A_124 = arith.addi %mul3A_99, %add3A_123 : i32
    %dma_wait3A_125 = arith.constant 1 : i32
    %dma_wait3A_126 = tpu.memref_slice %arg4[%add3A_124] : memref<4194304xf32, #tpu.memory_space<hbm>> -> memref<8192xf32, #tpu.memory_space<hbm>>
    %dma_wait3A_127 = tpu.memref_slice %arg11[%dma_wait3A_125] : memref<2x!tpu.dma_semaphore, #tpu.memory_space<semaphore_mem>> -> memref<1x!tpu.dma_semaphore, #tpu.memory_space<semaphore_mem>>
    %dma_wait3A_128 = tpu.memref_squeeze %dma_wait3A_127 : memref<1x!tpu.dma_semaphore, #tpu.memory_space<semaphore_mem>> -> memref<!tpu.dma_semaphore, #tpu.memory_space<semaphore_mem>>
    %dma_wait3A_129 = tpu.memref_slice %arg4[%add3A_124] : memref<4194304xf32, #tpu.memory_space<hbm>> -> memref<8192xf32, #tpu.memory_space<hbm>>
    tpu.wait_dma2 semaphore(%dma_wait3A_128 : memref<!tpu.dma_semaphore, #tpu.memory_space<semaphore_mem>>) src(%arg9 : memref<8192xf32, #tpu.memory_space<vmem>>) dst(%dma_wait3A_129 : memref<8192xf32, #tpu.memory_space<hbm>>)
    return
  }
}

</mosaic_0001>

<sc_bundles>
// kernel: kernel.3.cloned.1.call-start
scs
__scs_entry_jumppad:
0x0: {  	(pc) =	sbr.rel $0x88, $3  }
0x1: {  	(tag) =	ssettag $0x0;
	lr =	simm.s32 $0x1  }
0x2: {  	[smem:$0x3F9F] =	sst lr;
	_ =	strace $0xD0000000  }
0x3: {  	_ = 	snop  }
0x4: {  	_ = 	snop  }
0x5: {  	_ = 	snop  }
0x6: {  	_ = 	snop  }
0x7: {  	_ = 	snop  }
__scs_overlays_trampoline_lowered:
0x8: {  	[smem:$0x3FAE] =	sst s0  }
0x9: {  	[smem:$0x3FAF] =	sst s1  }
0xa: {  	[smem:$0x3FB0] =	sst s2  }
0xb: {  	[smem:$0x3FB1] =	sst s3  }
0xc: {  	[smem:$0x3FB2] =	sst s4  }
0xd: {  	[smem:$0x3FB3] =	sst s5  }
0xe: {  	[smem:$0x3FB4] =	sst s6  }
0xf: {  	[smem:$0x3FB5] =	sst s7  }
0x10: {  	[smem:$0x3FB6] =	sst s8  }
0x11: {  	[smem:$0x3FB7] =	sst s9;
	s0 =	simm.s32 @!p0 $0x0  }
0x12: {  	s1 =	sld [smem:$0x3F9D];
	s0 =	simm.s32 @p0 $0x1  }
0x13: {  	[smem:$0x3FB8] =	sst s0;
	s0 =	simm.s32 @!p1 $0x0  }
0x14: {  	s2 =	sld [smem:$0x3F9C];
	s0 =	simm.s32 @p1 $0x1  }
0x15: {  	[smem:$0x3FB9] =	sst s0;
	s0 =	simm.s32 @!p2 $0x0  }
0x16: {  	s3 =	sld [smem:$0x3FDB];
	s0 =	simm.s32 @p2 $0x1  }
0x17: {  	s4 =	simm.s32 $0x1BF5;
	[smem:$0x3FBB] =	sst s0  }
0x18: {  	s0 =	sld [smem:$0x3F9E];
	_ =	swait.ge [sflag:s4], $0x0  }
0x19: {  	s7 =	sld [smem:$0x3F9F]  }
0x1a: {  	s8 =	sadd.s32 $0xFFFFE003, lr  }
0x1b: {  	s9 =	sadd.s32 $0xFFFFFEF7, lr;
	s5 =	simm.s32 $0xFFFFFFFF;
	p2 =	slt.u32 s8, $0xFFFFF086  }
0x1c: {  	p1 =	slt.u32 s9, $0xF7A;
	s5 =	simm.s32 @!p2 $0x0  }
0x1d: {  	s5 =	simm.s32 @p1 $0x1;
	p0 =	seq.s32 s7, s2  }
0x1e: {  	s7 =	smul.u32 @!p0 $0xF7A, s2;
	p2 =	seq.s32 @!p0 s5, $0x0  }
0x1f: {  	s9 =	smul.u32 $0xF7A, s1;
	s8 =	simm.s32 @!p0 $0x1BF5;
	p2 =	por !p2, p0  }
0x20: {  	[sflag:s8] =	ssyncset.s32 @!p0 $0xFFFFF086;
	s6 =	sadd.s32 @!p0 s3, s7;
	s7 =	simm.s32 @!p0 $0x108  }
0x21: {  	s3 =	sadd.s32 s3, s9;
	s6 =	sadd.s32 @!p0 $0x88, s6;
	s7 =	simm.s32 @p2 $0x1082  }
0x22: {  	[simem:s7], [sflag:s8] =	dma.local @!p0 [hbm:s6], $0xF7A  }
0x23: {  	s9 =	sor.u32 $0xD0000000, s2;
	s6 =	simm.s32 $0x108;
	_ =	swait.ge @!p0 [sflag:s8], $0x0  }
0x24: {  	s3 =	sadd.s32 $0x88, s3;
	s6 =	simm.s32 @!p1 $0x1082;
	[sflag:s4] =	ssyncset.s32 $0xFFFFF086  }
0x25: {  	[simem:s6], [sflag:s4] =	dma.local [hbm:s3], $0xF7A  }
0x26: {  	[smem:$0x3F9F] =	sst s1;
	(tag) =	ssettag s2;
	_ =	strace s9  }
0x27: {  	s1 =	sld [smem:$0x3FAF]  }
0x28: {  	s2 =	sld [smem:$0x3FB0]  }
0x29: {  	s4 =	sld [smem:$0x3FB2]  }
0x2a: {  	p0 =	seq.s32 s5, $0x0;
	s5 =	sld [smem:$0x3FB3]  }
0x2b: {  	s6 =	sld [smem:$0x3FB4]  }
0x2c: {  	s7 =	sld [smem:$0x3FB5]  }
0x2d: {  	s3 =	simm.s32 $0x108;
	s8 =	sld [smem:$0x3FB6]  }
0x2e: {  	s3 =	simm.s32 @!p0 $0x1082;
	s9 =	sld [smem:$0x3FB7]  }
0x2f: {  	lr =	sadd.s32 s0, s3;
	s0 =	sld [smem:$0x3FAE]  }
0x30: {  	s3 =	sld [smem:$0x3FB1]  }
0x31: {  	[smem:$0x3FBA] =	sst s10  }
0x32: {  	s10 =	sld [smem:$0x3FB8];
	_ =	sdelay $0x3  }
0x33: {  	p0 =	seq.s32 s10, $0x1;
	s10 =	sld [smem:$0x3FBA];
	_ =	sdelay $0x3  }
0x34: {  	[smem:$0x3FBA] =	sst s10  }
0x35: {  	s10 =	sld [smem:$0x3FB9];
	_ =	sdelay $0x3  }
0x36: {  	p1 =	seq.s32 s10, $0x1;
	s10 =	sld [smem:$0x3FBA];
	_ =	sdelay $0x3  }
0x37: {  	[smem:$0x3FBA] =	sst s10  }
0x38: {  	s10 =	sld [smem:$0x3FBB]  }
0x39: {  	_ = 	snop;
	(pc) =	sbr.ind lr, $3  }
0x3a: {  	_ = 	snop  }
0x3b: {  	_ = 	snop  }
0x3c: {  	p2 =	seq.s32 s10, $0x1;
	s10 =	sld [smem:$0x3FBA]  }
0x3d: {  	_ =	shalt  }
0x3e: {  	_ =	shalt  }
0x3f: {  	_ =	shalt  }
0x40: {  	_ =	shalt  }
0x41: {  	_ =	shalt  }
0x42: {  	_ =	shalt  }
0x43: {  	_ =	shalt  }
0x44: {  	_ =	shalt  }
0x45: {  	_ =	shalt  }
0x46: {  	_ =	shalt  }
0x47: {  	_ =	shalt  }
0x48: {  	_ =	shalt  }
0x49: {  	_ =	shalt  }
0x4a: {  	_ =	shalt  }
0x4b: {  	_ =	shalt  }
0x4c: {  	_ =	shalt  }
0x4d: {  	_ =	shalt  }
0x4e: {  	_ =	shalt  }
0x4f: {  	_ =	shalt  }
0x50: {  	_ =	shalt  }
0x51: {  	_ =	shalt  }
0x52: {  	_ =	shalt  }
0x53: {  	_ =	shalt  }
0x54: {  	_ =	shalt  }
0x55: {  	_ =	shalt  }
0x56: {  	_ =	shalt  }
0x57: {  	_ =	shalt  }
0x58: {  	_ =	shalt  }
0x59: {  	_ =	shalt  }
0x5a: {  	_ =	shalt  }
0x5b: {  	_ =	shalt  }
0x5c: {  	_ =	shalt  }
0x5d: {  	_ =	shalt  }
0x5e: {  	_ =	shalt  }
0x5f: {  	_ =	shalt  }
0x60: {  	_ =	shalt  }
0x61: {  	_ =	shalt  }
0x62: {  	_ =	shalt  }
0x63: {  	_ =	shalt  }
0x64: {  	_ =	shalt  }
0x65: {  	_ =	shalt  }
0x66: {  	_ =	shalt  }
0x67: {  	_ =	shalt  }
0x68: {  	_ =	shalt  }
0x69: {  	_ =	shalt  }
0x6a: {  	_ =	shalt  }
0x6b: {  	_ =	shalt  }
0x6c: {  	_ =	shalt  }
0x6d: {  	_ =	shalt  }
0x6e: {  	_ =	shalt  }
0x6f: {  	_ =	shalt  }
0x70: {  	_ =	shalt  }
0x71: {  	_ =	shalt  }
0x72: {  	_ =	shalt  }
0x73: {  	_ =	shalt  }
0x74: {  	_ =	shalt  }
0x75: {  	_ =	shalt  }
0x76: {  	_ =	shalt  }
0x77: {  	_ =	shalt  }
0x78: {  	_ =	shalt  }
0x79: {  	_ =	shalt  }
0x7a: {  	_ =	shalt  }
0x7b: {  	_ =	shalt  }
0x7c: {  	_ =	shalt  }
0x7d: {  	_ =	shalt  }
0x7e: {  	_ =	shalt  }
0x7f: {  	_ =	shalt  }
0x80: {  	_ =	shalt  }
0x81: {  	_ =	shalt  }
0x82: {  	_ =	shalt  }
0x83: {  	_ =	shalt  }
0x84: {  	_ =	shalt  }
0x85: {  	_ =	shalt  }
0x86: {  	_ =	shalt  }
0x87: {  	_ =	shalt  }
.Lfunc_end0:
.L_simem_size_0:
called_computation_lowered:
.L_overlay_start_0:
0x88: {  	s2 =	sld [smem:$0x3FD9]  }
0x89: {  	s3 =	sld [smem:$0x3FFE];
	_ =	sdelay $0x1  }
0x8a: {  	s1 =	srdreg.scid  }
0x8b: {  	s0 =	sand.u32 $0x1, s1  }
0x8c: {  	s17 =	sshll.u32 s0, $0xA;
	s2 =	sadd.s32 s3, s2  }
0x8d: {  	s2 =	sadd.s32 s2, s17  }
0x8e: {  	[smem:$0x3FC6] =	sst s2  }
0x8f: {  	_ = 	snop  }
0x90: {  	s2 =	sld [smem:$0x3FC8]  }
0x91: {  	s18 =	sld [smem:$0x3FD0];
	(tm) =	ssettm $0x1  }
0x92: {  	s4 =	sld [smem:$0x3FFB];
	_ =	sdelay $0x3  }
0x93: {  	_ =	strace s4  }
0x94: {  	s4 =	sld [smem:$0x3FFC];
	_ =	sdelay $0x3  }
0x95: {  	_ =	strace s4  }
0x96: {  	s4 =	sld [smem:$0x3FFD];
	_ =	sdelay $0x3  }
0x97: {  	_ =	strace s4  }
0x98: {  	_ =	strace $0x8FFFFFFF  }
0x99: {  	s19 =	sld [smem:$0x3FDB];
	_ =	sdelay $0x1  }
0x9a: {  	s5 =	simm.s32 $_scs_section_size  }
0x9b: {  	s6 =	simm.s32 $_size__tile_overlayer_lowered;
	s7 =	simm.s32 $_tile_overlayer_lowered  }
0x9c: {  	s22 =	simm.s32 $0x1BFF;
	s21 =	sshll.u32 s7, $0x1;
	s4 =	sadd.s32 s5, s19  }
0x9d: {  	s8 =	simm.s32 $0x0;
	s20 =	sshll.u32 s6, $0x1;
	s6 =	sadd.s32 s21, s4  }
0x9e: {  	[timem:s8], [sflag:s22] =	dma.local [hbm:s6], s20  }
0x9f: {  	_ =	swait.ge [sflag:s22], s20  }
0xa0: {  	s5 =	ssub.s32 $0x0, s20;
	[sflag:s22] =	ssyncset.done $0x0  }
0xa1: {  	[sflag:s22] =	ssyncadd.s32 s5;
	_ =	sdelay $0x1  }
0xa2: {  	s23 =	simm.s32 $0x1B8B  }
0xa3: {  	_ =	swait.ge [sflag:s23], $0x1  }
0xa4: {  	[sflag:s23] =	ssyncset.done $0x0  }
0xa5: {  	s25 =	simm.s32 $0x1B8E;
	s24 =	sld [smem:$0x3FFE];
	[sflag:s23] =	ssyncadd.s32 $0xFFFFFFFF  }
0xa6: {  	s26 =	simm.s32 $execute0_lowered;
	[smem:$0x3FD2] =	sst s25  }
0xa7: {  	s6 =	sshll.u32 s26, $0x1;
	_ =	strace $0x80000046;
	[dreg:$0x1] =	wrdreg $0xFFFFFFFF  }
0xa8: {  	s28 =	simm.s32 $_size_execute0_lowered;
	s4 =	sadd.s32 s4, s6;
	[dreg:$0x0] =	wrdreg $0x0  }
0xa9: {  	s6 =	sshll.u32 s28, $0x1;
	[dreg:$0x2] =	wrdreg s4  }
0xaa: {  	[dreg:$0x3] =	wrdreg s6  }
0xab: {  	[dreg:$0x4] =	wrdreg $0xC0  }
0xac: {  	_ =	task [dreg:s8], $0x5FFFF  }
0xad: {  	[dreg:$0x1] =	wrdreg $0xFFFFFFFF  }
0xae: {  	[dreg:$0x0] =	wrdreg $0x60  }
0xaf: {  	[dreg:$0x2] =	wrdreg s18  }
0xb0: {  	[dreg:$0x3] =	wrdreg s2  }
0xb1: {  	[dreg:$0x4] =	wrdreg s24  }
0xb2: {  	[dreg:$0x5] =	wrdreg $0x9  }
0xb3: {  	_ =	task.clear_ibuf [dreg:s8], $0x6FFFF;
	_ =	strace $0x90000046  }
0xb4: {  	s29 =	simm.s32 $0x9;
	_ =	strace $0x80000048  }
0xb5: {  	_ =	swait.ge [sflag:s29], $0x1  }
0xb6: {  	[sflag:s29] =	ssyncadd.s32 $0xFFFFFFFF  }
0xb7: {  	_ =	strace $0x90000048  }
0xb8: {  	_ =	sfence  }
0xb9: {  	s30 =	sld [smem:$0x0];
	_ =	sdelay $0x2  }
0xba: {  	s31 =	sshll.u32 s1, $0xD;
	s1 =	sshrl.u32 s1, $0x2  }
0xbb: {  	s3 =	sand.u32 $0x4000, s31;
	s1 =	sadd.s32 s1, s30  }
0xbc: {  	s0 =	sor.u32 s3, s0;
	s1 =	sshll.u32 s1, $0x11  }
0xbd: {  	s0 =	sor.u32 s1, s0  }
0xbe: {  	s0 =	sadd.s32 $0x8F2B, s0  }
0xbf: {  	[sflag:s0] =	ssyncadd.remote.s32 $0x1  }
0xc0: {  	_ =	sfence.sel $0xFFFF  }
0xc1: {  	[dreg:$0x0] =	wrdreg $0xFFFFFFFF;
	(pc) =	sbr.abs _section_cstart, $3  }
0xc2: {  	[dreg:$0x1] =	wrdreg $0xFFFFFFFF  }
0xc3: {  	_ =	task.clear_ibuf [dreg:s8], $0x2FFFF;
	_ =	strace $0x9FFFFFFF  }
0xc4: {  	(tm) =	ssettm $0x7FFFFFFF  }
0xc5: {  	_ =	shalt  }
tec
execute0_lowered:
.L_overlay_start_1:
0x0: {  	(tag) =	ssettag $0x1  }
0x1: {  	s1 =	rddreg [dreg:$0x0]  }
0x2: {  	s3 =	rddreg [dreg:$0x1]  }
0x3: {  	s6 =	rddreg [dreg:$0x2];
	s4 =	srdreg.scid  }
0x4: {  	s0 =	rddreg [dreg:$0x3];
	s2 =	stileid.u32  }
0x5: {  	s12 =	simm.s32 $0x5;
	s13 =	simm.s32 $0x80;
	s14 =	simm.s32 $0x2080  }
0x6: {  	s15 =	simm.s32 $0x1;
	s16 =	simm.s32 $0x4080;
	s17 =	simm.s32 $0x2  }
0x7: {  	s18 =	simm.s32 $0x6080;
	s19 =	simm.s32 $0x3;
	s20 =	simm.s32 $0x4  }
0x8: {  	v0 =	vimm.s32 $0xFFEDCBA9;
	v1 =	vimm.s32 $0x87654321;
	s21 =	simm.s32 $0x0;
	s7 =	sand.u32 $0x1, s4;
	s4 =	simm.s32 $0x0  }
0x9: {  	s5 =	sshll.u32 s2, $0x12;
	s6 =	sadd.s32 $0x400, s6;
	v0 =	vunpack.c.l.s4.s8 v0;
	v1 =	vunpack.c.l.s4.s8 v1;
	s8 =	sshll.u32 s7, $0x11  }
0xa: {  	[smem:$0x7FF] =	sst s4;
	s30 =	ssub.s32 $0x2, s7;
	s5 =	sor.u32 s8, s5  }
0xb: {  	_ =	strace $0x80000047;
	s9 =	sshrl.u32 s30, $0x1;
	v0 =	vunpack.c.0.s8.s32 v0;
	v1 =	vunpack.c.0.s8.s32 v1;
	s31 =	sshrl.u32 s5, $0x3  }
0xc: {  	s11 =	ssub.s32 s30, s9;
	s9 =	sor.u32 $0x4000, s5;
	s7 =	sadd.s32 s1, s31  }
0xd: {  	v2 =	vimm.s32 $0x0;
	s10 =	sor.u32 $0x6000, s5;
	s11 =	smax.u32 s11, $0x1;
	v0 =	vcombine.low v1, v0;
	v1 =	vimm.s32 $0x7;
	s8 =	sadd.s32 $0x400, s7  }
.LBB2_1:
0xe: {  	[tilespmem:s4], [sflag:$0x5] =	stream.linear.gather [hbm4b:s3+s4], $0x80, $0x38;
	[tilespmem:$0x8080] =	vst v63  }
0xf: {  	_ =	swait.ge [sflag:s12], $0x80  }
0x10: {  	[sflag:s12] =	ssyncset.done $0x0  }
0x11: {  	[sflag:s12] =	ssyncadd.s32 $0xFFFFFF80  }
0x12: {  	v4 =	vld [tilespmem:$0x0];
	_ =	sdelay $0x4  }
0x13: {  	v3 =	vperm.xlane v4, v0;
	_ =	sdelay $0x1  }
0x14: {  	v3 =	vadd.f32 v3, v4;
	_ =	sdelay $0x1  }
0x15: {  	v3 =	vmul.f32 $5.000000000e-01, v3;
	_ =	sdelay $0x1  }
0x16: {  	v5 =	vperm.xlane v3, v1;
	_ =	sdelay $0x1  }
0x17: {  	vm0 =	vlt.f32 v5, $8.000000000e+00  }
0x18: {  	v5 =	vsel vm0, $0x8, v2  }
0x19: {  	v6 =	vor.u32 $0x3, v5  }
0x1a: {  	v6 =	vperm.xlane v3, v6;
	_ =	sdelay $0x1  }
0x1b: {  	vm13 =	vlt.f32 v6, $8.000000000e+00  }
0x1c: {  	v6 =	vsel vm13, $0x4, v2  }
0x1d: {  	v5 =	vor.u32 v5, v6  }
0x1e: {  	v6 =	vor.u32 $0x1, v5  }
0x1f: {  	v6 =	vperm.xlane v3, v6;
	_ =	sdelay $0x1  }
0x20: {  	vm14 =	vlt.f32 v6, $8.000000000e+00  }
0x21: {  	v6 =	vsel vm14, $0x2, v2  }
0x22: {  	v5 =	vor.u32 v6, v5  }
0x23: {  	v6 =	vperm.xlane v3, v5;
	_ =	sdelay $0x1  }
0x24: {  	vm15 =	vlt.f32 v6, $8.000000000e+00  }
0x25: {  	v6 =	vsel vm15, $0x1, v2  }
0x26: {  	v5 =	vor.u32 v6, v5  }
0x27: {  	v5 =	vperm.xlane v4, v5  }
0x28: {  	[tilespmem:s13], [sflag:$0x1] =	stream.linear.gather [hbm4b:s7+s4], $0x2000, $0x38;
	[tilespmem:$0x8080] =	vst v63  }
0x29: {  	s22 =	simm.s32 $0x0;
	v4 =	vsub.f32 v4, v5  }
0x2a: {  	[tilespmem:s14], [sflag:$0x2] =	stream.linear.gather [hbm4b:s8+s4], $0x2000, $0x38;
	v3 =	vsub.f32 v3, v5;
	[tilespmem:$0x8080] =	vst v63  }
.LBB2_2:
0x2b: {  	_ =	swait.ge [sflag:s15], $0x2000  }
0x2c: {  	p1 =	seq.s32 s22, $0x0;
	[sflag:s15] =	ssyncset.done $0x0  }
0x2d: {  	s23 =	simm.s32 @!p1 $0x3;
	[sflag:s15] =	ssyncadd.s32 $0xFFFFE000  }
0x2e: {  	_ =	swait.ge @!p1 [sflag:s23], $0x2000  }
0x2f: {  	[sflag:s23] =	ssyncset.done @!p1 $0x0  }
0x30: {  	s24 =	simm.s32 $0x0;
	[sflag:s23] =	ssyncadd.s32 @!p1 $0xFFFFE000  }
0x31: {  	v5 =	vld [tilespmem:s24+$0x100]  }
0x32: {  	v6 =	vld [tilespmem:s24+$0x110]  }
0x33: {  	v10 =	vld [tilespmem:s24+$0x120]  }
0x34: {  	v11 =	vld [tilespmem:s24+$0x130]  }
0x35: {  	v7 =	vld [tilespmem:s24+$0x140]  }
0x36: {  	v8 =	vld [tilespmem:s24+$0x150]  }
0x37: {  	v9 =	vld [tilespmem:s24+$0x160]  }
0x38: {  	v12 =	vld [tilespmem:s24+$0x170]  }
0x39: {  	v20 =	vld [tilespmem:s24+$0x80]  }
0x3a: {  	v16 =	vld [tilespmem:s24+$0x90]  }
0x3b: {  	v14 =	vld [tilespmem:s24+$0xA0];
	v13 =	vand.u32 $0x7FFFFFFF, v5;
	v18 =	vand.u32 $0x7FFFFFFF, v6;
	v21 =	vand.u32 $0x7FFFFFFF, v10  }
0x3c: {  	v15 =	vld [tilespmem:s24+$0xB0];
	v22 =	vand.u32 $0x7FFFFFFF, v11;
	v23 =	vand.u32 $0x7FFFFFFF, v7;
	v24 =	vand.u32 $0x7FFFFFFF, v8  }
0x3d: {  	v17 =	vld [tilespmem:s24+$0xC0];
	v25 =	vand.u32 $0x7FFFFFFF, v9;
	v26 =	vand.u32 $0x7FFFFFFF, v12;
	v13 =	vmax.f32 v13, v18  }
0x3e: {  	v19 =	vld [tilespmem:s24+$0xD0];
	v21 =	vmax.f32 v21, v22;
	v22 =	vmax.f32 v23, v24;
	v23 =	vmax.f32 v25, v26  }
0x3f: {  	v18 =	vld [tilespmem:s24+$0xE0];
	v13 =	vmax.f32 v13, v21;
	v22 =	vmax.f32 v22, v23  }
0x40: {  	v21 =	vld [tilespmem:s24+$0xF0];
	v13 =	vmax.f32 v13, v22  }
0x41: {  	(xrf0) =	vmax.scan.msk.f32 $0xffff, v13  }
0x42: {  	v24 =	vand.u32 $0x7FFFFFFF, v15  }
0x43: {  	v23 =	vand.u32 $0x7FFFFFFF, v14;
	v22 =	vand.u32 $0x7FFFFFFF, v16;
	v13 =	vand.u32 $0x7FFFFFFF, v20  }
0x44: {  	v25 =	vand.u32 $0x7FFFFFFF, v19;
	v23 =	vmax.f32 v23, v24;
	v13 =	vmax.f32 v13, v22  }
0x45: {  	v22 =	vand.u32 $0x7FFFFFFF, v17;
	v26 =	vand.u32 $0x7FFFFFFF, v18;
	v27 =	vand.u32 $0x7FFFFFFF, v21  }
0x46: {  	v22 =	vmax.f32 v22, v25;
	v24 =	vmax.f32 v26, v27  }
0x47: {  	v13 =	vmax.f32 v13, v23;
	v22 =	vmax.f32 v22, v24;
	v23, _, _ =	vpop (xrf0)  }
0x48: {  	v13 =	vmax.f32 v13, v22;
	v22 =	vbroadcast v23, $0xF  }
0x49: {  	(xrf0) =	vmax.scan.msk.f32 $0xffff, v13  }
0x4a: {  	v13 =	vmul.f32 $1.333333400e-01, v22  }
0x4b: {  	vm0 =	veq.f32 v22, $0.0e+00  }
0x4c: {  	v23 =	vsel vm0, $0x3E088889, v13  }
0x4d: {  	v22 =	vmul.f32 v23, v3;
	_ =	sdelay $0x1  }
0x4e: {  	v13, _, _ =	vpop (xrf0);
	v25 =	vperm.xlane v22, v1  }
0x4f: {  	v13 =	vbroadcast v13, $0xF  }
0x50: {  	vm2 =	vgt.f32 v5, v25;
	vm3 =	vgt.f32 v6, v25  }
0x51: {  	vm10 =	vgt.f32 v12, v25;
	vm1 =	veq.f32 v13, $0.0e+00;
	v13 =	vmul.f32 $1.333333400e-01, v13  }
0x52: {  	vm4 =	vgt.f32 v10, v25;
	vm5 =	vgt.f32 v11, v25;
	vm6 =	vgt.f32 v7, v25  }
0x53: {  	vm0 =	vgt.f32 v8, v25;
	v26 =	vsel vm10, $0x8, v2;
	v28 =	vsel vm3, $0x8, v2  }
0x54: {  	v29 =	vsel vm4, $0x8, v2;
	v31 =	vsel vm5, $0x8, v2;
	v32 =	vsel vm6, $0x8, v2  }
0x55: {  	v40 =	vsel vm0, $0x8, v2;
	v24 =	vor.u32 $0x3, v26;
	v13 =	vsel vm1, $0x3E088889, v13  }
0x56: {  	vm1 =	vgt.f32 v9, v25;
	v25 =	vsel vm2, $0x8, v2;
	v49 =	vor.u32 $0x3, v28  }
0x57: {  	v50 =	vor.u32 $0x3, v29;
	v51 =	vor.u32 $0x3, v31;
	v52 =	vor.u32 $0x3, v32  }
0x58: {  	v57 =	vor.u32 $0x3, v40;
	v27 =	vperm.xlane v22, v24;
	v24 =	vmul.f32 v13, v3  }
0x59: {  	v41 =	vsel vm1, $0x8, v2;
	v61 =	vperm.xlane v22, v49;
	v62 =	vperm.xlane v22, v50  }
0x5a: {  	v48 =	vor.u32 $0x3, v25;
	v63 =	vperm.xlane v22, v51;
	v54 =	vperm.xlane v22, v52  }
0x5b: {  	v58 =	vor.u32 $0x3, v41;
	v60 =	vperm.xlane v22, v48;
	vm11 =	vgt.f32 v12, v27  }
0x5c: {  	v27 =	vperm.xlane v24, v1;
	v55 =	vperm.xlane v22, v58;
	v30 =	vsel vm11, $0x4, v2  }
0x5d: {  	vm10 =	vgt.f32 v11, v63;
	vm11 =	vgt.f32 v7, v54;
	v26 =	vor.u32 v26, v30  }
0x5e: {  	vm12 =	vgt.f32 v20, v27;
	vm3 =	vgt.f32 v16, v27;
	vm13 =	vgt.f32 v14, v27  }
0x5f: {  	vm14 =	vgt.f32 v15, v27;
	vm15 =	vgt.f32 v17, v27;
	vm7 =	vgt.f32 v19, v27  }
0x60: {  	vm8 =	vgt.f32 v18, v27;
	v30 =	vor.u32 $0x1, v26;
	v33 =	vsel vm12, $0x8, v2  }
0x61: {  	vm12 =	vgt.f32 v21, v27;
	v27 =	vsel vm3, $0x8, v2;
	v35 =	vsel vm14, $0x8, v2  }
0x62: {  	v36 =	vsel vm15, $0x8, v2;
	v37 =	vsel vm8, $0x8, v2;
	vm8 =	vgt.f32 v6, v61  }
0x63: {  	v61 =	vsel vm11, $0x4, v2;
	v30 =	vperm.xlane v22, v30;
	v39 =	vsel vm12, $0x8, v2  }
0x64: {  	v42 =	vor.u32 $0x3, v33;
	v43 =	vor.u32 $0x3, v27;
	v45 =	vor.u32 $0x3, v35  }
0x65: {  	v46 =	vor.u32 $0x3, v36;
	v47 =	vor.u32 $0x3, v37;
	v42 =	vperm.xlane v24, v42  }
0x66: {  	v58 =	vsel vm8, $0x4, v2;
	v43 =	vperm.xlane v24, v43;
	v45 =	vperm.xlane v24, v45  }
0x67: {  	v46 =	vperm.xlane v24, v46;
	v59 =	vperm.xlane v24, v47;
	vm9 =	vgt.f32 v12, v30  }
0x68: {  	v28 =	vor.u32 v28, v58;
	v30 =	vsel vm13, $0x8, v2;
	v34 =	vsel vm9, $0x2, v2  }
0x69: {  	v44 =	vor.u32 $0x3, v30;
	vm14 =	vgt.f32 v20, v42;
	vm0 =	vgt.f32 v16, v43  }
0x6a: {  	vm2 =	vgt.f32 v15, v45;
	vm3 =	vgt.f32 v17, v46;
	vm5 =	vgt.f32 v18, v59  }
0x6b: {  	vm9 =	vgt.f32 v10, v62;
	v46 =	vor.u32 v32, v61;
	v26 =	vor.u32 v34, v26  }
0x6c: {  	v34 =	vsel vm7, $0x8, v2;
	v53 =	vsel vm14, $0x4, v2;
	v44 =	vperm.xlane v24, v44  }
0x6d: {  	vm7 =	vgt.f32 v5, v60;
	v42 =	vsel vm2, $0x4, v2;
	v38 =	vperm.xlane v22, v26  }
0x6e: {  	v43 =	vsel vm3, $0x4, v2;
	v45 =	vsel vm5, $0x4, v2;
	v59 =	vsel vm9, $0x4, v2  }
0x6f: {  	v60 =	vsel vm10, $0x4, v2;
	v33 =	vor.u32 v33, v53;
	vm13 =	vgt.f32 v12, v38  }
0x70: {  	v12 =	vmul.f32 v23, v4;
	v23 =	vsel vm13, $0x1, v2;
	vm13 =	vgt.f32 v9, v55  }
0x71: {  	v23 =	vor.u32 v23, v26;
	v26 =	vor.u32 $0x3, v34;
	v63 =	vsel vm13, $0x4, v2  }
0x72: {  	v38 =	vperm.xlane v12, v23;
	v23 =	vor.u32 $0x3, v39;
	v26 =	vperm.xlane v24, v26  }
0x73: {  	vm1 =	vgt.f32 v14, v44;
	v41 =	vor.u32 v41, v63;
	v23 =	vperm.xlane v24, v23  }
0x74: {  	v54 =	vor.u32 $0x1, v41;
	vm4 =	vgt.f32 v19, v26;
	v26 =	vperm.xlane v22, v57  }
0x75: {  	v57 =	vsel vm7, $0x4, v2;
	vm6 =	vgt.f32 v21, v23;
	v23 =	vsel vm0, $0x4, v2  }
0x76: {  	v44 =	vsel vm4, $0x4, v2;
	v25 =	vor.u32 v25, v57;
	vm12 =	vgt.f32 v8, v26  }
0x77: {  	v26 =	vsel vm1, $0x4, v2;
	v56 =	vsel vm6, $0x4, v2;
	v23 =	vor.u32 v27, v23  }
0x78: {  	v27 =	vor.u32 v35, v42;
	v34 =	vor.u32 v34, v44;
	v42 =	vor.u32 v37, v45  }
0x79: {  	v44 =	vor.u32 v29, v59;
	v45 =	vor.u32 v31, v60;
	v29 =	vor.u32 $0x1, v33  }
0x7a: {  	v58 =	vor.u32 $0x1, v25;
	v59 =	vor.u32 $0x1, v28;
	v62 =	vsel vm12, $0x4, v2  }
0x7b: {  	v26 =	vor.u32 v30, v26;
	v30 =	vor.u32 v36, v43;
	v43 =	vor.u32 v39, v56  }
0x7c: {  	v31 =	vor.u32 $0x1, v23;
	v35 =	vor.u32 $0x1, v27;
	v37 =	vor.u32 $0x1, v34  }
0x7d: {  	v56 =	vor.u32 $0x1, v42;
	v29 =	vperm.xlane v24, v29;
	v60 =	vor.u32 $0x1, v44  }
0x7e: {  	v61 =	vor.u32 $0x1, v45;
	v55 =	vperm.xlane v22, v58;
	v40 =	vor.u32 v40, v62  }
0x7f: {  	v32 =	vor.u32 $0x1, v26;
	v36 =	vor.u32 $0x1, v30;
	v63 =	vperm.xlane v24, v31  }
0x80: {  	v57 =	vor.u32 $0x1, v43;
	v35 =	vperm.xlane v24, v35;
	v37 =	vperm.xlane v24, v37  }
0x81: {  	v62 =	vor.u32 $0x1, v46;
	v39 =	vperm.xlane v24, v56;
	v56 =	vperm.xlane v22, v59  }
0x82: {  	v58 =	vperm.xlane v22, v61;
	vm15 =	vgt.f32 v20, v29;
	v32 =	vperm.xlane v24, v32  }
0x83: {  	v29 =	vor.u32 $0x1, v40;
	v36 =	vperm.xlane v24, v36;
	v47 =	vperm.xlane v24, v57  }
0x84: {  	v57 =	vperm.xlane v22, v60;
	v59 =	vperm.xlane v22, v62;
	vm7 =	vgt.f32 v5, v55  }
0x85: {  	v31 =	vsel vm15, $0x2, v2;
	vm0 =	vgt.f32 v16, v63;
	vm2 =	vgt.f32 v15, v35  }
0x86: {  	v29 =	vperm.xlane v22, v29;
	vm4 =	vgt.f32 v19, v37;
	vm5 =	vgt.f32 v18, v39  }
0x87: {  	vm8 =	vgt.f32 v6, v56;
	vm10 =	vgt.f32 v11, v58;
	v60 =	vsel vm7, $0x2, v2  }
0x88: {  	v31 =	vor.u32 v31, v33;
	vm1 =	vgt.f32 v14, v32;
	vm3 =	vgt.f32 v17, v36  }
0x89: {  	v33 =	vperm.xlane v22, v54;
	vm6 =	vgt.f32 v21, v47;
	vm9 =	vgt.f32 v10, v57  }
0x8a: {  	vm11 =	vgt.f32 v7, v59;
	v47 =	vsel vm4, $0x2, v2;
	v48 =	vsel vm5, $0x2, v2  }
0x8b: {  	v61 =	vsel vm8, $0x2, v2;
	v63 =	vsel vm10, $0x2, v2;
	vm12 =	vgt.f32 v8, v29  }
0x8c: {  	v29 =	vsel vm0, $0x2, v2;
	v32 =	vsel vm1, $0x2, v2;
	v36 =	vsel vm3, $0x2, v2  }
0x8d: {  	v49 =	vsel vm6, $0x2, v2;
	v62 =	vsel vm9, $0x2, v2;
	v54 =	vsel vm11, $0x2, v2  }
0x8e: {  	v58 =	vperm.xlane v24, v31;
	vm13 =	vgt.f32 v9, v33;
	v33 =	vsel vm2, $0x2, v2  }
0x8f: {  	v55 =	vsel vm12, $0x2, v2;
	v39 =	vor.u32 v29, v23;
	v37 =	vor.u32 v32, v26  }
0x90: {  	v36 =	vor.u32 v36, v30;
	v32 =	vor.u32 v47, v34;
	v34 =	vor.u32 v49, v43  }
0x91: {  	v30 =	vor.u32 v60, v25;
	v29 =	vor.u32 v61, v28;
	v28 =	vor.u32 v62, v44  }
0x92: {  	v25 =	vor.u32 v54, v46;
	v56 =	vsel vm13, $0x2, v2;
	v35 =	vor.u32 v33, v27  }
0x93: {  	v33 =	vor.u32 v48, v42;
	v27 =	vor.u32 v63, v45;
	v26 =	vor.u32 v55, v40  }
0x94: {  	v59 =	vperm.xlane v24, v39;
	v60 =	vperm.xlane v24, v37;
	vm0 =	vgt.f32 v20, v58  }
0x95: {  	v61 =	vperm.xlane v24, v36;
	v63 =	vperm.xlane v22, v25;
	v23 =	vor.u32 v56, v41  }
0x96: {  	v20 =	vperm.xlane v24, v35;
	v62 =	vperm.xlane v24, v33;
	vm1 =	vgt.f32 v16, v59  }
0x97: {  	v16 =	vperm.xlane v24, v32;
	vm2 =	vgt.f32 v14, v60;
	v14 =	vperm.xlane v24, v34  }
0x98: {  	v24 =	vperm.xlane v22, v30;
	vm4 =	vgt.f32 v17, v61;
	v17 =	vperm.xlane v22, v27  }
0x99: {  	vm12 =	vgt.f32 v7, v63;
	vm3 =	vgt.f32 v15, v20;
	v15 =	vperm.xlane v22, v29  }
0x9a: {  	v20 =	vperm.xlane v22, v28;
	vm6 =	vgt.f32 v18, v62;
	v48 =	vsel vm4, $0x1, v2  }
0x9b: {  	s26 =	simm.s32 $0x100;
	[tilespmem:s24+$0x4170] =	vst v38;
	vm5 =	vgt.f32 v19, v16;
	v16 =	vperm.xlane v22, v26;
	v19 =	vperm.xlane v22, v23  }
0x9c: {  	v7 =	vld [tilespmem:s26+$0x120];
	vm7 =	vgt.f32 v21, v14;
	vm8 =	vgt.f32 v5, v24;
	vm11 =	vgt.f32 v11, v17  }
0x9d: {  	v5 =	vld [tilespmem:s26+$0x100];
	v14 =	vsel vm0, $0x1, v2;
	v17 =	vsel vm2, $0x1, v2;
	v46 =	vsel vm6, $0x1, v2  }
0x9e: {  	v11 =	vld [tilespmem:s26+$0x160];
	v24 =	vsel vm12, $0x1, v2;
	vm9 =	vgt.f32 v6, v15;
	vm10 =	vgt.f32 v10, v20  }
0x9f: {  	v6 =	vld [tilespmem:s26+$0x110];
	v15 =	vsel vm1, $0x1, v2;
	v20 =	vsel vm3, $0x1, v2;
	v21 =	vsel vm5, $0x1, v2  }
0xa0: {  	v47 =	vsel vm7, $0x1, v2;
	v45 =	vsel vm8, $0x1, v2;
	v10 =	vld [tilespmem:s26+$0x150];
	v41 =	vsel vm11, $0x1, v2  }
0xa1: {  	s23 =	sshll.u32 s22, $0xE;
	vm13 =	vgt.f32 v8, v16;
	vm14 =	vgt.f32 v9, v19;
	v8 =	vld [tilespmem:s26+$0x130];
	v44 =	vsel vm9, $0x1, v2  }
0xa2: {  	s28 =	simm.s32 $0x800;
	s25 =	sor.u32 s5, s23;
	v9 =	vld [tilespmem:s26+$0x140];
	v42 =	vsel vm10, $0x1, v2;
	v22 =	vsel vm13, $0x1, v2;
	v40 =	vsel vm14, $0x1, v2  }
.LBB2_3:
0xa3: {  	p0 =	sne.s32 s28, $0x7C00;
	v38 =	vld [tilespmem:s26+$0x170];
	v13 =	vmul.f32 v13, v4;
	v31 =	vor.u32 v14, v31;
	v39 =	vor.u32 v15, v39  }
0xa4: {  	v37 =	vor.u32 v17, v37;
	v35 =	vor.u32 v20, v35;
	v36 =	vor.u32 v48, v36;
	v14 =	vld [tilespmem:s26+$0x80]  }
0xa5: {  	v32 =	vor.u32 v21, v32;
	v33 =	vor.u32 v46, v33;
	v34 =	vor.u32 v47, v34;
	v15 =	vld [tilespmem:s26+$0x90]  }
0xa6: {  	v19 =	vand.u32 $0x7FFFFFFF, v5;
	v20 =	vand.u32 $0x7FFFFFFF, v6;
	v21 =	vand.u32 $0x7FFFFFFF, v7;
	v16 =	vld [tilespmem:s26+$0xA0]  }
0xa7: {  	v43 =	vand.u32 $0x7FFFFFFF, v8;
	v46 =	vand.u32 $0x7FFFFFFF, v9;
	v47 =	vand.u32 $0x7FFFFFFF, v10;
	v17 =	vld [tilespmem:s26+$0xB0]  }
0xa8: {  	v50 =	vmax.f32 v19, v20;
	v48 =	vand.u32 $0x7FFFFFFF, v11;
	v18 =	vld [tilespmem:s26+$0xC0];
	v49 =	vand.u32 $0x7FFFFFFF, v38  }
0xa9: {  	v21 =	vmax.f32 v21, v43;
	v43 =	vmax.f32 v46, v47;
	v19 =	vld [tilespmem:s26+$0xD0];
	v46 =	vmax.f32 v48, v49  }
0xaa: {  	v47 =	vand.u32 $0x7FFFFFFF, v14;
	v48 =	vmax.f32 v50, v21;
	v20 =	vld [tilespmem:s26+$0xE0];
	v43 =	vmax.f32 v43, v46  }
0xab: {  	v46 =	vand.u32 $0x7FFFFFFF, v15;
	v21 =	vld [tilespmem:s26+$0xF0];
	v49 =	vand.u32 $0x7FFFFFFF, v16;
	v43 =	vmax.f32 v48, v43  }
0xac: {  	v30 =	vor.u32 v45, v30;
	v46 =	vmax.f32 v47, v46;
	v48 =	vand.u32 $0x7FFFFFFF, v17;
	(xrf0) =	vmax.scan.msk.f32 $0xffff, v43  }
0xad: {  	v29 =	vor.u32 v44, v29;
	v43 =	vand.u32 $0x7FFFFFFF, v18;
	v45 =	vmax.f32 v49, v48  }
0xae: {  	v28 =	vor.u32 v42, v28;
	v44 =	vand.u32 $0x7FFFFFFF, v19;
	v45 =	vmax.f32 v46, v45  }
0xaf: {  	v27 =	vor.u32 v41, v27;
	v42 =	vand.u32 $0x7FFFFFFF, v20;
	v43 =	vmax.f32 v43, v44  }
0xb0: {  	v24 =	vor.u32 v24, v25;
	v25 =	vor.u32 v22, v26;
	v41 =	vand.u32 $0x7FFFFFFF, v21  }
0xb1: {  	v23 =	vor.u32 v40, v23;
	v26 =	vperm.xlane v13, v31;
	v22 =	vmax.f32 v42, v41  }
0xb2: {  	v39 =	vperm.xlane v13, v39;
	v37 =	vperm.xlane v13, v37;
	v22 =	vmax.f32 v43, v22;
	v31, _, _ =	vpop (xrf0)  }
0xb3: {  	v22 =	vmax.f32 v45, v22;
	v31 =	vbroadcast v31, $0xF;
	[tilespmem:s24+$0x4080] =	vst v26;
	v26 =	vperm.xlane v13, v35  }
0xb4: {  	v32 =	vperm.xlane v13, v32;
	(xrf0) =	vmax.scan.msk.f32 $0xffff, v22;
	[tilespmem:s24+$0x4090] =	vst v39;
	v22 =	vperm.xlane v13, v36  }
0xb5: {  	v33 =	vperm.xlane v13, v33;
	v35 =	vmul.f32 $1.333333400e-01, v31;
	[tilespmem:s24+$0x40A0] =	vst v37  }
0xb6: {  	v13 =	vperm.xlane v13, v34;
	vm0 =	veq.f32 v31, $0.0e+00;
	[tilespmem:s24+$0x40B0] =	vst v26;
	v26 =	vperm.xlane v12, v30  }
0xb7: {  	v29 =	vperm.xlane v12, v29;
	v28 =	vperm.xlane v12, v28;
	v30 =	vsel vm0, $0x3E088889, v35;
	[tilespmem:s24+$0x40C0] =	vst v22  }
0xb8: {  	v27 =	vperm.xlane v12, v27;
	v22 =	vmul.f32 v30, v3;
	[tilespmem:s24+$0x40D0] =	vst v32  }
0xb9: {  	v24 =	vperm.xlane v12, v24;
	v25 =	vperm.xlane v12, v25;
	[tilespmem:s24+$0x40E0] =	vst v33  }
0xba: {  	v12 =	vperm.xlane v12, v23;
	v31 =	vperm.xlane v22, v1;
	v32, _, _ =	vpop (xrf0);
	[tilespmem:s24+$0x40F0] =	vst v13  }
0xbb: {  	v13 =	vbroadcast v32, $0xF;
	[tilespmem:s24+$0x4100] =	vst v26  }
0xbc: {  	vm2 =	vgt.f32 v5, v31;
	vm3 =	vgt.f32 v6, v31;
	vm0 =	vgt.f32 v38, v31;
	[tilespmem:s24+$0x4110] =	vst v29  }
0xbd: {  	vm1 =	veq.f32 v13, $0.0e+00;
	v13 =	vmul.f32 $1.333333400e-01, v13;
	v29 =	vsel vm0, $0x8, v2;
	[tilespmem:s24+$0x4120] =	vst v28  }
0xbe: {  	vm4 =	vgt.f32 v7, v31;
	vm5 =	vgt.f32 v8, v31;
	v23 =	vor.u32 $0x3, v29;
	[tilespmem:s24+$0x4130] =	vst v27  }
0xbf: {  	vm6 =	vgt.f32 v9, v31;
	v13 =	vsel vm1, $0x3E088889, v13;
	v26 =	vperm.xlane v22, v23;
	[tilespmem:s24+$0x4140] =	vst v24  }
0xc0: {  	vm0 =	vgt.f32 v10, v31;
	vm1 =	vgt.f32 v11, v31;
	v24 =	vmul.f32 v13, v3;
	[tilespmem:s24+$0x4150] =	vst v25  }
0xc1: {  	v23 =	vsel vm3, $0x8, v2;
	v25 =	vsel vm2, $0x8, v2;
	vm2 =	vgt.f32 v38, v26;
	[tilespmem:s24+$0x4160] =	vst v12;
	s24 =	smov.u32 s26  }
0xc2: {  	v26 =	vsel vm4, $0x8, v2;
	v12 =	vperm.xlane v24, v1;
	v31 =	vsel vm2, $0x4, v2  }
0xc3: {  	v28 =	vsel vm5, $0x8, v2;
	v27 =	vsel vm6, $0x8, v2;
	v29 =	vor.u32 v29, v31  }
0xc4: {  	vm2 =	vgt.f32 v14, v12;
	vm3 =	vgt.f32 v15, v12;
	v31 =	vor.u32 $0x1, v29  }
0xc5: {  	vm4 =	vgt.f32 v16, v12;
	vm5 =	vgt.f32 v17, v12;
	v31 =	vperm.xlane v22, v31  }
0xc6: {  	vm6 =	vgt.f32 v18, v12;
	vm7 =	vgt.f32 v19, v12;
	vm8 =	vgt.f32 v20, v12  }
0xc7: {  	v32 =	vsel vm2, $0x8, v2;
	vm2 =	vgt.f32 v21, v12;
	vm9 =	vgt.f32 v38, v31  }
0xc8: {  	v33 =	vsel vm4, $0x8, v2;
	v31 =	vsel vm3, $0x8, v2;
	v12 =	vsel vm9, $0x2, v2  }
0xc9: {  	v34 =	vsel vm5, $0x8, v2;
	v35 =	vsel vm6, $0x8, v2;
	v29 =	vor.u32 v12, v29  }
0xca: {  	v36 =	vsel vm7, $0x8, v2;
	v37 =	vsel vm8, $0x8, v2;
	v12 =	vperm.xlane v22, v29  }
0xcb: {  	v40 =	vsel vm0, $0x8, v2;
	v41 =	vsel vm1, $0x8, v2;
	v39 =	vsel vm2, $0x8, v2  }
0xcc: {  	v42 =	vor.u32 $0x3, v32;
	v43 =	vor.u32 $0x3, v31;
	vm0 =	vgt.f32 v38, v12  }
0xcd: {  	v38 =	vor.u32 $0x3, v33;
	v12 =	vmul.f32 v30, v4;
	v30 =	vsel vm0, $0x1, v2  }
0xce: {  	v44 =	vor.u32 $0x3, v34;
	v45 =	vor.u32 $0x3, v35;
	v29 =	vor.u32 v30, v29  }
0xcf: {  	v46 =	vor.u32 $0x3, v37;
	v30 =	vor.u32 $0x3, v36;
	v29 =	vperm.xlane v12, v29  }
0xd0: {  	v49 =	vor.u32 $0x3, v23;
	v48 =	vor.u32 $0x3, v25;
	v47 =	vor.u32 $0x3, v39  }
0xd1: {  	v51 =	vor.u32 $0x3, v28;
	v52 =	vor.u32 $0x3, v27;
	v50 =	vor.u32 $0x3, v26;
	[tilespmem:s24+$0x4170] =	vst v29  }
0xd2: {  	v53 =	vor.u32 $0x3, v41;
	v29 =	vperm.xlane v24, v42;
	v42 =	vor.u32 $0x3, v40  }
0xd3: {  	v43 =	vperm.xlane v24, v43;
	v38 =	vperm.xlane v24, v38  }
0xd4: {  	vm0 =	vgt.f32 v14, v29;
	v29 =	vperm.xlane v24, v44;
	v44 =	vperm.xlane v24, v45  }
0xd5: {  	vm1 =	vgt.f32 v15, v43;
	v43 =	vperm.xlane v24, v46;
	v30 =	vperm.xlane v24, v30  }
0xd6: {  	vm2 =	vgt.f32 v16, v38;
	v38 =	vperm.xlane v24, v47;
	v45 =	vperm.xlane v22, v48  }
0xd7: {  	v46 =	vperm.xlane v22, v50;
	vm3 =	vgt.f32 v17, v29;
	v29 =	vperm.xlane v22, v49  }
0xd8: {  	v47 =	vperm.xlane v22, v52;
	vm4 =	vgt.f32 v18, v44;
	v44 =	vperm.xlane v22, v51  }
0xd9: {  	vm5 =	vgt.f32 v19, v30;
	v30 =	vperm.xlane v22, v42;
	v42 =	vperm.xlane v22, v53  }
0xda: {  	vm6 =	vgt.f32 v20, v43;
	vm7 =	vgt.f32 v21, v38;
	vm8 =	vgt.f32 v5, v45  }
0xdb: {  	vm10 =	vgt.f32 v7, v46;
	vm9 =	vgt.f32 v6, v29;
	vm11 =	vgt.f32 v8, v44  }
0xdc: {  	vm12 =	vgt.f32 v9, v47;
	vm13 =	vgt.f32 v10, v30;
	vm14 =	vgt.f32 v11, v42  }
0xdd: {  	v38 =	vsel vm2, $0x4, v2;
	v30 =	vsel vm1, $0x4, v2;
	v29 =	vsel vm0, $0x4, v2  }
0xde: {  	v42 =	vsel vm3, $0x4, v2;
	v43 =	vsel vm4, $0x4, v2;
	v44 =	vsel vm5, $0x4, v2  }
0xdf: {  	v46 =	vsel vm7, $0x4, v2;
	v45 =	vsel vm6, $0x4, v2;
	v47 =	vsel vm8, $0x4, v2  }
0xe0: {  	v49 =	vsel vm10, $0x4, v2;
	v48 =	vsel vm9, $0x4, v2;
	v50 =	vsel vm11, $0x4, v2  }
0xe1: {  	v51 =	vsel vm12, $0x4, v2;
	v52 =	vsel vm13, $0x4, v2;
	v53 =	vsel vm14, $0x4, v2  }
0xe2: {  	v30 =	vor.u32 v31, v30;
	v29 =	vor.u32 v32, v29;
	v32 =	vor.u32 v33, v38  }
0xe3: {  	v33 =	vor.u32 v34, v42;
	v34 =	vor.u32 v35, v43;
	v38 =	vor.u32 v36, v44  }
0xe4: {  	v25 =	vor.u32 v25, v47;
	v42 =	vor.u32 v37, v45;
	v43 =	vor.u32 v39, v46  }
0xe5: {  	v26 =	vor.u32 v26, v49;
	v23 =	vor.u32 v23, v48;
	v44 =	vor.u32 v28, v50  }
0xe6: {  	v40 =	vor.u32 v40, v52;
	v41 =	vor.u32 v41, v53;
	v45 =	vor.u32 v27, v51  }
0xe7: {  	v27 =	vor.u32 $0x1, v29;
	v28 =	vor.u32 $0x1, v30;
	v31 =	vor.u32 $0x1, v32  }
0xe8: {  	v35 =	vor.u32 $0x1, v33;
	v36 =	vor.u32 $0x1, v34;
	v37 =	vor.u32 $0x1, v38  }
0xe9: {  	v47 =	vor.u32 $0x1, v25;
	v39 =	vor.u32 $0x1, v42;
	v46 =	vor.u32 $0x1, v43  }
0xea: {  	v49 =	vor.u32 $0x1, v26;
	v48 =	vor.u32 $0x1, v23;
	v50 =	vor.u32 $0x1, v44  }
0xeb: {  	v52 =	vor.u32 $0x1, v40;
	v53 =	vor.u32 $0x1, v41;
	v51 =	vor.u32 $0x1, v45  }
0xec: {  	v27 =	vperm.xlane v24, v27;
	v28 =	vperm.xlane v24, v28  }
0xed: {  	v31 =	vperm.xlane v24, v31;
	v35 =	vperm.xlane v24, v35  }
0xee: {  	vm0 =	vgt.f32 v14, v27;
	v27 =	vperm.xlane v24, v36;
	v36 =	vperm.xlane v24, v37  }
0xef: {  	vm1 =	vgt.f32 v15, v28;
	v28 =	vperm.xlane v24, v39;
	v37 =	vperm.xlane v24, v46  }
0xf0: {  	vm2 =	vgt.f32 v16, v31;
	v31 =	vperm.xlane v22, v47;
	v39 =	vperm.xlane v22, v48  }
0xf1: {  	vm3 =	vgt.f32 v17, v35;
	v35 =	vperm.xlane v22, v49;
	v46 =	vperm.xlane v22, v50  }
0xf2: {  	v47 =	vperm.xlane v22, v52;
	vm4 =	vgt.f32 v18, v27;
	v27 =	vperm.xlane v22, v51  }
0xf3: {  	vm5 =	vgt.f32 v19, v36;
	vm6 =	vgt.f32 v20, v28;
	v28 =	vperm.xlane v22, v53  }
0xf4: {  	vm7 =	vgt.f32 v21, v37;
	vm8 =	vgt.f32 v5, v31;
	vm9 =	vgt.f32 v6, v39  }
0xf5: {  	vm10 =	vgt.f32 v7, v35;
	vm11 =	vgt.f32 v8, v46;
	vm12 =	vgt.f32 v9, v27  }
0xf6: {  	v27 =	vsel vm0, $0x2, v2;
	vm0 =	vgt.f32 v10, v47;
	vm13 =	vgt.f32 v11, v28  }
0xf7: {  	v35 =	vsel vm2, $0x2, v2;
	v36 =	vsel vm3, $0x2, v2;
	v28 =	vsel vm1, $0x2, v2  }
0xf8: {  	v46 =	vsel vm4, $0x2, v2;
	v48 =	vsel vm6, $0x2, v2;
	v47 =	vsel vm5, $0x2, v2  }
0xf9: {  	v49 =	vsel vm7, $0x2, v2;
	v50 =	vsel vm8, $0x2, v2;
	v51 =	vsel vm9, $0x2, v2  }
0xfa: {  	v52 =	vsel vm10, $0x2, v2;
	v53 =	vsel vm11, $0x2, v2;
	v54 =	vsel vm12, $0x2, v2  }
0xfb: {  	v31 =	vor.u32 v27, v29;
	v55 =	vsel vm0, $0x2, v2;
	v56 =	vsel vm13, $0x2, v2  }
0xfc: {  	v37 =	vor.u32 v35, v32;
	v35 =	vor.u32 v36, v33;
	v39 =	vor.u32 v28, v30  }
0xfd: {  	v36 =	vor.u32 v46, v34;
	v33 =	vor.u32 v48, v42;
	v32 =	vor.u32 v47, v38  }
0xfe: {  	v34 =	vor.u32 v49, v43;
	v30 =	vor.u32 v50, v25;
	v29 =	vor.u32 v51, v23  }
0xff: {  	v28 =	vor.u32 v52, v26;
	v27 =	vor.u32 v53, v44;
	v25 =	vor.u32 v54, v45  }
0x100: {  	v38 =	vperm.xlane v24, v31;
	v26 =	vor.u32 v55, v40;
	v23 =	vor.u32 v56, v41  }
0x101: {  	v40 =	vperm.xlane v24, v39;
	v41 =	vperm.xlane v24, v37  }
0x102: {  	vm0 =	vgt.f32 v14, v38;
	v14 =	vperm.xlane v24, v35;
	v38 =	vperm.xlane v24, v36  }
0x103: {  	vm1 =	vgt.f32 v15, v40;
	v15 =	vperm.xlane v24, v32;
	v40 =	vperm.xlane v24, v33  }
0x104: {  	vm2 =	vgt.f32 v16, v41;
	v16 =	vperm.xlane v24, v34;
	v24 =	vperm.xlane v22, v30  }
0x105: {  	vm3 =	vgt.f32 v17, v14;
	v14 =	vperm.xlane v22, v29;
	v17 =	vperm.xlane v22, v28  }
0x106: {  	vm4 =	vgt.f32 v18, v38;
	v18 =	vperm.xlane v22, v27;
	v38 =	vperm.xlane v22, v25  }
0x107: {  	vm5 =	vgt.f32 v19, v15;
	v15 =	vperm.xlane v22, v26;
	v19 =	vperm.xlane v22, v23  }
0x108: {  	s26 =	sshra.s32 s28, $0x2;
	vm6 =	vgt.f32 v20, v40;
	vm7 =	vgt.f32 v21, v16;
	vm8 =	vgt.f32 v5, v24  }
0x109: {  	vm9 =	vgt.f32 v6, v14;
	vm10 =	vgt.f32 v7, v17;
	vm11 =	vgt.f32 v8, v18;
	v5 =	vld [tilespmem:s26+$0x100]  }
0x10a: {  	vm12 =	vgt.f32 v9, v38;
	vm13 =	vgt.f32 v10, v15;
	vm14 =	vgt.f32 v11, v19;
	v6 =	vld [tilespmem:s26+$0x110]  }
.Ltmp0:
0x10b: {  	v14 =	vsel vm0, $0x1, v2;
	v15 =	vsel vm1, $0x1, v2;
	v17 =	vsel vm2, $0x1, v2;
	v7 =	vld [tilespmem:s26+$0x120];
	(pc) =	sbr.rel @p0 .LBB2_3-.Ltmp0, $4  }
0x10c: {  	v20 =	vsel vm3, $0x1, v2;
	v48 =	vsel vm4, $0x1, v2;
	v21 =	vsel vm5, $0x1, v2;
	v8 =	vld [tilespmem:s26+$0x130]  }
0x10d: {  	v46 =	vsel vm6, $0x1, v2;
	v47 =	vsel vm7, $0x1, v2;
	v45 =	vsel vm8, $0x1, v2;
	v9 =	vld [tilespmem:s26+$0x140]  }
0x10e: {  	v44 =	vsel vm9, $0x1, v2;
	v42 =	vsel vm10, $0x1, v2;
	v41 =	vsel vm11, $0x1, v2;
	v10 =	vld [tilespmem:s26+$0x150]  }
0x10f: {  	s28 =	sadd.s32 $0x400, s28;
	v24 =	vsel vm12, $0x1, v2;
	v22 =	vsel vm13, $0x1, v2;
	v40 =	vsel vm14, $0x1, v2;
	v11 =	vld [tilespmem:s26+$0x160]  }
0x110: {  	v43 =	vld [tilespmem:s26+$0x170]  }
0x111: {  	v18 =	vld [tilespmem:s26+$0x80]  }
0x112: {  	v38 =	vmul.f32 v13, v4;
	v31 =	vor.u32 v14, v31;
	v39 =	vor.u32 v15, v39;
	v19 =	vld [tilespmem:s26+$0x90]  }
0x113: {  	v16 =	vand.u32 $0x7FFFFFFF, v5;
	v49 =	vand.u32 $0x7FFFFFFF, v6;
	v50 =	vand.u32 $0x7FFFFFFF, v7;
	v14 =	vld [tilespmem:s26+$0xB0]  }
0x114: {  	v15 =	vld [tilespmem:s26+$0xC0];
	v57 =	vor.u32 v17, v37;
	v35 =	vor.u32 v20, v35;
	v48 =	vor.u32 v48, v36  }
0x115: {  	v17 =	vld [tilespmem:s26+$0xE0];
	v51 =	vand.u32 $0x7FFFFFFF, v8;
	v49 =	vmax.f32 v16, v49;
	v52 =	vand.u32 $0x7FFFFFFF, v9  }
0x116: {  	v20 =	vld [tilespmem:s26+$0xF0];
	v53 =	vand.u32 $0x7FFFFFFF, v10;
	v54 =	vand.u32 $0x7FFFFFFF, v11;
	v55 =	vand.u32 $0x7FFFFFFF, v43  }
0x117: {  	v16 =	vld [tilespmem:s26+$0xD0];
	v50 =	vmax.f32 v50, v51;
	v63 =	vmax.f32 v52, v53;
	v56 =	vmax.f32 v54, v55  }
0x118: {  	v13 =	vld [tilespmem:s26+$0xA0];
	v21 =	vor.u32 v21, v32;
	v58 =	vmax.f32 v49, v50;
	v59 =	vmax.f32 v63, v56  }
0x119: {  	v46 =	vor.u32 v46, v33;
	v47 =	vor.u32 v47, v34;
	v60 =	vmax.f32 v58, v59  }
0x11a: {  	v45 =	vor.u32 v45, v30;
	v44 =	vor.u32 v44, v29;
	v61 =	vand.u32 $0x7FFFFFFF, v18;
	(xrf0) =	vmax.scan.msk.f32 $0xffff, v60  }
0x11b: {  	v62 =	vand.u32 $0x7FFFFFFF, v19;
	v49 =	vand.u32 $0x7FFFFFFF, v14;
	v30 =	vand.u32 $0x7FFFFFFF, v15  }
0x11c: {  	v51 =	vand.u32 $0x7FFFFFFF, v17;
	v52 =	vand.u32 $0x7FFFFFFF, v20;
	v29 =	vand.u32 $0x7FFFFFFF, v16  }
0x11d: {  	v63 =	vand.u32 $0x7FFFFFFF, v13;
	v29 =	vmax.f32 v30, v29;
	v30 =	vmax.f32 v51, v52  }
0x11e: {  	v37 =	vperm.xlane v38, v31;
	v32 =	vmax.f32 v61, v62;
	v50 =	vmax.f32 v63, v49  }
0x11f: {  	v36 =	vperm.xlane v38, v39;
	v29 =	vmax.f32 v29, v30;
	v32 =	vmax.f32 v32, v50  }
0x120: {  	v34 =	vperm.xlane v38, v57;
	v35 =	vperm.xlane v38, v35;
	v29 =	vmax.f32 v32, v29;
	v30, _, _ =	vpop (xrf0)  }
0x121: {  	v28 =	vor.u32 v42, v28;
	v33 =	vperm.xlane v38, v48;
	(xrf0) =	vmax.scan.msk.f32 $0xffff, v29;
	v30 =	vbroadcast v30, $0xF  }
0x122: {  	v31 =	vperm.xlane v38, v46;
	v54 =	vor.u32 v41, v27;
	v27 =	vperm.xlane v12, v44  }
0x123: {  	v26 =	vor.u32 v22, v26;
	v32 =	vperm.xlane v38, v21;
	v21 =	vmul.f32 $1.333333400e-01, v30  }
0x124: {  	v29 =	vperm.xlane v12, v45;
	vm0 =	veq.f32 v30, $0.0e+00;
	v30 =	vperm.xlane v38, v47  }
0x125: {  	v38 =	vsel vm0, $0x3E088889, v21;
	v21 =	vor.u32 v24, v25;
	v25 =	vperm.xlane v12, v28  }
0x126: {  	v24 =	vperm.xlane v12, v54;
	v28 =	vmul.f32 v38, v3  }
0x127: {  	v23 =	vor.u32 v40, v23;
	v22 =	vperm.xlane v12, v21;
	v21 =	vperm.xlane v12, v26;
	v26, _, _ =	vpop (xrf0)  }
0x128: {  	v12 =	vperm.xlane v12, v23;
	v23 =	vbroadcast v26, $0xF  }
0x129: {  	v55 =	vperm.xlane v28, v1  }
0x12a: {  	v38 =	vmul.f32 v38, v4;
	vm1 =	veq.f32 v23, $0.0e+00;
	v23 =	vmul.f32 $1.333333400e-01, v23  }
0x12b: {  	vm2 =	vgt.f32 v5, v55;
	vm3 =	vgt.f32 v6, v55;
	vm11 =	vgt.f32 v43, v55  }
0x12c: {  	vm4 =	vgt.f32 v7, v55;
	vm5 =	vgt.f32 v8, v55;
	v56 =	vsel vm11, $0x8, v2  }
0x12d: {  	vm6 =	vgt.f32 v9, v55;
	v23 =	vsel vm1, $0x3E088889, v23;
	v26 =	vor.u32 $0x3, v56  }
0x12e: {  	vm0 =	vgt.f32 v10, v55;
	v57 =	vperm.xlane v28, v26;
	v26 =	vmul.f32 v23, v3  }
0x12f: {  	vm1 =	vgt.f32 v11, v55;
	v42 =	vsel vm2, $0x8, v2;
	v44 =	vsel vm3, $0x8, v2  }
0x130: {  	v41 =	vsel vm4, $0x8, v2;
	vm12 =	vgt.f32 v43, v57;
	v58 =	vperm.xlane v26, v1  }
0x131: {  	v46 =	vsel vm5, $0x8, v2;
	v47 =	vsel vm6, $0x8, v2;
	v59 =	vsel vm12, $0x4, v2  }
0x132: {  	v55 =	vsel vm0, $0x8, v2;
	v40 =	vor.u32 v56, v59;
	vm13 =	vgt.f32 v18, v58  }
0x133: {  	vm3 =	vgt.f32 v19, v58;
	vm14 =	vgt.f32 v13, v58;
	vm15 =	vgt.f32 v14, v58  }
0x134: {  	vm12 =	vgt.f32 v15, v58;
	vm7 =	vgt.f32 v16, v58;
	vm8 =	vgt.f32 v17, v58  }
0x135: {  	v56 =	vsel vm1, $0x8, v2;
	v45 =	vor.u32 $0x1, v40;
	v48 =	vsel vm13, $0x8, v2  }
0x136: {  	vm13 =	vgt.f32 v20, v58;
	v49 =	vsel vm14, $0x8, v2;
	v50 =	vsel vm15, $0x8, v2  }
0x137: {  	v51 =	vsel vm12, $0x8, v2;
	v45 =	vperm.xlane v28, v45;
	v57 =	vor.u32 $0x3, v48  }
0x138: {  	v52 =	vsel vm8, $0x8, v2;
	v59 =	vor.u32 $0x3, v50;
	v62 =	vperm.xlane v26, v57  }
0x139: {  	v59 =	vperm.xlane v26, v59;
	vm9 =	vgt.f32 v43, v45;
	v45 =	vsel vm3, $0x8, v2  }
0x13a: {  	v54 =	vsel vm13, $0x8, v2;
	v60 =	vsel vm9, $0x2, v2;
	v58 =	vor.u32 $0x3, v45  }
0x13b: {  	vm15 =	vgt.f32 v18, v62;
	vm6 =	vgt.f32 v14, v59;
	v59 =	vor.u32 $0x3, v44  }
0x13c: {  	v39 =	vor.u32 v60, v40;
	v40 =	vsel vm7, $0x8, v2;
	v60 =	vor.u32 $0x3, v51  }
0x13d: {  	v58 =	vperm.xlane v26, v58;
	v63 =	vsel vm15, $0x4, v2;
	v59 =	vperm.xlane v28, v59  }
0x13e: {  	v61 =	vperm.xlane v28, v39;
	v57 =	vor.u32 $0x3, v40;
	v60 =	vperm.xlane v26, v60  }
0x13f: {  	vm4 =	vgt.f32 v19, v58;
	v58 =	vor.u32 $0x3, v54;
	v57 =	vperm.xlane v26, v57  }
0x140: {  	vm12 =	vgt.f32 v6, v59;
	vm14 =	vgt.f32 v43, v61;
	v43 =	vor.u32 $0x3, v49  }
0x141: {  	v61 =	vsel vm4, $0x4, v2;
	vm7 =	vgt.f32 v15, v60;
	v58 =	vperm.xlane v26, v58  }
0x142: {  	v53 =	vsel vm14, $0x1, v2;
	v43 =	vperm.xlane v26, v43;
	v45 =	vor.u32 v45, v61  }
0x143: {  	vm8 =	vgt.f32 v16, v57;
	v57 =	vsel vm6, $0x4, v2;
	v62 =	vsel vm7, $0x4, v2  }
0x144: {  	v61 =	vor.u32 $0x3, v56;
	v39 =	vor.u32 v53, v39;
	v53 =	vor.u32 $0x3, v52  }
0x145: {  	v50 =	vor.u32 v50, v57;
	v57 =	vor.u32 $0x3, v46;
	vm10 =	vgt.f32 v20, v58  }
0x146: {  	v51 =	vor.u32 v51, v62;
	v58 =	vor.u32 $0x3, v55;
	vm5 =	vgt.f32 v13, v43  }
0x147: {  	v43 =	vor.u32 v48, v63;
	v48 =	vor.u32 $0x3, v42;
	v53 =	vperm.xlane v26, v53  }
0x148: {  	v63 =	vsel vm8, $0x4, v2;
	v57 =	vperm.xlane v28, v57;
	v58 =	vperm.xlane v28, v58  }
0x149: {  	v62 =	vsel vm10, $0x4, v2;
	v60 =	vsel vm5, $0x4, v2;
	v48 =	vperm.xlane v28, v48  }
0x14a: {  	v40 =	vor.u32 v40, v63;
	v54 =	vor.u32 v54, v62;
	v49 =	vor.u32 v49, v60  }
0x14b: {  	v60 =	vor.u32 $0x3, v41;
	vm9 =	vgt.f32 v17, v53;
	v53 =	vor.u32 $0x3, v47  }
0x14c: {  	vm14 =	vgt.f32 v8, v57;
	vm11 =	vgt.f32 v5, v48;
	v48 =	vsel vm9, $0x4, v2  }
0x14d: {  	v60 =	vperm.xlane v28, v60;
	v53 =	vperm.xlane v28, v53;
	vm9 =	vgt.f32 v10, v58  }
0x14e: {  	v48 =	vor.u32 v52, v48;
	v52 =	vperm.xlane v28, v61;
	v63 =	vsel vm11, $0x4, v2  }
0x14f: {  	v61 =	vsel vm14, $0x4, v2;
	vm13 =	vgt.f32 v7, v60;
	vm15 =	vgt.f32 v9, v53  }
0x150: {  	v60 =	vsel vm12, $0x4, v2;
	v42 =	vor.u32 v42, v63;
	v63 =	vsel vm9, $0x4, v2  }
0x151: {  	v46 =	vor.u32 v46, v61;
	v61 =	vor.u32 $0x1, v43;
	vm10 =	vgt.f32 v11, v52  }
0x152: {  	v57 =	vsel vm13, $0x4, v2;
	v62 =	vsel vm15, $0x4, v2;
	v44 =	vor.u32 v44, v60  }
0x153: {  	v52 =	vor.u32 v55, v63;
	v55 =	vperm.xlane v26, v61;
	v63 =	vor.u32 $0x1, v49  }
0x154: {  	v61 =	vor.u32 $0x1, v51;
	v60 =	vsel vm10, $0x4, v2;
	v41 =	vor.u32 v41, v57  }
0x155: {  	v47 =	vor.u32 v47, v62;
	v62 =	vor.u32 $0x1, v45;
	v57 =	vperm.xlane v26, v63  }
0x156: {  	v59 =	vperm.xlane v26, v61;
	v53 =	vor.u32 v56, v60;
	v60 =	vor.u32 $0x1, v50  }
0x157: {  	v56 =	vperm.xlane v26, v62;
	vm11 =	vgt.f32 v18, v55;
	v62 =	vor.u32 $0x1, v40  }
0x158: {  	v58 =	vperm.xlane v26, v60;
	vm13 =	vgt.f32 v13, v57;
	v63 =	vsel vm11, $0x2, v2  }
0x159: {  	v57 =	vor.u32 $0x1, v54;
	v55 =	vperm.xlane v26, v62;
	vm15 =	vgt.f32 v15, v59  }
0x15a: {  	v62 =	vor.u32 $0x1, v42;
	vm12 =	vgt.f32 v19, v56;
	v56 =	vor.u32 $0x1, v48  }
0x15b: {  	v43 =	vor.u32 v63, v43;
	v61 =	vsel vm13, $0x2, v2;
	v63 =	vor.u32 $0x1, v44  }
0x15c: {  	v57 =	vperm.xlane v26, v57;
	vm14 =	vgt.f32 v14, v58;
	v60 =	vsel vm12, $0x2, v2  }
0x15d: {  	v49 =	vor.u32 v61, v49;
	v56 =	vperm.xlane v26, v56;
	vm4 =	vgt.f32 v16, v55  }
0x15e: {  	v55 =	vor.u32 $0x1, v41;
	v58 =	vperm.xlane v28, v62;
	v61 =	vsel vm15, $0x2, v2  }
0x15f: {  	v59 =	vperm.xlane v28, v63;
	v45 =	vor.u32 v60, v45;
	v60 =	vsel vm14, $0x2, v2  }
0x160: {  	vm6 =	vgt.f32 v20, v57;
	v62 =	vsel vm4, $0x2, v2;
	v51 =	vor.u32 v61, v51  }
0x161: {  	v57 =	vor.u32 $0x1, v47;
	v61 =	vor.u32 $0x1, v52;
	v55 =	vperm.xlane v28, v55  }
0x162: {  	v50 =	vor.u32 v60, v50;
	vm5 =	vgt.f32 v17, v56;
	v56 =	vor.u32 $0x1, v46  }
0x163: {  	v40 =	vor.u32 v62, v40;
	vm7 =	vgt.f32 v5, v58;
	vm8 =	vgt.f32 v6, v59  }
0x164: {  	v60 =	vsel vm6, $0x2, v2;
	v62 =	vor.u32 $0x1, v53;
	v57 =	vperm.xlane v28, v57  }
0x165: {  	v58 =	vperm.xlane v28, v61;
	v63 =	vsel vm5, $0x2, v2;
	v54 =	vor.u32 v60, v54  }
0x166: {  	v56 =	vperm.xlane v28, v56;
	vm9 =	vgt.f32 v7, v55;
	v60 =	vperm.xlane v28, v62  }
0x167: {  	v61 =	vsel vm8, $0x2, v2;
	v48 =	vor.u32 v63, v48;
	v63 =	vsel vm7, $0x2, v2  }
0x168: {  	vm11 =	vgt.f32 v9, v57;
	vm12 =	vgt.f32 v10, v58;
	v62 =	vsel vm9, $0x2, v2  }
0x169: {  	v44 =	vor.u32 v61, v44;
	v57 =	vperm.xlane v38, v39;
	v42 =	vor.u32 v63, v42  }
0x16a: {  	vm10 =	vgt.f32 v8, v56;
	v41 =	vor.u32 v62, v41;
	vm13 =	vgt.f32 v11, v60  }
0x16b: {  	[tilespmem:s24+$0x4080] =	vst v37;
	v58 =	vsel vm11, $0x2, v2;
	v59 =	vsel vm12, $0x2, v2;
	v60 =	vperm.xlane v26, v43  }
0x16c: {  	[tilespmem:s24+$0x4090] =	vst v36;
	v62 =	vperm.xlane v26, v45;
	v63 =	vsel vm10, $0x2, v2;
	v39 =	vor.u32 v58, v47  }
0x16d: {  	[tilespmem:s24+$0x40A0] =	vst v34;
	v61 =	vsel vm13, $0x2, v2;
	v36 =	vor.u32 v59, v52;
	v47 =	vperm.xlane v26, v51  }
0x16e: {  	[tilespmem:s24+$0x40B0] =	vst v35;
	v46 =	vor.u32 v63, v46;
	v63 =	vperm.xlane v26, v49;
	vm1 =	vgt.f32 v18, v60  }
0x16f: {  	[tilespmem:s24+$0x40C0] =	vst v33;
	v18 =	vperm.xlane v26, v50;
	vm7 =	vgt.f32 v19, v62;
	v19 =	vperm.xlane v26, v40  }
0x170: {  	[tilespmem:s24+$0x4100] =	vst v29;
	v34 =	vor.u32 v61, v53;
	v53 =	vperm.xlane v26, v48;
	v29 =	vperm.xlane v28, v39  }
0x171: {  	[tilespmem:s24+$0x40E0] =	vst v31;
	vm11 =	vgt.f32 v15, v47;
	v15 =	vperm.xlane v28, v46;
	vm9 =	vgt.f32 v13, v63  }
0x172: {  	[tilespmem:s24+$0x4110] =	vst v27;
	v13 =	vperm.xlane v26, v54;
	v26 =	vperm.xlane v28, v42;
	vm10 =	vgt.f32 v14, v18  }
0x173: {  	[tilespmem:s24+$0x40D0] =	vst v32;
	v14 =	vperm.xlane v28, v44;
	v18 =	vperm.xlane v28, v41;
	vm12 =	vgt.f32 v16, v19  }
0x174: {  	[tilespmem:s24+$0x40F0] =	vst v30;
	v16 =	vperm.xlane v28, v36;
	v19 =	vperm.xlane v28, v34;
	vm13 =	vgt.f32 v17, v53  }
0x175: {  	[tilespmem:s24+$0x4120] =	vst v25;
	vm2 =	vgt.f32 v9, v29;
	vm3 =	vgt.f32 v8, v15;
	v8 =	vsel vm9, $0x1, v2  }
0x176: {  	[tilespmem:s24+$0x4130] =	vst v24;
	v9 =	vsel vm10, $0x1, v2;
	vm8 =	vgt.f32 v20, v13;
	vm6 =	vgt.f32 v5, v26  }
0x177: {  	[tilespmem:s24+$0x4140] =	vst v22;
	vm5 =	vgt.f32 v6, v14;
	v5 =	vsel vm1, $0x1, v2;
	v6 =	vmul.f32 v23, v4  }
0x178: {  	[tilespmem:s24+$0x4150] =	vst v21;
	vm4 =	vgt.f32 v7, v18;
	v7 =	vsel vm7, $0x1, v2;
	v5 =	vor.u32 v5, v43  }
0x179: {  	[tilespmem:s24+$0x4160] =	vst v12;
	vm14 =	vgt.f32 v10, v16;
	v7 =	vor.u32 v7, v45;
	v5 =	vperm.xlane v6, v5  }
0x17a: {  	[tilespmem:s26+$0x4170] =	vst v57;
	vm15 =	vgt.f32 v11, v19;
	v8 =	vor.u32 v8, v49;
	v7 =	vperm.xlane v6, v7  }
0x17b: {  	v10 =	vsel vm11, $0x1, v2;
	v9 =	vor.u32 v9, v50;
	v8 =	vperm.xlane v6, v8;
	[tilespmem:s26+$0x4080] =	vst v5  }
0x17c: {  	v10 =	vor.u32 v10, v51;
	v9 =	vperm.xlane v6, v9;
	v5 =	vsel vm12, $0x1, v2;
	[tilespmem:s26+$0x4090] =	vst v7  }
0x17d: {  	v10 =	vperm.xlane v6, v10;
	v7 =	vsel vm13, $0x1, v2;
	[tilespmem:s26+$0x40A0] =	vst v8;
	v5 =	vor.u32 v5, v40  }
0x17e: {  	v8 =	vsel vm8, $0x1, v2;
	[tilespmem:s26+$0x40B0] =	vst v9;
	v7 =	vor.u32 v7, v48;
	v5 =	vperm.xlane v6, v5  }
0x17f: {  	v9 =	vsel vm6, $0x1, v2;
	[tilespmem:s26+$0x40C0] =	vst v10;
	v8 =	vor.u32 v8, v54;
	v7 =	vperm.xlane v6, v7  }
0x180: {  	v10 =	vsel vm5, $0x1, v2;
	v9 =	vor.u32 v9, v42;
	v6 =	vperm.xlane v6, v8;
	[tilespmem:s26+$0x40D0] =	vst v5  }
0x181: {  	v8 =	vor.u32 v10, v44;
	v9 =	vperm.xlane v38, v9;
	v5 =	vsel vm4, $0x1, v2;
	[tilespmem:s26+$0x40E0] =	vst v7  }
0x182: {  	v8 =	vperm.xlane v38, v8;
	v7 =	vsel vm3, $0x1, v2;
	[tilespmem:s26+$0x40F0] =	vst v6;
	v5 =	vor.u32 v5, v41  }
0x183: {  	v6 =	vsel vm2, $0x1, v2;
	[tilespmem:s26+$0x4100] =	vst v9;
	v7 =	vor.u32 v7, v46;
	v5 =	vperm.xlane v38, v5  }
0x184: {  	v9 =	vsel vm14, $0x1, v2;
	v6 =	vor.u32 v6, v39;
	[tilespmem:s26+$0x4110] =	vst v8;
	v7 =	vperm.xlane v38, v7  }
0x185: {  	v8 =	vsel vm15, $0x1, v2;
	v9 =	vor.u32 v9, v36;
	v6 =	vperm.xlane v38, v6;
	[tilespmem:s26+$0x4120] =	vst v5  }
0x186: {  	p0 =	seq.s32 s22, $0x7;
	v5 =	vor.u32 v8, v34;
	v8 =	vperm.xlane v38, v9;
	[tilespmem:s26+$0x4130] =	vst v7  }
0x187: {  	s24 =	sadd.s32 @!p0 s23, s9;
	[tilespmem:s26+$0x4140] =	vst v6;
	v5 =	vperm.xlane v38, v5  }
0x188: {  	s24 =	sshrl.u32 @!p0 s24, $0x3;
	[tilespmem:s26+$0x4150] =	vst v8  }
0x189: {  	s28 =	simm.s32 @!p0 $0x80;
	s24 =	sadd.s32 @!p0 s1, s24;
	[tilespmem:s26+$0x4160] =	vst v5;
	s26 =	simm.s32 @!p0 $0x0  }
0x18a: {  	[tilespmem:s28], [sflag:$0x1] =	stream.linear.gather @!p0 [hbm4b:s24+s26], $0x2000, $0x38;
	[tilespmem:$0x8080] =	vst v63  }
0x18b: {  	s24 =	sshrl.u32 s25, $0x3  }
0x18c: {  	s25 =	sadd.s32 s6, s24  }
0x18d: {  	[hbm4b:s25+s4] =	stream.linear.scatter [tilespmem:s16], [sflag:$0x3], $0x2000, $0x38;
	[tilespmem:$0x8080] =	vst v63  }
0x18e: {  	_ =	swait.ge [sflag:s17], $0x2000  }
0x18f: {  	[sflag:s17] =	ssyncset.done $0x0  }
0x190: {  	s25 =	simm.s32 @!p1 $0x4;
	[sflag:s17] =	ssyncadd.s32 $0xFFFFE000  }
0x191: {  	_ =	swait.ge @!p1 [sflag:s25], $0x2000  }
0x192: {  	[sflag:s25] =	ssyncset.done @!p1 $0x0  }
0x193: {  	[sflag:s25] =	ssyncadd.s32 @!p1 $0xFFFFE000;
	s25 =	simm.s32 $0x0  }
0x194: {  	v5 =	vld [tilespmem:s25+$0x2100]  }
0x195: {  	v6 =	vld [tilespmem:s25+$0x2110]  }
0x196: {  	v10 =	vld [tilespmem:s25+$0x2120]  }
0x197: {  	v11 =	vld [tilespmem:s25+$0x2130]  }
0x198: {  	v7 =	vld [tilespmem:s25+$0x2140]  }
0x199: {  	v8 =	vld [tilespmem:s25+$0x2150]  }
0x19a: {  	v9 =	vld [tilespmem:s25+$0x2160]  }
0x19b: {  	v12 =	vld [tilespmem:s25+$0x2170]  }
0x19c: {  	v20 =	vld [tilespmem:s25+$0x2080]  }
0x19d: {  	v16 =	vld [tilespmem:s25+$0x2090]  }
0x19e: {  	v14 =	vld [tilespmem:s25+$0x20A0];
	v13 =	vand.u32 $0x7FFFFFFF, v5;
	v18 =	vand.u32 $0x7FFFFFFF, v6;
	v21 =	vand.u32 $0x7FFFFFFF, v10  }
0x19f: {  	v15 =	vld [tilespmem:s25+$0x20B0];
	v22 =	vand.u32 $0x7FFFFFFF, v11;
	v23 =	vand.u32 $0x7FFFFFFF, v7;
	v24 =	vand.u32 $0x7FFFFFFF, v8  }
0x1a0: {  	v17 =	vld [tilespmem:s25+$0x20C0];
	v25 =	vand.u32 $0x7FFFFFFF, v9;
	v26 =	vand.u32 $0x7FFFFFFF, v12;
	v13 =	vmax.f32 v13, v18  }
0x1a1: {  	v19 =	vld [tilespmem:s25+$0x20D0];
	v21 =	vmax.f32 v21, v22;
	v22 =	vmax.f32 v23, v24;
	v23 =	vmax.f32 v25, v26  }
0x1a2: {  	v18 =	vld [tilespmem:s25+$0x20E0];
	v13 =	vmax.f32 v13, v21;
	v22 =	vmax.f32 v22, v23  }
0x1a3: {  	v21 =	vld [tilespmem:s25+$0x20F0];
	v13 =	vmax.f32 v13, v22  }
0x1a4: {  	(xrf0) =	vmax.scan.msk.f32 $0xffff, v13  }
0x1a5: {  	v24 =	vand.u32 $0x7FFFFFFF, v15  }
0x1a6: {  	v23 =	vand.u32 $0x7FFFFFFF, v14;
	v22 =	vand.u32 $0x7FFFFFFF, v16;
	v13 =	vand.u32 $0x7FFFFFFF, v20  }
0x1a7: {  	v25 =	vand.u32 $0x7FFFFFFF, v19;
	v23 =	vmax.f32 v23, v24;
	v13 =	vmax.f32 v13, v22  }
0x1a8: {  	v22 =	vand.u32 $0x7FFFFFFF, v17;
	v26 =	vand.u32 $0x7FFFFFFF, v18;
	v27 =	vand.u32 $0x7FFFFFFF, v21  }
0x1a9: {  	v22 =	vmax.f32 v22, v25;
	v24 =	vmax.f32 v26, v27  }
0x1aa: {  	v13 =	vmax.f32 v13, v23;
	v22 =	vmax.f32 v22, v24;
	v23, _, _ =	vpop (xrf0)  }
0x1ab: {  	v13 =	vmax.f32 v13, v22;
	v22 =	vbroadcast v23, $0xF  }
0x1ac: {  	(xrf0) =	vmax.scan.msk.f32 $0xffff, v13  }
0x1ad: {  	v13 =	vmul.f32 $1.333333400e-01, v22  }
0x1ae: {  	vm10 =	veq.f32 v22, $0.0e+00  }
0x1af: {  	v24 =	vsel vm10, $0x3E088889, v13  }
0x1b0: {  	v22 =	vmul.f32 v24, v3;
	_ =	sdelay $0x1  }
0x1b1: {  	v13, _, _ =	vpop (xrf0);
	v25 =	vperm.xlane v22, v1  }
0x1b2: {  	v13 =	vbroadcast v13, $0xF  }
0x1b3: {  	vm11 =	vgt.f32 v5, v25;
	vm12 =	vgt.f32 v6, v25  }
0x1b4: {  	vm13 =	vgt.f32 v12, v25;
	vm14 =	veq.f32 v13, $0.0e+00;
	v13 =	vmul.f32 $1.333333400e-01, v13  }
0x1b5: {  	vm15 =	vgt.f32 v10, v25;
	vm9 =	vgt.f32 v11, v25;
	vm10 =	vgt.f32 v7, v25  }
0x1b6: {  	vm0 =	vgt.f32 v8, v25;
	vm1 =	vgt.f32 v9, v25;
	v26 =	vsel vm13, $0x8, v2  }
0x1b7: {  	v25 =	vsel vm11, $0x8, v2;
	v28 =	vsel vm12, $0x8, v2;
	v29 =	vsel vm15, $0x8, v2  }
0x1b8: {  	v31 =	vsel vm9, $0x8, v2;
	v32 =	vsel vm10, $0x8, v2;
	v40 =	vsel vm0, $0x8, v2  }
0x1b9: {  	v23 =	vor.u32 $0x3, v26;
	v13 =	vsel vm14, $0x3E088889, v13;
	v60 =	vor.u32 $0x3, v25  }
0x1ba: {  	v61 =	vor.u32 $0x3, v28;
	v62 =	vor.u32 $0x3, v29;
	v27 =	vperm.xlane v22, v23  }
0x1bb: {  	v63 =	vor.u32 $0x3, v31;
	v23 =	vmul.f32 v13, v3;
	v60 =	vperm.xlane v22, v60  }
0x1bc: {  	v52 =	vor.u32 $0x3, v32;
	v61 =	vperm.xlane v22, v61;
	v62 =	vperm.xlane v22, v62  }
0x1bd: {  	v41 =	vsel vm1, $0x8, v2;
	v63 =	vperm.xlane v22, v63;
	v54 =	vperm.xlane v22, v52  }
0x1be: {  	vm11 =	vgt.f32 v12, v27;
	v27 =	vperm.xlane v23, v1;
	vm7 =	vgt.f32 v5, v60  }
0x1bf: {  	vm8 =	vgt.f32 v6, v61;
	vm9 =	vgt.f32 v10, v62;
	vm10 =	vgt.f32 v11, v63  }
0x1c0: {  	v30 =	vsel vm11, $0x4, v2;
	vm11 =	vgt.f32 v7, v54;
	v60 =	vsel vm10, $0x4, v2  }
0x1c1: {  	v26 =	vor.u32 v26, v30;
	vm12 =	vgt.f32 v20, v27;
	vm3 =	vgt.f32 v16, v27  }
0x1c2: {  	vm4 =	vgt.f32 v14, v27;
	vm5 =	vgt.f32 v15, v27;
	vm6 =	vgt.f32 v17, v27  }
0x1c3: {  	vm13 =	vgt.f32 v19, v27;
	vm14 =	vgt.f32 v18, v27;
	vm15 =	vgt.f32 v21, v27  }
0x1c4: {  	v61 =	vsel vm11, $0x4, v2;
	v30 =	vor.u32 $0x1, v26;
	v33 =	vsel vm12, $0x8, v2  }
0x1c5: {  	v27 =	vsel vm3, $0x8, v2;
	v35 =	vsel vm5, $0x8, v2;
	v36 =	vsel vm6, $0x8, v2  }
0x1c6: {  	v34 =	vsel vm13, $0x8, v2;
	v38 =	vsel vm14, $0x8, v2;
	v39 =	vsel vm15, $0x8, v2  }
0x1c7: {  	v30 =	vperm.xlane v22, v30;
	v57 =	vor.u32 $0x3, v33;
	v58 =	vor.u32 $0x3, v27  }
0x1c8: {  	v45 =	vor.u32 $0x3, v35;
	v46 =	vor.u32 $0x3, v36;
	v59 =	vor.u32 $0x3, v38  }
0x1c9: {  	v42 =	vperm.xlane v23, v57;
	v43 =	vperm.xlane v23, v58;
	v58 =	vor.u32 $0x3, v41  }
0x1ca: {  	v45 =	vperm.xlane v23, v45;
	v46 =	vperm.xlane v23, v46;
	vm12 =	vgt.f32 v12, v30  }
0x1cb: {  	v59 =	vperm.xlane v23, v59;
	v30 =	vsel vm4, $0x8, v2;
	v55 =	vsel vm12, $0x2, v2  }
0x1cc: {  	v44 =	vor.u32 $0x3, v30;
	vm14 =	vgt.f32 v20, v42;
	vm0 =	vgt.f32 v16, v43  }
0x1cd: {  	vm2 =	vgt.f32 v15, v45;
	vm3 =	vgt.f32 v17, v46;
	vm5 =	vgt.f32 v18, v59  }
0x1ce: {  	v59 =	vsel vm9, $0x4, v2;
	v46 =	vor.u32 v32, v61;
	v26 =	vor.u32 v55, v26  }
0x1cf: {  	v57 =	vsel vm14, $0x4, v2;
	v44 =	vperm.xlane v23, v44;
	v55 =	vperm.xlane v22, v58  }
0x1d0: {  	v42 =	vsel vm2, $0x4, v2;
	v43 =	vsel vm3, $0x4, v2;
	v45 =	vsel vm5, $0x4, v2  }
0x1d1: {  	v58 =	vsel vm8, $0x4, v2;
	v56 =	vperm.xlane v22, v26;
	v33 =	vor.u32 v33, v57  }
0x1d2: {  	v57 =	vsel vm7, $0x4, v2;
	v28 =	vor.u32 v28, v58;
	vm1 =	vgt.f32 v14, v44  }
0x1d3: {  	v25 =	vor.u32 v25, v57;
	vm13 =	vgt.f32 v12, v56;
	v12 =	vmul.f32 v24, v4  }
0x1d4: {  	v56 =	vor.u32 $0x3, v40;
	v58 =	vor.u32 $0x1, v25;
	v24 =	vsel vm13, $0x1, v2  }
0x1d5: {  	vm13 =	vgt.f32 v9, v55;
	v55 =	vperm.xlane v22, v58;
	v24 =	vor.u32 v24, v26  }
0x1d6: {  	v26 =	vor.u32 $0x3, v34;
	v63 =	vsel vm13, $0x4, v2;
	v37 =	vperm.xlane v12, v24  }
0x1d7: {  	v24 =	vor.u32 $0x3, v39;
	v26 =	vperm.xlane v23, v26;
	v41 =	vor.u32 v41, v63  }
0x1d8: {  	vm7 =	vgt.f32 v5, v55;
	v24 =	vperm.xlane v23, v24;
	v54 =	vor.u32 $0x1, v41  }
0x1d9: {  	v50 =	vsel vm7, $0x2, v2;
	vm4 =	vgt.f32 v19, v26;
	v26 =	vperm.xlane v22, v56  }
0x1da: {  	vm6 =	vgt.f32 v21, v24;
	v24 =	vsel vm0, $0x4, v2;
	v44 =	vsel vm4, $0x4, v2  }
0x1db: {  	vm12 =	vgt.f32 v8, v26;
	v26 =	vsel vm1, $0x4, v2;
	v56 =	vsel vm6, $0x4, v2  }
0x1dc: {  	v24 =	vor.u32 v27, v24;
	v27 =	vor.u32 v35, v42;
	v34 =	vor.u32 v34, v44  }
0x1dd: {  	v42 =	vor.u32 v38, v45;
	v44 =	vor.u32 v29, v59;
	v45 =	vor.u32 v31, v60  }
0x1de: {  	v29 =	vor.u32 $0x1, v33;
	v59 =	vor.u32 $0x1, v28;
	v62 =	vsel vm12, $0x4, v2  }
0x1df: {  	v26 =	vor.u32 v30, v26;
	v30 =	vor.u32 v36, v43;
	v43 =	vor.u32 v39, v56  }
0x1e0: {  	v31 =	vor.u32 $0x1, v24;
	v35 =	vor.u32 $0x1, v27;
	v38 =	vor.u32 $0x1, v34  }
0x1e1: {  	v56 =	vor.u32 $0x1, v42;
	v29 =	vperm.xlane v23, v29;
	v60 =	vor.u32 $0x1, v44  }
0x1e2: {  	v61 =	vor.u32 $0x1, v45;
	v40 =	vor.u32 v40, v62;
	v32 =	vor.u32 $0x1, v26  }
0x1e3: {  	v36 =	vor.u32 $0x1, v30;
	v63 =	vperm.xlane v23, v31;
	v35 =	vperm.xlane v23, v35  }
0x1e4: {  	v57 =	vor.u32 $0x1, v43;
	v38 =	vperm.xlane v23, v38;
	v39 =	vperm.xlane v23, v56  }
0x1e5: {  	v62 =	vor.u32 $0x1, v46;
	v56 =	vperm.xlane v22, v59;
	v58 =	vperm.xlane v22, v61  }
0x1e6: {  	vm15 =	vgt.f32 v20, v29;
	v32 =	vperm.xlane v23, v32;
	v36 =	vperm.xlane v23, v36  }
0x1e7: {  	v29 =	vor.u32 $0x1, v40;
	v47 =	vperm.xlane v23, v57;
	v57 =	vperm.xlane v22, v60  }
0x1e8: {  	v59 =	vperm.xlane v22, v62;
	v31 =	vsel vm15, $0x2, v2;
	vm0 =	vgt.f32 v16, v63  }
0x1e9: {  	vm2 =	vgt.f32 v15, v35;
	v29 =	vperm.xlane v22, v29;
	vm4 =	vgt.f32 v19, v38  }
0x1ea: {  	vm5 =	vgt.f32 v18, v39;
	vm8 =	vgt.f32 v6, v56;
	vm10 =	vgt.f32 v11, v58  }
0x1eb: {  	v31 =	vor.u32 v31, v33;
	vm1 =	vgt.f32 v14, v32;
	vm3 =	vgt.f32 v17, v36  }
0x1ec: {  	v33 =	vperm.xlane v22, v54;
	vm6 =	vgt.f32 v21, v47;
	vm9 =	vgt.f32 v10, v57  }
0x1ed: {  	vm11 =	vgt.f32 v7, v59;
	v47 =	vsel vm4, $0x2, v2;
	v48 =	vsel vm5, $0x2, v2  }
0x1ee: {  	v51 =	vsel vm8, $0x2, v2;
	v60 =	vsel vm10, $0x2, v2;
	vm12 =	vgt.f32 v8, v29  }
0x1ef: {  	v29 =	vsel vm0, $0x2, v2;
	v32 =	vsel vm1, $0x2, v2;
	v36 =	vsel vm3, $0x2, v2  }
0x1f0: {  	v49 =	vsel vm6, $0x2, v2;
	v52 =	vsel vm9, $0x2, v2;
	v61 =	vsel vm11, $0x2, v2  }
0x1f1: {  	v58 =	vperm.xlane v23, v31;
	vm13 =	vgt.f32 v9, v33;
	v33 =	vsel vm2, $0x2, v2  }
0x1f2: {  	v62 =	vsel vm12, $0x2, v2;
	v39 =	vor.u32 v29, v24;
	v38 =	vor.u32 v32, v26  }
0x1f3: {  	v36 =	vor.u32 v36, v30;
	v32 =	vor.u32 v47, v34;
	v34 =	vor.u32 v49, v43  }
0x1f4: {  	v30 =	vor.u32 v50, v25;
	v29 =	vor.u32 v51, v28;
	v28 =	vor.u32 v52, v44  }
0x1f5: {  	v25 =	vor.u32 v61, v46;
	v63 =	vsel vm13, $0x2, v2;
	v35 =	vor.u32 v33, v27  }
0x1f6: {  	v33 =	vor.u32 v48, v42;
	v27 =	vor.u32 v60, v45;
	v26 =	vor.u32 v62, v40  }
0x1f7: {  	v59 =	vperm.xlane v23, v39;
	v60 =	vperm.xlane v23, v38;
	vm0 =	vgt.f32 v20, v58  }
0x1f8: {  	v61 =	vperm.xlane v23, v36;
	v24 =	vor.u32 v63, v41;
	v20 =	vperm.xlane v23, v35  }
0x1f9: {  	v62 =	vperm.xlane v23, v33;
	v63 =	vperm.xlane v22, v25;
	vm1 =	vgt.f32 v16, v59  }
0x1fa: {  	v16 =	vperm.xlane v23, v32;
	vm2 =	vgt.f32 v14, v60;
	v14 =	vperm.xlane v23, v34  }
0x1fb: {  	v23 =	vperm.xlane v22, v30;
	vm4 =	vgt.f32 v17, v61;
	v17 =	vperm.xlane v22, v27  }
0x1fc: {  	vm3 =	vgt.f32 v15, v20;
	v15 =	vperm.xlane v22, v29;
	v20 =	vperm.xlane v22, v28  }
0x1fd: {  	vm6 =	vgt.f32 v18, v62;
	vm12 =	vgt.f32 v7, v63;
	v48 =	vsel vm4, $0x1, v2  }
0x1fe: {  	s26 =	simm.s32 $0x100;
	[tilespmem:s25+$0x6170] =	vst v37;
	vm5 =	vgt.f32 v19, v16;
	v16 =	vperm.xlane v22, v26;
	v19 =	vperm.xlane v22, v24  }
0x1ff: {  	v7 =	vld [tilespmem:s26+$0x2120];
	vm7 =	vgt.f32 v21, v14;
	vm8 =	vgt.f32 v5, v23;
	vm11 =	vgt.f32 v11, v17  }
0x200: {  	v5 =	vld [tilespmem:s26+$0x2100];
	v14 =	vsel vm0, $0x1, v2;
	v17 =	vsel vm2, $0x1, v2;
	v46 =	vsel vm6, $0x1, v2  }
0x201: {  	v11 =	vld [tilespmem:s26+$0x2160];
	v23 =	vsel vm12, $0x1, v2;
	vm9 =	vgt.f32 v6, v15;
	vm10 =	vgt.f32 v10, v20  }
0x202: {  	v6 =	vld [tilespmem:s26+$0x2110];
	v15 =	vsel vm1, $0x1, v2;
	v20 =	vsel vm3, $0x1, v2;
	v21 =	vsel vm5, $0x1, v2  }
0x203: {  	v47 =	vsel vm7, $0x1, v2;
	v45 =	vsel vm8, $0x1, v2;
	v10 =	vld [tilespmem:s26+$0x2150];
	v41 =	vsel vm11, $0x1, v2  }
0x204: {  	vm13 =	vgt.f32 v8, v16;
	vm14 =	vgt.f32 v9, v19;
	v8 =	vld [tilespmem:s26+$0x2130];
	v44 =	vsel vm9, $0x1, v2  }
0x205: {  	s28 =	simm.s32 $0x800;
	v9 =	vld [tilespmem:s26+$0x2140];
	v42 =	vsel vm10, $0x1, v2;
	v22 =	vsel vm13, $0x1, v2;
	v40 =	vsel vm14, $0x1, v2  }
.LBB2_5:
0x206: {  	p1 =	sne.s32 s28, $0x7C00;
	v37 =	vld [tilespmem:s26+$0x2170];
	v13 =	vmul.f32 v13, v4;
	v31 =	vor.u32 v14, v31;
	v39 =	vor.u32 v15, v39  }
0x207: {  	v38 =	vor.u32 v17, v38;
	v35 =	vor.u32 v20, v35;
	v36 =	vor.u32 v48, v36;
	v14 =	vld [tilespmem:s26+$0x2080]  }
0x208: {  	v32 =	vor.u32 v21, v32;
	v33 =	vor.u32 v46, v33;
	v34 =	vor.u32 v47, v34;
	v15 =	vld [tilespmem:s26+$0x2090]  }
0x209: {  	v19 =	vand.u32 $0x7FFFFFFF, v5;
	v20 =	vand.u32 $0x7FFFFFFF, v6;
	v21 =	vand.u32 $0x7FFFFFFF, v7;
	v16 =	vld [tilespmem:s26+$0x20A0]  }
0x20a: {  	v43 =	vand.u32 $0x7FFFFFFF, v8;
	v46 =	vand.u32 $0x7FFFFFFF, v9;
	v47 =	vand.u32 $0x7FFFFFFF, v10;
	v17 =	vld [tilespmem:s26+$0x20B0]  }
0x20b: {  	v50 =	vmax.f32 v19, v20;
	v48 =	vand.u32 $0x7FFFFFFF, v11;
	v18 =	vld [tilespmem:s26+$0x20C0];
	v49 =	vand.u32 $0x7FFFFFFF, v37  }
0x20c: {  	v21 =	vmax.f32 v21, v43;
	v43 =	vmax.f32 v46, v47;
	v19 =	vld [tilespmem:s26+$0x20D0];
	v46 =	vmax.f32 v48, v49  }
0x20d: {  	v47 =	vand.u32 $0x7FFFFFFF, v14;
	v48 =	vmax.f32 v50, v21;
	v20 =	vld [tilespmem:s26+$0x20E0];
	v43 =	vmax.f32 v43, v46  }
0x20e: {  	v46 =	vand.u32 $0x7FFFFFFF, v15;
	v21 =	vld [tilespmem:s26+$0x20F0];
	v49 =	vand.u32 $0x7FFFFFFF, v16;
	v43 =	vmax.f32 v48, v43  }
0x20f: {  	v30 =	vor.u32 v45, v30;
	v46 =	vmax.f32 v47, v46;
	v48 =	vand.u32 $0x7FFFFFFF, v17;
	(xrf0) =	vmax.scan.msk.f32 $0xffff, v43  }
0x210: {  	v29 =	vor.u32 v44, v29;
	v43 =	vand.u32 $0x7FFFFFFF, v18;
	v45 =	vmax.f32 v49, v48  }
0x211: {  	v28 =	vor.u32 v42, v28;
	v44 =	vand.u32 $0x7FFFFFFF, v19;
	v45 =	vmax.f32 v46, v45  }
0x212: {  	v27 =	vor.u32 v41, v27;
	v42 =	vand.u32 $0x7FFFFFFF, v20;
	v43 =	vmax.f32 v43, v44  }
0x213: {  	v23 =	vor.u32 v23, v25;
	v25 =	vor.u32 v22, v26;
	v41 =	vand.u32 $0x7FFFFFFF, v21  }
0x214: {  	v24 =	vor.u32 v40, v24;
	v26 =	vperm.xlane v13, v31;
	v22 =	vmax.f32 v42, v41  }
0x215: {  	v39 =	vperm.xlane v13, v39;
	v38 =	vperm.xlane v13, v38;
	v22 =	vmax.f32 v43, v22;
	v31, _, _ =	vpop (xrf0)  }
0x216: {  	v22 =	vmax.f32 v45, v22;
	v31 =	vbroadcast v31, $0xF;
	[tilespmem:s25+$0x6080] =	vst v26;
	v26 =	vperm.xlane v13, v35  }
0x217: {  	v32 =	vperm.xlane v13, v32;
	(xrf0) =	vmax.scan.msk.f32 $0xffff, v22;
	[tilespmem:s25+$0x6090] =	vst v39;
	v22 =	vperm.xlane v13, v36  }
0x218: {  	v33 =	vperm.xlane v13, v33;
	v35 =	vmul.f32 $1.333333400e-01, v31;
	[tilespmem:s25+$0x60A0] =	vst v38  }
0x219: {  	v13 =	vperm.xlane v13, v34;
	vm0 =	veq.f32 v31, $0.0e+00;
	[tilespmem:s25+$0x60B0] =	vst v26;
	v26 =	vperm.xlane v12, v30  }
0x21a: {  	v29 =	vperm.xlane v12, v29;
	v28 =	vperm.xlane v12, v28;
	v30 =	vsel vm0, $0x3E088889, v35;
	[tilespmem:s25+$0x60C0] =	vst v22  }
0x21b: {  	v27 =	vperm.xlane v12, v27;
	v22 =	vmul.f32 v30, v3;
	[tilespmem:s25+$0x60D0] =	vst v32  }
0x21c: {  	v23 =	vperm.xlane v12, v23;
	v25 =	vperm.xlane v12, v25;
	[tilespmem:s25+$0x60E0] =	vst v33  }
0x21d: {  	v12 =	vperm.xlane v12, v24;
	v31 =	vperm.xlane v22, v1;
	v32, _, _ =	vpop (xrf0);
	[tilespmem:s25+$0x60F0] =	vst v13  }
0x21e: {  	v13 =	vbroadcast v32, $0xF;
	[tilespmem:s25+$0x6100] =	vst v26  }
0x21f: {  	vm2 =	vgt.f32 v5, v31;
	vm3 =	vgt.f32 v6, v31;
	vm0 =	vgt.f32 v37, v31;
	[tilespmem:s25+$0x6110] =	vst v29  }
0x220: {  	vm1 =	veq.f32 v13, $0.0e+00;
	v13 =	vmul.f32 $1.333333400e-01, v13;
	v29 =	vsel vm0, $0x8, v2;
	[tilespmem:s25+$0x6120] =	vst v28  }
0x221: {  	vm4 =	vgt.f32 v7, v31;
	vm5 =	vgt.f32 v8, v31;
	v24 =	vor.u32 $0x3, v29;
	[tilespmem:s25+$0x6130] =	vst v27  }
0x222: {  	vm6 =	vgt.f32 v9, v31;
	v13 =	vsel vm1, $0x3E088889, v13;
	v26 =	vperm.xlane v22, v24;
	[tilespmem:s25+$0x6140] =	vst v23  }
0x223: {  	vm0 =	vgt.f32 v10, v31;
	vm1 =	vgt.f32 v11, v31;
	v23 =	vmul.f32 v13, v3;
	[tilespmem:s25+$0x6150] =	vst v25  }
0x224: {  	v24 =	vsel vm3, $0x8, v2;
	v25 =	vsel vm2, $0x8, v2;
	vm2 =	vgt.f32 v37, v26;
	[tilespmem:s25+$0x6160] =	vst v12;
	s25 =	smov.u32 s26  }
0x225: {  	v26 =	vsel vm4, $0x8, v2;
	v12 =	vperm.xlane v23, v1;
	v31 =	vsel vm2, $0x4, v2  }
0x226: {  	v28 =	vsel vm5, $0x8, v2;
	v27 =	vsel vm6, $0x8, v2;
	v29 =	vor.u32 v29, v31  }
0x227: {  	vm2 =	vgt.f32 v14, v12;
	vm3 =	vgt.f32 v15, v12;
	v31 =	vor.u32 $0x1, v29  }
0x228: {  	vm4 =	vgt.f32 v16, v12;
	vm5 =	vgt.f32 v17, v12;
	v31 =	vperm.xlane v22, v31  }
0x229: {  	vm6 =	vgt.f32 v18, v12;
	vm7 =	vgt.f32 v19, v12;
	vm8 =	vgt.f32 v20, v12  }
0x22a: {  	v32 =	vsel vm2, $0x8, v2;
	vm2 =	vgt.f32 v21, v12;
	vm9 =	vgt.f32 v37, v31  }
0x22b: {  	v33 =	vsel vm4, $0x8, v2;
	v31 =	vsel vm3, $0x8, v2;
	v12 =	vsel vm9, $0x2, v2  }
0x22c: {  	v34 =	vsel vm5, $0x8, v2;
	v35 =	vsel vm6, $0x8, v2;
	v29 =	vor.u32 v12, v29  }
0x22d: {  	v36 =	vsel vm7, $0x8, v2;
	v38 =	vsel vm8, $0x8, v2;
	v12 =	vperm.xlane v22, v29  }
0x22e: {  	v40 =	vsel vm0, $0x8, v2;
	v41 =	vsel vm1, $0x8, v2;
	v39 =	vsel vm2, $0x8, v2  }
0x22f: {  	v42 =	vor.u32 $0x3, v32;
	v43 =	vor.u32 $0x3, v31;
	vm0 =	vgt.f32 v37, v12  }
0x230: {  	v37 =	vor.u32 $0x3, v33;
	v12 =	vmul.f32 v30, v4;
	v30 =	vsel vm0, $0x1, v2  }
0x231: {  	v44 =	vor.u32 $0x3, v34;
	v45 =	vor.u32 $0x3, v35;
	v29 =	vor.u32 v30, v29  }
0x232: {  	v46 =	vor.u32 $0x3, v38;
	v30 =	vor.u32 $0x3, v36;
	v29 =	vperm.xlane v12, v29  }
0x233: {  	v49 =	vor.u32 $0x3, v24;
	v48 =	vor.u32 $0x3, v25;
	v47 =	vor.u32 $0x3, v39  }
0x234: {  	v51 =	vor.u32 $0x3, v28;
	v52 =	vor.u32 $0x3, v27;
	v50 =	vor.u32 $0x3, v26;
	[tilespmem:s25+$0x6170] =	vst v29  }
0x235: {  	v53 =	vor.u32 $0x3, v41;
	v29 =	vperm.xlane v23, v42;
	v42 =	vor.u32 $0x3, v40  }
0x236: {  	v43 =	vperm.xlane v23, v43;
	v37 =	vperm.xlane v23, v37  }
0x237: {  	vm0 =	vgt.f32 v14, v29;
	v29 =	vperm.xlane v23, v44;
	v44 =	vperm.xlane v23, v45  }
0x238: {  	vm1 =	vgt.f32 v15, v43;
	v43 =	vperm.xlane v23, v46;
	v30 =	vperm.xlane v23, v30  }
0x239: {  	vm2 =	vgt.f32 v16, v37;
	v37 =	vperm.xlane v23, v47;
	v45 =	vperm.xlane v22, v48  }
0x23a: {  	v46 =	vperm.xlane v22, v50;
	vm3 =	vgt.f32 v17, v29;
	v29 =	vperm.xlane v22, v49  }
0x23b: {  	v47 =	vperm.xlane v22, v52;
	vm4 =	vgt.f32 v18, v44;
	v44 =	vperm.xlane v22, v51  }
0x23c: {  	vm5 =	vgt.f32 v19, v30;
	v30 =	vperm.xlane v22, v42;
	v42 =	vperm.xlane v22, v53  }
0x23d: {  	vm6 =	vgt.f32 v20, v43;
	vm7 =	vgt.f32 v21, v37;
	vm8 =	vgt.f32 v5, v45  }
0x23e: {  	vm10 =	vgt.f32 v7, v46;
	vm9 =	vgt.f32 v6, v29;
	vm11 =	vgt.f32 v8, v44  }
0x23f: {  	vm12 =	vgt.f32 v9, v47;
	vm13 =	vgt.f32 v10, v30;
	vm14 =	vgt.f32 v11, v42  }
0x240: {  	v37 =	vsel vm2, $0x4, v2;
	v30 =	vsel vm1, $0x4, v2;
	v29 =	vsel vm0, $0x4, v2  }
0x241: {  	v42 =	vsel vm3, $0x4, v2;
	v43 =	vsel vm4, $0x4, v2;
	v44 =	vsel vm5, $0x4, v2  }
0x242: {  	v46 =	vsel vm7, $0x4, v2;
	v45 =	vsel vm6, $0x4, v2;
	v47 =	vsel vm8, $0x4, v2  }
0x243: {  	v49 =	vsel vm10, $0x4, v2;
	v48 =	vsel vm9, $0x4, v2;
	v50 =	vsel vm11, $0x4, v2  }
0x244: {  	v51 =	vsel vm12, $0x4, v2;
	v52 =	vsel vm13, $0x4, v2;
	v53 =	vsel vm14, $0x4, v2  }
0x245: {  	v30 =	vor.u32 v31, v30;
	v29 =	vor.u32 v32, v29;
	v32 =	vor.u32 v33, v37  }
0x246: {  	v33 =	vor.u32 v34, v42;
	v34 =	vor.u32 v35, v43;
	v37 =	vor.u32 v36, v44  }
0x247: {  	v25 =	vor.u32 v25, v47;
	v42 =	vor.u32 v38, v45;
	v43 =	vor.u32 v39, v46  }
0x248: {  	v26 =	vor.u32 v26, v49;
	v24 =	vor.u32 v24, v48;
	v44 =	vor.u32 v28, v50  }
0x249: {  	v40 =	vor.u32 v40, v52;
	v41 =	vor.u32 v41, v53;
	v45 =	vor.u32 v27, v51  }
0x24a: {  	v27 =	vor.u32 $0x1, v29;
	v28 =	vor.u32 $0x1, v30;
	v31 =	vor.u32 $0x1, v32  }
0x24b: {  	v35 =	vor.u32 $0x1, v33;
	v36 =	vor.u32 $0x1, v34;
	v38 =	vor.u32 $0x1, v37  }
0x24c: {  	v47 =	vor.u32 $0x1, v25;
	v39 =	vor.u32 $0x1, v42;
	v46 =	vor.u32 $0x1, v43  }
0x24d: {  	v49 =	vor.u32 $0x1, v26;
	v48 =	vor.u32 $0x1, v24;
	v50 =	vor.u32 $0x1, v44  }
0x24e: {  	v52 =	vor.u32 $0x1, v40;
	v53 =	vor.u32 $0x1, v41;
	v51 =	vor.u32 $0x1, v45  }
0x24f: {  	v27 =	vperm.xlane v23, v27;
	v28 =	vperm.xlane v23, v28  }
0x250: {  	v31 =	vperm.xlane v23, v31;
	v35 =	vperm.xlane v23, v35  }
0x251: {  	vm0 =	vgt.f32 v14, v27;
	v27 =	vperm.xlane v23, v36;
	v36 =	vperm.xlane v23, v38  }
0x252: {  	vm1 =	vgt.f32 v15, v28;
	v28 =	vperm.xlane v23, v39;
	v38 =	vperm.xlane v23, v46  }
0x253: {  	vm2 =	vgt.f32 v16, v31;
	v31 =	vperm.xlane v22, v47;
	v39 =	vperm.xlane v22, v48  }
0x254: {  	vm3 =	vgt.f32 v17, v35;
	v35 =	vperm.xlane v22, v49;
	v46 =	vperm.xlane v22, v50  }
0x255: {  	v47 =	vperm.xlane v22, v52;
	vm4 =	vgt.f32 v18, v27;
	v27 =	vperm.xlane v22, v51  }
0x256: {  	vm5 =	vgt.f32 v19, v36;
	vm6 =	vgt.f32 v20, v28;
	v28 =	vperm.xlane v22, v53  }
0x257: {  	vm7 =	vgt.f32 v21, v38;
	vm8 =	vgt.f32 v5, v31;
	vm9 =	vgt.f32 v6, v39  }
0x258: {  	vm10 =	vgt.f32 v7, v35;
	vm11 =	vgt.f32 v8, v46;
	vm12 =	vgt.f32 v9, v27  }
0x259: {  	v27 =	vsel vm0, $0x2, v2;
	vm0 =	vgt.f32 v10, v47;
	vm13 =	vgt.f32 v11, v28  }
0x25a: {  	v35 =	vsel vm2, $0x2, v2;
	v36 =	vsel vm3, $0x2, v2;
	v28 =	vsel vm1, $0x2, v2  }
0x25b: {  	v46 =	vsel vm4, $0x2, v2;
	v48 =	vsel vm6, $0x2, v2;
	v47 =	vsel vm5, $0x2, v2  }
0x25c: {  	v49 =	vsel vm7, $0x2, v2;
	v50 =	vsel vm8, $0x2, v2;
	v51 =	vsel vm9, $0x2, v2  }
0x25d: {  	v52 =	vsel vm10, $0x2, v2;
	v53 =	vsel vm11, $0x2, v2;
	v54 =	vsel vm12, $0x2, v2  }
0x25e: {  	v31 =	vor.u32 v27, v29;
	v55 =	vsel vm0, $0x2, v2;
	v56 =	vsel vm13, $0x2, v2  }
0x25f: {  	v38 =	vor.u32 v35, v32;
	v35 =	vor.u32 v36, v33;
	v39 =	vor.u32 v28, v30  }
0x260: {  	v36 =	vor.u32 v46, v34;
	v33 =	vor.u32 v48, v42;
	v32 =	vor.u32 v47, v37  }
0x261: {  	v34 =	vor.u32 v49, v43;
	v30 =	vor.u32 v50, v25;
	v29 =	vor.u32 v51, v24  }
0x262: {  	v28 =	vor.u32 v52, v26;
	v27 =	vor.u32 v53, v44;
	v25 =	vor.u32 v54, v45  }
0x263: {  	v37 =	vperm.xlane v23, v31;
	v26 =	vor.u32 v55, v40;
	v24 =	vor.u32 v56, v41  }
0x264: {  	v40 =	vperm.xlane v23, v39;
	v41 =	vperm.xlane v23, v38  }
0x265: {  	vm0 =	vgt.f32 v14, v37;
	v14 =	vperm.xlane v23, v35;
	v37 =	vperm.xlane v23, v36  }
0x266: {  	vm1 =	vgt.f32 v15, v40;
	v15 =	vperm.xlane v23, v32;
	v40 =	vperm.xlane v23, v33  }
0x267: {  	vm2 =	vgt.f32 v16, v41;
	v16 =	vperm.xlane v23, v34;
	v23 =	vperm.xlane v22, v30  }
0x268: {  	vm3 =	vgt.f32 v17, v14;
	v14 =	vperm.xlane v22, v29;
	v17 =	vperm.xlane v22, v28  }
0x269: {  	vm4 =	vgt.f32 v18, v37;
	v18 =	vperm.xlane v22, v27;
	v37 =	vperm.xlane v22, v25  }
0x26a: {  	vm5 =	vgt.f32 v19, v15;
	v15 =	vperm.xlane v22, v26;
	v19 =	vperm.xlane v22, v24  }
0x26b: {  	s26 =	sshra.s32 s28, $0x2;
	vm6 =	vgt.f32 v20, v40;
	vm7 =	vgt.f32 v21, v16;
	vm8 =	vgt.f32 v5, v23  }
0x26c: {  	vm9 =	vgt.f32 v6, v14;
	vm10 =	vgt.f32 v7, v17;
	vm11 =	vgt.f32 v8, v18;
	v5 =	vld [tilespmem:s26+$0x2100]  }
0x26d: {  	vm12 =	vgt.f32 v9, v37;
	vm13 =	vgt.f32 v10, v15;
	vm14 =	vgt.f32 v11, v19;
	v6 =	vld [tilespmem:s26+$0x2110]  }
.Ltmp1:
0x26e: {  	v14 =	vsel vm0, $0x1, v2;
	v15 =	vsel vm1, $0x1, v2;
	v17 =	vsel vm2, $0x1, v2;
	v7 =	vld [tilespmem:s26+$0x2120];
	(pc) =	sbr.rel @p1 .LBB2_5-.Ltmp1, $4  }
0x26f: {  	v20 =	vsel vm3, $0x1, v2;
	v48 =	vsel vm4, $0x1, v2;
	v21 =	vsel vm5, $0x1, v2;
	v8 =	vld [tilespmem:s26+$0x2130]  }
0x270: {  	v46 =	vsel vm6, $0x1, v2;
	v47 =	vsel vm7, $0x1, v2;
	v45 =	vsel vm8, $0x1, v2;
	v9 =	vld [tilespmem:s26+$0x2140]  }
0x271: {  	v44 =	vsel vm9, $0x1, v2;
	v42 =	vsel vm10, $0x1, v2;
	v41 =	vsel vm11, $0x1, v2;
	v10 =	vld [tilespmem:s26+$0x2150]  }
0x272: {  	s28 =	sadd.s32 $0x400, s28;
	v23 =	vsel vm12, $0x1, v2;
	v22 =	vsel vm13, $0x1, v2;
	v40 =	vsel vm14, $0x1, v2;
	v11 =	vld [tilespmem:s26+$0x2160]  }
0x273: {  	v43 =	vld [tilespmem:s26+$0x2170]  }
0x274: {  	v18 =	vld [tilespmem:s26+$0x2080]  }
0x275: {  	v49 =	vmul.f32 v13, v4;
	v19 =	vld [tilespmem:s26+$0x2090]  }
0x276: {  	v31 =	vor.u32 v14, v31;
	v39 =	vor.u32 v15, v39;
	v13 =	vld [tilespmem:s26+$0x20A0];
	v16 =	vand.u32 $0x7FFFFFFF, v5  }
0x277: {  	v37 =	vand.u32 $0x7FFFFFFF, v6;
	v50 =	vand.u32 $0x7FFFFFFF, v7;
	v14 =	vld [tilespmem:s26+$0x20B0];
	v38 =	vor.u32 v17, v38  }
0x278: {  	v15 =	vld [tilespmem:s26+$0x20C0];
	v35 =	vor.u32 v20, v35;
	v48 =	vor.u32 v48, v36;
	v21 =	vor.u32 v21, v32  }
0x279: {  	v17 =	vld [tilespmem:s26+$0x20E0];
	v51 =	vand.u32 $0x7FFFFFFF, v8;
	v37 =	vmax.f32 v16, v37;
	v52 =	vand.u32 $0x7FFFFFFF, v9  }
0x27a: {  	v20 =	vld [tilespmem:s26+$0x20F0];
	v53 =	vand.u32 $0x7FFFFFFF, v10;
	v54 =	vand.u32 $0x7FFFFFFF, v11;
	v55 =	vand.u32 $0x7FFFFFFF, v43  }
0x27b: {  	v16 =	vld [tilespmem:s26+$0x20D0];
	v50 =	vmax.f32 v50, v51;
	v61 =	vmax.f32 v52, v53;
	v62 =	vmax.f32 v54, v55  }
0x27c: {  	v46 =	vor.u32 v46, v33;
	v37 =	vmax.f32 v37, v50;
	v63 =	vmax.f32 v61, v62  }
0x27d: {  	v47 =	vor.u32 v47, v34;
	v44 =	vor.u32 v44, v29;
	v52 =	vmax.f32 v37, v63  }
0x27e: {  	v53 =	vand.u32 $0x7FFFFFFF, v18;
	v56 =	vand.u32 $0x7FFFFFFF, v14;
	v57 =	vand.u32 $0x7FFFFFFF, v15;
	(xrf0) =	vmax.scan.msk.f32 $0xffff, v52  }
0x27f: {  	v60 =	vand.u32 $0x7FFFFFFF, v17;
	v54 =	vand.u32 $0x7FFFFFFF, v19;
	v55 =	vand.u32 $0x7FFFFFFF, v13  }
0x280: {  	v59 =	vand.u32 $0x7FFFFFFF, v16;
	v32 =	vmax.f32 v53, v54;
	v61 =	vand.u32 $0x7FFFFFFF, v20  }
0x281: {  	v58 =	vmax.f32 v55, v56;
	v29 =	vmax.f32 v57, v59;
	v62 =	vmax.f32 v60, v61  }
0x282: {  	v45 =	vor.u32 v45, v30;
	v32 =	vmax.f32 v32, v58;
	v29 =	vmax.f32 v29, v62  }
0x283: {  	v36 =	vperm.xlane v49, v39;
	v34 =	vperm.xlane v49, v38;
	v29 =	vmax.f32 v32, v29  }
0x284: {  	v28 =	vor.u32 v42, v28;
	v35 =	vperm.xlane v49, v35;
	v33 =	vperm.xlane v49, v48;
	v63, _, _ =	vpop (xrf0);
	(xrf0) =	vmax.scan.msk.f32 $0xffff, v29  }
0x285: {  	v48 =	vor.u32 v41, v27;
	v27 =	vperm.xlane v12, v44;
	v30 =	vbroadcast v63, $0xF  }
0x286: {  	v51 =	vor.u32 v23, v25;
	v25 =	vperm.xlane v12, v28;
	v23 =	vperm.xlane v12, v48  }
0x287: {  	v26 =	vor.u32 v22, v26;
	v22 =	vperm.xlane v12, v51;
	v50 =	vmul.f32 $1.333333400e-01, v30  }
0x288: {  	v37 =	vperm.xlane v49, v31;
	v31 =	vperm.xlane v49, v46;
	vm0 =	veq.f32 v30, $0.0e+00  }
0x289: {  	v32 =	vperm.xlane v49, v21;
	v21 =	vperm.xlane v12, v26;
	v38 =	vsel vm0, $0x3E088889, v50  }
0x28a: {  	v24 =	vor.u32 v40, v24;
	v29 =	vperm.xlane v12, v45;
	v28 =	vmul.f32 v38, v3;
	v53, _, _ =	vpop (xrf0)  }
0x28b: {  	v12 =	vperm.xlane v12, v24;
	v54 =	vbroadcast v53, $0xF  }
0x28c: {  	v30 =	vperm.xlane v49, v47;
	v52 =	vperm.xlane v28, v1  }
0x28d: {  	v38 =	vmul.f32 v38, v4;
	vm1 =	veq.f32 v54, $0.0e+00;
	v24 =	vmul.f32 $1.333333400e-01, v54  }
0x28e: {  	vm2 =	vgt.f32 v5, v52;
	vm3 =	vgt.f32 v6, v52;
	vm11 =	vgt.f32 v43, v52  }
0x28f: {  	vm4 =	vgt.f32 v7, v52;
	vm5 =	vgt.f32 v8, v52;
	vm6 =	vgt.f32 v9, v52  }
0x290: {  	vm0 =	vgt.f32 v10, v52;
	v55 =	vsel vm11, $0x8, v2;
	v24 =	vsel vm1, $0x3E088889, v24  }
0x291: {  	vm1 =	vgt.f32 v11, v52;
	v56 =	vor.u32 $0x3, v55;
	v26 =	vmul.f32 v24, v3  }
0x292: {  	v42 =	vsel vm2, $0x8, v2;
	v44 =	vsel vm3, $0x8, v2;
	v57 =	vperm.xlane v28, v56  }
0x293: {  	v41 =	vsel vm4, $0x8, v2;
	v46 =	vsel vm5, $0x8, v2;
	v58 =	vperm.xlane v26, v1  }
0x294: {  	v47 =	vsel vm6, $0x8, v2;
	v56 =	vsel vm1, $0x8, v2;
	vm12 =	vgt.f32 v43, v57  }
0x295: {  	v59 =	vsel vm12, $0x4, v2;
	vm13 =	vgt.f32 v18, v58;
	vm3 =	vgt.f32 v19, v58  }
0x296: {  	vm14 =	vgt.f32 v13, v58;
	vm15 =	vgt.f32 v14, v58;
	vm12 =	vgt.f32 v15, v58  }
0x297: {  	vm7 =	vgt.f32 v16, v58;
	vm8 =	vgt.f32 v17, v58;
	v40 =	vor.u32 v55, v59  }
0x298: {  	v48 =	vsel vm13, $0x8, v2;
	vm13 =	vgt.f32 v20, v58;
	v49 =	vsel vm14, $0x8, v2  }
0x299: {  	v50 =	vsel vm15, $0x8, v2;
	v51 =	vsel vm12, $0x8, v2;
	v45 =	vor.u32 $0x1, v40  }
0x29a: {  	v57 =	vor.u32 $0x3, v48;
	v59 =	vor.u32 $0x3, v50;
	v45 =	vperm.xlane v28, v45  }
0x29b: {  	v52 =	vsel vm8, $0x8, v2;
	v62 =	vperm.xlane v26, v57;
	v59 =	vperm.xlane v26, v59  }
0x29c: {  	v55 =	vsel vm0, $0x8, v2;
	v54 =	vsel vm13, $0x8, v2;
	vm9 =	vgt.f32 v43, v45  }
0x29d: {  	v45 =	vsel vm3, $0x8, v2;
	vm15 =	vgt.f32 v18, v62;
	vm6 =	vgt.f32 v14, v59  }
0x29e: {  	v59 =	vor.u32 $0x3, v44;
	v60 =	vsel vm9, $0x2, v2;
	v58 =	vor.u32 $0x3, v45  }
0x29f: {  	v63 =	vsel vm15, $0x4, v2;
	v59 =	vperm.xlane v28, v59;
	v39 =	vor.u32 v60, v40  }
0x2a0: {  	v40 =	vsel vm7, $0x8, v2;
	v60 =	vor.u32 $0x3, v51;
	v58 =	vperm.xlane v26, v58  }
0x2a1: {  	v61 =	vperm.xlane v28, v39;
	v57 =	vor.u32 $0x3, v40;
	v60 =	vperm.xlane v26, v60  }
0x2a2: {  	vm12 =	vgt.f32 v6, v59;
	vm4 =	vgt.f32 v19, v58;
	v58 =	vor.u32 $0x3, v54  }
0x2a3: {  	v57 =	vperm.xlane v26, v57;
	vm14 =	vgt.f32 v43, v61;
	v43 =	vor.u32 $0x3, v49  }
0x2a4: {  	v61 =	vsel vm4, $0x4, v2;
	vm7 =	vgt.f32 v15, v60;
	v58 =	vperm.xlane v26, v58  }
0x2a5: {  	v53 =	vsel vm14, $0x1, v2;
	v43 =	vperm.xlane v26, v43;
	v45 =	vor.u32 v45, v61  }
0x2a6: {  	vm8 =	vgt.f32 v16, v57;
	v57 =	vsel vm6, $0x4, v2;
	v62 =	vsel vm7, $0x4, v2  }
0x2a7: {  	v61 =	vor.u32 $0x3, v56;
	v39 =	vor.u32 v53, v39;
	v53 =	vor.u32 $0x3, v52  }
0x2a8: {  	v50 =	vor.u32 v50, v57;
	v57 =	vor.u32 $0x3, v46;
	vm10 =	vgt.f32 v20, v58  }
0x2a9: {  	v51 =	vor.u32 v51, v62;
	v58 =	vor.u32 $0x3, v55;
	vm5 =	vgt.f32 v13, v43  }
0x2aa: {  	v43 =	vor.u32 v48, v63;
	v48 =	vor.u32 $0x3, v42;
	v53 =	vperm.xlane v26, v53  }
0x2ab: {  	v63 =	vsel vm8, $0x4, v2;
	v57 =	vperm.xlane v28, v57;
	v58 =	vperm.xlane v28, v58  }
0x2ac: {  	[tilespmem:s25+$0x6080] =	vst v37;
	v62 =	vsel vm10, $0x4, v2;
	v37 =	vperm.xlane v38, v39;
	v60 =	vsel vm5, $0x4, v2  }
0x2ad: {  	v48 =	vperm.xlane v28, v48;
	v40 =	vor.u32 v40, v63;
	v54 =	vor.u32 v54, v62  }
0x2ae: {  	v49 =	vor.u32 v49, v60;
	v60 =	vor.u32 $0x3, v41;
	vm9 =	vgt.f32 v17, v53  }
0x2af: {  	v53 =	vor.u32 $0x3, v47;
	vm14 =	vgt.f32 v8, v57;
	vm11 =	vgt.f32 v5, v48  }
0x2b0: {  	v48 =	vsel vm9, $0x4, v2;
	v60 =	vperm.xlane v28, v60;
	v53 =	vperm.xlane v28, v53  }
0x2b1: {  	vm9 =	vgt.f32 v10, v58;
	v48 =	vor.u32 v52, v48;
	v52 =	vperm.xlane v28, v61  }
0x2b2: {  	v63 =	vsel vm11, $0x4, v2;
	v61 =	vsel vm14, $0x4, v2;
	vm13 =	vgt.f32 v7, v60  }
0x2b3: {  	vm15 =	vgt.f32 v9, v53;
	v60 =	vsel vm12, $0x4, v2;
	v42 =	vor.u32 v42, v63  }
0x2b4: {  	v63 =	vsel vm9, $0x4, v2;
	v46 =	vor.u32 v46, v61;
	v61 =	vor.u32 $0x1, v43  }
0x2b5: {  	vm10 =	vgt.f32 v11, v52;
	v57 =	vsel vm13, $0x4, v2;
	v62 =	vsel vm15, $0x4, v2  }
0x2b6: {  	v44 =	vor.u32 v44, v60;
	v52 =	vor.u32 v55, v63;
	v55 =	vperm.xlane v26, v61  }
0x2b7: {  	v63 =	vor.u32 $0x1, v49;
	v61 =	vor.u32 $0x1, v51;
	v60 =	vsel vm10, $0x4, v2  }
0x2b8: {  	v41 =	vor.u32 v41, v57;
	v47 =	vor.u32 v47, v62;
	v62 =	vor.u32 $0x1, v45  }
0x2b9: {  	v57 =	vperm.xlane v26, v63;
	v59 =	vperm.xlane v26, v61;
	v53 =	vor.u32 v56, v60  }
0x2ba: {  	v60 =	vor.u32 $0x1, v50;
	v56 =	vperm.xlane v26, v62;
	vm11 =	vgt.f32 v18, v55  }
0x2bb: {  	v62 =	vor.u32 $0x1, v40;
	v58 =	vperm.xlane v26, v60;
	vm13 =	vgt.f32 v13, v57  }
0x2bc: {  	v63 =	vsel vm11, $0x2, v2;
	v57 =	vor.u32 $0x1, v54;
	v55 =	vperm.xlane v26, v62  }
0x2bd: {  	vm15 =	vgt.f32 v15, v59;
	v62 =	vor.u32 $0x1, v42;
	vm12 =	vgt.f32 v19, v56  }
0x2be: {  	v56 =	vor.u32 $0x1, v48;
	v43 =	vor.u32 v63, v43;
	v61 =	vsel vm13, $0x2, v2  }
0x2bf: {  	v63 =	vor.u32 $0x1, v44;
	v57 =	vperm.xlane v26, v57;
	vm14 =	vgt.f32 v14, v58  }
0x2c0: {  	v60 =	vsel vm12, $0x2, v2;
	v49 =	vor.u32 v61, v49;
	v56 =	vperm.xlane v26, v56  }
0x2c1: {  	vm4 =	vgt.f32 v16, v55;
	v55 =	vor.u32 $0x1, v41;
	v58 =	vperm.xlane v28, v62  }
0x2c2: {  	v61 =	vsel vm15, $0x2, v2;
	v59 =	vperm.xlane v28, v63;
	v45 =	vor.u32 v60, v45  }
0x2c3: {  	v60 =	vsel vm14, $0x2, v2;
	vm6 =	vgt.f32 v20, v57;
	v62 =	vsel vm4, $0x2, v2  }
0x2c4: {  	v51 =	vor.u32 v61, v51;
	v57 =	vor.u32 $0x1, v47;
	v61 =	vor.u32 $0x1, v52  }
0x2c5: {  	v55 =	vperm.xlane v28, v55;
	v50 =	vor.u32 v60, v50;
	vm5 =	vgt.f32 v17, v56  }
0x2c6: {  	v56 =	vor.u32 $0x1, v46;
	v40 =	vor.u32 v62, v40;
	vm7 =	vgt.f32 v5, v58  }
0x2c7: {  	vm8 =	vgt.f32 v6, v59;
	v60 =	vsel vm6, $0x2, v2;
	v62 =	vor.u32 $0x1, v53  }
0x2c8: {  	v57 =	vperm.xlane v28, v57;
	v58 =	vperm.xlane v28, v61;
	v63 =	vsel vm5, $0x2, v2  }
0x2c9: {  	v54 =	vor.u32 v60, v54;
	v56 =	vperm.xlane v28, v56;
	vm9 =	vgt.f32 v7, v55  }
0x2ca: {  	v60 =	vperm.xlane v28, v62;
	v61 =	vsel vm8, $0x2, v2;
	v55 =	vperm.xlane v26, v49  }
0x2cb: {  	v48 =	vor.u32 v63, v48;
	v63 =	vsel vm7, $0x2, v2;
	vm11 =	vgt.f32 v9, v57  }
0x2cc: {  	vm12 =	vgt.f32 v10, v58;
	v44 =	vor.u32 v61, v44;
	v61 =	vperm.xlane v26, v43  }
0x2cd: {  	v62 =	vsel vm9, $0x2, v2;
	v57 =	vperm.xlane v26, v51;
	v58 =	vperm.xlane v26, v40  }
0x2ce: {  	v42 =	vor.u32 v63, v42;
	vm10 =	vgt.f32 v8, v56;
	v41 =	vor.u32 v62, v41  }
0x2cf: {  	[tilespmem:s25+$0x6090] =	vst v36;
	vm13 =	vgt.f32 v11, v60;
	v59 =	vsel vm11, $0x2, v2;
	v60 =	vsel vm12, $0x2, v2  }
0x2d0: {  	[tilespmem:s25+$0x60A0] =	vst v34;
	v56 =	vperm.xlane v26, v50;
	vm9 =	vgt.f32 v13, v55;
	v63 =	vsel vm10, $0x2, v2  }
0x2d1: {  	[tilespmem:s25+$0x60B0] =	vst v35;
	v39 =	vor.u32 v59, v47;
	v62 =	vsel vm13, $0x2, v2;
	v36 =	vor.u32 v60, v52  }
0x2d2: {  	[tilespmem:s25+$0x60C0] =	vst v33;
	vm1 =	vgt.f32 v18, v61;
	v59 =	vperm.xlane v26, v48;
	v60 =	vperm.xlane v26, v54  }
0x2d3: {  	[tilespmem:s25+$0x6110] =	vst v27;
	v61 =	vperm.xlane v28, v42;
	vm11 =	vgt.f32 v15, v57;
	vm12 =	vgt.f32 v16, v58  }
0x2d4: {  	[tilespmem:s25+$0x6120] =	vst v25;
	v46 =	vor.u32 v63, v46;
	v63 =	vperm.xlane v26, v45;
	v34 =	vor.u32 v62, v53  }
0x2d5: {  	[tilespmem:s25+$0x6130] =	vst v23;
	vm10 =	vgt.f32 v14, v56;
	v62 =	vperm.xlane v28, v44;
	v35 =	vperm.xlane v28, v39  }
0x2d6: {  	[tilespmem:s25+$0x6140] =	vst v22;
	v47 =	vperm.xlane v28, v36;
	v53 =	vsel vm9, $0x1, v2;
	v56 =	vsel vm11, $0x1, v2  }
0x2d7: {  	[tilespmem:s25+$0x60E0] =	vst v31;
	v33 =	vperm.xlane v28, v46;
	v52 =	vperm.xlane v28, v34;
	vm13 =	vgt.f32 v17, v59  }
0x2d8: {  	[tilespmem:s25+$0x60D0] =	vst v32;
	vm8 =	vgt.f32 v20, v60;
	vm6 =	vgt.f32 v5, v61;
	v5 =	vsel vm1, $0x1, v2  }
0x2d9: {  	[tilespmem:s25+$0x6150] =	vst v21;
	v55 =	vsel vm10, $0x1, v2;
	vm7 =	vgt.f32 v19, v63;
	v63 =	vperm.xlane v28, v41  }
0x2da: {  	[tilespmem:s25+$0x6100] =	vst v29;
	vm5 =	vgt.f32 v6, v62;
	vm2 =	vgt.f32 v9, v35;
	v6 =	vmul.f32 v24, v4  }
0x2db: {  	[tilespmem:s25+$0x6160] =	vst v12;
	vm14 =	vgt.f32 v10, v47;
	v5 =	vor.u32 v5, v43;
	v9 =	vor.u32 v55, v50  }
0x2dc: {  	[tilespmem:s25+$0x60F0] =	vst v30;
	vm3 =	vgt.f32 v8, v33;
	v8 =	vor.u32 v53, v49;
	v5 =	vperm.xlane v6, v5  }
0x2dd: {  	[tilespmem:s26+$0x6170] =	vst v37;
	vm4 =	vgt.f32 v7, v63;
	v7 =	vsel vm7, $0x1, v2;
	v8 =	vperm.xlane v6, v8  }
0x2de: {  	v10 =	vor.u32 v56, v51;
	v9 =	vperm.xlane v6, v9;
	v7 =	vor.u32 v7, v45;
	[tilespmem:s26+$0x6080] =	vst v5  }
0x2df: {  	v57 =	vsel vm8, $0x1, v2;
	v58 =	vsel vm6, $0x1, v2;
	v7 =	vperm.xlane v6, v7;
	[tilespmem:s26+$0x60A0] =	vst v8  }
0x2e0: {  	v10 =	vperm.xlane v6, v10;
	v5 =	vsel vm12, $0x1, v2;
	[tilespmem:s26+$0x60B0] =	vst v9;
	v9 =	vor.u32 v58, v42  }
0x2e1: {  	v5 =	vor.u32 v5, v40;
	v9 =	vperm.xlane v38, v9;
	[tilespmem:s26+$0x6090] =	vst v7;
	v7 =	vsel vm13, $0x1, v2  }
0x2e2: {  	vm15 =	vgt.f32 v11, v52;
	[tilespmem:s26+$0x60C0] =	vst v10;
	v5 =	vperm.xlane v6, v5;
	v7 =	vor.u32 v7, v48  }
0x2e3: {  	v59 =	vsel vm5, $0x1, v2;
	v8 =	vor.u32 v57, v54;
	[tilespmem:s26+$0x6100] =	vst v9;
	v7 =	vperm.xlane v6, v7  }
0x2e4: {  	v61 =	vsel vm14, $0x1, v2;
	v60 =	vor.u32 v59, v44;
	v6 =	vperm.xlane v6, v8;
	[tilespmem:s26+$0x60D0] =	vst v5  }
0x2e5: {  	v9 =	vor.u32 v61, v36;
	v5 =	vsel vm4, $0x1, v2;
	v8 =	vperm.xlane v38, v60;
	[tilespmem:s26+$0x60E0] =	vst v7  }
0x2e6: {  	v63 =	vperm.xlane v38, v9;
	v5 =	vor.u32 v5, v41;
	v7 =	vsel vm3, $0x1, v2;
	[tilespmem:s26+$0x60F0] =	vst v6  }
0x2e7: {  	v6 =	vsel vm2, $0x1, v2;
	v5 =	vperm.xlane v38, v5;
	[tilespmem:s26+$0x6110] =	vst v8;
	v7 =	vor.u32 v7, v46  }
0x2e8: {  	v62 =	vsel vm15, $0x1, v2;
	[tilespmem:s26+$0x6150] =	vst v63;
	v6 =	vor.u32 v6, v39;
	v7 =	vperm.xlane v38, v7  }
0x2e9: {  	v6 =	vperm.xlane v38, v6;
	[tilespmem:s26+$0x6120] =	vst v5;
	v5 =	vor.u32 v62, v34  }
0x2ea: {  	s23 =	sadd.s32 @!p0 s23, s10;
	v5 =	vperm.xlane v38, v5;
	[tilespmem:s26+$0x6130] =	vst v7  }
0x2eb: {  	s22 =	sadd.s32 $0x1, s22;
	s23 =	sshrl.u32 @!p0 s23, $0x3;
	[tilespmem:s26+$0x6140] =	vst v6  }
0x2ec: {  	s23 =	sadd.s32 @!p0 s1, s23;
	s25 =	simm.s32 @!p0 $0x0;
	[tilespmem:s26+$0x6160] =	vst v5;
	s26 =	simm.s32 @!p0 $0x2080  }
0x2ed: {  	[tilespmem:s26], [sflag:$0x2] =	stream.linear.gather @!p0 [hbm4b:s23+s25], $0x2000, $0x38;
	[tilespmem:$0x8080] =	vst v63  }
0x2ee: {  	p0 =	sne.s32 s22, $0x8  }
.Ltmp2:
0x2ef: {  	_ = 	snop;
	(pc) =	sbr.rel @p0 .LBB2_2-.Ltmp2, $4  }
0x2f0: {  	_ = 	snop  }
0x2f1: {  	s31 =	sadd.s32 s24, s6  }
0x2f2: {  	s23 =	sadd.s32 $0x400, s31  }
0x2f3: {  	[hbm4b:s23+s4] =	stream.linear.scatter [tilespmem:s18], [sflag:$0x4], $0x2000, $0x38;
	[tilespmem:$0x8080] =	vst v63  }
0x2f4: {  	s21 =	sadd.s32 $0x1, s21  }
0x2f5: {  	_ =	swait.ge [sflag:s19], $0x2000;
	p0 =	sne.s32 s21, s11  }
.Ltmp3:
0x2f6: {  	[sflag:s19] =	ssyncset.done $0x0;
	(pc) =	sbr.rel @p0 .LBB2_1-.Ltmp3, $4  }
0x2f7: {  	[sflag:s19] =	ssyncadd.s32 $0xFFFFE000  }
0x2f8: {  	_ =	swait.ge [sflag:s20], $0x2000  }
0x2f9: {  	[sflag:s20] =	ssyncset.done $0x0  }
0x2fa: {  	[sflag:s20] =	ssyncadd.s32 $0xFFFFE000  }
0x2fb: {  	_ =	sfence.sel $0x180000  }
0x2fc: {  	[bflag:$0x0] =	sbarrier.arrive $0xFFFF  }
0x2fd: {  	p0 =	sne.s32 s2, $0x0;
	_ =	strace $0x90000047  }
0x2fe: {  	s0 =	sadd.s32 @!p0 $0x100000, s0;
	[bflag:$0x2] =	sbarrier.arrive $0xFFFF  }
0x2ff: {  	[sflag:s0] =	ssyncadd.tile.s32 @!p0 $0x1;
	_ =	shalt  }
.Lfunc_end2:
_tile_overlayer_lowered:
.L_overlay_start_2:
0x300: {  	(tag) =	ssettag $0x2  }
0x301: {  	s0 =	rddreg [dreg:$0x0];
	s2 =	stileid.u32  }
0x302: {  	s1 =	rddreg [dreg:$0x1];
	p0 =	sne.s32 s2, $0x0  }
0x303: {  	s3 =	rddreg [dreg:$0x2];
	[bflag:$0x3] =	sbarrier.arrive $0xFFFF;
	s2 =	simm.s32 @!p0 $0x1C05  }
0x304: {  	[timem:s3], [sflag:s2] =	dma.local @!p0 [hbm:s0], s1  }
0x305: {  	s0 =	simm.s32 @!p0 $0x5  }
0x306: {  	_ =	swait.ge @!p0 [sflag:s0], s1  }
0x307: {  	s1 =	ssub.s32 @!p0 $0x0, s1;
	[sflag:s0] =	ssyncset.done @!p0 $0x0  }
0x308: {  	[sflag:s0] =	ssyncadd.s32 @!p0 s1  }
0x309: {  	[bflag:$0x3] =	sbarrier.arrive $0xFFFF  }
0x30a: {  	_ =	shalt  }

</sc_bundles>
